<compile_context>
chip_gen: v7x
topology: tpu7x:2x2x1
jax: 0.10.2.dev20260603
libtpu: 0.0.44.dev20260713+nightly
codegen_flags: <defaults>
</compile_context>

<pallas_src>
import functools

import jax
import jax.numpy as jnp
from jax import lax
from jax.experimental import pallas as pl
from jax.experimental.pallas import tpu as pltpu
from jax.experimental.pallas import tpu_sc as plsc

N = 10000
E = 320000
D = 128
L = 5
BD = 15

NC = 2
NS = 16
NW = NC * NS
EPW = E // NW
CHUNK = 128
EPWP = 10240
NCHUNK = EPWP // CHUNK
PADW = EPWP - EPW
NPAD = 10240
RPS = NPAD // NS


def _sc_aggregate(h, src3, dst3):
    mesh = plsc.VectorSubcoreMesh(core_axis_name="c", subcore_axis_name="s")

    @functools.partial(
        pl.kernel,
        out_type=jax.ShapeDtypeStruct((NC, NPAD, D), jnp.float32),
        mesh=mesh,
        scratch_types=[
            pltpu.VMEM((2, CHUNK), jnp.int32),
            pltpu.VMEM((2, CHUNK), jnp.int32),
            pltpu.VMEM((CHUNK, D), jnp.float32),
            pltpu.VMEM((CHUNK, D), jnp.float32),
            pltpu.VMEM_SHARED((NPAD, D), jnp.float32),
        ] + [pltpu.SemaphoreType.DMA] * 6,
    )
    def k(h_hbm, src_hbm, dst_hbm, out_hbm, sbuf, dbuf, rows0, rows1,
          acc, *sems):
        cid = lax.axis_index("c")
        sid = lax.axis_index("s")
        wid = cid * NS + sid
        rows = (rows0, rows1)
        sems_s = sems[0:2]
        sems_d = sems[2:4]
        sems_g = sems[4:6]

        @pl.loop(0, CHUNK)
        def _(i):
            @pl.loop(0, D, step=16)
            def _(j):
                rows0[i, pl.ds(j, 16)] = jnp.zeros((16,), jnp.float32)

        @pl.loop(0, RPS, step=CHUNK)
        def _(r):
            pltpu.sync_copy(rows0, acc.at[pl.ds(sid * RPS + r, CHUNK)])

        plsc.subcore_barrier()

        def idx_start(c, b):
            pltpu.make_async_copy(
                src_hbm.at[wid, c, :], sbuf.at[b], sems_s[b]).start()
            pltpu.make_async_copy(
                dst_hbm.at[wid, c, :], dbuf.at[b], sems_d[b]).start()

        def idx_wait(b):
            pltpu.make_async_copy(
                src_hbm.at[wid, 0, :], sbuf.at[b], sems_s[b]).wait()
            pltpu.make_async_copy(
                dst_hbm.at[wid, 0, :], dbuf.at[b], sems_d[b]).wait()

        def gather_start(b):
            pltpu.make_async_copy(
                h_hbm.at[sbuf.at[b]], rows[b], sems_g[b]).start()

        def gather_wait(b):
            pltpu.make_async_copy(
                h_hbm.at[sbuf.at[b]], rows[b], sems_g[b]).wait()

        def scat(b):
            pltpu.sync_copy(rows[b], acc.at[dbuf.at[b]], add=True)

        idx_start(0, 0)
        idx_start(1, 1)
        idx_wait(0)
        gather_start(0)

        def step(c, b, bn):
            @pl.when(c + 1 < NCHUNK)
            def _():
                idx_wait(bn)
                gather_start(bn)

            gather_wait(b)
            scat(b)

            @pl.when(c + 2 < NCHUNK)
            def _():
                idx_start(c + 2, b)

        @pl.loop(0, NCHUNK, step=2)
        def _(i):
            step(i, 0, 1)
            step(i + 1, 1, 0)

        plsc.subcore_barrier()

        pltpu.sync_copy(
            acc.at[pl.ds(sid * RPS, RPS)],
            out_hbm.at[cid, pl.ds(sid * RPS, RPS)],
        )

    return k(h, src3, dst3)


def _tc_layer_body(h_ref, a0_ref, a1_ref, W_ref, b_ref, g_ref, be_ref,
                   pW10_ref, pb10_ref, pW20_ref, pb20_ref, pg0_ref, pbe0_ref,
                   pW11_ref, pb11_ref, pW21_ref, pb21_ref, pg1_ref, pbe1_ref,
                   gate_ref, out_ref, *, last):
    f32 = jnp.float32
    h = h_ref[...]
    aggr = a0_ref[...][:N] + a1_ref[...][:N]

    def bn(v, g, b):
        mu = jnp.mean(v, axis=0, keepdims=True)
        var = jnp.mean((v - mu) ** 2, axis=0, keepdims=True)
        return g * (v - mu) / jnp.sqrt(var + 1e-5) + b

    bf16 = jnp.bfloat16

    def dot(a, b):
        return lax.dot_general(a.astype(bf16), b.astype(bf16),
                               (((1,), (0,)), ((), ())),
                               preferred_element_type=f32)

    hm = dot(h + aggr, W_ref[...]) + b_ref[...]
    hb = bn(hm, g_ref[...], be_ref[...])

    def adapter(v, pW1, pb1, pW2, pb2, pg, pbe):
        t = jnp.maximum(dot(v, pW1) + pb1, 0.0)
        t = dot(t, pW2) + pb2
        return bn(t, pg, pbe)

    d0 = adapter(h, pW10_ref[...], pb10_ref[...], pW20_ref[...],
                 pb20_ref[...], pg0_ref[...], pbe0_ref[...])
    d1 = adapter(aggr, pW11_ref[...], pb11_ref[...], pW21_ref[...],
                 pb21_ref[...], pg1_ref[...], pbe1_ref[...])
    gate = gate_ref[...]
    hb = hb + d0 * gate[0] + d1 * gate[1]
    if not last:
        hb = jnp.maximum(hb, 0.0)
    out_ref[...] = hb


def _tc_layer(h, a0, a1, Wl, bl, gl, bel, p0, p1, gate, last):
    body = functools.partial(_tc_layer_body, last=last)
    return pl.pallas_call(
        body,
        out_shape=jax.ShapeDtypeStruct((N, D), jnp.float32),
        compiler_params=pltpu.CompilerParams(
            vmem_limit_bytes=56 * 2**20),
    )(h, a0, a1, Wl, bl, gl, bel, *p0, *p1, gate)


def kernel(x, edge_index, W_conv, b_conv, bn_gamma, bn_beta, pW1, pb1, pW2,
           pb2, pbn_gamma, pbn_beta, gating):
    srcw = edge_index[0].reshape(NW, EPW)
    dstw = edge_index[1].reshape(NW, EPW)
    dpad = jnp.broadcast_to(N + jnp.arange(PADW, dtype=jnp.int32), (NW, PADW))
    src3 = jnp.concatenate([srcw, srcw[:, :PADW]], axis=1)
    src3 = src3.reshape(NW, NCHUNK, CHUNK)
    dst3 = jnp.concatenate([dstw, dpad], axis=1).reshape(NW, NCHUNK, CHUNK)
    h = x
    for l in range(L):
        parts = _sc_aggregate(h, src3, dst3)
        p0 = (pW1[0, l], pb1[0, l], pW2[0, l], pb2[0, l],
              pbn_gamma[0, l], pbn_beta[0, l])
        p1 = (pW1[1, l], pb1[1, l], pW2[1, l], pb2[1, l],
              pbn_gamma[1, l], pbn_beta[1, l])
        gate = jnp.stack([gating[0, l, 0], gating[1, l, 0]])
        h = _tc_layer(h, parts[0], parts[1], W_conv[l], b_conv[l],
                      bn_gamma[l], bn_beta[l], p0, p1, gate, last=(l == L - 1))
    return h

# --- scband reference (transcript-rebuilt; emitter-appended) ---
"""Pipeline reference for scband-adapter-gnn-23630910062678 (READ-ONLY COPY).

The authoritative reference and input builder live on the scoring server;
editing this copy changes nothing except your own understanding.
"""

import jax, jax.numpy as jnp
import numpy as np

N = 10000
E = 320000
D = 128
L = 5
BD = 15


def _bn(x, g, b):
    mu = jnp.mean(x, axis=0)
    var = jnp.mean((x - mu) ** 2, axis=0)
    return g * (x - mu) / jnp.sqrt(var + 1e-5) + b


def setup_inputs(seed: int = 0) -> dict:
    key = jax.random.key(seed)
    ks = jax.random.split(key, 8)
    x = jax.random.normal(ks[0], (N, D), dtype=jnp.float32)
    edge_index = jax.random.randint(ks[1], (2, E), 0, N, dtype=jnp.int32)
    # gnn conv layer params (GIN-style: linear over (h + aggregated neighbors))
    W_conv = jax.random.normal(ks[2], (L, D, D), dtype=jnp.float32) * 0.05
    b_conv = jnp.zeros((L, D), dtype=jnp.float32)
    # outer batch norms
    bn_gamma = jnp.ones((L, D), dtype=jnp.float32)
    bn_beta = jnp.zeros((L, D), dtype=jnp.float32)
    # adapter prompts: 2 prompt banks, each with per-layer bottleneck MLP + BN
    pW1 = jax.random.normal(ks[3], (2, L, D, BD), dtype=jnp.float32) * 0.05
    pb1 = jnp.zeros((2, L, BD), dtype=jnp.float32)
    pW2 = jax.random.normal(ks[4], (2, L, BD, D), dtype=jnp.float32) * 0.05
    pb2 = jnp.zeros((2, L, D), dtype=jnp.float32)
    pbn_gamma = jnp.ones((2, L, D), dtype=jnp.float32)
    pbn_beta = jnp.zeros((2, L, D), dtype=jnp.float32)
    gating = jnp.full((2, L, 1), 0.01, dtype=jnp.float32)
    return {
        'x': x, 'edge_index': edge_index,
        'W_conv': W_conv, 'b_conv': b_conv,
        'bn_gamma': bn_gamma, 'bn_beta': bn_beta,
        'pW1': pW1, 'pb1': pb1, 'pW2': pW2, 'pb2': pb2,
        'pbn_gamma': pbn_gamma, 'pbn_beta': pbn_beta,
        'gating': gating,
    }


def reference(x, edge_index, W_conv, b_conv, bn_gamma, bn_beta, pW1, pb1, pW2, pb2, pbn_gamma, pbn_beta, gating):
    src = edge_index[0]
    dst = edge_index[1]
    h = x
    for l in range(L):
        h_prev = h
        # mess: scatter-add of neighbor features (memory-bound gather + segment_sum)
        x_aggr = jax.ops.segment_sum(h_prev[src], dst, num_segments=N)
        # conv: linear over (h + aggr)
        h_mlp = (h_prev + x_aggr) @ W_conv[l] + b_conv[l]
        hb = _bn(h_mlp, bn_gamma[l], bn_beta[l])
        # prompt 0 applied to previous layer features
        d0 = jnp.maximum(h_prev @ pW1[0, l] + pb1[0, l], 0.0) @ pW2[0, l] + pb2[0, l]
        d0 = _bn(d0, pbn_gamma[0, l], pbn_beta[0, l])
        hb = hb + d0 * gating[0, l]
        # prompt 1 applied to aggregated messages
        d1 = jnp.maximum(x_aggr @ pW1[1, l] + pb1[1, l], 0.0) @ pW2[1, l] + pb2[1, l]
        d1 = _bn(d1, pbn_gamma[1, l], pbn_beta[1, l])
        hb = hb + d1 * gating[1, l]
        if l < L - 1:
            hb = jnp.maximum(hb, 0.0)
        # dropout with drop_ratio=0 is identity
        h = hb
    return h

if __name__ == "__main__":
    import jax
    _d = setup_inputs()
    print(jax.jit(kernel)(*tuple(_d.values())))

</pallas_src>

<mosaic_0001>
#map = affine_map<(d0, d1) -> (0, 0)>
#map1 = affine_map<(d0, d1) -> (0, 0, 0)>
module attributes {stable_mosaic.version = 14 : i64} {
  func.func @k(%arg0: i32, %arg1: i32, %arg2: memref<10000x128xf32, #tpu.memory_space<hbm>>, %arg3: memref<32x80x128xi32, #tpu.memory_space<hbm>>, %arg4: memref<32x80x128xi32, #tpu.memory_space<hbm>>, %arg5: memref<2x10240x128xf32, #tpu.memory_space<hbm>>, %arg6: memref<2x128xi32, #tpu.memory_space<vmem>>, %arg7: memref<2x128xi32, #tpu.memory_space<vmem>>, %arg8: memref<128x128xf32, #tpu.memory_space<vmem>>, %arg9: memref<128x128xf32, #tpu.memory_space<vmem>>, %arg10: memref<10240x128xf32, #tpu.memory_space<vmem_shared>>, %arg11: memref<!tpu.dma_semaphore, #tpu.memory_space<semaphore_mem>>, %arg12: memref<!tpu.dma_semaphore, #tpu.memory_space<semaphore_mem>>, %arg13: memref<!tpu.dma_semaphore, #tpu.memory_space<semaphore_mem>>, %arg14: memref<!tpu.dma_semaphore, #tpu.memory_space<semaphore_mem>>, %arg15: memref<!tpu.dma_semaphore, #tpu.memory_space<semaphore_mem>>, %arg16: memref<!tpu.dma_semaphore, #tpu.memory_space<semaphore_mem>>) attributes {dimension_semantics = [#tpu.dimension_semantics<core_parallel>, #tpu.dimension_semantics<subcore_parallel>], iteration_bounds = array<i64: 2, 16>, scalar_prefetch = 0 : i64, scratch_operands = 11 : i64, tpu.core_type = #tpu.core_type<sc_vector_subcore>, window_params = [{transform_indices = #map}, {transform_indices = #map1}, {transform_indices = #map1}, {transform_indices = #map1}]} {
    %mul3A = arith.constant 16 : i32
    %mul3A_0 = arith.muli %arg0, %mul3A : i32
    %add3A = arith.addi %mul3A_0, %arg1 : i32
    %scan3A = arith.constant 0 : i32
    %scan3A_1 = arith.constant 128 : i32
    %scan3A_2 = arith.addi %scan3A, %scan3A_1 : i32
    %scan3A_3 = arith.constant 1 : i32
    scf.for %scan3A_109 = %scan3A to %scan3A_2 step %scan3A_3  : i32 {
      %mul3A_110 = arith.constant 1 : i32
      %mul3A_111 = arith.muli %scan3A_109, %mul3A_110 : i32
      %add3A_112 = arith.constant 0 : i32
      %add3A_113 = arith.addi %add3A_112, %mul3A_111 : i32
      %scan3A_114 = arith.constant 0 : i32
      %scan3A_115 = arith.constant 8 : i32
      %scan3A_116 = arith.addi %scan3A_114, %scan3A_115 : i32
      %scan3A_117 = arith.constant 1 : i32
      scf.for %scan3A_119 = %scan3A_114 to %scan3A_116 step %scan3A_117  : i32 {
        %mul3A_120 = arith.constant 16 : i32
        %mul3A_121 = arith.muli %scan3A_119, %mul3A_120 : i32
        %add3A_122 = arith.constant 0 : i32
        %add3A_123 = arith.addi %add3A_122, %mul3A_121 : i32
        %broadcast_in_dim3A = arith.constant 0.000000e+00 : f32
        %broadcast_in_dim3A_124 = vector.broadcast %broadcast_in_dim3A : f32 to vector<16xf32>
        %swap3A = arith.index_cast %add3A_113 : i32 to index
        %swap3A_125 = arith.index_cast %add3A_123 : i32 to index
        %swap3A_126 = tpu.vector_load %arg8[%swap3A, %swap3A_125] {strides = array<i32>} : memref<128x128xf32, #tpu.memory_space<vmem>>, vector<1x16xf32>,
        %swap3A_127 = vector.shape_cast %swap3A_126 : vector<1x16xf32> to vector<16xf32>
        %swap3A_128 = vector.shape_cast %broadcast_in_dim3A_124 : vector<16xf32> to vector<1x16xf32>
        tpu.vector_store %arg8[%swap3A, %swap3A_125], %swap3A_128 {strides = array<i32>} : memref<128x128xf32, #tpu.memory_space<vmem>>, vector<1x16xf32>,
      }
      %scan3A_118 = arith.constant 8 : i32
    }
    %scan3A_4 = arith.constant 128 : i32
    %scan3A_5 = arith.constant 0 : i32
    %scan3A_6 = arith.constant 5 : i32
    %scan3A_7 = arith.addi %scan3A_5, %scan3A_6 : i32
    %scan3A_8 = arith.constant 1 : i32
    scf.for %scan3A_109 = %scan3A_5 to %scan3A_7 step %scan3A_8  : i32 {
      %mul3A_110 = arith.constant 128 : i32
      %mul3A_111 = arith.muli %scan3A_109, %mul3A_110 : i32
      %add3A_112 = arith.constant 0 : i32
      %add3A_113 = arith.addi %add3A_112, %mul3A_111 : i32
      %mul3A_114 = arith.constant 640 : i32
      %mul3A_115 = arith.muli %arg1, %mul3A_114 : i32
      %add3A_116 = arith.addi %mul3A_115, %add3A_113 : i32
      "tpu.region"() ({
        %run_scoped3A = tpu.sem_alloc : memref<!tpu.dma_semaphore, #tpu.memory_space<semaphore_mem>>
        %dma_start3A_117 = arith.constant 0 : i32
        %dma_start3A_118 = tpu.memref_slice %arg10[%add3A_116, %dma_start3A_117] : memref<10240x128xf32, #tpu.memory_space<vmem_shared>> -> memref<128x128xf32, #tpu.memory_space<vmem_shared>>
        %dma_start3A_119 = arith.constant 0 : i32
        %dma_start3A_120 = tpu.memref_slice %arg10[%add3A_116, %dma_start3A_119] : memref<10240x128xf32, #tpu.memory_space<vmem_shared>> -> memref<128x128xf32, #tpu.memory_space<vmem_shared>>
        tpu.enqueue_dma source(%arg8 : memref<128x128xf32, #tpu.memory_space<vmem>>) target(%dma_start3A_120 : memref<128x128xf32, #tpu.memory_space<vmem_shared>>) target_semaphore(%run_scoped3A : memref<!tpu.dma_semaphore, #tpu.memory_space<semaphore_mem>>)
        %dma_wait3A_121 = arith.constant 0 : i32
        %dma_wait3A_122 = tpu.memref_slice %arg10[%add3A_116, %dma_wait3A_121] : memref<10240x128xf32, #tpu.memory_space<vmem_shared>> -> memref<128x128xf32, #tpu.memory_space<vmem_shared>>
        %dma_wait3A_123 = arith.constant 0 : i32
        %dma_wait3A_124 = tpu.memref_slice %arg10[%add3A_116, %dma_wait3A_123] : memref<10240x128xf32, #tpu.memory_space<vmem_shared>> -> memref<128x128xf32, #tpu.memory_space<vmem_shared>>
        tpu.wait_dma2 semaphore(%run_scoped3A : memref<!tpu.dma_semaphore, #tpu.memory_space<semaphore_mem>>) src(%arg8 : memref<128x128xf32, #tpu.memory_space<vmem>>) dst(%dma_wait3A_124 : memref<128x128xf32, #tpu.memory_space<vmem_shared>>)
        tpu.yield
      }) : () -> ()
    }
    %scan3A_9 = arith.constant 5 : i32
    %barrier3A = arith.constant 0 : index
    tpu.barrier barrier_id(%barrier3A)
    %dma_start3A = arith.constant 0 : i32
    %dma_start3A_10 = arith.constant 0 : i32
    %dma_start3A_11 = arith.constant 0 : i32
    %dma_start3A_12 = tpu.memref_slice %arg6[%dma_start3A_10, %dma_start3A_11] : memref<2x128xi32, #tpu.memory_space<vmem>> -> memref<1x128xi32, #tpu.memory_space<vmem>>
    %dma_start3A_13 = tpu.memref_squeeze %dma_start3A_12 : memref<1x128xi32, #tpu.memory_space<vmem>> -> memref<128xi32, #tpu.memory_space<vmem>>
    %dma_start3A_14 = arith.constant 0 : i32
    %dma_start3A_15 = tpu.memref_slice %arg3[%add3A, %dma_start3A, %dma_start3A_14] : memref<32x80x128xi32, #tpu.memory_space<hbm>> -> memref<1x1x128xi32, #tpu.memory_space<hbm>>
    %dma_start3A_16 = tpu.memref_squeeze %dma_start3A_15 : memref<1x1x128xi32, #tpu.memory_space<hbm>> -> memref<128xi32, #tpu.memory_space<hbm>>
    %dma_start3A_17 = arith.constant 0 : i32
    %dma_start3A_18 = tpu.memref_slice %arg6[%dma_start3A_10, %dma_start3A_17] : memref<2x128xi32, #tpu.memory_space<vmem>> -> memref<1x128xi32, #tpu.memory_space<vmem>>
    %dma_start3A_19 = tpu.memref_squeeze %dma_start3A_18 : memref<1x128xi32, #tpu.memory_space<vmem>> -> memref<128xi32, #tpu.memory_space<vmem>>
    %dma_start3A_20 = arith.constant 0 : i32
    %dma_start3A_21 = tpu.memref_slice %arg3[%add3A, %dma_start3A, %dma_start3A_20] : memref<32x80x128xi32, #tpu.memory_space<hbm>> -> memref<1x1x128xi32, #tpu.memory_space<hbm>>
    %dma_start3A_22 = tpu.memref_squeeze %dma_start3A_21 : memref<1x1x128xi32, #tpu.memory_space<hbm>> -> memref<128xi32, #tpu.memory_space<hbm>>
    tpu.enqueue_dma source(%dma_start3A_22 : memref<128xi32, #tpu.memory_space<hbm>>) target(%dma_start3A_19 : memref<128xi32, #tpu.memory_space<vmem>>) target_semaphore(%arg11 : memref<!tpu.dma_semaphore, #tpu.memory_space<semaphore_mem>>)
    %dma_start3A_23 = arith.constant 0 : i32
    %dma_start3A_24 = arith.constant 0 : i32
    %dma_start3A_25 = arith.constant 0 : i32
    %dma_start3A_26 = tpu.memref_slice %arg7[%dma_start3A_24, %dma_start3A_25] : memref<2x128xi32, #tpu.memory_space<vmem>> -> memref<1x128xi32, #tpu.memory_space<vmem>>
    %dma_start3A_27 = tpu.memref_squeeze %dma_start3A_26 : memref<1x128xi32, #tpu.memory_space<vmem>> -> memref<128xi32, #tpu.memory_space<vmem>>
    %dma_start3A_28 = arith.constant 0 : i32
    %dma_start3A_29 = tpu.memref_slice %arg4[%add3A, %dma_start3A_23, %dma_start3A_28] : memref<32x80x128xi32, #tpu.memory_space<hbm>> -> memref<1x1x128xi32, #tpu.memory_space<hbm>>
    %dma_start3A_30 = tpu.memref_squeeze %dma_start3A_29 : memref<1x1x128xi32, #tpu.memory_space<hbm>> -> memref<128xi32, #tpu.memory_space<hbm>>
    %dma_start3A_31 = arith.constant 0 : i32
    %dma_start3A_32 = tpu.memref_slice %arg7[%dma_start3A_24, %dma_start3A_31] : memref<2x128xi32, #tpu.memory_space<vmem>> -> memref<1x128xi32, #tpu.memory_space<vmem>>
    %dma_start3A_33 = tpu.memref_squeeze %dma_start3A_32 : memref<1x128xi32, #tpu.memory_space<vmem>> -> memref<128xi32, #tpu.memory_space<vmem>>
    %dma_start3A_34 = arith.constant 0 : i32
    %dma_start3A_35 = tpu.memref_slice %arg4[%add3A, %dma_start3A_23, %dma_start3A_34] : memref<32x80x128xi32, #tpu.memory_space<hbm>> -> memref<1x1x128xi32, #tpu.memory_space<hbm>>
    %dma_start3A_36 = tpu.memref_squeeze %dma_start3A_35 : memref<1x1x128xi32, #tpu.memory_space<hbm>> -> memref<128xi32, #tpu.memory_space<hbm>>
    tpu.enqueue_dma source(%dma_start3A_36 : memref<128xi32, #tpu.memory_space<hbm>>) target(%dma_start3A_33 : memref<128xi32, #tpu.memory_space<vmem>>) target_semaphore(%arg13 : memref<!tpu.dma_semaphore, #tpu.memory_space<semaphore_mem>>)
    %dma_start3A_37 = arith.constant 1 : i32
    %dma_start3A_38 = arith.constant 1 : i32
    %dma_start3A_39 = arith.constant 0 : i32
    %dma_start3A_40 = tpu.memref_slice %arg6[%dma_start3A_38, %dma_start3A_39] : memref<2x128xi32, #tpu.memory_space<vmem>> -> memref<1x128xi32, #tpu.memory_space<vmem>>
    %dma_start3A_41 = tpu.memref_squeeze %dma_start3A_40 : memref<1x128xi32, #tpu.memory_space<vmem>> -> memref<128xi32, #tpu.memory_space<vmem>>
    %dma_start3A_42 = arith.constant 0 : i32
    %dma_start3A_43 = tpu.memref_slice %arg3[%add3A, %dma_start3A_37, %dma_start3A_42] : memref<32x80x128xi32, #tpu.memory_space<hbm>> -> memref<1x1x128xi32, #tpu.memory_space<hbm>>
    %dma_start3A_44 = tpu.memref_squeeze %dma_start3A_43 : memref<1x1x128xi32, #tpu.memory_space<hbm>> -> memref<128xi32, #tpu.memory_space<hbm>>
    %dma_start3A_45 = arith.constant 0 : i32
    %dma_start3A_46 = tpu.memref_slice %arg6[%dma_start3A_38, %dma_start3A_45] : memref<2x128xi32, #tpu.memory_space<vmem>> -> memref<1x128xi32, #tpu.memory_space<vmem>>
    %dma_start3A_47 = tpu.memref_squeeze %dma_start3A_46 : memref<1x128xi32, #tpu.memory_space<vmem>> -> memref<128xi32, #tpu.memory_space<vmem>>
    %dma_start3A_48 = arith.constant 0 : i32
    %dma_start3A_49 = tpu.memref_slice %arg3[%add3A, %dma_start3A_37, %dma_start3A_48] : memref<32x80x128xi32, #tpu.memory_space<hbm>> -> memref<1x1x128xi32, #tpu.memory_space<hbm>>
    %dma_start3A_50 = tpu.memref_squeeze %dma_start3A_49 : memref<1x1x128xi32, #tpu.memory_space<hbm>> -> memref<128xi32, #tpu.memory_space<hbm>>
    tpu.enqueue_dma source(%dma_start3A_50 : memref<128xi32, #tpu.memory_space<hbm>>) target(%dma_start3A_47 : memref<128xi32, #tpu.memory_space<vmem>>) target_semaphore(%arg12 : memref<!tpu.dma_semaphore, #tpu.memory_space<semaphore_mem>>)
    %dma_start3A_51 = arith.constant 1 : i32
    %dma_start3A_52 = arith.constant 1 : i32
    %dma_start3A_53 = arith.constant 0 : i32
    %dma_start3A_54 = tpu.memref_slice %arg7[%dma_start3A_52, %dma_start3A_53] : memref<2x128xi32, #tpu.memory_space<vmem>> -> memref<1x128xi32, #tpu.memory_space<vmem>>
    %dma_start3A_55 = tpu.memref_squeeze %dma_start3A_54 : memref<1x128xi32, #tpu.memory_space<vmem>> -> memref<128xi32, #tpu.memory_space<vmem>>
    %dma_start3A_56 = arith.constant 0 : i32
    %dma_start3A_57 = tpu.memref_slice %arg4[%add3A, %dma_start3A_51, %dma_start3A_56] : memref<32x80x128xi32, #tpu.memory_space<hbm>> -> memref<1x1x128xi32, #tpu.memory_space<hbm>>
    %dma_start3A_58 = tpu.memref_squeeze %dma_start3A_57 : memref<1x1x128xi32, #tpu.memory_space<hbm>> -> memref<128xi32, #tpu.memory_space<hbm>>
    %dma_start3A_59 = arith.constant 0 : i32
    %dma_start3A_60 = tpu.memref_slice %arg7[%dma_start3A_52, %dma_start3A_59] : memref<2x128xi32, #tpu.memory_space<vmem>> -> memref<1x128xi32, #tpu.memory_space<vmem>>
    %dma_start3A_61 = tpu.memref_squeeze %dma_start3A_60 : memref<1x128xi32, #tpu.memory_space<vmem>> -> memref<128xi32, #tpu.memory_space<vmem>>
    %dma_start3A_62 = arith.constant 0 : i32
    %dma_start3A_63 = tpu.memref_slice %arg4[%add3A, %dma_start3A_51, %dma_start3A_62] : memref<32x80x128xi32, #tpu.memory_space<hbm>> -> memref<1x1x128xi32, #tpu.memory_space<hbm>>
    %dma_start3A_64 = tpu.memref_squeeze %dma_start3A_63 : memref<1x1x128xi32, #tpu.memory_space<hbm>> -> memref<128xi32, #tpu.memory_space<hbm>>
    tpu.enqueue_dma source(%dma_start3A_64 : memref<128xi32, #tpu.memory_space<hbm>>) target(%dma_start3A_61 : memref<128xi32, #tpu.memory_space<vmem>>) target_semaphore(%arg14 : memref<!tpu.dma_semaphore, #tpu.memory_space<semaphore_mem>>)
    %dma_wait3A = arith.constant 0 : i32
    %dma_wait3A_65 = arith.constant 0 : i32
    %dma_wait3A_66 = arith.constant 0 : i32
    %dma_wait3A_67 = tpu.memref_slice %arg6[%dma_wait3A_65, %dma_wait3A_66] : memref<2x128xi32, #tpu.memory_space<vmem>> -> memref<1x128xi32, #tpu.memory_space<vmem>>
    %dma_wait3A_68 = tpu.memref_squeeze %dma_wait3A_67 : memref<1x128xi32, #tpu.memory_space<vmem>> -> memref<128xi32, #tpu.memory_space<vmem>>
    %dma_wait3A_69 = arith.constant 0 : i32
    %dma_wait3A_70 = tpu.memref_slice %arg3[%add3A, %dma_wait3A, %dma_wait3A_69] : memref<32x80x128xi32, #tpu.memory_space<hbm>> -> memref<1x1x128xi32, #tpu.memory_space<hbm>>
    %dma_wait3A_71 = tpu.memref_squeeze %dma_wait3A_70 : memref<1x1x128xi32, #tpu.memory_space<hbm>> -> memref<128xi32, #tpu.memory_space<hbm>>
    %dma_wait3A_72 = arith.constant 0 : i32
    %dma_wait3A_73 = tpu.memref_slice %arg6[%dma_wait3A_65, %dma_wait3A_72] : memref<2x128xi32, #tpu.memory_space<vmem>> -> memref<1x128xi32, #tpu.memory_space<vmem>>
    %dma_wait3A_74 = tpu.memref_squeeze %dma_wait3A_73 : memref<1x128xi32, #tpu.memory_space<vmem>> -> memref<128xi32, #tpu.memory_space<vmem>>
    %dma_wait3A_75 = arith.constant 0 : i32
    %dma_wait3A_76 = tpu.memref_slice %arg3[%add3A, %dma_wait3A, %dma_wait3A_75] : memref<32x80x128xi32, #tpu.memory_space<hbm>> -> memref<1x1x128xi32, #tpu.memory_space<hbm>>
    %dma_wait3A_77 = tpu.memref_squeeze %dma_wait3A_76 : memref<1x1x128xi32, #tpu.memory_space<hbm>> -> memref<128xi32, #tpu.memory_space<hbm>>
    tpu.wait_dma2 semaphore(%arg11 : memref<!tpu.dma_semaphore, #tpu.memory_space<semaphore_mem>>) src(%dma_wait3A_77 : memref<128xi32, #tpu.memory_space<hbm>>) dst(%dma_wait3A_74 : memref<128xi32, #tpu.memory_space<vmem>>)
    %dma_wait3A_78 = arith.constant 0 : i32
    %dma_wait3A_79 = arith.constant 0 : i32
    %dma_wait3A_80 = arith.constant 0 : i32
    %dma_wait3A_81 = tpu.memref_slice %arg7[%dma_wait3A_79, %dma_wait3A_80] : memref<2x128xi32, #tpu.memory_space<vmem>> -> memref<1x128xi32, #tpu.memory_space<vmem>>
    %dma_wait3A_82 = tpu.memref_squeeze %dma_wait3A_81 : memref<1x128xi32, #tpu.memory_space<vmem>> -> memref<128xi32, #tpu.memory_space<vmem>>
    %dma_wait3A_83 = arith.constant 0 : i32
    %dma_wait3A_84 = tpu.memref_slice %arg4[%add3A, %dma_wait3A_78, %dma_wait3A_83] : memref<32x80x128xi32, #tpu.memory_space<hbm>> -> memref<1x1x128xi32, #tpu.memory_space<hbm>>
    %dma_wait3A_85 = tpu.memref_squeeze %dma_wait3A_84 : memref<1x1x128xi32, #tpu.memory_space<hbm>> -> memref<128xi32, #tpu.memory_space<hbm>>
    %dma_wait3A_86 = arith.constant 0 : i32
    %dma_wait3A_87 = tpu.memref_slice %arg7[%dma_wait3A_79, %dma_wait3A_86] : memref<2x128xi32, #tpu.memory_space<vmem>> -> memref<1x128xi32, #tpu.memory_space<vmem>>
    %dma_wait3A_88 = tpu.memref_squeeze %dma_wait3A_87 : memref<1x128xi32, #tpu.memory_space<vmem>> -> memref<128xi32, #tpu.memory_space<vmem>>
    %dma_wait3A_89 = arith.constant 0 : i32
    %dma_wait3A_90 = tpu.memref_slice %arg4[%add3A, %dma_wait3A_78, %dma_wait3A_89] : memref<32x80x128xi32, #tpu.memory_space<hbm>> -> memref<1x1x128xi32, #tpu.memory_space<hbm>>
    %dma_wait3A_91 = tpu.memref_squeeze %dma_wait3A_90 : memref<1x1x128xi32, #tpu.memory_space<hbm>> -> memref<128xi32, #tpu.memory_space<hbm>>
    tpu.wait_dma2 semaphore(%arg13 : memref<!tpu.dma_semaphore, #tpu.memory_space<semaphore_mem>>) src(%dma_wait3A_91 : memref<128xi32, #tpu.memory_space<hbm>>) dst(%dma_wait3A_88 : memref<128xi32, #tpu.memory_space<vmem>>)
    %dma_start3A_92 = arith.constant 0 : i32
    %dma_start3A_93 = arith.constant 0 : i32
    %dma_start3A_94 = tpu.memref_slice %arg6[%dma_start3A_92, %dma_start3A_93] : memref<2x128xi32, #tpu.memory_space<vmem>> -> memref<1x128xi32, #tpu.memory_space<vmem>>
    %dma_start3A_95 = tpu.memref_squeeze %dma_start3A_94 : memref<1x128xi32, #tpu.memory_space<vmem>> -> memref<128xi32, #tpu.memory_space<vmem>>
    %dma_start3A_96 = arith.constant 0 : i32
    %dma_start3A_97 = arith.constant 0 : i32
    %dma_start3A_98 = tpu.memref_slice %arg2[%dma_start3A_96, %dma_start3A_97] : memref<10000x128xf32, #tpu.memory_space<hbm>> -> memref<10000x128xf32, #tpu.memory_space<hbm>>
    tpu.enqueue_indirect_dma source(%dma_start3A_98 : memref<10000x128xf32, #tpu.memory_space<hbm>>) target(%arg8 : memref<128x128xf32, #tpu.memory_space<vmem>>) offsets(%dma_start3A_95 : memref<128xi32, #tpu.memory_space<vmem>>) semaphore(%arg15 : memref<!tpu.dma_semaphore, #tpu.memory_space<semaphore_mem>>)
    %scan3A_99 = arith.constant 0 : i32
    %scan3A_100 = arith.constant 40 : i32
    %scan3A_101 = arith.addi %scan3A_99, %scan3A_100 : i32
    %scan3A_102 = arith.constant 1 : i32
    scf.for %scan3A_109 = %scan3A_99 to %scan3A_101 step %scan3A_102  : i32 {
      %mul3A_110 = arith.constant 2 : i32
      %mul3A_111 = arith.muli %scan3A_109, %mul3A_110 : i32
      %add3A_112 = arith.constant 0 : i32
      %add3A_113 = arith.addi %add3A_112, %mul3A_111 : i32
      %add3A_114 = arith.constant 1 : i32
      %add3A_115 = arith.addi %add3A_113, %add3A_114 : i32
      %lt3A = arith.constant 80 : i32
      %lt3A_116 = arith.cmpi slt, %add3A_115, %lt3A : i32
      %convert_element_type3A = arith.extui %lt3A_116 : i1 to i32
      %cond3A = arith.constant 0 : i32
      %cond3A_117 = arith.cmpi ne, %convert_element_type3A, %cond3A : i32
      scf.if %cond3A_117 {
        %dma_wait3A_156 = arith.constant 0 : i32
        %dma_wait3A_157 = arith.constant 1 : i32
        %dma_wait3A_158 = arith.constant 0 : i32
        %dma_wait3A_159 = tpu.memref_slice %arg6[%dma_wait3A_157, %dma_wait3A_158] : memref<2x128xi32, #tpu.memory_space<vmem>> -> memref<1x128xi32, #tpu.memory_space<vmem>>
        %dma_wait3A_160 = tpu.memref_squeeze %dma_wait3A_159 : memref<1x128xi32, #tpu.memory_space<vmem>> -> memref<128xi32, #tpu.memory_space<vmem>>
        %dma_wait3A_161 = arith.constant 0 : i32
        %dma_wait3A_162 = tpu.memref_slice %arg3[%add3A, %dma_wait3A_156, %dma_wait3A_161] : memref<32x80x128xi32, #tpu.memory_space<hbm>> -> memref<1x1x128xi32, #tpu.memory_space<hbm>>
        %dma_wait3A_163 = tpu.memref_squeeze %dma_wait3A_162 : memref<1x1x128xi32, #tpu.memory_space<hbm>> -> memref<128xi32, #tpu.memory_space<hbm>>
        %dma_wait3A_164 = arith.constant 0 : i32
        %dma_wait3A_165 = tpu.memref_slice %arg6[%dma_wait3A_157, %dma_wait3A_164] : memref<2x128xi32, #tpu.memory_space<vmem>> -> memref<1x128xi32, #tpu.memory_space<vmem>>
        %dma_wait3A_166 = tpu.memref_squeeze %dma_wait3A_165 : memref<1x128xi32, #tpu.memory_space<vmem>> -> memref<128xi32, #tpu.memory_space<vmem>>
        %dma_wait3A_167 = arith.constant 0 : i32
        %dma_wait3A_168 = tpu.memref_slice %arg3[%add3A, %dma_wait3A_156, %dma_wait3A_167] : memref<32x80x128xi32, #tpu.memory_space<hbm>> -> memref<1x1x128xi32, #tpu.memory_space<hbm>>
        %dma_wait3A_169 = tpu.memref_squeeze %dma_wait3A_168 : memref<1x1x128xi32, #tpu.memory_space<hbm>> -> memref<128xi32, #tpu.memory_space<hbm>>
        tpu.wait_dma2 semaphore(%arg12 : memref<!tpu.dma_semaphore, #tpu.memory_space<semaphore_mem>>) src(%dma_wait3A_169 : memref<128xi32, #tpu.memory_space<hbm>>) dst(%dma_wait3A_166 : memref<128xi32, #tpu.memory_space<vmem>>)
        %dma_wait3A_170 = arith.constant 0 : i32
        %dma_wait3A_171 = arith.constant 1 : i32
        %dma_wait3A_172 = arith.constant 0 : i32
        %dma_wait3A_173 = tpu.memref_slice %arg7[%dma_wait3A_171, %dma_wait3A_172] : memref<2x128xi32, #tpu.memory_space<vmem>> -> memref<1x128xi32, #tpu.memory_space<vmem>>
        %dma_wait3A_174 = tpu.memref_squeeze %dma_wait3A_173 : memref<1x128xi32, #tpu.memory_space<vmem>> -> memref<128xi32, #tpu.memory_space<vmem>>
        %dma_wait3A_175 = arith.constant 0 : i32
        %dma_wait3A_176 = tpu.memref_slice %arg4[%add3A, %dma_wait3A_170, %dma_wait3A_175] : memref<32x80x128xi32, #tpu.memory_space<hbm>> -> memref<1x1x128xi32, #tpu.memory_space<hbm>>
        %dma_wait3A_177 = tpu.memref_squeeze %dma_wait3A_176 : memref<1x1x128xi32, #tpu.memory_space<hbm>> -> memref<128xi32, #tpu.memory_space<hbm>>
        %dma_wait3A_178 = arith.constant 0 : i32
        %dma_wait3A_179 = tpu.memref_slice %arg7[%dma_wait3A_171, %dma_wait3A_178] : memref<2x128xi32, #tpu.memory_space<vmem>> -> memref<1x128xi32, #tpu.memory_space<vmem>>
        %dma_wait3A_180 = tpu.memref_squeeze %dma_wait3A_179 : memref<1x128xi32, #tpu.memory_space<vmem>> -> memref<128xi32, #tpu.memory_space<vmem>>
        %dma_wait3A_181 = arith.constant 0 : i32
        %dma_wait3A_182 = tpu.memref_slice %arg4[%add3A, %dma_wait3A_170, %dma_wait3A_181] : memref<32x80x128xi32, #tpu.memory_space<hbm>> -> memref<1x1x128xi32, #tpu.memory_space<hbm>>
        %dma_wait3A_183 = tpu.memref_squeeze %dma_wait3A_182 : memref<1x1x128xi32, #tpu.memory_space<hbm>> -> memref<128xi32, #tpu.memory_space<hbm>>
        tpu.wait_dma2 semaphore(%arg14 : memref<!tpu.dma_semaphore, #tpu.memory_space<semaphore_mem>>) src(%dma_wait3A_183 : memref<128xi32, #tpu.memory_space<hbm>>) dst(%dma_wait3A_180 : memref<128xi32, #tpu.memory_space<vmem>>)
        %dma_start3A_184 = arith.constant 1 : i32
        %dma_start3A_185 = arith.constant 0 : i32
        %dma_start3A_186 = tpu.memref_slice %arg6[%dma_start3A_184, %dma_start3A_185] : memref<2x128xi32, #tpu.memory_space<vmem>> -> memref<1x128xi32, #tpu.memory_space<vmem>>
        %dma_start3A_187 = tpu.memref_squeeze %dma_start3A_186 : memref<1x128xi32, #tpu.memory_space<vmem>> -> memref<128xi32, #tpu.memory_space<vmem>>
        %dma_start3A_188 = arith.constant 0 : i32
        %dma_start3A_189 = arith.constant 0 : i32
        %dma_start3A_190 = tpu.memref_slice %arg2[%dma_start3A_188, %dma_start3A_189] : memref<10000x128xf32, #tpu.memory_space<hbm>> -> memref<10000x128xf32, #tpu.memory_space<hbm>>
        tpu.enqueue_indirect_dma source(%dma_start3A_190 : memref<10000x128xf32, #tpu.memory_space<hbm>>) target(%arg9 : memref<128x128xf32, #tpu.memory_space<vmem>>) offsets(%dma_start3A_187 : memref<128xi32, #tpu.memory_space<vmem>>) semaphore(%arg16 : memref<!tpu.dma_semaphore, #tpu.memory_space<semaphore_mem>>)
      } else {
      }
      %dma_wait3A_118 = arith.constant 0 : i32
      %dma_wait3A_119 = arith.constant 0 : i32
      %dma_wait3A_120 = tpu.memref_slice %arg6[%dma_wait3A_118, %dma_wait3A_119] : memref<2x128xi32, #tpu.memory_space<vmem>> -> memref<1x128xi32, #tpu.memory_space<vmem>>
      %dma_wait3A_121 = tpu.memref_squeeze %dma_wait3A_120 : memref<1x128xi32, #tpu.memory_space<vmem>> -> memref<128xi32, #tpu.memory_space<vmem>>
      %dma_wait3A_122 = arith.constant 0 : i32
      %dma_wait3A_123 = arith.constant 0 : i32
      %dma_wait3A_124 = tpu.memref_slice %arg2[%dma_wait3A_122, %dma_wait3A_123] : memref<10000x128xf32, #tpu.memory_space<hbm>> -> memref<10000x128xf32, #tpu.memory_space<hbm>>
      tpu.wait_indirect_dma semaphore(%arg15 : memref<!tpu.dma_semaphore, #tpu.memory_space<semaphore_mem>>) src(%dma_wait3A_124 : memref<10000x128xf32, #tpu.memory_space<hbm>>) dst(%arg8 : memref<128x128xf32, #tpu.memory_space<vmem>>)
      %run_scoped3A = arith.constant 0 : i32
      "tpu.region"() ({
        %run_scoped3A_156 = tpu.sem_alloc : memref<!tpu.dma_semaphore, #tpu.memory_space<semaphore_mem>>
        %dma_start3A_157 = arith.constant 0 : i32
        %dma_start3A_158 = tpu.memref_slice %arg7[%run_scoped3A, %dma_start3A_157] : memref<2x128xi32, #tpu.memory_space<vmem>> -> memref<1x128xi32, #tpu.memory_space<vmem>>
        %dma_start3A_159 = tpu.memref_squeeze %dma_start3A_158 : memref<1x128xi32, #tpu.memory_space<vmem>> -> memref<128xi32, #tpu.memory_space<vmem>>
        %dma_start3A_160 = arith.constant 0 : i32
        %dma_start3A_161 = arith.constant 0 : i32
        %dma_start3A_162 = tpu.memref_slice %arg10[%dma_start3A_160, %dma_start3A_161] : memref<10240x128xf32, #tpu.memory_space<vmem_shared>> -> memref<10240x128xf32, #tpu.memory_space<vmem_shared>>
        tpu.enqueue_indirect_dma source(%arg8 : memref<128x128xf32, #tpu.memory_space<vmem>>) target(%dma_start3A_162 : memref<10240x128xf32, #tpu.memory_space<vmem_shared>>) offsets(%dma_start3A_159 : memref<128xi32, #tpu.memory_space<vmem>>) semaphore(%run_scoped3A_156 : memref<!tpu.dma_semaphore, #tpu.memory_space<semaphore_mem>>) {add = true}
        %dma_wait3A_163 = arith.constant 0 : i32
        %dma_wait3A_164 = tpu.memref_slice %arg7[%run_scoped3A, %dma_wait3A_163] : memref<2x128xi32, #tpu.memory_space<vmem>> -> memref<1x128xi32, #tpu.memory_space<vmem>>
        %dma_wait3A_165 = tpu.memref_squeeze %dma_wait3A_164 : memref<1x128xi32, #tpu.memory_space<vmem>> -> memref<128xi32, #tpu.memory_space<vmem>>
        %dma_wait3A_166 = arith.constant 0 : i32
        %dma_wait3A_167 = arith.constant 0 : i32
        %dma_wait3A_168 = tpu.memref_slice %arg10[%dma_wait3A_166, %dma_wait3A_167] : memref<10240x128xf32, #tpu.memory_space<vmem_shared>> -> memref<10240x128xf32, #tpu.memory_space<vmem_shared>>
        tpu.wait_indirect_dma semaphore(%run_scoped3A_156 : memref<!tpu.dma_semaphore, #tpu.memory_space<semaphore_mem>>) src(%arg8 : memref<128x128xf32, #tpu.memory_space<vmem>>) dst(%dma_wait3A_168 : memref<10240x128xf32, #tpu.memory_space<vmem_shared>>)
        tpu.yield
      }) : () -> ()
      %add3A_125 = arith.constant 2 : i32
      %add3A_126 = arith.addi %add3A_113, %add3A_125 : i32
      %lt3A_127 = arith.constant 80 : i32
      %lt3A_128 = arith.cmpi slt, %add3A_126, %lt3A_127 : i32
      %convert_element_type3A_129 = arith.extui %lt3A_128 : i1 to i32
      %cond3A_130 = arith.constant 0 : i32
      %cond3A_131 = arith.cmpi ne, %convert_element_type3A_129, %cond3A_130 : i32
      scf.if %cond3A_131 {
        %add3A_156 = arith.constant 2 : i32
        %add3A_157 = arith.addi %add3A_113, %add3A_156 : i32
        %dma_start3A_158 = arith.constant 0 : i32
        %dma_start3A_159 = arith.constant 0 : i32
        %dma_start3A_160 = tpu.memref_slice %arg6[%dma_start3A_158, %dma_start3A_159] : memref<2x128xi32, #tpu.memory_space<vmem>> -> memref<1x128xi32, #tpu.memory_space<vmem>>
        %dma_start3A_161 = tpu.memref_squeeze %dma_start3A_160 : memref<1x128xi32, #tpu.memory_space<vmem>> -> memref<128xi32, #tpu.memory_space<vmem>>
        %dma_start3A_162 = arith.constant 0 : i32
        %dma_start3A_163 = tpu.memref_slice %arg3[%add3A, %add3A_157, %dma_start3A_162] : memref<32x80x128xi32, #tpu.memory_space<hbm>> -> memref<1x1x128xi32, #tpu.memory_space<hbm>>
        %dma_start3A_164 = tpu.memref_squeeze %dma_start3A_163 : memref<1x1x128xi32, #tpu.memory_space<hbm>> -> memref<128xi32, #tpu.memory_space<hbm>>
        %dma_start3A_165 = arith.constant 0 : i32
        %dma_start3A_166 = tpu.memref_slice %arg6[%dma_start3A_158, %dma_start3A_165] : memref<2x128xi32, #tpu.memory_space<vmem>> -> memref<1x128xi32, #tpu.memory_space<vmem>>
        %dma_start3A_167 = tpu.memref_squeeze %dma_start3A_166 : memref<1x128xi32, #tpu.memory_space<vmem>> -> memref<128xi32, #tpu.memory_space<vmem>>
        %dma_start3A_168 = arith.constant 0 : i32
        %dma_start3A_169 = tpu.memref_slice %arg3[%add3A, %add3A_157, %dma_start3A_168] : memref<32x80x128xi32, #tpu.memory_space<hbm>> -> memref<1x1x128xi32, #tpu.memory_space<hbm>>
        %dma_start3A_170 = tpu.memref_squeeze %dma_start3A_169 : memref<1x1x128xi32, #tpu.memory_space<hbm>> -> memref<128xi32, #tpu.memory_space<hbm>>
        tpu.enqueue_dma source(%dma_start3A_170 : memref<128xi32, #tpu.memory_space<hbm>>) target(%dma_start3A_167 : memref<128xi32, #tpu.memory_space<vmem>>) target_semaphore(%arg11 : memref<!tpu.dma_semaphore, #tpu.memory_space<semaphore_mem>>)
        %dma_start3A_171 = arith.constant 0 : i32
        %dma_start3A_172 = arith.constant 0 : i32
        %dma_start3A_173 = tpu.memref_slice %arg7[%dma_start3A_171, %dma_start3A_172] : memref<2x128xi32, #tpu.memory_space<vmem>> -> memref<1x128xi32, #tpu.memory_space<vmem>>
        %dma_start3A_174 = tpu.memref_squeeze %dma_start3A_173 : memref<1x128xi32, #tpu.memory_space<vmem>> -> memref<128xi32, #tpu.memory_space<vmem>>
        %dma_start3A_175 = arith.constant 0 : i32
        %dma_start3A_176 = tpu.memref_slice %arg4[%add3A, %add3A_157, %dma_start3A_175] : memref<32x80x128xi32, #tpu.memory_space<hbm>> -> memref<1x1x128xi32, #tpu.memory_space<hbm>>
        %dma_start3A_177 = tpu.memref_squeeze %dma_start3A_176 : memref<1x1x128xi32, #tpu.memory_space<hbm>> -> memref<128xi32, #tpu.memory_space<hbm>>
        %dma_start3A_178 = arith.constant 0 : i32
        %dma_start3A_179 = tpu.memref_slice %arg7[%dma_start3A_171, %dma_start3A_178] : memref<2x128xi32, #tpu.memory_space<vmem>> -> memref<1x128xi32, #tpu.memory_space<vmem>>
        %dma_start3A_180 = tpu.memref_squeeze %dma_start3A_179 : memref<1x128xi32, #tpu.memory_space<vmem>> -> memref<128xi32, #tpu.memory_space<vmem>>
        %dma_start3A_181 = arith.constant 0 : i32
        %dma_start3A_182 = tpu.memref_slice %arg4[%add3A, %add3A_157, %dma_start3A_181] : memref<32x80x128xi32, #tpu.memory_space<hbm>> -> memref<1x1x128xi32, #tpu.memory_space<hbm>>
        %dma_start3A_183 = tpu.memref_squeeze %dma_start3A_182 : memref<1x1x128xi32, #tpu.memory_space<hbm>> -> memref<128xi32, #tpu.memory_space<hbm>>
        tpu.enqueue_dma source(%dma_start3A_183 : memref<128xi32, #tpu.memory_space<hbm>>) target(%dma_start3A_180 : memref<128xi32, #tpu.memory_space<vmem>>) target_semaphore(%arg13 : memref<!tpu.dma_semaphore, #tpu.memory_space<semaphore_mem>>)
      } else {
      }
      %add3A_132 = arith.constant 1 : i32
      %add3A_133 = arith.addi %add3A_113, %add3A_132 : i32
      %add3A_134 = arith.constant 1 : i32
      %add3A_135 = arith.addi %add3A_133, %add3A_134 : i32
      %lt3A_136 = arith.constant 80 : i32
      %lt3A_137 = arith.cmpi slt, %add3A_135, %lt3A_136 : i32
      %convert_element_type3A_138 = arith.extui %lt3A_137 : i1 to i32
      %cond3A_139 = arith.constant 0 : i32
      %cond3A_140 = arith.cmpi ne, %convert_element_type3A_138, %cond3A_139 : i32
      scf.if %cond3A_140 {
        %dma_wait3A_156 = arith.constant 0 : i32
        %dma_wait3A_157 = arith.constant 0 : i32
        %dma_wait3A_158 = arith.constant 0 : i32
        %dma_wait3A_159 = tpu.memref_slice %arg6[%dma_wait3A_157, %dma_wait3A_158] : memref<2x128xi32, #tpu.memory_space<vmem>> -> memref<1x128xi32, #tpu.memory_space<vmem>>
        %dma_wait3A_160 = tpu.memref_squeeze %dma_wait3A_159 : memref<1x128xi32, #tpu.memory_space<vmem>> -> memref<128xi32, #tpu.memory_space<vmem>>
        %dma_wait3A_161 = arith.constant 0 : i32
        %dma_wait3A_162 = tpu.memref_slice %arg3[%add3A, %dma_wait3A_156, %dma_wait3A_161] : memref<32x80x128xi32, #tpu.memory_space<hbm>> -> memref<1x1x128xi32, #tpu.memory_space<hbm>>
        %dma_wait3A_163 = tpu.memref_squeeze %dma_wait3A_162 : memref<1x1x128xi32, #tpu.memory_space<hbm>> -> memref<128xi32, #tpu.memory_space<hbm>>
        %dma_wait3A_164 = arith.constant 0 : i32
        %dma_wait3A_165 = tpu.memref_slice %arg6[%dma_wait3A_157, %dma_wait3A_164] : memref<2x128xi32, #tpu.memory_space<vmem>> -> memref<1x128xi32, #tpu.memory_space<vmem>>
        %dma_wait3A_166 = tpu.memref_squeeze %dma_wait3A_165 : memref<1x128xi32, #tpu.memory_space<vmem>> -> memref<128xi32, #tpu.memory_space<vmem>>
        %dma_wait3A_167 = arith.constant 0 : i32
        %dma_wait3A_168 = tpu.memref_slice %arg3[%add3A, %dma_wait3A_156, %dma_wait3A_167] : memref<32x80x128xi32, #tpu.memory_space<hbm>> -> memref<1x1x128xi32, #tpu.memory_space<hbm>>
        %dma_wait3A_169 = tpu.memref_squeeze %dma_wait3A_168 : memref<1x1x128xi32, #tpu.memory_space<hbm>> -> memref<128xi32, #tpu.memory_space<hbm>>
        tpu.wait_dma2 semaphore(%arg11 : memref<!tpu.dma_semaphore, #tpu.memory_space<semaphore_mem>>) src(%dma_wait3A_169 : memref<128xi32, #tpu.memory_space<hbm>>) dst(%dma_wait3A_166 : memref<128xi32, #tpu.memory_space<vmem>>)
        %dma_wait3A_170 = arith.constant 0 : i32
        %dma_wait3A_171 = arith.constant 0 : i32
        %dma_wait3A_172 = arith.constant 0 : i32
        %dma_wait3A_173 = tpu.memref_slice %arg7[%dma_wait3A_171, %dma_wait3A_172] : memref<2x128xi32, #tpu.memory_space<vmem>> -> memref<1x128xi32, #tpu.memory_space<vmem>>
        %dma_wait3A_174 = tpu.memref_squeeze %dma_wait3A_173 : memref<1x128xi32, #tpu.memory_space<vmem>> -> memref<128xi32, #tpu.memory_space<vmem>>
        %dma_wait3A_175 = arith.constant 0 : i32
        %dma_wait3A_176 = tpu.memref_slice %arg4[%add3A, %dma_wait3A_170, %dma_wait3A_175] : memref<32x80x128xi32, #tpu.memory_space<hbm>> -> memref<1x1x128xi32, #tpu.memory_space<hbm>>
        %dma_wait3A_177 = tpu.memref_squeeze %dma_wait3A_176 : memref<1x1x128xi32, #tpu.memory_space<hbm>> -> memref<128xi32, #tpu.memory_space<hbm>>
        %dma_wait3A_178 = arith.constant 0 : i32
        %dma_wait3A_179 = tpu.memref_slice %arg7[%dma_wait3A_171, %dma_wait3A_178] : memref<2x128xi32, #tpu.memory_space<vmem>> -> memref<1x128xi32, #tpu.memory_space<vmem>>
        %dma_wait3A_180 = tpu.memref_squeeze %dma_wait3A_179 : memref<1x128xi32, #tpu.memory_space<vmem>> -> memref<128xi32, #tpu.memory_space<vmem>>
        %dma_wait3A_181 = arith.constant 0 : i32
        %dma_wait3A_182 = tpu.memref_slice %arg4[%add3A, %dma_wait3A_170, %dma_wait3A_181] : memref<32x80x128xi32, #tpu.memory_space<hbm>> -> memref<1x1x128xi32, #tpu.memory_space<hbm>>
        %dma_wait3A_183 = tpu.memref_squeeze %dma_wait3A_182 : memref<1x1x128xi32, #tpu.memory_space<hbm>> -> memref<128xi32, #tpu.memory_space<hbm>>
        tpu.wait_dma2 semaphore(%arg13 : memref<!tpu.dma_semaphore, #tpu.memory_space<semaphore_mem>>) src(%dma_wait3A_183 : memref<128xi32, #tpu.memory_space<hbm>>) dst(%dma_wait3A_180 : memref<128xi32, #tpu.memory_space<vmem>>)
        %dma_start3A_184 = arith.constant 0 : i32
        %dma_start3A_185 = arith.constant 0 : i32
        %dma_start3A_186 = tpu.memref_slice %arg6[%dma_start3A_184, %dma_start3A_185] : memref<2x128xi32, #tpu.memory_space<vmem>> -> memref<1x128xi32, #tpu.memory_space<vmem>>
        %dma_start3A_187 = tpu.memref_squeeze %dma_start3A_186 : memref<1x128xi32, #tpu.memory_space<vmem>> -> memref<128xi32, #tpu.memory_space<vmem>>
        %dma_start3A_188 = arith.constant 0 : i32
        %dma_start3A_189 = arith.constant 0 : i32
        %dma_start3A_190 = tpu.memref_slice %arg2[%dma_start3A_188, %dma_start3A_189] : memref<10000x128xf32, #tpu.memory_space<hbm>> -> memref<10000x128xf32, #tpu.memory_space<hbm>>
        tpu.enqueue_indirect_dma source(%dma_start3A_190 : memref<10000x128xf32, #tpu.memory_space<hbm>>) target(%arg8 : memref<128x128xf32, #tpu.memory_space<vmem>>) offsets(%dma_start3A_187 : memref<128xi32, #tpu.memory_space<vmem>>) semaphore(%arg15 : memref<!tpu.dma_semaphore, #tpu.memory_space<semaphore_mem>>)
      } else {
      }
      %dma_wait3A_141 = arith.constant 1 : i32
      %dma_wait3A_142 = arith.constant 0 : i32
      %dma_wait3A_143 = tpu.memref_slice %arg6[%dma_wait3A_141, %dma_wait3A_142] : memref<2x128xi32, #tpu.memory_space<vmem>> -> memref<1x128xi32, #tpu.memory_space<vmem>>
      %dma_wait3A_144 = tpu.memref_squeeze %dma_wait3A_143 : memref<1x128xi32, #tpu.memory_space<vmem>> -> memref<128xi32, #tpu.memory_space<vmem>>
      %dma_wait3A_145 = arith.constant 0 : i32
      %dma_wait3A_146 = arith.constant 0 : i32
      %dma_wait3A_147 = tpu.memref_slice %arg2[%dma_wait3A_145, %dma_wait3A_146] : memref<10000x128xf32, #tpu.memory_space<hbm>> -> memref<10000x128xf32, #tpu.memory_space<hbm>>
      tpu.wait_indirect_dma semaphore(%arg16 : memref<!tpu.dma_semaphore, #tpu.memory_space<semaphore_mem>>) src(%dma_wait3A_147 : memref<10000x128xf32, #tpu.memory_space<hbm>>) dst(%arg9 : memref<128x128xf32, #tpu.memory_space<vmem>>)
      %run_scoped3A_148 = arith.constant 1 : i32
      "tpu.region"() ({
        %run_scoped3A_156 = tpu.sem_alloc : memref<!tpu.dma_semaphore, #tpu.memory_space<semaphore_mem>>
        %dma_start3A_157 = arith.constant 0 : i32
        %dma_start3A_158 = tpu.memref_slice %arg7[%run_scoped3A_148, %dma_start3A_157] : memref<2x128xi32, #tpu.memory_space<vmem>> -> memref<1x128xi32, #tpu.memory_space<vmem>>
        %dma_start3A_159 = tpu.memref_squeeze %dma_start3A_158 : memref<1x128xi32, #tpu.memory_space<vmem>> -> memref<128xi32, #tpu.memory_space<vmem>>
        %dma_start3A_160 = arith.constant 0 : i32
        %dma_start3A_161 = arith.constant 0 : i32
        %dma_start3A_162 = tpu.memref_slice %arg10[%dma_start3A_160, %dma_start3A_161] : memref<10240x128xf32, #tpu.memory_space<vmem_shared>> -> memref<10240x128xf32, #tpu.memory_space<vmem_shared>>
        tpu.enqueue_indirect_dma source(%arg9 : memref<128x128xf32, #tpu.memory_space<vmem>>) target(%dma_start3A_162 : memref<10240x128xf32, #tpu.memory_space<vmem_shared>>) offsets(%dma_start3A_159 : memref<128xi32, #tpu.memory_space<vmem>>) semaphore(%run_scoped3A_156 : memref<!tpu.dma_semaphore, #tpu.memory_space<semaphore_mem>>) {add = true}
        %dma_wait3A_163 = arith.constant 0 : i32
        %dma_wait3A_164 = tpu.memref_slice %arg7[%run_scoped3A_148, %dma_wait3A_163] : memref<2x128xi32, #tpu.memory_space<vmem>> -> memref<1x128xi32, #tpu.memory_space<vmem>>
        %dma_wait3A_165 = tpu.memref_squeeze %dma_wait3A_164 : memref<1x128xi32, #tpu.memory_space<vmem>> -> memref<128xi32, #tpu.memory_space<vmem>>
        %dma_wait3A_166 = arith.constant 0 : i32
        %dma_wait3A_167 = arith.constant 0 : i32
        %dma_wait3A_168 = tpu.memref_slice %arg10[%dma_wait3A_166, %dma_wait3A_167] : memref<10240x128xf32, #tpu.memory_space<vmem_shared>> -> memref<10240x128xf32, #tpu.memory_space<vmem_shared>>
        tpu.wait_indirect_dma semaphore(%run_scoped3A_156 : memref<!tpu.dma_semaphore, #tpu.memory_space<semaphore_mem>>) src(%arg9 : memref<128x128xf32, #tpu.memory_space<vmem>>) dst(%dma_wait3A_168 : memref<10240x128xf32, #tpu.memory_space<vmem_shared>>)
        tpu.yield
      }) : () -> ()
      %add3A_149 = arith.constant 2 : i32
      %add3A_150 = arith.addi %add3A_133, %add3A_149 : i32
      %lt3A_151 = arith.constant 80 : i32
      %lt3A_152 = arith.cmpi slt, %add3A_150, %lt3A_151 : i32
      %convert_element_type3A_153 = arith.extui %lt3A_152 : i1 to i32
      %cond3A_154 = arith.constant 0 : i32
      %cond3A_155 = arith.cmpi ne, %convert_element_type3A_153, %cond3A_154 : i32
      scf.if %cond3A_155 {
        %add3A_156 = arith.constant 2 : i32
        %add3A_157 = arith.addi %add3A_133, %add3A_156 : i32
        %dma_start3A_158 = arith.constant 1 : i32
        %dma_start3A_159 = arith.constant 0 : i32
        %dma_start3A_160 = tpu.memref_slice %arg6[%dma_start3A_158, %dma_start3A_159] : memref<2x128xi32, #tpu.memory_space<vmem>> -> memref<1x128xi32, #tpu.memory_space<vmem>>
        %dma_start3A_161 = tpu.memref_squeeze %dma_start3A_160 : memref<1x128xi32, #tpu.memory_space<vmem>> -> memref<128xi32, #tpu.memory_space<vmem>>
        %dma_start3A_162 = arith.constant 0 : i32
        %dma_start3A_163 = tpu.memref_slice %arg3[%add3A, %add3A_157, %dma_start3A_162] : memref<32x80x128xi32, #tpu.memory_space<hbm>> -> memref<1x1x128xi32, #tpu.memory_space<hbm>>
        %dma_start3A_164 = tpu.memref_squeeze %dma_start3A_163 : memref<1x1x128xi32, #tpu.memory_space<hbm>> -> memref<128xi32, #tpu.memory_space<hbm>>
        %dma_start3A_165 = arith.constant 0 : i32
        %dma_start3A_166 = tpu.memref_slice %arg6[%dma_start3A_158, %dma_start3A_165] : memref<2x128xi32, #tpu.memory_space<vmem>> -> memref<1x128xi32, #tpu.memory_space<vmem>>
        %dma_start3A_167 = tpu.memref_squeeze %dma_start3A_166 : memref<1x128xi32, #tpu.memory_space<vmem>> -> memref<128xi32, #tpu.memory_space<vmem>>
        %dma_start3A_168 = arith.constant 0 : i32
        %dma_start3A_169 = tpu.memref_slice %arg3[%add3A, %add3A_157, %dma_start3A_168] : memref<32x80x128xi32, #tpu.memory_space<hbm>> -> memref<1x1x128xi32, #tpu.memory_space<hbm>>
        %dma_start3A_170 = tpu.memref_squeeze %dma_start3A_169 : memref<1x1x128xi32, #tpu.memory_space<hbm>> -> memref<128xi32, #tpu.memory_space<hbm>>
        tpu.enqueue_dma source(%dma_start3A_170 : memref<128xi32, #tpu.memory_space<hbm>>) target(%dma_start3A_167 : memref<128xi32, #tpu.memory_space<vmem>>) target_semaphore(%arg12 : memref<!tpu.dma_semaphore, #tpu.memory_space<semaphore_mem>>)
        %dma_start3A_171 = arith.constant 1 : i32
        %dma_start3A_172 = arith.constant 0 : i32
        %dma_start3A_173 = tpu.memref_slice %arg7[%dma_start3A_171, %dma_start3A_172] : memref<2x128xi32, #tpu.memory_space<vmem>> -> memref<1x128xi32, #tpu.memory_space<vmem>>
        %dma_start3A_174 = tpu.memref_squeeze %dma_start3A_173 : memref<1x128xi32, #tpu.memory_space<vmem>> -> memref<128xi32, #tpu.memory_space<vmem>>
        %dma_start3A_175 = arith.constant 0 : i32
        %dma_start3A_176 = tpu.memref_slice %arg4[%add3A, %add3A_157, %dma_start3A_175] : memref<32x80x128xi32, #tpu.memory_space<hbm>> -> memref<1x1x128xi32, #tpu.memory_space<hbm>>
        %dma_start3A_177 = tpu.memref_squeeze %dma_start3A_176 : memref<1x1x128xi32, #tpu.memory_space<hbm>> -> memref<128xi32, #tpu.memory_space<hbm>>
        %dma_start3A_178 = arith.constant 0 : i32
        %dma_start3A_179 = tpu.memref_slice %arg7[%dma_start3A_171, %dma_start3A_178] : memref<2x128xi32, #tpu.memory_space<vmem>> -> memref<1x128xi32, #tpu.memory_space<vmem>>
        %dma_start3A_180 = tpu.memref_squeeze %dma_start3A_179 : memref<1x128xi32, #tpu.memory_space<vmem>> -> memref<128xi32, #tpu.memory_space<vmem>>
        %dma_start3A_181 = arith.constant 0 : i32
        %dma_start3A_182 = tpu.memref_slice %arg4[%add3A, %add3A_157, %dma_start3A_181] : memref<32x80x128xi32, #tpu.memory_space<hbm>> -> memref<1x1x128xi32, #tpu.memory_space<hbm>>
        %dma_start3A_183 = tpu.memref_squeeze %dma_start3A_182 : memref<1x1x128xi32, #tpu.memory_space<hbm>> -> memref<128xi32, #tpu.memory_space<hbm>>
        tpu.enqueue_dma source(%dma_start3A_183 : memref<128xi32, #tpu.memory_space<hbm>>) target(%dma_start3A_180 : memref<128xi32, #tpu.memory_space<vmem>>) target_semaphore(%arg14 : memref<!tpu.dma_semaphore, #tpu.memory_space<semaphore_mem>>)
      } else {
      }
    }
    %scan3A_103 = arith.constant 40 : i32
    %barrier3A_104 = arith.constant 0 : index
    tpu.barrier barrier_id(%barrier3A_104)
    %mul3A_105 = arith.constant 640 : i32
    %mul3A_106 = arith.muli %arg1, %mul3A_105 : i32
    %mul3A_107 = arith.constant 640 : i32
    %mul3A_108 = arith.muli %arg1, %mul3A_107 : i32
    "tpu.region"() ({
      %run_scoped3A = tpu.sem_alloc : memref<!tpu.dma_semaphore, #tpu.memory_space<semaphore_mem>>
      %dma_start3A_109 = arith.constant 0 : i32
      %dma_start3A_110 = tpu.memref_slice %arg5[%arg0, %mul3A_108, %dma_start3A_109] : memref<2x10240x128xf32, #tpu.memory_space<hbm>> -> memref<1x640x128xf32, #tpu.memory_space<hbm>>
      %dma_start3A_111 = tpu.memref_squeeze %dma_start3A_110 : memref<1x640x128xf32, #tpu.memory_space<hbm>> -> memref<640x128xf32, #tpu.memory_space<hbm>>
      %dma_start3A_112 = arith.constant 0 : i32
      %dma_start3A_113 = tpu.memref_slice %arg10[%mul3A_106, %dma_start3A_112] : memref<10240x128xf32, #tpu.memory_space<vmem_shared>> -> memref<640x128xf32, #tpu.memory_space<vmem_shared>>
      tpu.enqueue_dma source(%dma_start3A_113 : memref<640x128xf32, #tpu.memory_space<vmem_shared>>) target(%dma_start3A_111 : memref<640x128xf32, #tpu.memory_space<hbm>>) target_semaphore(%run_scoped3A : memref<!tpu.dma_semaphore, #tpu.memory_space<semaphore_mem>>)
      %dma_wait3A_114 = arith.constant 0 : i32
      %dma_wait3A_115 = tpu.memref_slice %arg5[%arg0, %mul3A_108, %dma_wait3A_114] : memref<2x10240x128xf32, #tpu.memory_space<hbm>> -> memref<1x640x128xf32, #tpu.memory_space<hbm>>
      %dma_wait3A_116 = tpu.memref_squeeze %dma_wait3A_115 : memref<1x640x128xf32, #tpu.memory_space<hbm>> -> memref<640x128xf32, #tpu.memory_space<hbm>>
      %dma_wait3A_117 = arith.constant 0 : i32
      %dma_wait3A_118 = tpu.memref_slice %arg10[%mul3A_106, %dma_wait3A_117] : memref<10240x128xf32, #tpu.memory_space<vmem_shared>> -> memref<640x128xf32, #tpu.memory_space<vmem_shared>>
      tpu.wait_dma2 semaphore(%run_scoped3A : memref<!tpu.dma_semaphore, #tpu.memory_space<semaphore_mem>>) src(%dma_wait3A_118 : memref<640x128xf32, #tpu.memory_space<vmem_shared>>) dst(%dma_wait3A_116 : memref<640x128xf32, #tpu.memory_space<hbm>>)
      tpu.yield
    }) : () -> ()
    return
  }
}

#map = affine_map<(d0, d1) -> (0, 0)>
#map1 = affine_map<(d0, d1) -> (0, 0, 0)>
module attributes {stable_mosaic.version = 14 : i64} {
  func.func @k(%arg0: i32, %arg1: i32, %arg2: memref<10000x128xf32, #tpu.memory_space<hbm>>, %arg3: memref<32x80x128xi32, #tpu.memory_space<hbm>>, %arg4: memref<32x80x128xi32, #tpu.memory_space<hbm>>, %arg5: memref<2x10240x128xf32, #tpu.memory_space<hbm>>, %arg6: memref<2x128xi32, #tpu.memory_space<vmem>>, %arg7: memref<2x128xi32, #tpu.memory_space<vmem>>, %arg8: memref<128x128xf32, #tpu.memory_space<vmem>>, %arg9: memref<128x128xf32, #tpu.memory_space<vmem>>, %arg10: memref<10240x128xf32, #tpu.memory_space<vmem_shared>>, %arg11: memref<!tpu.dma_semaphore, #tpu.memory_space<semaphore_mem>>, %arg12: memref<!tpu.dma_semaphore, #tpu.memory_space<semaphore_mem>>, %arg13: memref<!tpu.dma_semaphore, #tpu.memory_space<semaphore_mem>>, %arg14: memref<!tpu.dma_semaphore, #tpu.memory_space<semaphore_mem>>, %arg15: memref<!tpu.dma_semaphore, #tpu.memory_space<semaphore_mem>>, %arg16: memref<!tpu.dma_semaphore, #tpu.memory_space<semaphore_mem>>) attributes {dimension_semantics = [#tpu.dimension_semantics<core_parallel>, #tpu.dimension_semantics<subcore_parallel>], iteration_bounds = array<i64: 2, 16>, scalar_prefetch = 0 : i64, scratch_operands = 11 : i64, tpu.core_type = #tpu.core_type<sc_vector_subcore>, window_params = [{transform_indices = #map}, {transform_indices = #map1}, {transform_indices = #map1}, {transform_indices = #map1}]} {
    %mul3A = arith.constant 16 : i32
    %mul3A_0 = arith.muli %arg0, %mul3A : i32
    %add3A = arith.addi %mul3A_0, %arg1 : i32
    %scan3A = arith.constant 0 : i32
    %scan3A_1 = arith.constant 128 : i32
    %scan3A_2 = arith.addi %scan3A, %scan3A_1 : i32
    %scan3A_3 = arith.constant 1 : i32
    scf.for %scan3A_109 = %scan3A to %scan3A_2 step %scan3A_3  : i32 {
      %mul3A_110 = arith.constant 1 : i32
      %mul3A_111 = arith.muli %scan3A_109, %mul3A_110 : i32
      %add3A_112 = arith.constant 0 : i32
      %add3A_113 = arith.addi %add3A_112, %mul3A_111 : i32
      %scan3A_114 = arith.constant 0 : i32
      %scan3A_115 = arith.constant 8 : i32
      %scan3A_116 = arith.addi %scan3A_114, %scan3A_115 : i32
      %scan3A_117 = arith.constant 1 : i32
      scf.for %scan3A_119 = %scan3A_114 to %scan3A_116 step %scan3A_117  : i32 {
        %mul3A_120 = arith.constant 16 : i32
        %mul3A_121 = arith.muli %scan3A_119, %mul3A_120 : i32
        %add3A_122 = arith.constant 0 : i32
        %add3A_123 = arith.addi %add3A_122, %mul3A_121 : i32
        %broadcast_in_dim3A = arith.constant 0.000000e+00 : f32
        %broadcast_in_dim3A_124 = vector.broadcast %broadcast_in_dim3A : f32 to vector<16xf32>
        %swap3A = arith.index_cast %add3A_113 : i32 to index
        %swap3A_125 = arith.index_cast %add3A_123 : i32 to index
        %swap3A_126 = tpu.vector_load %arg8[%swap3A, %swap3A_125] {strides = array<i32>} : memref<128x128xf32, #tpu.memory_space<vmem>>, vector<1x16xf32>,
        %swap3A_127 = vector.shape_cast %swap3A_126 : vector<1x16xf32> to vector<16xf32>
        %swap3A_128 = vector.shape_cast %broadcast_in_dim3A_124 : vector<16xf32> to vector<1x16xf32>
        tpu.vector_store %arg8[%swap3A, %swap3A_125], %swap3A_128 {strides = array<i32>} : memref<128x128xf32, #tpu.memory_space<vmem>>, vector<1x16xf32>,
      }
      %scan3A_118 = arith.constant 8 : i32
    }
    %scan3A_4 = arith.constant 128 : i32
    %scan3A_5 = arith.constant 0 : i32
    %scan3A_6 = arith.constant 5 : i32
    %scan3A_7 = arith.addi %scan3A_5, %scan3A_6 : i32
    %scan3A_8 = arith.constant 1 : i32
    scf.for %scan3A_109 = %scan3A_5 to %scan3A_7 step %scan3A_8  : i32 {
      %mul3A_110 = arith.constant 128 : i32
      %mul3A_111 = arith.muli %scan3A_109, %mul3A_110 : i32
      %add3A_112 = arith.constant 0 : i32
      %add3A_113 = arith.addi %add3A_112, %mul3A_111 : i32
      %mul3A_114 = arith.constant 640 : i32
      %mul3A_115 = arith.muli %arg1, %mul3A_114 : i32
      %add3A_116 = arith.addi %mul3A_115, %add3A_113 : i32
      "tpu.region"() ({
        %run_scoped3A = tpu.sem_alloc : memref<!tpu.dma_semaphore, #tpu.memory_space<semaphore_mem>>
        %dma_start3A_117 = arith.constant 0 : i32
        %dma_start3A_118 = tpu.memref_slice %arg10[%add3A_116, %dma_start3A_117] : memref<10240x128xf32, #tpu.memory_space<vmem_shared>> -> memref<128x128xf32, #tpu.memory_space<vmem_shared>>
        %dma_start3A_119 = arith.constant 0 : i32
        %dma_start3A_120 = tpu.memref_slice %arg10[%add3A_116, %dma_start3A_119] : memref<10240x128xf32, #tpu.memory_space<vmem_shared>> -> memref<128x128xf32, #tpu.memory_space<vmem_shared>>
        tpu.enqueue_dma source(%arg8 : memref<128x128xf32, #tpu.memory_space<vmem>>) target(%dma_start3A_120 : memref<128x128xf32, #tpu.memory_space<vmem_shared>>) target_semaphore(%run_scoped3A : memref<!tpu.dma_semaphore, #tpu.memory_space<semaphore_mem>>)
        %dma_wait3A_121 = arith.constant 0 : i32
        %dma_wait3A_122 = tpu.memref_slice %arg10[%add3A_116, %dma_wait3A_121] : memref<10240x128xf32, #tpu.memory_space<vmem_shared>> -> memref<128x128xf32, #tpu.memory_space<vmem_shared>>
        %dma_wait3A_123 = arith.constant 0 : i32
        %dma_wait3A_124 = tpu.memref_slice %arg10[%add3A_116, %dma_wait3A_123] : memref<10240x128xf32, #tpu.memory_space<vmem_shared>> -> memref<128x128xf32, #tpu.memory_space<vmem_shared>>
        tpu.wait_dma2 semaphore(%run_scoped3A : memref<!tpu.dma_semaphore, #tpu.memory_space<semaphore_mem>>) src(%arg8 : memref<128x128xf32, #tpu.memory_space<vmem>>) dst(%dma_wait3A_124 : memref<128x128xf32, #tpu.memory_space<vmem_shared>>)
        tpu.yield
      }) : () -> ()
    }
    %scan3A_9 = arith.constant 5 : i32
    %barrier3A = arith.constant 0 : index
    tpu.barrier barrier_id(%barrier3A)
    %dma_start3A = arith.constant 0 : i32
    %dma_start3A_10 = arith.constant 0 : i32
    %dma_start3A_11 = arith.constant 0 : i32
    %dma_start3A_12 = tpu.memref_slice %arg6[%dma_start3A_10, %dma_start3A_11] : memref<2x128xi32, #tpu.memory_space<vmem>> -> memref<1x128xi32, #tpu.memory_space<vmem>>
    %dma_start3A_13 = tpu.memref_squeeze %dma_start3A_12 : memref<1x128xi32, #tpu.memory_space<vmem>> -> memref<128xi32, #tpu.memory_space<vmem>>
    %dma_start3A_14 = arith.constant 0 : i32
    %dma_start3A_15 = tpu.memref_slice %arg3[%add3A, %dma_start3A, %dma_start3A_14] : memref<32x80x128xi32, #tpu.memory_space<hbm>> -> memref<1x1x128xi32, #tpu.memory_space<hbm>>
    %dma_start3A_16 = tpu.memref_squeeze %dma_start3A_15 : memref<1x1x128xi32, #tpu.memory_space<hbm>> -> memref<128xi32, #tpu.memory_space<hbm>>
    %dma_start3A_17 = arith.constant 0 : i32
    %dma_start3A_18 = tpu.memref_slice %arg6[%dma_start3A_10, %dma_start3A_17] : memref<2x128xi32, #tpu.memory_space<vmem>> -> memref<1x128xi32, #tpu.memory_space<vmem>>
    %dma_start3A_19 = tpu.memref_squeeze %dma_start3A_18 : memref<1x128xi32, #tpu.memory_space<vmem>> -> memref<128xi32, #tpu.memory_space<vmem>>
    %dma_start3A_20 = arith.constant 0 : i32
    %dma_start3A_21 = tpu.memref_slice %arg3[%add3A, %dma_start3A, %dma_start3A_20] : memref<32x80x128xi32, #tpu.memory_space<hbm>> -> memref<1x1x128xi32, #tpu.memory_space<hbm>>
    %dma_start3A_22 = tpu.memref_squeeze %dma_start3A_21 : memref<1x1x128xi32, #tpu.memory_space<hbm>> -> memref<128xi32, #tpu.memory_space<hbm>>
    tpu.enqueue_dma source(%dma_start3A_22 : memref<128xi32, #tpu.memory_space<hbm>>) target(%dma_start3A_19 : memref<128xi32, #tpu.memory_space<vmem>>) target_semaphore(%arg11 : memref<!tpu.dma_semaphore, #tpu.memory_space<semaphore_mem>>)
    %dma_start3A_23 = arith.constant 0 : i32
    %dma_start3A_24 = arith.constant 0 : i32
    %dma_start3A_25 = arith.constant 0 : i32
    %dma_start3A_26 = tpu.memref_slice %arg7[%dma_start3A_24, %dma_start3A_25] : memref<2x128xi32, #tpu.memory_space<vmem>> -> memref<1x128xi32, #tpu.memory_space<vmem>>
    %dma_start3A_27 = tpu.memref_squeeze %dma_start3A_26 : memref<1x128xi32, #tpu.memory_space<vmem>> -> memref<128xi32, #tpu.memory_space<vmem>>
    %dma_start3A_28 = arith.constant 0 : i32
    %dma_start3A_29 = tpu.memref_slice %arg4[%add3A, %dma_start3A_23, %dma_start3A_28] : memref<32x80x128xi32, #tpu.memory_space<hbm>> -> memref<1x1x128xi32, #tpu.memory_space<hbm>>
    %dma_start3A_30 = tpu.memref_squeeze %dma_start3A_29 : memref<1x1x128xi32, #tpu.memory_space<hbm>> -> memref<128xi32, #tpu.memory_space<hbm>>
    %dma_start3A_31 = arith.constant 0 : i32
    %dma_start3A_32 = tpu.memref_slice %arg7[%dma_start3A_24, %dma_start3A_31] : memref<2x128xi32, #tpu.memory_space<vmem>> -> memref<1x128xi32, #tpu.memory_space<vmem>>
    %dma_start3A_33 = tpu.memref_squeeze %dma_start3A_32 : memref<1x128xi32, #tpu.memory_space<vmem>> -> memref<128xi32, #tpu.memory_space<vmem>>
    %dma_start3A_34 = arith.constant 0 : i32
    %dma_start3A_35 = tpu.memref_slice %arg4[%add3A, %dma_start3A_23, %dma_start3A_34] : memref<32x80x128xi32, #tpu.memory_space<hbm>> -> memref<1x1x128xi32, #tpu.memory_space<hbm>>
    %dma_start3A_36 = tpu.memref_squeeze %dma_start3A_35 : memref<1x1x128xi32, #tpu.memory_space<hbm>> -> memref<128xi32, #tpu.memory_space<hbm>>
    tpu.enqueue_dma source(%dma_start3A_36 : memref<128xi32, #tpu.memory_space<hbm>>) target(%dma_start3A_33 : memref<128xi32, #tpu.memory_space<vmem>>) target_semaphore(%arg13 : memref<!tpu.dma_semaphore, #tpu.memory_space<semaphore_mem>>)
    %dma_start3A_37 = arith.constant 1 : i32
    %dma_start3A_38 = arith.constant 1 : i32
    %dma_start3A_39 = arith.constant 0 : i32
    %dma_start3A_40 = tpu.memref_slice %arg6[%dma_start3A_38, %dma_start3A_39] : memref<2x128xi32, #tpu.memory_space<vmem>> -> memref<1x128xi32, #tpu.memory_space<vmem>>
    %dma_start3A_41 = tpu.memref_squeeze %dma_start3A_40 : memref<1x128xi32, #tpu.memory_space<vmem>> -> memref<128xi32, #tpu.memory_space<vmem>>
    %dma_start3A_42 = arith.constant 0 : i32
    %dma_start3A_43 = tpu.memref_slice %arg3[%add3A, %dma_start3A_37, %dma_start3A_42] : memref<32x80x128xi32, #tpu.memory_space<hbm>> -> memref<1x1x128xi32, #tpu.memory_space<hbm>>
    %dma_start3A_44 = tpu.memref_squeeze %dma_start3A_43 : memref<1x1x128xi32, #tpu.memory_space<hbm>> -> memref<128xi32, #tpu.memory_space<hbm>>
    %dma_start3A_45 = arith.constant 0 : i32
    %dma_start3A_46 = tpu.memref_slice %arg6[%dma_start3A_38, %dma_start3A_45] : memref<2x128xi32, #tpu.memory_space<vmem>> -> memref<1x128xi32, #tpu.memory_space<vmem>>
    %dma_start3A_47 = tpu.memref_squeeze %dma_start3A_46 : memref<1x128xi32, #tpu.memory_space<vmem>> -> memref<128xi32, #tpu.memory_space<vmem>>
    %dma_start3A_48 = arith.constant 0 : i32
    %dma_start3A_49 = tpu.memref_slice %arg3[%add3A, %dma_start3A_37, %dma_start3A_48] : memref<32x80x128xi32, #tpu.memory_space<hbm>> -> memref<1x1x128xi32, #tpu.memory_space<hbm>>
    %dma_start3A_50 = tpu.memref_squeeze %dma_start3A_49 : memref<1x1x128xi32, #tpu.memory_space<hbm>> -> memref<128xi32, #tpu.memory_space<hbm>>
    tpu.enqueue_dma source(%dma_start3A_50 : memref<128xi32, #tpu.memory_space<hbm>>) target(%dma_start3A_47 : memref<128xi32, #tpu.memory_space<vmem>>) target_semaphore(%arg12 : memref<!tpu.dma_semaphore, #tpu.memory_space<semaphore_mem>>)
    %dma_start3A_51 = arith.constant 1 : i32
    %dma_start3A_52 = arith.constant 1 : i32
    %dma_start3A_53 = arith.constant 0 : i32
    %dma_start3A_54 = tpu.memref_slice %arg7[%dma_start3A_52, %dma_start3A_53] : memref<2x128xi32, #tpu.memory_space<vmem>> -> memref<1x128xi32, #tpu.memory_space<vmem>>
    %dma_start3A_55 = tpu.memref_squeeze %dma_start3A_54 : memref<1x128xi32, #tpu.memory_space<vmem>> -> memref<128xi32, #tpu.memory_space<vmem>>
    %dma_start3A_56 = arith.constant 0 : i32
    %dma_start3A_57 = tpu.memref_slice %arg4[%add3A, %dma_start3A_51, %dma_start3A_56] : memref<32x80x128xi32, #tpu.memory_space<hbm>> -> memref<1x1x128xi32, #tpu.memory_space<hbm>>
    %dma_start3A_58 = tpu.memref_squeeze %dma_start3A_57 : memref<1x1x128xi32, #tpu.memory_space<hbm>> -> memref<128xi32, #tpu.memory_space<hbm>>
    %dma_start3A_59 = arith.constant 0 : i32
    %dma_start3A_60 = tpu.memref_slice %arg7[%dma_start3A_52, %dma_start3A_59] : memref<2x128xi32, #tpu.memory_space<vmem>> -> memref<1x128xi32, #tpu.memory_space<vmem>>
    %dma_start3A_61 = tpu.memref_squeeze %dma_start3A_60 : memref<1x128xi32, #tpu.memory_space<vmem>> -> memref<128xi32, #tpu.memory_space<vmem>>
    %dma_start3A_62 = arith.constant 0 : i32
    %dma_start3A_63 = tpu.memref_slice %arg4[%add3A, %dma_start3A_51, %dma_start3A_62] : memref<32x80x128xi32, #tpu.memory_space<hbm>> -> memref<1x1x128xi32, #tpu.memory_space<hbm>>
    %dma_start3A_64 = tpu.memref_squeeze %dma_start3A_63 : memref<1x1x128xi32, #tpu.memory_space<hbm>> -> memref<128xi32, #tpu.memory_space<hbm>>
    tpu.enqueue_dma source(%dma_start3A_64 : memref<128xi32, #tpu.memory_space<hbm>>) target(%dma_start3A_61 : memref<128xi32, #tpu.memory_space<vmem>>) target_semaphore(%arg14 : memref<!tpu.dma_semaphore, #tpu.memory_space<semaphore_mem>>)
    %dma_wait3A = arith.constant 0 : i32
    %dma_wait3A_65 = arith.constant 0 : i32
    %dma_wait3A_66 = arith.constant 0 : i32
    %dma_wait3A_67 = tpu.memref_slice %arg6[%dma_wait3A_65, %dma_wait3A_66] : memref<2x128xi32, #tpu.memory_space<vmem>> -> memref<1x128xi32, #tpu.memory_space<vmem>>
    %dma_wait3A_68 = tpu.memref_squeeze %dma_wait3A_67 : memref<1x128xi32, #tpu.memory_space<vmem>> -> memref<128xi32, #tpu.memory_space<vmem>>
    %dma_wait3A_69 = arith.constant 0 : i32
    %dma_wait3A_70 = tpu.memref_slice %arg3[%add3A, %dma_wait3A, %dma_wait3A_69] : memref<32x80x128xi32, #tpu.memory_space<hbm>> -> memref<1x1x128xi32, #tpu.memory_space<hbm>>
    %dma_wait3A_71 = tpu.memref_squeeze %dma_wait3A_70 : memref<1x1x128xi32, #tpu.memory_space<hbm>> -> memref<128xi32, #tpu.memory_space<hbm>>
    %dma_wait3A_72 = arith.constant 0 : i32
    %dma_wait3A_73 = tpu.memref_slice %arg6[%dma_wait3A_65, %dma_wait3A_72] : memref<2x128xi32, #tpu.memory_space<vmem>> -> memref<1x128xi32, #tpu.memory_space<vmem>>
    %dma_wait3A_74 = tpu.memref_squeeze %dma_wait3A_73 : memref<1x128xi32, #tpu.memory_space<vmem>> -> memref<128xi32, #tpu.memory_space<vmem>>
    %dma_wait3A_75 = arith.constant 0 : i32
    %dma_wait3A_76 = tpu.memref_slice %arg3[%add3A, %dma_wait3A, %dma_wait3A_75] : memref<32x80x128xi32, #tpu.memory_space<hbm>> -> memref<1x1x128xi32, #tpu.memory_space<hbm>>
    %dma_wait3A_77 = tpu.memref_squeeze %dma_wait3A_76 : memref<1x1x128xi32, #tpu.memory_space<hbm>> -> memref<128xi32, #tpu.memory_space<hbm>>
    tpu.wait_dma2 semaphore(%arg11 : memref<!tpu.dma_semaphore, #tpu.memory_space<semaphore_mem>>) src(%dma_wait3A_77 : memref<128xi32, #tpu.memory_space<hbm>>) dst(%dma_wait3A_74 : memref<128xi32, #tpu.memory_space<vmem>>)
    %dma_wait3A_78 = arith.constant 0 : i32
    %dma_wait3A_79 = arith.constant 0 : i32
    %dma_wait3A_80 = arith.constant 0 : i32
    %dma_wait3A_81 = tpu.memref_slice %arg7[%dma_wait3A_79, %dma_wait3A_80] : memref<2x128xi32, #tpu.memory_space<vmem>> -> memref<1x128xi32, #tpu.memory_space<vmem>>
    %dma_wait3A_82 = tpu.memref_squeeze %dma_wait3A_81 : memref<1x128xi32, #tpu.memory_space<vmem>> -> memref<128xi32, #tpu.memory_space<vmem>>
    %dma_wait3A_83 = arith.constant 0 : i32
    %dma_wait3A_84 = tpu.memref_slice %arg4[%add3A, %dma_wait3A_78, %dma_wait3A_83] : memref<32x80x128xi32, #tpu.memory_space<hbm>> -> memref<1x1x128xi32, #tpu.memory_space<hbm>>
    %dma_wait3A_85 = tpu.memref_squeeze %dma_wait3A_84 : memref<1x1x128xi32, #tpu.memory_space<hbm>> -> memref<128xi32, #tpu.memory_space<hbm>>
    %dma_wait3A_86 = arith.constant 0 : i32
    %dma_wait3A_87 = tpu.memref_slice %arg7[%dma_wait3A_79, %dma_wait3A_86] : memref<2x128xi32, #tpu.memory_space<vmem>> -> memref<1x128xi32, #tpu.memory_space<vmem>>
    %dma_wait3A_88 = tpu.memref_squeeze %dma_wait3A_87 : memref<1x128xi32, #tpu.memory_space<vmem>> -> memref<128xi32, #tpu.memory_space<vmem>>
    %dma_wait3A_89 = arith.constant 0 : i32
    %dma_wait3A_90 = tpu.memref_slice %arg4[%add3A, %dma_wait3A_78, %dma_wait3A_89] : memref<32x80x128xi32, #tpu.memory_space<hbm>> -> memref<1x1x128xi32, #tpu.memory_space<hbm>>
    %dma_wait3A_91 = tpu.memref_squeeze %dma_wait3A_90 : memref<1x1x128xi32, #tpu.memory_space<hbm>> -> memref<128xi32, #tpu.memory_space<hbm>>
    tpu.wait_dma2 semaphore(%arg13 : memref<!tpu.dma_semaphore, #tpu.memory_space<semaphore_mem>>) src(%dma_wait3A_91 : memref<128xi32, #tpu.memory_space<hbm>>) dst(%dma_wait3A_88 : memref<128xi32, #tpu.memory_space<vmem>>)
    %dma_start3A_92 = arith.constant 0 : i32
    %dma_start3A_93 = arith.constant 0 : i32
    %dma_start3A_94 = tpu.memref_slice %arg6[%dma_start3A_92, %dma_start3A_93] : memref<2x128xi32, #tpu.memory_space<vmem>> -> memref<1x128xi32, #tpu.memory_space<vmem>>
    %dma_start3A_95 = tpu.memref_squeeze %dma_start3A_94 : memref<1x128xi32, #tpu.memory_space<vmem>> -> memref<128xi32, #tpu.memory_space<vmem>>
    %dma_start3A_96 = arith.constant 0 : i32
    %dma_start3A_97 = arith.constant 0 : i32
    %dma_start3A_98 = tpu.memref_slice %arg2[%dma_start3A_96, %dma_start3A_97] : memref<10000x128xf32, #tpu.memory_space<hbm>> -> memref<10000x128xf32, #tpu.memory_space<hbm>>
    tpu.enqueue_indirect_dma source(%dma_start3A_98 : memref<10000x128xf32, #tpu.memory_space<hbm>>) target(%arg8 : memref<128x128xf32, #tpu.memory_space<vmem>>) offsets(%dma_start3A_95 : memref<128xi32, #tpu.memory_space<vmem>>) semaphore(%arg15 : memref<!tpu.dma_semaphore, #tpu.memory_space<semaphore_mem>>)
    %scan3A_99 = arith.constant 0 : i32
    %scan3A_100 = arith.constant 40 : i32
    %scan3A_101 = arith.addi %scan3A_99, %scan3A_100 : i32
    %scan3A_102 = arith.constant 1 : i32
    scf.for %scan3A_109 = %scan3A_99 to %scan3A_101 step %scan3A_102  : i32 {
      %mul3A_110 = arith.constant 2 : i32
      %mul3A_111 = arith.muli %scan3A_109, %mul3A_110 : i32
      %add3A_112 = arith.constant 0 : i32
      %add3A_113 = arith.addi %add3A_112, %mul3A_111 : i32
      %add3A_114 = arith.constant 1 : i32
      %add3A_115 = arith.addi %add3A_113, %add3A_114 : i32
      %lt3A = arith.constant 80 : i32
      %lt3A_116 = arith.cmpi slt, %add3A_115, %lt3A : i32
      %convert_element_type3A = arith.extui %lt3A_116 : i1 to i32
      %cond3A = arith.constant 0 : i32
      %cond3A_117 = arith.cmpi ne, %convert_element_type3A, %cond3A : i32
      scf.if %cond3A_117 {
        %dma_wait3A_156 = arith.constant 0 : i32
        %dma_wait3A_157 = arith.constant 1 : i32
        %dma_wait3A_158 = arith.constant 0 : i32
        %dma_wait3A_159 = tpu.memref_slice %arg6[%dma_wait3A_157, %dma_wait3A_158] : memref<2x128xi32, #tpu.memory_space<vmem>> -> memref<1x128xi32, #tpu.memory_space<vmem>>
        %dma_wait3A_160 = tpu.memref_squeeze %dma_wait3A_159 : memref<1x128xi32, #tpu.memory_space<vmem>> -> memref<128xi32, #tpu.memory_space<vmem>>
        %dma_wait3A_161 = arith.constant 0 : i32
        %dma_wait3A_162 = tpu.memref_slice %arg3[%add3A, %dma_wait3A_156, %dma_wait3A_161] : memref<32x80x128xi32, #tpu.memory_space<hbm>> -> memref<1x1x128xi32, #tpu.memory_space<hbm>>
        %dma_wait3A_163 = tpu.memref_squeeze %dma_wait3A_162 : memref<1x1x128xi32, #tpu.memory_space<hbm>> -> memref<128xi32, #tpu.memory_space<hbm>>
        %dma_wait3A_164 = arith.constant 0 : i32
        %dma_wait3A_165 = tpu.memref_slice %arg6[%dma_wait3A_157, %dma_wait3A_164] : memref<2x128xi32, #tpu.memory_space<vmem>> -> memref<1x128xi32, #tpu.memory_space<vmem>>
        %dma_wait3A_166 = tpu.memref_squeeze %dma_wait3A_165 : memref<1x128xi32, #tpu.memory_space<vmem>> -> memref<128xi32, #tpu.memory_space<vmem>>
        %dma_wait3A_167 = arith.constant 0 : i32
        %dma_wait3A_168 = tpu.memref_slice %arg3[%add3A, %dma_wait3A_156, %dma_wait3A_167] : memref<32x80x128xi32, #tpu.memory_space<hbm>> -> memref<1x1x128xi32, #tpu.memory_space<hbm>>
        %dma_wait3A_169 = tpu.memref_squeeze %dma_wait3A_168 : memref<1x1x128xi32, #tpu.memory_space<hbm>> -> memref<128xi32, #tpu.memory_space<hbm>>
        tpu.wait_dma2 semaphore(%arg12 : memref<!tpu.dma_semaphore, #tpu.memory_space<semaphore_mem>>) src(%dma_wait3A_169 : memref<128xi32, #tpu.memory_space<hbm>>) dst(%dma_wait3A_166 : memref<128xi32, #tpu.memory_space<vmem>>)
        %dma_wait3A_170 = arith.constant 0 : i32
        %dma_wait3A_171 = arith.constant 1 : i32
        %dma_wait3A_172 = arith.constant 0 : i32
        %dma_wait3A_173 = tpu.memref_slice %arg7[%dma_wait3A_171, %dma_wait3A_172] : memref<2x128xi32, #tpu.memory_space<vmem>> -> memref<1x128xi32, #tpu.memory_space<vmem>>
        %dma_wait3A_174 = tpu.memref_squeeze %dma_wait3A_173 : memref<1x128xi32, #tpu.memory_space<vmem>> -> memref<128xi32, #tpu.memory_space<vmem>>
        %dma_wait3A_175 = arith.constant 0 : i32
        %dma_wait3A_176 = tpu.memref_slice %arg4[%add3A, %dma_wait3A_170, %dma_wait3A_175] : memref<32x80x128xi32, #tpu.memory_space<hbm>> -> memref<1x1x128xi32, #tpu.memory_space<hbm>>
        %dma_wait3A_177 = tpu.memref_squeeze %dma_wait3A_176 : memref<1x1x128xi32, #tpu.memory_space<hbm>> -> memref<128xi32, #tpu.memory_space<hbm>>
        %dma_wait3A_178 = arith.constant 0 : i32
        %dma_wait3A_179 = tpu.memref_slice %arg7[%dma_wait3A_171, %dma_wait3A_178] : memref<2x128xi32, #tpu.memory_space<vmem>> -> memref<1x128xi32, #tpu.memory_space<vmem>>
        %dma_wait3A_180 = tpu.memref_squeeze %dma_wait3A_179 : memref<1x128xi32, #tpu.memory_space<vmem>> -> memref<128xi32, #tpu.memory_space<vmem>>
        %dma_wait3A_181 = arith.constant 0 : i32
        %dma_wait3A_182 = tpu.memref_slice %arg4[%add3A, %dma_wait3A_170, %dma_wait3A_181] : memref<32x80x128xi32, #tpu.memory_space<hbm>> -> memref<1x1x128xi32, #tpu.memory_space<hbm>>
        %dma_wait3A_183 = tpu.memref_squeeze %dma_wait3A_182 : memref<1x1x128xi32, #tpu.memory_space<hbm>> -> memref<128xi32, #tpu.memory_space<hbm>>
        tpu.wait_dma2 semaphore(%arg14 : memref<!tpu.dma_semaphore, #tpu.memory_space<semaphore_mem>>) src(%dma_wait3A_183 : memref<128xi32, #tpu.memory_space<hbm>>) dst(%dma_wait3A_180 : memref<128xi32, #tpu.memory_space<vmem>>)
        %dma_start3A_184 = arith.constant 1 : i32
        %dma_start3A_185 = arith.constant 0 : i32
        %dma_start3A_186 = tpu.memref_slice %arg6[%dma_start3A_184, %dma_start3A_185] : memref<2x128xi32, #tpu.memory_space<vmem>> -> memref<1x128xi32, #tpu.memory_space<vmem>>
        %dma_start3A_187 = tpu.memref_squeeze %dma_start3A_186 : memref<1x128xi32, #tpu.memory_space<vmem>> -> memref<128xi32, #tpu.memory_space<vmem>>
        %dma_start3A_188 = arith.constant 0 : i32
        %dma_start3A_189 = arith.constant 0 : i32
        %dma_start3A_190 = tpu.memref_slice %arg2[%dma_start3A_188, %dma_start3A_189] : memref<10000x128xf32, #tpu.memory_space<hbm>> -> memref<10000x128xf32, #tpu.memory_space<hbm>>
        tpu.enqueue_indirect_dma source(%dma_start3A_190 : memref<10000x128xf32, #tpu.memory_space<hbm>>) target(%arg9 : memref<128x128xf32, #tpu.memory_space<vmem>>) offsets(%dma_start3A_187 : memref<128xi32, #tpu.memory_space<vmem>>) semaphore(%arg16 : memref<!tpu.dma_semaphore, #tpu.memory_space<semaphore_mem>>)
      } else {
      }
      %dma_wait3A_118 = arith.constant 0 : i32
      %dma_wait3A_119 = arith.constant 0 : i32
      %dma_wait3A_120 = tpu.memref_slice %arg6[%dma_wait3A_118, %dma_wait3A_119] : memref<2x128xi32, #tpu.memory_space<vmem>> -> memref<1x128xi32, #tpu.memory_space<vmem>>
      %dma_wait3A_121 = tpu.memref_squeeze %dma_wait3A_120 : memref<1x128xi32, #tpu.memory_space<vmem>> -> memref<128xi32, #tpu.memory_space<vmem>>
      %dma_wait3A_122 = arith.constant 0 : i32
      %dma_wait3A_123 = arith.constant 0 : i32
      %dma_wait3A_124 = tpu.memref_slice %arg2[%dma_wait3A_122, %dma_wait3A_123] : memref<10000x128xf32, #tpu.memory_space<hbm>> -> memref<10000x128xf32, #tpu.memory_space<hbm>>
      tpu.wait_indirect_dma semaphore(%arg15 : memref<!tpu.dma_semaphore, #tpu.memory_space<semaphore_mem>>) src(%dma_wait3A_124 : memref<10000x128xf32, #tpu.memory_space<hbm>>) dst(%arg8 : memref<128x128xf32, #tpu.memory_space<vmem>>)
      %run_scoped3A = arith.constant 0 : i32
      "tpu.region"() ({
        %run_scoped3A_156 = tpu.sem_alloc : memref<!tpu.dma_semaphore, #tpu.memory_space<semaphore_mem>>
        %dma_start3A_157 = arith.constant 0 : i32
        %dma_start3A_158 = tpu.memref_slice %arg7[%run_scoped3A, %dma_start3A_157] : memref<2x128xi32, #tpu.memory_space<vmem>> -> memref<1x128xi32, #tpu.memory_space<vmem>>
        %dma_start3A_159 = tpu.memref_squeeze %dma_start3A_158 : memref<1x128xi32, #tpu.memory_space<vmem>> -> memref<128xi32, #tpu.memory_space<vmem>>
        %dma_start3A_160 = arith.constant 0 : i32
        %dma_start3A_161 = arith.constant 0 : i32
        %dma_start3A_162 = tpu.memref_slice %arg10[%dma_start3A_160, %dma_start3A_161] : memref<10240x128xf32, #tpu.memory_space<vmem_shared>> -> memref<10240x128xf32, #tpu.memory_space<vmem_shared>>
        tpu.enqueue_indirect_dma source(%arg8 : memref<128x128xf32, #tpu.memory_space<vmem>>) target(%dma_start3A_162 : memref<10240x128xf32, #tpu.memory_space<vmem_shared>>) offsets(%dma_start3A_159 : memref<128xi32, #tpu.memory_space<vmem>>) semaphore(%run_scoped3A_156 : memref<!tpu.dma_semaphore, #tpu.memory_space<semaphore_mem>>) {add = true}
        %dma_wait3A_163 = arith.constant 0 : i32
        %dma_wait3A_164 = tpu.memref_slice %arg7[%run_scoped3A, %dma_wait3A_163] : memref<2x128xi32, #tpu.memory_space<vmem>> -> memref<1x128xi32, #tpu.memory_space<vmem>>
        %dma_wait3A_165 = tpu.memref_squeeze %dma_wait3A_164 : memref<1x128xi32, #tpu.memory_space<vmem>> -> memref<128xi32, #tpu.memory_space<vmem>>
        %dma_wait3A_166 = arith.constant 0 : i32
        %dma_wait3A_167 = arith.constant 0 : i32
        %dma_wait3A_168 = tpu.memref_slice %arg10[%dma_wait3A_166, %dma_wait3A_167] : memref<10240x128xf32, #tpu.memory_space<vmem_shared>> -> memref<10240x128xf32, #tpu.memory_space<vmem_shared>>
        tpu.wait_indirect_dma semaphore(%run_scoped3A_156 : memref<!tpu.dma_semaphore, #tpu.memory_space<semaphore_mem>>) src(%arg8 : memref<128x128xf32, #tpu.memory_space<vmem>>) dst(%dma_wait3A_168 : memref<10240x128xf32, #tpu.memory_space<vmem_shared>>)
        tpu.yield
      }) : () -> ()
      %add3A_125 = arith.constant 2 : i32
      %add3A_126 = arith.addi %add3A_113, %add3A_125 : i32
      %lt3A_127 = arith.constant 80 : i32
      %lt3A_128 = arith.cmpi slt, %add3A_126, %lt3A_127 : i32
      %convert_element_type3A_129 = arith.extui %lt3A_128 : i1 to i32
      %cond3A_130 = arith.constant 0 : i32
      %cond3A_131 = arith.cmpi ne, %convert_element_type3A_129, %cond3A_130 : i32
      scf.if %cond3A_131 {
        %add3A_156 = arith.constant 2 : i32
        %add3A_157 = arith.addi %add3A_113, %add3A_156 : i32
        %dma_start3A_158 = arith.constant 0 : i32
        %dma_start3A_159 = arith.constant 0 : i32
        %dma_start3A_160 = tpu.memref_slice %arg6[%dma_start3A_158, %dma_start3A_159] : memref<2x128xi32, #tpu.memory_space<vmem>> -> memref<1x128xi32, #tpu.memory_space<vmem>>
        %dma_start3A_161 = tpu.memref_squeeze %dma_start3A_160 : memref<1x128xi32, #tpu.memory_space<vmem>> -> memref<128xi32, #tpu.memory_space<vmem>>
        %dma_start3A_162 = arith.constant 0 : i32
        %dma_start3A_163 = tpu.memref_slice %arg3[%add3A, %add3A_157, %dma_start3A_162] : memref<32x80x128xi32, #tpu.memory_space<hbm>> -> memref<1x1x128xi32, #tpu.memory_space<hbm>>
        %dma_start3A_164 = tpu.memref_squeeze %dma_start3A_163 : memref<1x1x128xi32, #tpu.memory_space<hbm>> -> memref<128xi32, #tpu.memory_space<hbm>>
        %dma_start3A_165 = arith.constant 0 : i32
        %dma_start3A_166 = tpu.memref_slice %arg6[%dma_start3A_158, %dma_start3A_165] : memref<2x128xi32, #tpu.memory_space<vmem>> -> memref<1x128xi32, #tpu.memory_space<vmem>>
        %dma_start3A_167 = tpu.memref_squeeze %dma_start3A_166 : memref<1x128xi32, #tpu.memory_space<vmem>> -> memref<128xi32, #tpu.memory_space<vmem>>
        %dma_start3A_168 = arith.constant 0 : i32
        %dma_start3A_169 = tpu.memref_slice %arg3[%add3A, %add3A_157, %dma_start3A_168] : memref<32x80x128xi32, #tpu.memory_space<hbm>> -> memref<1x1x128xi32, #tpu.memory_space<hbm>>
        %dma_start3A_170 = tpu.memref_squeeze %dma_start3A_169 : memref<1x1x128xi32, #tpu.memory_space<hbm>> -> memref<128xi32, #tpu.memory_space<hbm>>
        tpu.enqueue_dma source(%dma_start3A_170 : memref<128xi32, #tpu.memory_space<hbm>>) target(%dma_start3A_167 : memref<128xi32, #tpu.memory_space<vmem>>) target_semaphore(%arg11 : memref<!tpu.dma_semaphore, #tpu.memory_space<semaphore_mem>>)
        %dma_start3A_171 = arith.constant 0 : i32
        %dma_start3A_172 = arith.constant 0 : i32
        %dma_start3A_173 = tpu.memref_slice %arg7[%dma_start3A_171, %dma_start3A_172] : memref<2x128xi32, #tpu.memory_space<vmem>> -> memref<1x128xi32, #tpu.memory_space<vmem>>
        %dma_start3A_174 = tpu.memref_squeeze %dma_start3A_173 : memref<1x128xi32, #tpu.memory_space<vmem>> -> memref<128xi32, #tpu.memory_space<vmem>>
        %dma_start3A_175 = arith.constant 0 : i32
        %dma_start3A_176 = tpu.memref_slice %arg4[%add3A, %add3A_157, %dma_start3A_175] : memref<32x80x128xi32, #tpu.memory_space<hbm>> -> memref<1x1x128xi32, #tpu.memory_space<hbm>>
        %dma_start3A_177 = tpu.memref_squeeze %dma_start3A_176 : memref<1x1x128xi32, #tpu.memory_space<hbm>> -> memref<128xi32, #tpu.memory_space<hbm>>
        %dma_start3A_178 = arith.constant 0 : i32
        %dma_start3A_179 = tpu.memref_slice %arg7[%dma_start3A_171, %dma_start3A_178] : memref<2x128xi32, #tpu.memory_space<vmem>> -> memref<1x128xi32, #tpu.memory_space<vmem>>
        %dma_start3A_180 = tpu.memref_squeeze %dma_start3A_179 : memref<1x128xi32, #tpu.memory_space<vmem>> -> memref<128xi32, #tpu.memory_space<vmem>>
        %dma_start3A_181 = arith.constant 0 : i32
        %dma_start3A_182 = tpu.memref_slice %arg4[%add3A, %add3A_157, %dma_start3A_181] : memref<32x80x128xi32, #tpu.memory_space<hbm>> -> memref<1x1x128xi32, #tpu.memory_space<hbm>>
        %dma_start3A_183 = tpu.memref_squeeze %dma_start3A_182 : memref<1x1x128xi32, #tpu.memory_space<hbm>> -> memref<128xi32, #tpu.memory_space<hbm>>
        tpu.enqueue_dma source(%dma_start3A_183 : memref<128xi32, #tpu.memory_space<hbm>>) target(%dma_start3A_180 : memref<128xi32, #tpu.memory_space<vmem>>) target_semaphore(%arg13 : memref<!tpu.dma_semaphore, #tpu.memory_space<semaphore_mem>>)
      } else {
      }
      %add3A_132 = arith.constant 1 : i32
      %add3A_133 = arith.addi %add3A_113, %add3A_132 : i32
      %add3A_134 = arith.constant 1 : i32
      %add3A_135 = arith.addi %add3A_133, %add3A_134 : i32
      %lt3A_136 = arith.constant 80 : i32
      %lt3A_137 = arith.cmpi slt, %add3A_135, %lt3A_136 : i32
      %convert_element_type3A_138 = arith.extui %lt3A_137 : i1 to i32
      %cond3A_139 = arith.constant 0 : i32
      %cond3A_140 = arith.cmpi ne, %convert_element_type3A_138, %cond3A_139 : i32
      scf.if %cond3A_140 {
        %dma_wait3A_156 = arith.constant 0 : i32
        %dma_wait3A_157 = arith.constant 0 : i32
        %dma_wait3A_158 = arith.constant 0 : i32
        %dma_wait3A_159 = tpu.memref_slice %arg6[%dma_wait3A_157, %dma_wait3A_158] : memref<2x128xi32, #tpu.memory_space<vmem>> -> memref<1x128xi32, #tpu.memory_space<vmem>>
        %dma_wait3A_160 = tpu.memref_squeeze %dma_wait3A_159 : memref<1x128xi32, #tpu.memory_space<vmem>> -> memref<128xi32, #tpu.memory_space<vmem>>
        %dma_wait3A_161 = arith.constant 0 : i32
        %dma_wait3A_162 = tpu.memref_slice %arg3[%add3A, %dma_wait3A_156, %dma_wait3A_161] : memref<32x80x128xi32, #tpu.memory_space<hbm>> -> memref<1x1x128xi32, #tpu.memory_space<hbm>>
        %dma_wait3A_163 = tpu.memref_squeeze %dma_wait3A_162 : memref<1x1x128xi32, #tpu.memory_space<hbm>> -> memref<128xi32, #tpu.memory_space<hbm>>
        %dma_wait3A_164 = arith.constant 0 : i32
        %dma_wait3A_165 = tpu.memref_slice %arg6[%dma_wait3A_157, %dma_wait3A_164] : memref<2x128xi32, #tpu.memory_space<vmem>> -> memref<1x128xi32, #tpu.memory_space<vmem>>
        %dma_wait3A_166 = tpu.memref_squeeze %dma_wait3A_165 : memref<1x128xi32, #tpu.memory_space<vmem>> -> memref<128xi32, #tpu.memory_space<vmem>>
        %dma_wait3A_167 = arith.constant 0 : i32
        %dma_wait3A_168 = tpu.memref_slice %arg3[%add3A, %dma_wait3A_156, %dma_wait3A_167] : memref<32x80x128xi32, #tpu.memory_space<hbm>> -> memref<1x1x128xi32, #tpu.memory_space<hbm>>
        %dma_wait3A_169 = tpu.memref_squeeze %dma_wait3A_168 : memref<1x1x128xi32, #tpu.memory_space<hbm>> -> memref<128xi32, #tpu.memory_space<hbm>>
        tpu.wait_dma2 semaphore(%arg11 : memref<!tpu.dma_semaphore, #tpu.memory_space<semaphore_mem>>) src(%dma_wait3A_169 : memref<128xi32, #tpu.memory_space<hbm>>) dst(%dma_wait3A_166 : memref<128xi32, #tpu.memory_space<vmem>>)
        %dma_wait3A_170 = arith.constant 0 : i32
        %dma_wait3A_171 = arith.constant 0 : i32
        %dma_wait3A_172 = arith.constant 0 : i32
        %dma_wait3A_173 = tpu.memref_slice %arg7[%dma_wait3A_171, %dma_wait3A_172] : memref<2x128xi32, #tpu.memory_space<vmem>> -> memref<1x128xi32, #tpu.memory_space<vmem>>
        %dma_wait3A_174 = tpu.memref_squeeze %dma_wait3A_173 : memref<1x128xi32, #tpu.memory_space<vmem>> -> memref<128xi32, #tpu.memory_space<vmem>>
        %dma_wait3A_175 = arith.constant 0 : i32
        %dma_wait3A_176 = tpu.memref_slice %arg4[%add3A, %dma_wait3A_170, %dma_wait3A_175] : memref<32x80x128xi32, #tpu.memory_space<hbm>> -> memref<1x1x128xi32, #tpu.memory_space<hbm>>
        %dma_wait3A_177 = tpu.memref_squeeze %dma_wait3A_176 : memref<1x1x128xi32, #tpu.memory_space<hbm>> -> memref<128xi32, #tpu.memory_space<hbm>>
        %dma_wait3A_178 = arith.constant 0 : i32
        %dma_wait3A_179 = tpu.memref_slice %arg7[%dma_wait3A_171, %dma_wait3A_178] : memref<2x128xi32, #tpu.memory_space<vmem>> -> memref<1x128xi32, #tpu.memory_space<vmem>>
        %dma_wait3A_180 = tpu.memref_squeeze %dma_wait3A_179 : memref<1x128xi32, #tpu.memory_space<vmem>> -> memref<128xi32, #tpu.memory_space<vmem>>
        %dma_wait3A_181 = arith.constant 0 : i32
        %dma_wait3A_182 = tpu.memref_slice %arg4[%add3A, %dma_wait3A_170, %dma_wait3A_181] : memref<32x80x128xi32, #tpu.memory_space<hbm>> -> memref<1x1x128xi32, #tpu.memory_space<hbm>>
        %dma_wait3A_183 = tpu.memref_squeeze %dma_wait3A_182 : memref<1x1x128xi32, #tpu.memory_space<hbm>> -> memref<128xi32, #tpu.memory_space<hbm>>
        tpu.wait_dma2 semaphore(%arg13 : memref<!tpu.dma_semaphore, #tpu.memory_space<semaphore_mem>>) src(%dma_wait3A_183 : memref<128xi32, #tpu.memory_space<hbm>>) dst(%dma_wait3A_180 : memref<128xi32, #tpu.memory_space<vmem>>)
        %dma_start3A_184 = arith.constant 0 : i32
        %dma_start3A_185 = arith.constant 0 : i32
        %dma_start3A_186 = tpu.memref_slice %arg6[%dma_start3A_184, %dma_start3A_185] : memref<2x128xi32, #tpu.memory_space<vmem>> -> memref<1x128xi32, #tpu.memory_space<vmem>>
        %dma_start3A_187 = tpu.memref_squeeze %dma_start3A_186 : memref<1x128xi32, #tpu.memory_space<vmem>> -> memref<128xi32, #tpu.memory_space<vmem>>
        %dma_start3A_188 = arith.constant 0 : i32
        %dma_start3A_189 = arith.constant 0 : i32
        %dma_start3A_190 = tpu.memref_slice %arg2[%dma_start3A_188, %dma_start3A_189] : memref<10000x128xf32, #tpu.memory_space<hbm>> -> memref<10000x128xf32, #tpu.memory_space<hbm>>
        tpu.enqueue_indirect_dma source(%dma_start3A_190 : memref<10000x128xf32, #tpu.memory_space<hbm>>) target(%arg8 : memref<128x128xf32, #tpu.memory_space<vmem>>) offsets(%dma_start3A_187 : memref<128xi32, #tpu.memory_space<vmem>>) semaphore(%arg15 : memref<!tpu.dma_semaphore, #tpu.memory_space<semaphore_mem>>)
      } else {
      }
      %dma_wait3A_141 = arith.constant 1 : i32
      %dma_wait3A_142 = arith.constant 0 : i32
      %dma_wait3A_143 = tpu.memref_slice %arg6[%dma_wait3A_141, %dma_wait3A_142] : memref<2x128xi32, #tpu.memory_space<vmem>> -> memref<1x128xi32, #tpu.memory_space<vmem>>
      %dma_wait3A_144 = tpu.memref_squeeze %dma_wait3A_143 : memref<1x128xi32, #tpu.memory_space<vmem>> -> memref<128xi32, #tpu.memory_space<vmem>>
      %dma_wait3A_145 = arith.constant 0 : i32
      %dma_wait3A_146 = arith.constant 0 : i32
      %dma_wait3A_147 = tpu.memref_slice %arg2[%dma_wait3A_145, %dma_wait3A_146] : memref<10000x128xf32, #tpu.memory_space<hbm>> -> memref<10000x128xf32, #tpu.memory_space<hbm>>
      tpu.wait_indirect_dma semaphore(%arg16 : memref<!tpu.dma_semaphore, #tpu.memory_space<semaphore_mem>>) src(%dma_wait3A_147 : memref<10000x128xf32, #tpu.memory_space<hbm>>) dst(%arg9 : memref<128x128xf32, #tpu.memory_space<vmem>>)
      %run_scoped3A_148 = arith.constant 1 : i32
      "tpu.region"() ({
        %run_scoped3A_156 = tpu.sem_alloc : memref<!tpu.dma_semaphore, #tpu.memory_space<semaphore_mem>>
        %dma_start3A_157 = arith.constant 0 : i32
        %dma_start3A_158 = tpu.memref_slice %arg7[%run_scoped3A_148, %dma_start3A_157] : memref<2x128xi32, #tpu.memory_space<vmem>> -> memref<1x128xi32, #tpu.memory_space<vmem>>
        %dma_start3A_159 = tpu.memref_squeeze %dma_start3A_158 : memref<1x128xi32, #tpu.memory_space<vmem>> -> memref<128xi32, #tpu.memory_space<vmem>>
        %dma_start3A_160 = arith.constant 0 : i32
        %dma_start3A_161 = arith.constant 0 : i32
        %dma_start3A_162 = tpu.memref_slice %arg10[%dma_start3A_160, %dma_start3A_161] : memref<10240x128xf32, #tpu.memory_space<vmem_shared>> -> memref<10240x128xf32, #tpu.memory_space<vmem_shared>>
        tpu.enqueue_indirect_dma source(%arg9 : memref<128x128xf32, #tpu.memory_space<vmem>>) target(%dma_start3A_162 : memref<10240x128xf32, #tpu.memory_space<vmem_shared>>) offsets(%dma_start3A_159 : memref<128xi32, #tpu.memory_space<vmem>>) semaphore(%run_scoped3A_156 : memref<!tpu.dma_semaphore, #tpu.memory_space<semaphore_mem>>) {add = true}
        %dma_wait3A_163 = arith.constant 0 : i32
        %dma_wait3A_164 = tpu.memref_slice %arg7[%run_scoped3A_148, %dma_wait3A_163] : memref<2x128xi32, #tpu.memory_space<vmem>> -> memref<1x128xi32, #tpu.memory_space<vmem>>
        %dma_wait3A_165 = tpu.memref_squeeze %dma_wait3A_164 : memref<1x128xi32, #tpu.memory_space<vmem>> -> memref<128xi32, #tpu.memory_space<vmem>>
        %dma_wait3A_166 = arith.constant 0 : i32
        %dma_wait3A_167 = arith.constant 0 : i32
        %dma_wait3A_168 = tpu.memref_slice %arg10[%dma_wait3A_166, %dma_wait3A_167] : memref<10240x128xf32, #tpu.memory_space<vmem_shared>> -> memref<10240x128xf32, #tpu.memory_space<vmem_shared>>
        tpu.wait_indirect_dma semaphore(%run_scoped3A_156 : memref<!tpu.dma_semaphore, #tpu.memory_space<semaphore_mem>>) src(%arg9 : memref<128x128xf32, #tpu.memory_space<vmem>>) dst(%dma_wait3A_168 : memref<10240x128xf32, #tpu.memory_space<vmem_shared>>)
        tpu.yield
      }) : () -> ()
      %add3A_149 = arith.constant 2 : i32
      %add3A_150 = arith.addi %add3A_133, %add3A_149 : i32
      %lt3A_151 = arith.constant 80 : i32
      %lt3A_152 = arith.cmpi slt, %add3A_150, %lt3A_151 : i32
      %convert_element_type3A_153 = arith.extui %lt3A_152 : i1 to i32
      %cond3A_154 = arith.constant 0 : i32
      %cond3A_155 = arith.cmpi ne, %convert_element_type3A_153, %cond3A_154 : i32
      scf.if %cond3A_155 {
        %add3A_156 = arith.constant 2 : i32
        %add3A_157 = arith.addi %add3A_133, %add3A_156 : i32
        %dma_start3A_158 = arith.constant 1 : i32
        %dma_start3A_159 = arith.constant 0 : i32
        %dma_start3A_160 = tpu.memref_slice %arg6[%dma_start3A_158, %dma_start3A_159] : memref<2x128xi32, #tpu.memory_space<vmem>> -> memref<1x128xi32, #tpu.memory_space<vmem>>
        %dma_start3A_161 = tpu.memref_squeeze %dma_start3A_160 : memref<1x128xi32, #tpu.memory_space<vmem>> -> memref<128xi32, #tpu.memory_space<vmem>>
        %dma_start3A_162 = arith.constant 0 : i32
        %dma_start3A_163 = tpu.memref_slice %arg3[%add3A, %add3A_157, %dma_start3A_162] : memref<32x80x128xi32, #tpu.memory_space<hbm>> -> memref<1x1x128xi32, #tpu.memory_space<hbm>>
        %dma_start3A_164 = tpu.memref_squeeze %dma_start3A_163 : memref<1x1x128xi32, #tpu.memory_space<hbm>> -> memref<128xi32, #tpu.memory_space<hbm>>
        %dma_start3A_165 = arith.constant 0 : i32
        %dma_start3A_166 = tpu.memref_slice %arg6[%dma_start3A_158, %dma_start3A_165] : memref<2x128xi32, #tpu.memory_space<vmem>> -> memref<1x128xi32, #tpu.memory_space<vmem>>
        %dma_start3A_167 = tpu.memref_squeeze %dma_start3A_166 : memref<1x128xi32, #tpu.memory_space<vmem>> -> memref<128xi32, #tpu.memory_space<vmem>>
        %dma_start3A_168 = arith.constant 0 : i32
        %dma_start3A_169 = tpu.memref_slice %arg3[%add3A, %add3A_157, %dma_start3A_168] : memref<32x80x128xi32, #tpu.memory_space<hbm>> -> memref<1x1x128xi32, #tpu.memory_space<hbm>>
        %dma_start3A_170 = tpu.memref_squeeze %dma_start3A_169 : memref<1x1x128xi32, #tpu.memory_space<hbm>> -> memref<128xi32, #tpu.memory_space<hbm>>
        tpu.enqueue_dma source(%dma_start3A_170 : memref<128xi32, #tpu.memory_space<hbm>>) target(%dma_start3A_167 : memref<128xi32, #tpu.memory_space<vmem>>) target_semaphore(%arg12 : memref<!tpu.dma_semaphore, #tpu.memory_space<semaphore_mem>>)
        %dma_start3A_171 = arith.constant 1 : i32
        %dma_start3A_172 = arith.constant 0 : i32
        %dma_start3A_173 = tpu.memref_slice %arg7[%dma_start3A_171, %dma_start3A_172] : memref<2x128xi32, #tpu.memory_space<vmem>> -> memref<1x128xi32, #tpu.memory_space<vmem>>
        %dma_start3A_174 = tpu.memref_squeeze %dma_start3A_173 : memref<1x128xi32, #tpu.memory_space<vmem>> -> memref<128xi32, #tpu.memory_space<vmem>>
        %dma_start3A_175 = arith.constant 0 : i32
        %dma_start3A_176 = tpu.memref_slice %arg4[%add3A, %add3A_157, %dma_start3A_175] : memref<32x80x128xi32, #tpu.memory_space<hbm>> -> memref<1x1x128xi32, #tpu.memory_space<hbm>>
        %dma_start3A_177 = tpu.memref_squeeze %dma_start3A_176 : memref<1x1x128xi32, #tpu.memory_space<hbm>> -> memref<128xi32, #tpu.memory_space<hbm>>
        %dma_start3A_178 = arith.constant 0 : i32
        %dma_start3A_179 = tpu.memref_slice %arg7[%dma_start3A_171, %dma_start3A_178] : memref<2x128xi32, #tpu.memory_space<vmem>> -> memref<1x128xi32, #tpu.memory_space<vmem>>
        %dma_start3A_180 = tpu.memref_squeeze %dma_start3A_179 : memref<1x128xi32, #tpu.memory_space<vmem>> -> memref<128xi32, #tpu.memory_space<vmem>>
        %dma_start3A_181 = arith.constant 0 : i32
        %dma_start3A_182 = tpu.memref_slice %arg4[%add3A, %add3A_157, %dma_start3A_181] : memref<32x80x128xi32, #tpu.memory_space<hbm>> -> memref<1x1x128xi32, #tpu.memory_space<hbm>>
        %dma_start3A_183 = tpu.memref_squeeze %dma_start3A_182 : memref<1x1x128xi32, #tpu.memory_space<hbm>> -> memref<128xi32, #tpu.memory_space<hbm>>
        tpu.enqueue_dma source(%dma_start3A_183 : memref<128xi32, #tpu.memory_space<hbm>>) target(%dma_start3A_180 : memref<128xi32, #tpu.memory_space<vmem>>) target_semaphore(%arg14 : memref<!tpu.dma_semaphore, #tpu.memory_space<semaphore_mem>>)
      } else {
      }
    }
    %scan3A_103 = arith.constant 40 : i32
    %barrier3A_104 = arith.constant 0 : index
    tpu.barrier barrier_id(%barrier3A_104)
    %mul3A_105 = arith.constant 640 : i32
    %mul3A_106 = arith.muli %arg1, %mul3A_105 : i32
    %mul3A_107 = arith.constant 640 : i32
    %mul3A_108 = arith.muli %arg1, %mul3A_107 : i32
    "tpu.region"() ({
      %run_scoped3A = tpu.sem_alloc : memref<!tpu.dma_semaphore, #tpu.memory_space<semaphore_mem>>
      %dma_start3A_109 = arith.constant 0 : i32
      %dma_start3A_110 = tpu.memref_slice %arg5[%arg0, %mul3A_108, %dma_start3A_109] : memref<2x10240x128xf32, #tpu.memory_space<hbm>> -> memref<1x640x128xf32, #tpu.memory_space<hbm>>
      %dma_start3A_111 = tpu.memref_squeeze %dma_start3A_110 : memref<1x640x128xf32, #tpu.memory_space<hbm>> -> memref<640x128xf32, #tpu.memory_space<hbm>>
      %dma_start3A_112 = arith.constant 0 : i32
      %dma_start3A_113 = tpu.memref_slice %arg10[%mul3A_106, %dma_start3A_112] : memref<10240x128xf32, #tpu.memory_space<vmem_shared>> -> memref<640x128xf32, #tpu.memory_space<vmem_shared>>
      tpu.enqueue_dma source(%dma_start3A_113 : memref<640x128xf32, #tpu.memory_space<vmem_shared>>) target(%dma_start3A_111 : memref<640x128xf32, #tpu.memory_space<hbm>>) target_semaphore(%run_scoped3A : memref<!tpu.dma_semaphore, #tpu.memory_space<semaphore_mem>>)
      %dma_wait3A_114 = arith.constant 0 : i32
      %dma_wait3A_115 = tpu.memref_slice %arg5[%arg0, %mul3A_108, %dma_wait3A_114] : memref<2x10240x128xf32, #tpu.memory_space<hbm>> -> memref<1x640x128xf32, #tpu.memory_space<hbm>>
      %dma_wait3A_116 = tpu.memref_squeeze %dma_wait3A_115 : memref<1x640x128xf32, #tpu.memory_space<hbm>> -> memref<640x128xf32, #tpu.memory_space<hbm>>
      %dma_wait3A_117 = arith.constant 0 : i32
      %dma_wait3A_118 = tpu.memref_slice %arg10[%mul3A_106, %dma_wait3A_117] : memref<10240x128xf32, #tpu.memory_space<vmem_shared>> -> memref<640x128xf32, #tpu.memory_space<vmem_shared>>
      tpu.wait_dma2 semaphore(%run_scoped3A : memref<!tpu.dma_semaphore, #tpu.memory_space<semaphore_mem>>) src(%dma_wait3A_118 : memref<640x128xf32, #tpu.memory_space<vmem_shared>>) dst(%dma_wait3A_116 : memref<640x128xf32, #tpu.memory_space<hbm>>)
      tpu.yield
    }) : () -> ()
    return
  }
}

#map = affine_map<(d0, d1) -> (0, 0)>
#map1 = affine_map<(d0, d1) -> (0, 0, 0)>
module attributes {stable_mosaic.version = 14 : i64} {
  func.func @k(%arg0: i32, %arg1: i32, %arg2: memref<10000x128xf32, #tpu.memory_space<hbm>>, %arg3: memref<32x80x128xi32, #tpu.memory_space<hbm>>, %arg4: memref<32x80x128xi32, #tpu.memory_space<hbm>>, %arg5: memref<2x10240x128xf32, #tpu.memory_space<hbm>>, %arg6: memref<2x128xi32, #tpu.memory_space<vmem>>, %arg7: memref<2x128xi32, #tpu.memory_space<vmem>>, %arg8: memref<128x128xf32, #tpu.memory_space<vmem>>, %arg9: memref<128x128xf32, #tpu.memory_space<vmem>>, %arg10: memref<10240x128xf32, #tpu.memory_space<vmem_shared>>, %arg11: memref<!tpu.dma_semaphore, #tpu.memory_space<semaphore_mem>>, %arg12: memref<!tpu.dma_semaphore, #tpu.memory_space<semaphore_mem>>, %arg13: memref<!tpu.dma_semaphore, #tpu.memory_space<semaphore_mem>>, %arg14: memref<!tpu.dma_semaphore, #tpu.memory_space<semaphore_mem>>, %arg15: memref<!tpu.dma_semaphore, #tpu.memory_space<semaphore_mem>>, %arg16: memref<!tpu.dma_semaphore, #tpu.memory_space<semaphore_mem>>) attributes {dimension_semantics = [#tpu.dimension_semantics<core_parallel>, #tpu.dimension_semantics<subcore_parallel>], iteration_bounds = array<i64: 2, 16>, scalar_prefetch = 0 : i64, scratch_operands = 11 : i64, tpu.core_type = #tpu.core_type<sc_vector_subcore>, window_params = [{transform_indices = #map}, {transform_indices = #map1}, {transform_indices = #map1}, {transform_indices = #map1}]} {
    %mul3A = arith.constant 16 : i32
    %mul3A_0 = arith.muli %arg0, %mul3A : i32
    %add3A = arith.addi %mul3A_0, %arg1 : i32
    %scan3A = arith.constant 0 : i32
    %scan3A_1 = arith.constant 128 : i32
    %scan3A_2 = arith.addi %scan3A, %scan3A_1 : i32
    %scan3A_3 = arith.constant 1 : i32
    scf.for %scan3A_109 = %scan3A to %scan3A_2 step %scan3A_3  : i32 {
      %mul3A_110 = arith.constant 1 : i32
      %mul3A_111 = arith.muli %scan3A_109, %mul3A_110 : i32
      %add3A_112 = arith.constant 0 : i32
      %add3A_113 = arith.addi %add3A_112, %mul3A_111 : i32
      %scan3A_114 = arith.constant 0 : i32
      %scan3A_115 = arith.constant 8 : i32
      %scan3A_116 = arith.addi %scan3A_114, %scan3A_115 : i32
      %scan3A_117 = arith.constant 1 : i32
      scf.for %scan3A_119 = %scan3A_114 to %scan3A_116 step %scan3A_117  : i32 {
        %mul3A_120 = arith.constant 16 : i32
        %mul3A_121 = arith.muli %scan3A_119, %mul3A_120 : i32
        %add3A_122 = arith.constant 0 : i32
        %add3A_123 = arith.addi %add3A_122, %mul3A_121 : i32
        %broadcast_in_dim3A = arith.constant 0.000000e+00 : f32
        %broadcast_in_dim3A_124 = vector.broadcast %broadcast_in_dim3A : f32 to vector<16xf32>
        %swap3A = arith.index_cast %add3A_113 : i32 to index
        %swap3A_125 = arith.index_cast %add3A_123 : i32 to index
        %swap3A_126 = tpu.vector_load %arg8[%swap3A, %swap3A_125] {strides = array<i32>} : memref<128x128xf32, #tpu.memory_space<vmem>>, vector<1x16xf32>,
        %swap3A_127 = vector.shape_cast %swap3A_126 : vector<1x16xf32> to vector<16xf32>
        %swap3A_128 = vector.shape_cast %broadcast_in_dim3A_124 : vector<16xf32> to vector<1x16xf32>
        tpu.vector_store %arg8[%swap3A, %swap3A_125], %swap3A_128 {strides = array<i32>} : memref<128x128xf32, #tpu.memory_space<vmem>>, vector<1x16xf32>,
      }
      %scan3A_118 = arith.constant 8 : i32
    }
    %scan3A_4 = arith.constant 128 : i32
    %scan3A_5 = arith.constant 0 : i32
    %scan3A_6 = arith.constant 5 : i32
    %scan3A_7 = arith.addi %scan3A_5, %scan3A_6 : i32
    %scan3A_8 = arith.constant 1 : i32
    scf.for %scan3A_109 = %scan3A_5 to %scan3A_7 step %scan3A_8  : i32 {
      %mul3A_110 = arith.constant 128 : i32
      %mul3A_111 = arith.muli %scan3A_109, %mul3A_110 : i32
      %add3A_112 = arith.constant 0 : i32
      %add3A_113 = arith.addi %add3A_112, %mul3A_111 : i32
      %mul3A_114 = arith.constant 640 : i32
      %mul3A_115 = arith.muli %arg1, %mul3A_114 : i32
      %add3A_116 = arith.addi %mul3A_115, %add3A_113 : i32
      "tpu.region"() ({
        %run_scoped3A = tpu.sem_alloc : memref<!tpu.dma_semaphore, #tpu.memory_space<semaphore_mem>>
        %dma_start3A_117 = arith.constant 0 : i32
        %dma_start3A_118 = tpu.memref_slice %arg10[%add3A_116, %dma_start3A_117] : memref<10240x128xf32, #tpu.memory_space<vmem_shared>> -> memref<128x128xf32, #tpu.memory_space<vmem_shared>>
        %dma_start3A_119 = arith.constant 0 : i32
        %dma_start3A_120 = tpu.memref_slice %arg10[%add3A_116, %dma_start3A_119] : memref<10240x128xf32, #tpu.memory_space<vmem_shared>> -> memref<128x128xf32, #tpu.memory_space<vmem_shared>>
        tpu.enqueue_dma source(%arg8 : memref<128x128xf32, #tpu.memory_space<vmem>>) target(%dma_start3A_120 : memref<128x128xf32, #tpu.memory_space<vmem_shared>>) target_semaphore(%run_scoped3A : memref<!tpu.dma_semaphore, #tpu.memory_space<semaphore_mem>>)
        %dma_wait3A_121 = arith.constant 0 : i32
        %dma_wait3A_122 = tpu.memref_slice %arg10[%add3A_116, %dma_wait3A_121] : memref<10240x128xf32, #tpu.memory_space<vmem_shared>> -> memref<128x128xf32, #tpu.memory_space<vmem_shared>>
        %dma_wait3A_123 = arith.constant 0 : i32
        %dma_wait3A_124 = tpu.memref_slice %arg10[%add3A_116, %dma_wait3A_123] : memref<10240x128xf32, #tpu.memory_space<vmem_shared>> -> memref<128x128xf32, #tpu.memory_space<vmem_shared>>
        tpu.wait_dma2 semaphore(%run_scoped3A : memref<!tpu.dma_semaphore, #tpu.memory_space<semaphore_mem>>) src(%arg8 : memref<128x128xf32, #tpu.memory_space<vmem>>) dst(%dma_wait3A_124 : memref<128x128xf32, #tpu.memory_space<vmem_shared>>)
        tpu.yield
      }) : () -> ()
    }
    %scan3A_9 = arith.constant 5 : i32
    %barrier3A = arith.constant 0 : index
    tpu.barrier barrier_id(%barrier3A)
    %dma_start3A = arith.constant 0 : i32
    %dma_start3A_10 = arith.constant 0 : i32
    %dma_start3A_11 = arith.constant 0 : i32
    %dma_start3A_12 = tpu.memref_slice %arg6[%dma_start3A_10, %dma_start3A_11] : memref<2x128xi32, #tpu.memory_space<vmem>> -> memref<1x128xi32, #tpu.memory_space<vmem>>
    %dma_start3A_13 = tpu.memref_squeeze %dma_start3A_12 : memref<1x128xi32, #tpu.memory_space<vmem>> -> memref<128xi32, #tpu.memory_space<vmem>>
    %dma_start3A_14 = arith.constant 0 : i32
    %dma_start3A_15 = tpu.memref_slice %arg3[%add3A, %dma_start3A, %dma_start3A_14] : memref<32x80x128xi32, #tpu.memory_space<hbm>> -> memref<1x1x128xi32, #tpu.memory_space<hbm>>
    %dma_start3A_16 = tpu.memref_squeeze %dma_start3A_15 : memref<1x1x128xi32, #tpu.memory_space<hbm>> -> memref<128xi32, #tpu.memory_space<hbm>>
    %dma_start3A_17 = arith.constant 0 : i32
    %dma_start3A_18 = tpu.memref_slice %arg6[%dma_start3A_10, %dma_start3A_17] : memref<2x128xi32, #tpu.memory_space<vmem>> -> memref<1x128xi32, #tpu.memory_space<vmem>>
    %dma_start3A_19 = tpu.memref_squeeze %dma_start3A_18 : memref<1x128xi32, #tpu.memory_space<vmem>> -> memref<128xi32, #tpu.memory_space<vmem>>
    %dma_start3A_20 = arith.constant 0 : i32
    %dma_start3A_21 = tpu.memref_slice %arg3[%add3A, %dma_start3A, %dma_start3A_20] : memref<32x80x128xi32, #tpu.memory_space<hbm>> -> memref<1x1x128xi32, #tpu.memory_space<hbm>>
    %dma_start3A_22 = tpu.memref_squeeze %dma_start3A_21 : memref<1x1x128xi32, #tpu.memory_space<hbm>> -> memref<128xi32, #tpu.memory_space<hbm>>
    tpu.enqueue_dma source(%dma_start3A_22 : memref<128xi32, #tpu.memory_space<hbm>>) target(%dma_start3A_19 : memref<128xi32, #tpu.memory_space<vmem>>) target_semaphore(%arg11 : memref<!tpu.dma_semaphore, #tpu.memory_space<semaphore_mem>>)
    %dma_start3A_23 = arith.constant 0 : i32
    %dma_start3A_24 = arith.constant 0 : i32
    %dma_start3A_25 = arith.constant 0 : i32
    %dma_start3A_26 = tpu.memref_slice %arg7[%dma_start3A_24, %dma_start3A_25] : memref<2x128xi32, #tpu.memory_space<vmem>> -> memref<1x128xi32, #tpu.memory_space<vmem>>
    %dma_start3A_27 = tpu.memref_squeeze %dma_start3A_26 : memref<1x128xi32, #tpu.memory_space<vmem>> -> memref<128xi32, #tpu.memory_space<vmem>>
    %dma_start3A_28 = arith.constant 0 : i32
    %dma_start3A_29 = tpu.memref_slice %arg4[%add3A, %dma_start3A_23, %dma_start3A_28] : memref<32x80x128xi32, #tpu.memory_space<hbm>> -> memref<1x1x128xi32, #tpu.memory_space<hbm>>
    %dma_start3A_30 = tpu.memref_squeeze %dma_start3A_29 : memref<1x1x128xi32, #tpu.memory_space<hbm>> -> memref<128xi32, #tpu.memory_space<hbm>>
    %dma_start3A_31 = arith.constant 0 : i32
    %dma_start3A_32 = tpu.memref_slice %arg7[%dma_start3A_24, %dma_start3A_31] : memref<2x128xi32, #tpu.memory_space<vmem>> -> memref<1x128xi32, #tpu.memory_space<vmem>>
    %dma_start3A_33 = tpu.memref_squeeze %dma_start3A_32 : memref<1x128xi32, #tpu.memory_space<vmem>> -> memref<128xi32, #tpu.memory_space<vmem>>
    %dma_start3A_34 = arith.constant 0 : i32
    %dma_start3A_35 = tpu.memref_slice %arg4[%add3A, %dma_start3A_23, %dma_start3A_34] : memref<32x80x128xi32, #tpu.memory_space<hbm>> -> memref<1x1x128xi32, #tpu.memory_space<hbm>>
    %dma_start3A_36 = tpu.memref_squeeze %dma_start3A_35 : memref<1x1x128xi32, #tpu.memory_space<hbm>> -> memref<128xi32, #tpu.memory_space<hbm>>
    tpu.enqueue_dma source(%dma_start3A_36 : memref<128xi32, #tpu.memory_space<hbm>>) target(%dma_start3A_33 : memref<128xi32, #tpu.memory_space<vmem>>) target_semaphore(%arg13 : memref<!tpu.dma_semaphore, #tpu.memory_space<semaphore_mem>>)
    %dma_start3A_37 = arith.constant 1 : i32
    %dma_start3A_38 = arith.constant 1 : i32
    %dma_start3A_39 = arith.constant 0 : i32
    %dma_start3A_40 = tpu.memref_slice %arg6[%dma_start3A_38, %dma_start3A_39] : memref<2x128xi32, #tpu.memory_space<vmem>> -> memref<1x128xi32, #tpu.memory_space<vmem>>
    %dma_start3A_41 = tpu.memref_squeeze %dma_start3A_40 : memref<1x128xi32, #tpu.memory_space<vmem>> -> memref<128xi32, #tpu.memory_space<vmem>>
    %dma_start3A_42 = arith.constant 0 : i32
    %dma_start3A_43 = tpu.memref_slice %arg3[%add3A, %dma_start3A_37, %dma_start3A_42] : memref<32x80x128xi32, #tpu.memory_space<hbm>> -> memref<1x1x128xi32, #tpu.memory_space<hbm>>
    %dma_start3A_44 = tpu.memref_squeeze %dma_start3A_43 : memref<1x1x128xi32, #tpu.memory_space<hbm>> -> memref<128xi32, #tpu.memory_space<hbm>>
    %dma_start3A_45 = arith.constant 0 : i32
    %dma_start3A_46 = tpu.memref_slice %arg6[%dma_start3A_38, %dma_start3A_45] : memref<2x128xi32, #tpu.memory_space<vmem>> -> memref<1x128xi32, #tpu.memory_space<vmem>>
    %dma_start3A_47 = tpu.memref_squeeze %dma_start3A_46 : memref<1x128xi32, #tpu.memory_space<vmem>> -> memref<128xi32, #tpu.memory_space<vmem>>
    %dma_start3A_48 = arith.constant 0 : i32
    %dma_start3A_49 = tpu.memref_slice %arg3[%add3A, %dma_start3A_37, %dma_start3A_48] : memref<32x80x128xi32, #tpu.memory_space<hbm>> -> memref<1x1x128xi32, #tpu.memory_space<hbm>>
    %dma_start3A_50 = tpu.memref_squeeze %dma_start3A_49 : memref<1x1x128xi32, #tpu.memory_space<hbm>> -> memref<128xi32, #tpu.memory_space<hbm>>
    tpu.enqueue_dma source(%dma_start3A_50 : memref<128xi32, #tpu.memory_space<hbm>>) target(%dma_start3A_47 : memref<128xi32, #tpu.memory_space<vmem>>) target_semaphore(%arg12 : memref<!tpu.dma_semaphore, #tpu.memory_space<semaphore_mem>>)
    %dma_start3A_51 = arith.constant 1 : i32
    %dma_start3A_52 = arith.constant 1 : i32
    %dma_start3A_53 = arith.constant 0 : i32
    %dma_start3A_54 = tpu.memref_slice %arg7[%dma_start3A_52, %dma_start3A_53] : memref<2x128xi32, #tpu.memory_space<vmem>> -> memref<1x128xi32, #tpu.memory_space<vmem>>
    %dma_start3A_55 = tpu.memref_squeeze %dma_start3A_54 : memref<1x128xi32, #tpu.memory_space<vmem>> -> memref<128xi32, #tpu.memory_space<vmem>>
    %dma_start3A_56 = arith.constant 0 : i32
    %dma_start3A_57 = tpu.memref_slice %arg4[%add3A, %dma_start3A_51, %dma_start3A_56] : memref<32x80x128xi32, #tpu.memory_space<hbm>> -> memref<1x1x128xi32, #tpu.memory_space<hbm>>
    %dma_start3A_58 = tpu.memref_squeeze %dma_start3A_57 : memref<1x1x128xi32, #tpu.memory_space<hbm>> -> memref<128xi32, #tpu.memory_space<hbm>>
    %dma_start3A_59 = arith.constant 0 : i32
    %dma_start3A_60 = tpu.memref_slice %arg7[%dma_start3A_52, %dma_start3A_59] : memref<2x128xi32, #tpu.memory_space<vmem>> -> memref<1x128xi32, #tpu.memory_space<vmem>>
    %dma_start3A_61 = tpu.memref_squeeze %dma_start3A_60 : memref<1x128xi32, #tpu.memory_space<vmem>> -> memref<128xi32, #tpu.memory_space<vmem>>
    %dma_start3A_62 = arith.constant 0 : i32
    %dma_start3A_63 = tpu.memref_slice %arg4[%add3A, %dma_start3A_51, %dma_start3A_62] : memref<32x80x128xi32, #tpu.memory_space<hbm>> -> memref<1x1x128xi32, #tpu.memory_space<hbm>>
    %dma_start3A_64 = tpu.memref_squeeze %dma_start3A_63 : memref<1x1x128xi32, #tpu.memory_space<hbm>> -> memref<128xi32, #tpu.memory_space<hbm>>
    tpu.enqueue_dma source(%dma_start3A_64 : memref<128xi32, #tpu.memory_space<hbm>>) target(%dma_start3A_61 : memref<128xi32, #tpu.memory_space<vmem>>) target_semaphore(%arg14 : memref<!tpu.dma_semaphore, #tpu.memory_space<semaphore_mem>>)
    %dma_wait3A = arith.constant 0 : i32
    %dma_wait3A_65 = arith.constant 0 : i32
    %dma_wait3A_66 = arith.constant 0 : i32
    %dma_wait3A_67 = tpu.memref_slice %arg6[%dma_wait3A_65, %dma_wait3A_66] : memref<2x128xi32, #tpu.memory_space<vmem>> -> memref<1x128xi32, #tpu.memory_space<vmem>>
    %dma_wait3A_68 = tpu.memref_squeeze %dma_wait3A_67 : memref<1x128xi32, #tpu.memory_space<vmem>> -> memref<128xi32, #tpu.memory_space<vmem>>
    %dma_wait3A_69 = arith.constant 0 : i32
    %dma_wait3A_70 = tpu.memref_slice %arg3[%add3A, %dma_wait3A, %dma_wait3A_69] : memref<32x80x128xi32, #tpu.memory_space<hbm>> -> memref<1x1x128xi32, #tpu.memory_space<hbm>>
    %dma_wait3A_71 = tpu.memref_squeeze %dma_wait3A_70 : memref<1x1x128xi32, #tpu.memory_space<hbm>> -> memref<128xi32, #tpu.memory_space<hbm>>
    %dma_wait3A_72 = arith.constant 0 : i32
    %dma_wait3A_73 = tpu.memref_slice %arg6[%dma_wait3A_65, %dma_wait3A_72] : memref<2x128xi32, #tpu.memory_space<vmem>> -> memref<1x128xi32, #tpu.memory_space<vmem>>
    %dma_wait3A_74 = tpu.memref_squeeze %dma_wait3A_73 : memref<1x128xi32, #tpu.memory_space<vmem>> -> memref<128xi32, #tpu.memory_space<vmem>>
    %dma_wait3A_75 = arith.constant 0 : i32
    %dma_wait3A_76 = tpu.memref_slice %arg3[%add3A, %dma_wait3A, %dma_wait3A_75] : memref<32x80x128xi32, #tpu.memory_space<hbm>> -> memref<1x1x128xi32, #tpu.memory_space<hbm>>
    %dma_wait3A_77 = tpu.memref_squeeze %dma_wait3A_76 : memref<1x1x128xi32, #tpu.memory_space<hbm>> -> memref<128xi32, #tpu.memory_space<hbm>>
    tpu.wait_dma2 semaphore(%arg11 : memref<!tpu.dma_semaphore, #tpu.memory_space<semaphore_mem>>) src(%dma_wait3A_77 : memref<128xi32, #tpu.memory_space<hbm>>) dst(%dma_wait3A_74 : memref<128xi32, #tpu.memory_space<vmem>>)
    %dma_wait3A_78 = arith.constant 0 : i32
    %dma_wait3A_79 = arith.constant 0 : i32
    %dma_wait3A_80 = arith.constant 0 : i32
    %dma_wait3A_81 = tpu.memref_slice %arg7[%dma_wait3A_79, %dma_wait3A_80] : memref<2x128xi32, #tpu.memory_space<vmem>> -> memref<1x128xi32, #tpu.memory_space<vmem>>
    %dma_wait3A_82 = tpu.memref_squeeze %dma_wait3A_81 : memref<1x128xi32, #tpu.memory_space<vmem>> -> memref<128xi32, #tpu.memory_space<vmem>>
    %dma_wait3A_83 = arith.constant 0 : i32
    %dma_wait3A_84 = tpu.memref_slice %arg4[%add3A, %dma_wait3A_78, %dma_wait3A_83] : memref<32x80x128xi32, #tpu.memory_space<hbm>> -> memref<1x1x128xi32, #tpu.memory_space<hbm>>
    %dma_wait3A_85 = tpu.memref_squeeze %dma_wait3A_84 : memref<1x1x128xi32, #tpu.memory_space<hbm>> -> memref<128xi32, #tpu.memory_space<hbm>>
    %dma_wait3A_86 = arith.constant 0 : i32
    %dma_wait3A_87 = tpu.memref_slice %arg7[%dma_wait3A_79, %dma_wait3A_86] : memref<2x128xi32, #tpu.memory_space<vmem>> -> memref<1x128xi32, #tpu.memory_space<vmem>>
    %dma_wait3A_88 = tpu.memref_squeeze %dma_wait3A_87 : memref<1x128xi32, #tpu.memory_space<vmem>> -> memref<128xi32, #tpu.memory_space<vmem>>
    %dma_wait3A_89 = arith.constant 0 : i32
    %dma_wait3A_90 = tpu.memref_slice %arg4[%add3A, %dma_wait3A_78, %dma_wait3A_89] : memref<32x80x128xi32, #tpu.memory_space<hbm>> -> memref<1x1x128xi32, #tpu.memory_space<hbm>>
    %dma_wait3A_91 = tpu.memref_squeeze %dma_wait3A_90 : memref<1x1x128xi32, #tpu.memory_space<hbm>> -> memref<128xi32, #tpu.memory_space<hbm>>
    tpu.wait_dma2 semaphore(%arg13 : memref<!tpu.dma_semaphore, #tpu.memory_space<semaphore_mem>>) src(%dma_wait3A_91 : memref<128xi32, #tpu.memory_space<hbm>>) dst(%dma_wait3A_88 : memref<128xi32, #tpu.memory_space<vmem>>)
    %dma_start3A_92 = arith.constant 0 : i32
    %dma_start3A_93 = arith.constant 0 : i32
    %dma_start3A_94 = tpu.memref_slice %arg6[%dma_start3A_92, %dma_start3A_93] : memref<2x128xi32, #tpu.memory_space<vmem>> -> memref<1x128xi32, #tpu.memory_space<vmem>>
    %dma_start3A_95 = tpu.memref_squeeze %dma_start3A_94 : memref<1x128xi32, #tpu.memory_space<vmem>> -> memref<128xi32, #tpu.memory_space<vmem>>
    %dma_start3A_96 = arith.constant 0 : i32
    %dma_start3A_97 = arith.constant 0 : i32
    %dma_start3A_98 = tpu.memref_slice %arg2[%dma_start3A_96, %dma_start3A_97] : memref<10000x128xf32, #tpu.memory_space<hbm>> -> memref<10000x128xf32, #tpu.memory_space<hbm>>
    tpu.enqueue_indirect_dma source(%dma_start3A_98 : memref<10000x128xf32, #tpu.memory_space<hbm>>) target(%arg8 : memref<128x128xf32, #tpu.memory_space<vmem>>) offsets(%dma_start3A_95 : memref<128xi32, #tpu.memory_space<vmem>>) semaphore(%arg15 : memref<!tpu.dma_semaphore, #tpu.memory_space<semaphore_mem>>)
    %scan3A_99 = arith.constant 0 : i32
    %scan3A_100 = arith.constant 40 : i32
    %scan3A_101 = arith.addi %scan3A_99, %scan3A_100 : i32
    %scan3A_102 = arith.constant 1 : i32
    scf.for %scan3A_109 = %scan3A_99 to %scan3A_101 step %scan3A_102  : i32 {
      %mul3A_110 = arith.constant 2 : i32
      %mul3A_111 = arith.muli %scan3A_109, %mul3A_110 : i32
      %add3A_112 = arith.constant 0 : i32
      %add3A_113 = arith.addi %add3A_112, %mul3A_111 : i32
      %add3A_114 = arith.constant 1 : i32
      %add3A_115 = arith.addi %add3A_113, %add3A_114 : i32
      %lt3A = arith.constant 80 : i32
      %lt3A_116 = arith.cmpi slt, %add3A_115, %lt3A : i32
      %convert_element_type3A = arith.extui %lt3A_116 : i1 to i32
      %cond3A = arith.constant 0 : i32
      %cond3A_117 = arith.cmpi ne, %convert_element_type3A, %cond3A : i32
      scf.if %cond3A_117 {
        %dma_wait3A_156 = arith.constant 0 : i32
        %dma_wait3A_157 = arith.constant 1 : i32
        %dma_wait3A_158 = arith.constant 0 : i32
        %dma_wait3A_159 = tpu.memref_slice %arg6[%dma_wait3A_157, %dma_wait3A_158] : memref<2x128xi32, #tpu.memory_space<vmem>> -> memref<1x128xi32, #tpu.memory_space<vmem>>
        %dma_wait3A_160 = tpu.memref_squeeze %dma_wait3A_159 : memref<1x128xi32, #tpu.memory_space<vmem>> -> memref<128xi32, #tpu.memory_space<vmem>>
        %dma_wait3A_161 = arith.constant 0 : i32
        %dma_wait3A_162 = tpu.memref_slice %arg3[%add3A, %dma_wait3A_156, %dma_wait3A_161] : memref<32x80x128xi32, #tpu.memory_space<hbm>> -> memref<1x1x128xi32, #tpu.memory_space<hbm>>
        %dma_wait3A_163 = tpu.memref_squeeze %dma_wait3A_162 : memref<1x1x128xi32, #tpu.memory_space<hbm>> -> memref<128xi32, #tpu.memory_space<hbm>>
        %dma_wait3A_164 = arith.constant 0 : i32
        %dma_wait3A_165 = tpu.memref_slice %arg6[%dma_wait3A_157, %dma_wait3A_164] : memref<2x128xi32, #tpu.memory_space<vmem>> -> memref<1x128xi32, #tpu.memory_space<vmem>>
        %dma_wait3A_166 = tpu.memref_squeeze %dma_wait3A_165 : memref<1x128xi32, #tpu.memory_space<vmem>> -> memref<128xi32, #tpu.memory_space<vmem>>
        %dma_wait3A_167 = arith.constant 0 : i32
        %dma_wait3A_168 = tpu.memref_slice %arg3[%add3A, %dma_wait3A_156, %dma_wait3A_167] : memref<32x80x128xi32, #tpu.memory_space<hbm>> -> memref<1x1x128xi32, #tpu.memory_space<hbm>>
        %dma_wait3A_169 = tpu.memref_squeeze %dma_wait3A_168 : memref<1x1x128xi32, #tpu.memory_space<hbm>> -> memref<128xi32, #tpu.memory_space<hbm>>
        tpu.wait_dma2 semaphore(%arg12 : memref<!tpu.dma_semaphore, #tpu.memory_space<semaphore_mem>>) src(%dma_wait3A_169 : memref<128xi32, #tpu.memory_space<hbm>>) dst(%dma_wait3A_166 : memref<128xi32, #tpu.memory_space<vmem>>)
        %dma_wait3A_170 = arith.constant 0 : i32
        %dma_wait3A_171 = arith.constant 1 : i32
        %dma_wait3A_172 = arith.constant 0 : i32
        %dma_wait3A_173 = tpu.memref_slice %arg7[%dma_wait3A_171, %dma_wait3A_172] : memref<2x128xi32, #tpu.memory_space<vmem>> -> memref<1x128xi32, #tpu.memory_space<vmem>>
        %dma_wait3A_174 = tpu.memref_squeeze %dma_wait3A_173 : memref<1x128xi32, #tpu.memory_space<vmem>> -> memref<128xi32, #tpu.memory_space<vmem>>
        %dma_wait3A_175 = arith.constant 0 : i32
        %dma_wait3A_176 = tpu.memref_slice %arg4[%add3A, %dma_wait3A_170, %dma_wait3A_175] : memref<32x80x128xi32, #tpu.memory_space<hbm>> -> memref<1x1x128xi32, #tpu.memory_space<hbm>>
        %dma_wait3A_177 = tpu.memref_squeeze %dma_wait3A_176 : memref<1x1x128xi32, #tpu.memory_space<hbm>> -> memref<128xi32, #tpu.memory_space<hbm>>
        %dma_wait3A_178 = arith.constant 0 : i32
        %dma_wait3A_179 = tpu.memref_slice %arg7[%dma_wait3A_171, %dma_wait3A_178] : memref<2x128xi32, #tpu.memory_space<vmem>> -> memref<1x128xi32, #tpu.memory_space<vmem>>
        %dma_wait3A_180 = tpu.memref_squeeze %dma_wait3A_179 : memref<1x128xi32, #tpu.memory_space<vmem>> -> memref<128xi32, #tpu.memory_space<vmem>>
        %dma_wait3A_181 = arith.constant 0 : i32
        %dma_wait3A_182 = tpu.memref_slice %arg4[%add3A, %dma_wait3A_170, %dma_wait3A_181] : memref<32x80x128xi32, #tpu.memory_space<hbm>> -> memref<1x1x128xi32, #tpu.memory_space<hbm>>
        %dma_wait3A_183 = tpu.memref_squeeze %dma_wait3A_182 : memref<1x1x128xi32, #tpu.memory_space<hbm>> -> memref<128xi32, #tpu.memory_space<hbm>>
        tpu.wait_dma2 semaphore(%arg14 : memref<!tpu.dma_semaphore, #tpu.memory_space<semaphore_mem>>) src(%dma_wait3A_183 : memref<128xi32, #tpu.memory_space<hbm>>) dst(%dma_wait3A_180 : memref<128xi32, #tpu.memory_space<vmem>>)
        %dma_start3A_184 = arith.constant 1 : i32
        %dma_start3A_185 = arith.constant 0 : i32
        %dma_start3A_186 = tpu.memref_slice %arg6[%dma_start3A_184, %dma_start3A_185] : memref<2x128xi32, #tpu.memory_space<vmem>> -> memref<1x128xi32, #tpu.memory_space<vmem>>
        %dma_start3A_187 = tpu.memref_squeeze %dma_start3A_186 : memref<1x128xi32, #tpu.memory_space<vmem>> -> memref<128xi32, #tpu.memory_space<vmem>>
        %dma_start3A_188 = arith.constant 0 : i32
        %dma_start3A_189 = arith.constant 0 : i32
        %dma_start3A_190 = tpu.memref_slice %arg2[%dma_start3A_188, %dma_start3A_189] : memref<10000x128xf32, #tpu.memory_space<hbm>> -> memref<10000x128xf32, #tpu.memory_space<hbm>>
        tpu.enqueue_indirect_dma source(%dma_start3A_190 : memref<10000x128xf32, #tpu.memory_space<hbm>>) target(%arg9 : memref<128x128xf32, #tpu.memory_space<vmem>>) offsets(%dma_start3A_187 : memref<128xi32, #tpu.memory_space<vmem>>) semaphore(%arg16 : memref<!tpu.dma_semaphore, #tpu.memory_space<semaphore_mem>>)
      } else {
      }
      %dma_wait3A_118 = arith.constant 0 : i32
      %dma_wait3A_119 = arith.constant 0 : i32
      %dma_wait3A_120 = tpu.memref_slice %arg6[%dma_wait3A_118, %dma_wait3A_119] : memref<2x128xi32, #tpu.memory_space<vmem>> -> memref<1x128xi32, #tpu.memory_space<vmem>>
      %dma_wait3A_121 = tpu.memref_squeeze %dma_wait3A_120 : memref<1x128xi32, #tpu.memory_space<vmem>> -> memref<128xi32, #tpu.memory_space<vmem>>
      %dma_wait3A_122 = arith.constant 0 : i32
      %dma_wait3A_123 = arith.constant 0 : i32
      %dma_wait3A_124 = tpu.memref_slice %arg2[%dma_wait3A_122, %dma_wait3A_123] : memref<10000x128xf32, #tpu.memory_space<hbm>> -> memref<10000x128xf32, #tpu.memory_space<hbm>>
      tpu.wait_indirect_dma semaphore(%arg15 : memref<!tpu.dma_semaphore, #tpu.memory_space<semaphore_mem>>) src(%dma_wait3A_124 : memref<10000x128xf32, #tpu.memory_space<hbm>>) dst(%arg8 : memref<128x128xf32, #tpu.memory_space<vmem>>)
      %run_scoped3A = arith.constant 0 : i32
      "tpu.region"() ({
        %run_scoped3A_156 = tpu.sem_alloc : memref<!tpu.dma_semaphore, #tpu.memory_space<semaphore_mem>>
        %dma_start3A_157 = arith.constant 0 : i32
        %dma_start3A_158 = tpu.memref_slice %arg7[%run_scoped3A, %dma_start3A_157] : memref<2x128xi32, #tpu.memory_space<vmem>> -> memref<1x128xi32, #tpu.memory_space<vmem>>
        %dma_start3A_159 = tpu.memref_squeeze %dma_start3A_158 : memref<1x128xi32, #tpu.memory_space<vmem>> -> memref<128xi32, #tpu.memory_space<vmem>>
        %dma_start3A_160 = arith.constant 0 : i32
        %dma_start3A_161 = arith.constant 0 : i32
        %dma_start3A_162 = tpu.memref_slice %arg10[%dma_start3A_160, %dma_start3A_161] : memref<10240x128xf32, #tpu.memory_space<vmem_shared>> -> memref<10240x128xf32, #tpu.memory_space<vmem_shared>>
        tpu.enqueue_indirect_dma source(%arg8 : memref<128x128xf32, #tpu.memory_space<vmem>>) target(%dma_start3A_162 : memref<10240x128xf32, #tpu.memory_space<vmem_shared>>) offsets(%dma_start3A_159 : memref<128xi32, #tpu.memory_space<vmem>>) semaphore(%run_scoped3A_156 : memref<!tpu.dma_semaphore, #tpu.memory_space<semaphore_mem>>) {add = true}
        %dma_wait3A_163 = arith.constant 0 : i32
        %dma_wait3A_164 = tpu.memref_slice %arg7[%run_scoped3A, %dma_wait3A_163] : memref<2x128xi32, #tpu.memory_space<vmem>> -> memref<1x128xi32, #tpu.memory_space<vmem>>
        %dma_wait3A_165 = tpu.memref_squeeze %dma_wait3A_164 : memref<1x128xi32, #tpu.memory_space<vmem>> -> memref<128xi32, #tpu.memory_space<vmem>>
        %dma_wait3A_166 = arith.constant 0 : i32
        %dma_wait3A_167 = arith.constant 0 : i32
        %dma_wait3A_168 = tpu.memref_slice %arg10[%dma_wait3A_166, %dma_wait3A_167] : memref<10240x128xf32, #tpu.memory_space<vmem_shared>> -> memref<10240x128xf32, #tpu.memory_space<vmem_shared>>
        tpu.wait_indirect_dma semaphore(%run_scoped3A_156 : memref<!tpu.dma_semaphore, #tpu.memory_space<semaphore_mem>>) src(%arg8 : memref<128x128xf32, #tpu.memory_space<vmem>>) dst(%dma_wait3A_168 : memref<10240x128xf32, #tpu.memory_space<vmem_shared>>)
        tpu.yield
      }) : () -> ()
      %add3A_125 = arith.constant 2 : i32
      %add3A_126 = arith.addi %add3A_113, %add3A_125 : i32
      %lt3A_127 = arith.constant 80 : i32
      %lt3A_128 = arith.cmpi slt, %add3A_126, %lt3A_127 : i32
      %convert_element_type3A_129 = arith.extui %lt3A_128 : i1 to i32
      %cond3A_130 = arith.constant 0 : i32
      %cond3A_131 = arith.cmpi ne, %convert_element_type3A_129, %cond3A_130 : i32
      scf.if %cond3A_131 {
        %add3A_156 = arith.constant 2 : i32
        %add3A_157 = arith.addi %add3A_113, %add3A_156 : i32
        %dma_start3A_158 = arith.constant 0 : i32
        %dma_start3A_159 = arith.constant 0 : i32
        %dma_start3A_160 = tpu.memref_slice %arg6[%dma_start3A_158, %dma_start3A_159] : memref<2x128xi32, #tpu.memory_space<vmem>> -> memref<1x128xi32, #tpu.memory_space<vmem>>
        %dma_start3A_161 = tpu.memref_squeeze %dma_start3A_160 : memref<1x128xi32, #tpu.memory_space<vmem>> -> memref<128xi32, #tpu.memory_space<vmem>>
        %dma_start3A_162 = arith.constant 0 : i32
        %dma_start3A_163 = tpu.memref_slice %arg3[%add3A, %add3A_157, %dma_start3A_162] : memref<32x80x128xi32, #tpu.memory_space<hbm>> -> memref<1x1x128xi32, #tpu.memory_space<hbm>>
        %dma_start3A_164 = tpu.memref_squeeze %dma_start3A_163 : memref<1x1x128xi32, #tpu.memory_space<hbm>> -> memref<128xi32, #tpu.memory_space<hbm>>
        %dma_start3A_165 = arith.constant 0 : i32
        %dma_start3A_166 = tpu.memref_slice %arg6[%dma_start3A_158, %dma_start3A_165] : memref<2x128xi32, #tpu.memory_space<vmem>> -> memref<1x128xi32, #tpu.memory_space<vmem>>
        %dma_start3A_167 = tpu.memref_squeeze %dma_start3A_166 : memref<1x128xi32, #tpu.memory_space<vmem>> -> memref<128xi32, #tpu.memory_space<vmem>>
        %dma_start3A_168 = arith.constant 0 : i32
        %dma_start3A_169 = tpu.memref_slice %arg3[%add3A, %add3A_157, %dma_start3A_168] : memref<32x80x128xi32, #tpu.memory_space<hbm>> -> memref<1x1x128xi32, #tpu.memory_space<hbm>>
        %dma_start3A_170 = tpu.memref_squeeze %dma_start3A_169 : memref<1x1x128xi32, #tpu.memory_space<hbm>> -> memref<128xi32, #tpu.memory_space<hbm>>
        tpu.enqueue_dma source(%dma_start3A_170 : memref<128xi32, #tpu.memory_space<hbm>>) target(%dma_start3A_167 : memref<128xi32, #tpu.memory_space<vmem>>) target_semaphore(%arg11 : memref<!tpu.dma_semaphore, #tpu.memory_space<semaphore_mem>>)
        %dma_start3A_171 = arith.constant 0 : i32
        %dma_start3A_172 = arith.constant 0 : i32
        %dma_start3A_173 = tpu.memref_slice %arg7[%dma_start3A_171, %dma_start3A_172] : memref<2x128xi32, #tpu.memory_space<vmem>> -> memref<1x128xi32, #tpu.memory_space<vmem>>
        %dma_start3A_174 = tpu.memref_squeeze %dma_start3A_173 : memref<1x128xi32, #tpu.memory_space<vmem>> -> memref<128xi32, #tpu.memory_space<vmem>>
        %dma_start3A_175 = arith.constant 0 : i32
        %dma_start3A_176 = tpu.memref_slice %arg4[%add3A, %add3A_157, %dma_start3A_175] : memref<32x80x128xi32, #tpu.memory_space<hbm>> -> memref<1x1x128xi32, #tpu.memory_space<hbm>>
        %dma_start3A_177 = tpu.memref_squeeze %dma_start3A_176 : memref<1x1x128xi32, #tpu.memory_space<hbm>> -> memref<128xi32, #tpu.memory_space<hbm>>
        %dma_start3A_178 = arith.constant 0 : i32
        %dma_start3A_179 = tpu.memref_slice %arg7[%dma_start3A_171, %dma_start3A_178] : memref<2x128xi32, #tpu.memory_space<vmem>> -> memref<1x128xi32, #tpu.memory_space<vmem>>
        %dma_start3A_180 = tpu.memref_squeeze %dma_start3A_179 : memref<1x128xi32, #tpu.memory_space<vmem>> -> memref<128xi32, #tpu.memory_space<vmem>>
        %dma_start3A_181 = arith.constant 0 : i32
        %dma_start3A_182 = tpu.memref_slice %arg4[%add3A, %add3A_157, %dma_start3A_181] : memref<32x80x128xi32, #tpu.memory_space<hbm>> -> memref<1x1x128xi32, #tpu.memory_space<hbm>>
        %dma_start3A_183 = tpu.memref_squeeze %dma_start3A_182 : memref<1x1x128xi32, #tpu.memory_space<hbm>> -> memref<128xi32, #tpu.memory_space<hbm>>
        tpu.enqueue_dma source(%dma_start3A_183 : memref<128xi32, #tpu.memory_space<hbm>>) target(%dma_start3A_180 : memref<128xi32, #tpu.memory_space<vmem>>) target_semaphore(%arg13 : memref<!tpu.dma_semaphore, #tpu.memory_space<semaphore_mem>>)
      } else {
      }
      %add3A_132 = arith.constant 1 : i32
      %add3A_133 = arith.addi %add3A_113, %add3A_132 : i32
      %add3A_134 = arith.constant 1 : i32
      %add3A_135 = arith.addi %add3A_133, %add3A_134 : i32
      %lt3A_136 = arith.constant 80 : i32
      %lt3A_137 = arith.cmpi slt, %add3A_135, %lt3A_136 : i32
      %convert_element_type3A_138 = arith.extui %lt3A_137 : i1 to i32
      %cond3A_139 = arith.constant 0 : i32
      %cond3A_140 = arith.cmpi ne, %convert_element_type3A_138, %cond3A_139 : i32
      scf.if %cond3A_140 {
        %dma_wait3A_156 = arith.constant 0 : i32
        %dma_wait3A_157 = arith.constant 0 : i32
        %dma_wait3A_158 = arith.constant 0 : i32
        %dma_wait3A_159 = tpu.memref_slice %arg6[%dma_wait3A_157, %dma_wait3A_158] : memref<2x128xi32, #tpu.memory_space<vmem>> -> memref<1x128xi32, #tpu.memory_space<vmem>>
        %dma_wait3A_160 = tpu.memref_squeeze %dma_wait3A_159 : memref<1x128xi32, #tpu.memory_space<vmem>> -> memref<128xi32, #tpu.memory_space<vmem>>
        %dma_wait3A_161 = arith.constant 0 : i32
        %dma_wait3A_162 = tpu.memref_slice %arg3[%add3A, %dma_wait3A_156, %dma_wait3A_161] : memref<32x80x128xi32, #tpu.memory_space<hbm>> -> memref<1x1x128xi32, #tpu.memory_space<hbm>>
        %dma_wait3A_163 = tpu.memref_squeeze %dma_wait3A_162 : memref<1x1x128xi32, #tpu.memory_space<hbm>> -> memref<128xi32, #tpu.memory_space<hbm>>
        %dma_wait3A_164 = arith.constant 0 : i32
        %dma_wait3A_165 = tpu.memref_slice %arg6[%dma_wait3A_157, %dma_wait3A_164] : memref<2x128xi32, #tpu.memory_space<vmem>> -> memref<1x128xi32, #tpu.memory_space<vmem>>
        %dma_wait3A_166 = tpu.memref_squeeze %dma_wait3A_165 : memref<1x128xi32, #tpu.memory_space<vmem>> -> memref<128xi32, #tpu.memory_space<vmem>>
        %dma_wait3A_167 = arith.constant 0 : i32
        %dma_wait3A_168 = tpu.memref_slice %arg3[%add3A, %dma_wait3A_156, %dma_wait3A_167] : memref<32x80x128xi32, #tpu.memory_space<hbm>> -> memref<1x1x128xi32, #tpu.memory_space<hbm>>
        %dma_wait3A_169 = tpu.memref_squeeze %dma_wait3A_168 : memref<1x1x128xi32, #tpu.memory_space<hbm>> -> memref<128xi32, #tpu.memory_space<hbm>>
        tpu.wait_dma2 semaphore(%arg11 : memref<!tpu.dma_semaphore, #tpu.memory_space<semaphore_mem>>) src(%dma_wait3A_169 : memref<128xi32, #tpu.memory_space<hbm>>) dst(%dma_wait3A_166 : memref<128xi32, #tpu.memory_space<vmem>>)
        %dma_wait3A_170 = arith.constant 0 : i32
        %dma_wait3A_171 = arith.constant 0 : i32
        %dma_wait3A_172 = arith.constant 0 : i32
        %dma_wait3A_173 = tpu.memref_slice %arg7[%dma_wait3A_171, %dma_wait3A_172] : memref<2x128xi32, #tpu.memory_space<vmem>> -> memref<1x128xi32, #tpu.memory_space<vmem>>
        %dma_wait3A_174 = tpu.memref_squeeze %dma_wait3A_173 : memref<1x128xi32, #tpu.memory_space<vmem>> -> memref<128xi32, #tpu.memory_space<vmem>>
        %dma_wait3A_175 = arith.constant 0 : i32
        %dma_wait3A_176 = tpu.memref_slice %arg4[%add3A, %dma_wait3A_170, %dma_wait3A_175] : memref<32x80x128xi32, #tpu.memory_space<hbm>> -> memref<1x1x128xi32, #tpu.memory_space<hbm>>
        %dma_wait3A_177 = tpu.memref_squeeze %dma_wait3A_176 : memref<1x1x128xi32, #tpu.memory_space<hbm>> -> memref<128xi32, #tpu.memory_space<hbm>>
        %dma_wait3A_178 = arith.constant 0 : i32
        %dma_wait3A_179 = tpu.memref_slice %arg7[%dma_wait3A_171, %dma_wait3A_178] : memref<2x128xi32, #tpu.memory_space<vmem>> -> memref<1x128xi32, #tpu.memory_space<vmem>>
        %dma_wait3A_180 = tpu.memref_squeeze %dma_wait3A_179 : memref<1x128xi32, #tpu.memory_space<vmem>> -> memref<128xi32, #tpu.memory_space<vmem>>
        %dma_wait3A_181 = arith.constant 0 : i32
        %dma_wait3A_182 = tpu.memref_slice %arg4[%add3A, %dma_wait3A_170, %dma_wait3A_181] : memref<32x80x128xi32, #tpu.memory_space<hbm>> -> memref<1x1x128xi32, #tpu.memory_space<hbm>>
        %dma_wait3A_183 = tpu.memref_squeeze %dma_wait3A_182 : memref<1x1x128xi32, #tpu.memory_space<hbm>> -> memref<128xi32, #tpu.memory_space<hbm>>
        tpu.wait_dma2 semaphore(%arg13 : memref<!tpu.dma_semaphore, #tpu.memory_space<semaphore_mem>>) src(%dma_wait3A_183 : memref<128xi32, #tpu.memory_space<hbm>>) dst(%dma_wait3A_180 : memref<128xi32, #tpu.memory_space<vmem>>)
        %dma_start3A_184 = arith.constant 0 : i32
        %dma_start3A_185 = arith.constant 0 : i32
        %dma_start3A_186 = tpu.memref_slice %arg6[%dma_start3A_184, %dma_start3A_185] : memref<2x128xi32, #tpu.memory_space<vmem>> -> memref<1x128xi32, #tpu.memory_space<vmem>>
        %dma_start3A_187 = tpu.memref_squeeze %dma_start3A_186 : memref<1x128xi32, #tpu.memory_space<vmem>> -> memref<128xi32, #tpu.memory_space<vmem>>
        %dma_start3A_188 = arith.constant 0 : i32
        %dma_start3A_189 = arith.constant 0 : i32
        %dma_start3A_190 = tpu.memref_slice %arg2[%dma_start3A_188, %dma_start3A_189] : memref<10000x128xf32, #tpu.memory_space<hbm>> -> memref<10000x128xf32, #tpu.memory_space<hbm>>
        tpu.enqueue_indirect_dma source(%dma_start3A_190 : memref<10000x128xf32, #tpu.memory_space<hbm>>) target(%arg8 : memref<128x128xf32, #tpu.memory_space<vmem>>) offsets(%dma_start3A_187 : memref<128xi32, #tpu.memory_space<vmem>>) semaphore(%arg15 : memref<!tpu.dma_semaphore, #tpu.memory_space<semaphore_mem>>)
      } else {
      }
      %dma_wait3A_141 = arith.constant 1 : i32
      %dma_wait3A_142 = arith.constant 0 : i32
      %dma_wait3A_143 = tpu.memref_slice %arg6[%dma_wait3A_141, %dma_wait3A_142] : memref<2x128xi32, #tpu.memory_space<vmem>> -> memref<1x128xi32, #tpu.memory_space<vmem>>
      %dma_wait3A_144 = tpu.memref_squeeze %dma_wait3A_143 : memref<1x128xi32, #tpu.memory_space<vmem>> -> memref<128xi32, #tpu.memory_space<vmem>>
      %dma_wait3A_145 = arith.constant 0 : i32
      %dma_wait3A_146 = arith.constant 0 : i32
      %dma_wait3A_147 = tpu.memref_slice %arg2[%dma_wait3A_145, %dma_wait3A_146] : memref<10000x128xf32, #tpu.memory_space<hbm>> -> memref<10000x128xf32, #tpu.memory_space<hbm>>
      tpu.wait_indirect_dma semaphore(%arg16 : memref<!tpu.dma_semaphore, #tpu.memory_space<semaphore_mem>>) src(%dma_wait3A_147 : memref<10000x128xf32, #tpu.memory_space<hbm>>) dst(%arg9 : memref<128x128xf32, #tpu.memory_space<vmem>>)
      %run_scoped3A_148 = arith.constant 1 : i32
      "tpu.region"() ({
        %run_scoped3A_156 = tpu.sem_alloc : memref<!tpu.dma_semaphore, #tpu.memory_space<semaphore_mem>>
        %dma_start3A_157 = arith.constant 0 : i32
        %dma_start3A_158 = tpu.memref_slice %arg7[%run_scoped3A_148, %dma_start3A_157] : memref<2x128xi32, #tpu.memory_space<vmem>> -> memref<1x128xi32, #tpu.memory_space<vmem>>
        %dma_start3A_159 = tpu.memref_squeeze %dma_start3A_158 : memref<1x128xi32, #tpu.memory_space<vmem>> -> memref<128xi32, #tpu.memory_space<vmem>>
        %dma_start3A_160 = arith.constant 0 : i32
        %dma_start3A_161 = arith.constant 0 : i32
        %dma_start3A_162 = tpu.memref_slice %arg10[%dma_start3A_160, %dma_start3A_161] : memref<10240x128xf32, #tpu.memory_space<vmem_shared>> -> memref<10240x128xf32, #tpu.memory_space<vmem_shared>>
        tpu.enqueue_indirect_dma source(%arg9 : memref<128x128xf32, #tpu.memory_space<vmem>>) target(%dma_start3A_162 : memref<10240x128xf32, #tpu.memory_space<vmem_shared>>) offsets(%dma_start3A_159 : memref<128xi32, #tpu.memory_space<vmem>>) semaphore(%run_scoped3A_156 : memref<!tpu.dma_semaphore, #tpu.memory_space<semaphore_mem>>) {add = true}
        %dma_wait3A_163 = arith.constant 0 : i32
        %dma_wait3A_164 = tpu.memref_slice %arg7[%run_scoped3A_148, %dma_wait3A_163] : memref<2x128xi32, #tpu.memory_space<vmem>> -> memref<1x128xi32, #tpu.memory_space<vmem>>
        %dma_wait3A_165 = tpu.memref_squeeze %dma_wait3A_164 : memref<1x128xi32, #tpu.memory_space<vmem>> -> memref<128xi32, #tpu.memory_space<vmem>>
        %dma_wait3A_166 = arith.constant 0 : i32
        %dma_wait3A_167 = arith.constant 0 : i32
        %dma_wait3A_168 = tpu.memref_slice %arg10[%dma_wait3A_166, %dma_wait3A_167] : memref<10240x128xf32, #tpu.memory_space<vmem_shared>> -> memref<10240x128xf32, #tpu.memory_space<vmem_shared>>
        tpu.wait_indirect_dma semaphore(%run_scoped3A_156 : memref<!tpu.dma_semaphore, #tpu.memory_space<semaphore_mem>>) src(%arg9 : memref<128x128xf32, #tpu.memory_space<vmem>>) dst(%dma_wait3A_168 : memref<10240x128xf32, #tpu.memory_space<vmem_shared>>)
        tpu.yield
      }) : () -> ()
      %add3A_149 = arith.constant 2 : i32
      %add3A_150 = arith.addi %add3A_133, %add3A_149 : i32
      %lt3A_151 = arith.constant 80 : i32
      %lt3A_152 = arith.cmpi slt, %add3A_150, %lt3A_151 : i32
      %convert_element_type3A_153 = arith.extui %lt3A_152 : i1 to i32
      %cond3A_154 = arith.constant 0 : i32
      %cond3A_155 = arith.cmpi ne, %convert_element_type3A_153, %cond3A_154 : i32
      scf.if %cond3A_155 {
        %add3A_156 = arith.constant 2 : i32
        %add3A_157 = arith.addi %add3A_133, %add3A_156 : i32
        %dma_start3A_158 = arith.constant 1 : i32
        %dma_start3A_159 = arith.constant 0 : i32
        %dma_start3A_160 = tpu.memref_slice %arg6[%dma_start3A_158, %dma_start3A_159] : memref<2x128xi32, #tpu.memory_space<vmem>> -> memref<1x128xi32, #tpu.memory_space<vmem>>
        %dma_start3A_161 = tpu.memref_squeeze %dma_start3A_160 : memref<1x128xi32, #tpu.memory_space<vmem>> -> memref<128xi32, #tpu.memory_space<vmem>>
        %dma_start3A_162 = arith.constant 0 : i32
        %dma_start3A_163 = tpu.memref_slice %arg3[%add3A, %add3A_157, %dma_start3A_162] : memref<32x80x128xi32, #tpu.memory_space<hbm>> -> memref<1x1x128xi32, #tpu.memory_space<hbm>>
        %dma_start3A_164 = tpu.memref_squeeze %dma_start3A_163 : memref<1x1x128xi32, #tpu.memory_space<hbm>> -> memref<128xi32, #tpu.memory_space<hbm>>
        %dma_start3A_165 = arith.constant 0 : i32
        %dma_start3A_166 = tpu.memref_slice %arg6[%dma_start3A_158, %dma_start3A_165] : memref<2x128xi32, #tpu.memory_space<vmem>> -> memref<1x128xi32, #tpu.memory_space<vmem>>
        %dma_start3A_167 = tpu.memref_squeeze %dma_start3A_166 : memref<1x128xi32, #tpu.memory_space<vmem>> -> memref<128xi32, #tpu.memory_space<vmem>>
        %dma_start3A_168 = arith.constant 0 : i32
        %dma_start3A_169 = tpu.memref_slice %arg3[%add3A, %add3A_157, %dma_start3A_168] : memref<32x80x128xi32, #tpu.memory_space<hbm>> -> memref<1x1x128xi32, #tpu.memory_space<hbm>>
        %dma_start3A_170 = tpu.memref_squeeze %dma_start3A_169 : memref<1x1x128xi32, #tpu.memory_space<hbm>> -> memref<128xi32, #tpu.memory_space<hbm>>
        tpu.enqueue_dma source(%dma_start3A_170 : memref<128xi32, #tpu.memory_space<hbm>>) target(%dma_start3A_167 : memref<128xi32, #tpu.memory_space<vmem>>) target_semaphore(%arg12 : memref<!tpu.dma_semaphore, #tpu.memory_space<semaphore_mem>>)
        %dma_start3A_171 = arith.constant 1 : i32
        %dma_start3A_172 = arith.constant 0 : i32
        %dma_start3A_173 = tpu.memref_slice %arg7[%dma_start3A_171, %dma_start3A_172] : memref<2x128xi32, #tpu.memory_space<vmem>> -> memref<1x128xi32, #tpu.memory_space<vmem>>
        %dma_start3A_174 = tpu.memref_squeeze %dma_start3A_173 : memref<1x128xi32, #tpu.memory_space<vmem>> -> memref<128xi32, #tpu.memory_space<vmem>>
        %dma_start3A_175 = arith.constant 0 : i32
        %dma_start3A_176 = tpu.memref_slice %arg4[%add3A, %add3A_157, %dma_start3A_175] : memref<32x80x128xi32, #tpu.memory_space<hbm>> -> memref<1x1x128xi32, #tpu.memory_space<hbm>>
        %dma_start3A_177 = tpu.memref_squeeze %dma_start3A_176 : memref<1x1x128xi32, #tpu.memory_space<hbm>> -> memref<128xi32, #tpu.memory_space<hbm>>
        %dma_start3A_178 = arith.constant 0 : i32
        %dma_start3A_179 = tpu.memref_slice %arg7[%dma_start3A_171, %dma_start3A_178] : memref<2x128xi32, #tpu.memory_space<vmem>> -> memref<1x128xi32, #tpu.memory_space<vmem>>
        %dma_start3A_180 = tpu.memref_squeeze %dma_start3A_179 : memref<1x128xi32, #tpu.memory_space<vmem>> -> memref<128xi32, #tpu.memory_space<vmem>>
        %dma_start3A_181 = arith.constant 0 : i32
        %dma_start3A_182 = tpu.memref_slice %arg4[%add3A, %add3A_157, %dma_start3A_181] : memref<32x80x128xi32, #tpu.memory_space<hbm>> -> memref<1x1x128xi32, #tpu.memory_space<hbm>>
        %dma_start3A_183 = tpu.memref_squeeze %dma_start3A_182 : memref<1x1x128xi32, #tpu.memory_space<hbm>> -> memref<128xi32, #tpu.memory_space<hbm>>
        tpu.enqueue_dma source(%dma_start3A_183 : memref<128xi32, #tpu.memory_space<hbm>>) target(%dma_start3A_180 : memref<128xi32, #tpu.memory_space<vmem>>) target_semaphore(%arg14 : memref<!tpu.dma_semaphore, #tpu.memory_space<semaphore_mem>>)
      } else {
      }
    }
    %scan3A_103 = arith.constant 40 : i32
    %barrier3A_104 = arith.constant 0 : index
    tpu.barrier barrier_id(%barrier3A_104)
    %mul3A_105 = arith.constant 640 : i32
    %mul3A_106 = arith.muli %arg1, %mul3A_105 : i32
    %mul3A_107 = arith.constant 640 : i32
    %mul3A_108 = arith.muli %arg1, %mul3A_107 : i32
    "tpu.region"() ({
      %run_scoped3A = tpu.sem_alloc : memref<!tpu.dma_semaphore, #tpu.memory_space<semaphore_mem>>
      %dma_start3A_109 = arith.constant 0 : i32
      %dma_start3A_110 = tpu.memref_slice %arg5[%arg0, %mul3A_108, %dma_start3A_109] : memref<2x10240x128xf32, #tpu.memory_space<hbm>> -> memref<1x640x128xf32, #tpu.memory_space<hbm>>
      %dma_start3A_111 = tpu.memref_squeeze %dma_start3A_110 : memref<1x640x128xf32, #tpu.memory_space<hbm>> -> memref<640x128xf32, #tpu.memory_space<hbm>>
      %dma_start3A_112 = arith.constant 0 : i32
      %dma_start3A_113 = tpu.memref_slice %arg10[%mul3A_106, %dma_start3A_112] : memref<10240x128xf32, #tpu.memory_space<vmem_shared>> -> memref<640x128xf32, #tpu.memory_space<vmem_shared>>
      tpu.enqueue_dma source(%dma_start3A_113 : memref<640x128xf32, #tpu.memory_space<vmem_shared>>) target(%dma_start3A_111 : memref<640x128xf32, #tpu.memory_space<hbm>>) target_semaphore(%run_scoped3A : memref<!tpu.dma_semaphore, #tpu.memory_space<semaphore_mem>>)
      %dma_wait3A_114 = arith.constant 0 : i32
      %dma_wait3A_115 = tpu.memref_slice %arg5[%arg0, %mul3A_108, %dma_wait3A_114] : memref<2x10240x128xf32, #tpu.memory_space<hbm>> -> memref<1x640x128xf32, #tpu.memory_space<hbm>>
      %dma_wait3A_116 = tpu.memref_squeeze %dma_wait3A_115 : memref<1x640x128xf32, #tpu.memory_space<hbm>> -> memref<640x128xf32, #tpu.memory_space<hbm>>
      %dma_wait3A_117 = arith.constant 0 : i32
      %dma_wait3A_118 = tpu.memref_slice %arg10[%mul3A_106, %dma_wait3A_117] : memref<10240x128xf32, #tpu.memory_space<vmem_shared>> -> memref<640x128xf32, #tpu.memory_space<vmem_shared>>
      tpu.wait_dma2 semaphore(%run_scoped3A : memref<!tpu.dma_semaphore, #tpu.memory_space<semaphore_mem>>) src(%dma_wait3A_118 : memref<640x128xf32, #tpu.memory_space<vmem_shared>>) dst(%dma_wait3A_116 : memref<640x128xf32, #tpu.memory_space<hbm>>)
      tpu.yield
    }) : () -> ()
    return
  }
}

#map = affine_map<(d0, d1) -> (0, 0)>
#map1 = affine_map<(d0, d1) -> (0, 0, 0)>
module attributes {stable_mosaic.version = 14 : i64} {
  func.func @k(%arg0: i32, %arg1: i32, %arg2: memref<10000x128xf32, #tpu.memory_space<hbm>>, %arg3: memref<32x80x128xi32, #tpu.memory_space<hbm>>, %arg4: memref<32x80x128xi32, #tpu.memory_space<hbm>>, %arg5: memref<2x10240x128xf32, #tpu.memory_space<hbm>>, %arg6: memref<2x128xi32, #tpu.memory_space<vmem>>, %arg7: memref<2x128xi32, #tpu.memory_space<vmem>>, %arg8: memref<128x128xf32, #tpu.memory_space<vmem>>, %arg9: memref<128x128xf32, #tpu.memory_space<vmem>>, %arg10: memref<10240x128xf32, #tpu.memory_space<vmem_shared>>, %arg11: memref<!tpu.dma_semaphore, #tpu.memory_space<semaphore_mem>>, %arg12: memref<!tpu.dma_semaphore, #tpu.memory_space<semaphore_mem>>, %arg13: memref<!tpu.dma_semaphore, #tpu.memory_space<semaphore_mem>>, %arg14: memref<!tpu.dma_semaphore, #tpu.memory_space<semaphore_mem>>, %arg15: memref<!tpu.dma_semaphore, #tpu.memory_space<semaphore_mem>>, %arg16: memref<!tpu.dma_semaphore, #tpu.memory_space<semaphore_mem>>) attributes {dimension_semantics = [#tpu.dimension_semantics<core_parallel>, #tpu.dimension_semantics<subcore_parallel>], iteration_bounds = array<i64: 2, 16>, scalar_prefetch = 0 : i64, scratch_operands = 11 : i64, tpu.core_type = #tpu.core_type<sc_vector_subcore>, window_params = [{transform_indices = #map}, {transform_indices = #map1}, {transform_indices = #map1}, {transform_indices = #map1}]} {
    %mul3A = arith.constant 16 : i32
    %mul3A_0 = arith.muli %arg0, %mul3A : i32
    %add3A = arith.addi %mul3A_0, %arg1 : i32
    %scan3A = arith.constant 0 : i32
    %scan3A_1 = arith.constant 128 : i32
    %scan3A_2 = arith.addi %scan3A, %scan3A_1 : i32
    %scan3A_3 = arith.constant 1 : i32
    scf.for %scan3A_109 = %scan3A to %scan3A_2 step %scan3A_3  : i32 {
      %mul3A_110 = arith.constant 1 : i32
      %mul3A_111 = arith.muli %scan3A_109, %mul3A_110 : i32
      %add3A_112 = arith.constant 0 : i32
      %add3A_113 = arith.addi %add3A_112, %mul3A_111 : i32
      %scan3A_114 = arith.constant 0 : i32
      %scan3A_115 = arith.constant 8 : i32
      %scan3A_116 = arith.addi %scan3A_114, %scan3A_115 : i32
      %scan3A_117 = arith.constant 1 : i32
      scf.for %scan3A_119 = %scan3A_114 to %scan3A_116 step %scan3A_117  : i32 {
        %mul3A_120 = arith.constant 16 : i32
        %mul3A_121 = arith.muli %scan3A_119, %mul3A_120 : i32
        %add3A_122 = arith.constant 0 : i32
        %add3A_123 = arith.addi %add3A_122, %mul3A_121 : i32
        %broadcast_in_dim3A = arith.constant 0.000000e+00 : f32
        %broadcast_in_dim3A_124 = vector.broadcast %broadcast_in_dim3A : f32 to vector<16xf32>
        %swap3A = arith.index_cast %add3A_113 : i32 to index
        %swap3A_125 = arith.index_cast %add3A_123 : i32 to index
        %swap3A_126 = tpu.vector_load %arg8[%swap3A, %swap3A_125] {strides = array<i32>} : memref<128x128xf32, #tpu.memory_space<vmem>>, vector<1x16xf32>,
        %swap3A_127 = vector.shape_cast %swap3A_126 : vector<1x16xf32> to vector<16xf32>
        %swap3A_128 = vector.shape_cast %broadcast_in_dim3A_124 : vector<16xf32> to vector<1x16xf32>
        tpu.vector_store %arg8[%swap3A, %swap3A_125], %swap3A_128 {strides = array<i32>} : memref<128x128xf32, #tpu.memory_space<vmem>>, vector<1x16xf32>,
      }
      %scan3A_118 = arith.constant 8 : i32
    }
    %scan3A_4 = arith.constant 128 : i32
    %scan3A_5 = arith.constant 0 : i32
    %scan3A_6 = arith.constant 5 : i32
    %scan3A_7 = arith.addi %scan3A_5, %scan3A_6 : i32
    %scan3A_8 = arith.constant 1 : i32
    scf.for %scan3A_109 = %scan3A_5 to %scan3A_7 step %scan3A_8  : i32 {
      %mul3A_110 = arith.constant 128 : i32
      %mul3A_111 = arith.muli %scan3A_109, %mul3A_110 : i32
      %add3A_112 = arith.constant 0 : i32
      %add3A_113 = arith.addi %add3A_112, %mul3A_111 : i32
      %mul3A_114 = arith.constant 640 : i32
      %mul3A_115 = arith.muli %arg1, %mul3A_114 : i32
      %add3A_116 = arith.addi %mul3A_115, %add3A_113 : i32
      "tpu.region"() ({
        %run_scoped3A = tpu.sem_alloc : memref<!tpu.dma_semaphore, #tpu.memory_space<semaphore_mem>>
        %dma_start3A_117 = arith.constant 0 : i32
        %dma_start3A_118 = tpu.memref_slice %arg10[%add3A_116, %dma_start3A_117] : memref<10240x128xf32, #tpu.memory_space<vmem_shared>> -> memref<128x128xf32, #tpu.memory_space<vmem_shared>>
        %dma_start3A_119 = arith.constant 0 : i32
        %dma_start3A_120 = tpu.memref_slice %arg10[%add3A_116, %dma_start3A_119] : memref<10240x128xf32, #tpu.memory_space<vmem_shared>> -> memref<128x128xf32, #tpu.memory_space<vmem_shared>>
        tpu.enqueue_dma source(%arg8 : memref<128x128xf32, #tpu.memory_space<vmem>>) target(%dma_start3A_120 : memref<128x128xf32, #tpu.memory_space<vmem_shared>>) target_semaphore(%run_scoped3A : memref<!tpu.dma_semaphore, #tpu.memory_space<semaphore_mem>>)
        %dma_wait3A_121 = arith.constant 0 : i32
        %dma_wait3A_122 = tpu.memref_slice %arg10[%add3A_116, %dma_wait3A_121] : memref<10240x128xf32, #tpu.memory_space<vmem_shared>> -> memref<128x128xf32, #tpu.memory_space<vmem_shared>>
        %dma_wait3A_123 = arith.constant 0 : i32
        %dma_wait3A_124 = tpu.memref_slice %arg10[%add3A_116, %dma_wait3A_123] : memref<10240x128xf32, #tpu.memory_space<vmem_shared>> -> memref<128x128xf32, #tpu.memory_space<vmem_shared>>
        tpu.wait_dma2 semaphore(%run_scoped3A : memref<!tpu.dma_semaphore, #tpu.memory_space<semaphore_mem>>) src(%arg8 : memref<128x128xf32, #tpu.memory_space<vmem>>) dst(%dma_wait3A_124 : memref<128x128xf32, #tpu.memory_space<vmem_shared>>)
        tpu.yield
      }) : () -> ()
    }
    %scan3A_9 = arith.constant 5 : i32
    %barrier3A = arith.constant 0 : index
    tpu.barrier barrier_id(%barrier3A)
    %dma_start3A = arith.constant 0 : i32
    %dma_start3A_10 = arith.constant 0 : i32
    %dma_start3A_11 = arith.constant 0 : i32
    %dma_start3A_12 = tpu.memref_slice %arg6[%dma_start3A_10, %dma_start3A_11] : memref<2x128xi32, #tpu.memory_space<vmem>> -> memref<1x128xi32, #tpu.memory_space<vmem>>
    %dma_start3A_13 = tpu.memref_squeeze %dma_start3A_12 : memref<1x128xi32, #tpu.memory_space<vmem>> -> memref<128xi32, #tpu.memory_space<vmem>>
    %dma_start3A_14 = arith.constant 0 : i32
    %dma_start3A_15 = tpu.memref_slice %arg3[%add3A, %dma_start3A, %dma_start3A_14] : memref<32x80x128xi32, #tpu.memory_space<hbm>> -> memref<1x1x128xi32, #tpu.memory_space<hbm>>
    %dma_start3A_16 = tpu.memref_squeeze %dma_start3A_15 : memref<1x1x128xi32, #tpu.memory_space<hbm>> -> memref<128xi32, #tpu.memory_space<hbm>>
    %dma_start3A_17 = arith.constant 0 : i32
    %dma_start3A_18 = tpu.memref_slice %arg6[%dma_start3A_10, %dma_start3A_17] : memref<2x128xi32, #tpu.memory_space<vmem>> -> memref<1x128xi32, #tpu.memory_space<vmem>>
    %dma_start3A_19 = tpu.memref_squeeze %dma_start3A_18 : memref<1x128xi32, #tpu.memory_space<vmem>> -> memref<128xi32, #tpu.memory_space<vmem>>
    %dma_start3A_20 = arith.constant 0 : i32
    %dma_start3A_21 = tpu.memref_slice %arg3[%add3A, %dma_start3A, %dma_start3A_20] : memref<32x80x128xi32, #tpu.memory_space<hbm>> -> memref<1x1x128xi32, #tpu.memory_space<hbm>>
    %dma_start3A_22 = tpu.memref_squeeze %dma_start3A_21 : memref<1x1x128xi32, #tpu.memory_space<hbm>> -> memref<128xi32, #tpu.memory_space<hbm>>
    tpu.enqueue_dma source(%dma_start3A_22 : memref<128xi32, #tpu.memory_space<hbm>>) target(%dma_start3A_19 : memref<128xi32, #tpu.memory_space<vmem>>) target_semaphore(%arg11 : memref<!tpu.dma_semaphore, #tpu.memory_space<semaphore_mem>>)
    %dma_start3A_23 = arith.constant 0 : i32
    %dma_start3A_24 = arith.constant 0 : i32
    %dma_start3A_25 = arith.constant 0 : i32
    %dma_start3A_26 = tpu.memref_slice %arg7[%dma_start3A_24, %dma_start3A_25] : memref<2x128xi32, #tpu.memory_space<vmem>> -> memref<1x128xi32, #tpu.memory_space<vmem>>
    %dma_start3A_27 = tpu.memref_squeeze %dma_start3A_26 : memref<1x128xi32, #tpu.memory_space<vmem>> -> memref<128xi32, #tpu.memory_space<vmem>>
    %dma_start3A_28 = arith.constant 0 : i32
    %dma_start3A_29 = tpu.memref_slice %arg4[%add3A, %dma_start3A_23, %dma_start3A_28] : memref<32x80x128xi32, #tpu.memory_space<hbm>> -> memref<1x1x128xi32, #tpu.memory_space<hbm>>
    %dma_start3A_30 = tpu.memref_squeeze %dma_start3A_29 : memref<1x1x128xi32, #tpu.memory_space<hbm>> -> memref<128xi32, #tpu.memory_space<hbm>>
    %dma_start3A_31 = arith.constant 0 : i32
    %dma_start3A_32 = tpu.memref_slice %arg7[%dma_start3A_24, %dma_start3A_31] : memref<2x128xi32, #tpu.memory_space<vmem>> -> memref<1x128xi32, #tpu.memory_space<vmem>>
    %dma_start3A_33 = tpu.memref_squeeze %dma_start3A_32 : memref<1x128xi32, #tpu.memory_space<vmem>> -> memref<128xi32, #tpu.memory_space<vmem>>
    %dma_start3A_34 = arith.constant 0 : i32
    %dma_start3A_35 = tpu.memref_slice %arg4[%add3A, %dma_start3A_23, %dma_start3A_34] : memref<32x80x128xi32, #tpu.memory_space<hbm>> -> memref<1x1x128xi32, #tpu.memory_space<hbm>>
    %dma_start3A_36 = tpu.memref_squeeze %dma_start3A_35 : memref<1x1x128xi32, #tpu.memory_space<hbm>> -> memref<128xi32, #tpu.memory_space<hbm>>
    tpu.enqueue_dma source(%dma_start3A_36 : memref<128xi32, #tpu.memory_space<hbm>>) target(%dma_start3A_33 : memref<128xi32, #tpu.memory_space<vmem>>) target_semaphore(%arg13 : memref<!tpu.dma_semaphore, #tpu.memory_space<semaphore_mem>>)
    %dma_start3A_37 = arith.constant 1 : i32
    %dma_start3A_38 = arith.constant 1 : i32
    %dma_start3A_39 = arith.constant 0 : i32
    %dma_start3A_40 = tpu.memref_slice %arg6[%dma_start3A_38, %dma_start3A_39] : memref<2x128xi32, #tpu.memory_space<vmem>> -> memref<1x128xi32, #tpu.memory_space<vmem>>
    %dma_start3A_41 = tpu.memref_squeeze %dma_start3A_40 : memref<1x128xi32, #tpu.memory_space<vmem>> -> memref<128xi32, #tpu.memory_space<vmem>>
    %dma_start3A_42 = arith.constant 0 : i32
    %dma_start3A_43 = tpu.memref_slice %arg3[%add3A, %dma_start3A_37, %dma_start3A_42] : memref<32x80x128xi32, #tpu.memory_space<hbm>> -> memref<1x1x128xi32, #tpu.memory_space<hbm>>
    %dma_start3A_44 = tpu.memref_squeeze %dma_start3A_43 : memref<1x1x128xi32, #tpu.memory_space<hbm>> -> memref<128xi32, #tpu.memory_space<hbm>>
    %dma_start3A_45 = arith.constant 0 : i32
    %dma_start3A_46 = tpu.memref_slice %arg6[%dma_start3A_38, %dma_start3A_45] : memref<2x128xi32, #tpu.memory_space<vmem>> -> memref<1x128xi32, #tpu.memory_space<vmem>>
    %dma_start3A_47 = tpu.memref_squeeze %dma_start3A_46 : memref<1x128xi32, #tpu.memory_space<vmem>> -> memref<128xi32, #tpu.memory_space<vmem>>
    %dma_start3A_48 = arith.constant 0 : i32
    %dma_start3A_49 = tpu.memref_slice %arg3[%add3A, %dma_start3A_37, %dma_start3A_48] : memref<32x80x128xi32, #tpu.memory_space<hbm>> -> memref<1x1x128xi32, #tpu.memory_space<hbm>>
    %dma_start3A_50 = tpu.memref_squeeze %dma_start3A_49 : memref<1x1x128xi32, #tpu.memory_space<hbm>> -> memref<128xi32, #tpu.memory_space<hbm>>
    tpu.enqueue_dma source(%dma_start3A_50 : memref<128xi32, #tpu.memory_space<hbm>>) target(%dma_start3A_47 : memref<128xi32, #tpu.memory_space<vmem>>) target_semaphore(%arg12 : memref<!tpu.dma_semaphore, #tpu.memory_space<semaphore_mem>>)
    %dma_start3A_51 = arith.constant 1 : i32
    %dma_start3A_52 = arith.constant 1 : i32
    %dma_start3A_53 = arith.constant 0 : i32
    %dma_start3A_54 = tpu.memref_slice %arg7[%dma_start3A_52, %dma_start3A_53] : memref<2x128xi32, #tpu.memory_space<vmem>> -> memref<1x128xi32, #tpu.memory_space<vmem>>
    %dma_start3A_55 = tpu.memref_squeeze %dma_start3A_54 : memref<1x128xi32, #tpu.memory_space<vmem>> -> memref<128xi32, #tpu.memory_space<vmem>>
    %dma_start3A_56 = arith.constant 0 : i32
    %dma_start3A_57 = tpu.memref_slice %arg4[%add3A, %dma_start3A_51, %dma_start3A_56] : memref<32x80x128xi32, #tpu.memory_space<hbm>> -> memref<1x1x128xi32, #tpu.memory_space<hbm>>
    %dma_start3A_58 = tpu.memref_squeeze %dma_start3A_57 : memref<1x1x128xi32, #tpu.memory_space<hbm>> -> memref<128xi32, #tpu.memory_space<hbm>>
    %dma_start3A_59 = arith.constant 0 : i32
    %dma_start3A_60 = tpu.memref_slice %arg7[%dma_start3A_52, %dma_start3A_59] : memref<2x128xi32, #tpu.memory_space<vmem>> -> memref<1x128xi32, #tpu.memory_space<vmem>>
    %dma_start3A_61 = tpu.memref_squeeze %dma_start3A_60 : memref<1x128xi32, #tpu.memory_space<vmem>> -> memref<128xi32, #tpu.memory_space<vmem>>
    %dma_start3A_62 = arith.constant 0 : i32
    %dma_start3A_63 = tpu.memref_slice %arg4[%add3A, %dma_start3A_51, %dma_start3A_62] : memref<32x80x128xi32, #tpu.memory_space<hbm>> -> memref<1x1x128xi32, #tpu.memory_space<hbm>>
    %dma_start3A_64 = tpu.memref_squeeze %dma_start3A_63 : memref<1x1x128xi32, #tpu.memory_space<hbm>> -> memref<128xi32, #tpu.memory_space<hbm>>
    tpu.enqueue_dma source(%dma_start3A_64 : memref<128xi32, #tpu.memory_space<hbm>>) target(%dma_start3A_61 : memref<128xi32, #tpu.memory_space<vmem>>) target_semaphore(%arg14 : memref<!tpu.dma_semaphore, #tpu.memory_space<semaphore_mem>>)
    %dma_wait3A = arith.constant 0 : i32
    %dma_wait3A_65 = arith.constant 0 : i32
    %dma_wait3A_66 = arith.constant 0 : i32
    %dma_wait3A_67 = tpu.memref_slice %arg6[%dma_wait3A_65, %dma_wait3A_66] : memref<2x128xi32, #tpu.memory_space<vmem>> -> memref<1x128xi32, #tpu.memory_space<vmem>>
    %dma_wait3A_68 = tpu.memref_squeeze %dma_wait3A_67 : memref<1x128xi32, #tpu.memory_space<vmem>> -> memref<128xi32, #tpu.memory_space<vmem>>
    %dma_wait3A_69 = arith.constant 0 : i32
    %dma_wait3A_70 = tpu.memref_slice %arg3[%add3A, %dma_wait3A, %dma_wait3A_69] : memref<32x80x128xi32, #tpu.memory_space<hbm>> -> memref<1x1x128xi32, #tpu.memory_space<hbm>>
    %dma_wait3A_71 = tpu.memref_squeeze %dma_wait3A_70 : memref<1x1x128xi32, #tpu.memory_space<hbm>> -> memref<128xi32, #tpu.memory_space<hbm>>
    %dma_wait3A_72 = arith.constant 0 : i32
    %dma_wait3A_73 = tpu.memref_slice %arg6[%dma_wait3A_65, %dma_wait3A_72] : memref<2x128xi32, #tpu.memory_space<vmem>> -> memref<1x128xi32, #tpu.memory_space<vmem>>
    %dma_wait3A_74 = tpu.memref_squeeze %dma_wait3A_73 : memref<1x128xi32, #tpu.memory_space<vmem>> -> memref<128xi32, #tpu.memory_space<vmem>>
    %dma_wait3A_75 = arith.constant 0 : i32
    %dma_wait3A_76 = tpu.memref_slice %arg3[%add3A, %dma_wait3A, %dma_wait3A_75] : memref<32x80x128xi32, #tpu.memory_space<hbm>> -> memref<1x1x128xi32, #tpu.memory_space<hbm>>
    %dma_wait3A_77 = tpu.memref_squeeze %dma_wait3A_76 : memref<1x1x128xi32, #tpu.memory_space<hbm>> -> memref<128xi32, #tpu.memory_space<hbm>>
    tpu.wait_dma2 semaphore(%arg11 : memref<!tpu.dma_semaphore, #tpu.memory_space<semaphore_mem>>) src(%dma_wait3A_77 : memref<128xi32, #tpu.memory_space<hbm>>) dst(%dma_wait3A_74 : memref<128xi32, #tpu.memory_space<vmem>>)
    %dma_wait3A_78 = arith.constant 0 : i32
    %dma_wait3A_79 = arith.constant 0 : i32
    %dma_wait3A_80 = arith.constant 0 : i32
    %dma_wait3A_81 = tpu.memref_slice %arg7[%dma_wait3A_79, %dma_wait3A_80] : memref<2x128xi32, #tpu.memory_space<vmem>> -> memref<1x128xi32, #tpu.memory_space<vmem>>
    %dma_wait3A_82 = tpu.memref_squeeze %dma_wait3A_81 : memref<1x128xi32, #tpu.memory_space<vmem>> -> memref<128xi32, #tpu.memory_space<vmem>>
    %dma_wait3A_83 = arith.constant 0 : i32
    %dma_wait3A_84 = tpu.memref_slice %arg4[%add3A, %dma_wait3A_78, %dma_wait3A_83] : memref<32x80x128xi32, #tpu.memory_space<hbm>> -> memref<1x1x128xi32, #tpu.memory_space<hbm>>
    %dma_wait3A_85 = tpu.memref_squeeze %dma_wait3A_84 : memref<1x1x128xi32, #tpu.memory_space<hbm>> -> memref<128xi32, #tpu.memory_space<hbm>>
    %dma_wait3A_86 = arith.constant 0 : i32
    %dma_wait3A_87 = tpu.memref_slice %arg7[%dma_wait3A_79, %dma_wait3A_86] : memref<2x128xi32, #tpu.memory_space<vmem>> -> memref<1x128xi32, #tpu.memory_space<vmem>>
    %dma_wait3A_88 = tpu.memref_squeeze %dma_wait3A_87 : memref<1x128xi32, #tpu.memory_space<vmem>> -> memref<128xi32, #tpu.memory_space<vmem>>
    %dma_wait3A_89 = arith.constant 0 : i32
    %dma_wait3A_90 = tpu.memref_slice %arg4[%add3A, %dma_wait3A_78, %dma_wait3A_89] : memref<32x80x128xi32, #tpu.memory_space<hbm>> -> memref<1x1x128xi32, #tpu.memory_space<hbm>>
    %dma_wait3A_91 = tpu.memref_squeeze %dma_wait3A_90 : memref<1x1x128xi32, #tpu.memory_space<hbm>> -> memref<128xi32, #tpu.memory_space<hbm>>
    tpu.wait_dma2 semaphore(%arg13 : memref<!tpu.dma_semaphore, #tpu.memory_space<semaphore_mem>>) src(%dma_wait3A_91 : memref<128xi32, #tpu.memory_space<hbm>>) dst(%dma_wait3A_88 : memref<128xi32, #tpu.memory_space<vmem>>)
    %dma_start3A_92 = arith.constant 0 : i32
    %dma_start3A_93 = arith.constant 0 : i32
    %dma_start3A_94 = tpu.memref_slice %arg6[%dma_start3A_92, %dma_start3A_93] : memref<2x128xi32, #tpu.memory_space<vmem>> -> memref<1x128xi32, #tpu.memory_space<vmem>>
    %dma_start3A_95 = tpu.memref_squeeze %dma_start3A_94 : memref<1x128xi32, #tpu.memory_space<vmem>> -> memref<128xi32, #tpu.memory_space<vmem>>
    %dma_start3A_96 = arith.constant 0 : i32
    %dma_start3A_97 = arith.constant 0 : i32
    %dma_start3A_98 = tpu.memref_slice %arg2[%dma_start3A_96, %dma_start3A_97] : memref<10000x128xf32, #tpu.memory_space<hbm>> -> memref<10000x128xf32, #tpu.memory_space<hbm>>
    tpu.enqueue_indirect_dma source(%dma_start3A_98 : memref<10000x128xf32, #tpu.memory_space<hbm>>) target(%arg8 : memref<128x128xf32, #tpu.memory_space<vmem>>) offsets(%dma_start3A_95 : memref<128xi32, #tpu.memory_space<vmem>>) semaphore(%arg15 : memref<!tpu.dma_semaphore, #tpu.memory_space<semaphore_mem>>)
    %scan3A_99 = arith.constant 0 : i32
    %scan3A_100 = arith.constant 40 : i32
    %scan3A_101 = arith.addi %scan3A_99, %scan3A_100 : i32
    %scan3A_102 = arith.constant 1 : i32
    scf.for %scan3A_109 = %scan3A_99 to %scan3A_101 step %scan3A_102  : i32 {
      %mul3A_110 = arith.constant 2 : i32
      %mul3A_111 = arith.muli %scan3A_109, %mul3A_110 : i32
      %add3A_112 = arith.constant 0 : i32
      %add3A_113 = arith.addi %add3A_112, %mul3A_111 : i32
      %add3A_114 = arith.constant 1 : i32
      %add3A_115 = arith.addi %add3A_113, %add3A_114 : i32
      %lt3A = arith.constant 80 : i32
      %lt3A_116 = arith.cmpi slt, %add3A_115, %lt3A : i32
      %convert_element_type3A = arith.extui %lt3A_116 : i1 to i32
      %cond3A = arith.constant 0 : i32
      %cond3A_117 = arith.cmpi ne, %convert_element_type3A, %cond3A : i32
      scf.if %cond3A_117 {
        %dma_wait3A_156 = arith.constant 0 : i32
        %dma_wait3A_157 = arith.constant 1 : i32
        %dma_wait3A_158 = arith.constant 0 : i32
        %dma_wait3A_159 = tpu.memref_slice %arg6[%dma_wait3A_157, %dma_wait3A_158] : memref<2x128xi32, #tpu.memory_space<vmem>> -> memref<1x128xi32, #tpu.memory_space<vmem>>
        %dma_wait3A_160 = tpu.memref_squeeze %dma_wait3A_159 : memref<1x128xi32, #tpu.memory_space<vmem>> -> memref<128xi32, #tpu.memory_space<vmem>>
        %dma_wait3A_161 = arith.constant 0 : i32
        %dma_wait3A_162 = tpu.memref_slice %arg3[%add3A, %dma_wait3A_156, %dma_wait3A_161] : memref<32x80x128xi32, #tpu.memory_space<hbm>> -> memref<1x1x128xi32, #tpu.memory_space<hbm>>
        %dma_wait3A_163 = tpu.memref_squeeze %dma_wait3A_162 : memref<1x1x128xi32, #tpu.memory_space<hbm>> -> memref<128xi32, #tpu.memory_space<hbm>>
        %dma_wait3A_164 = arith.constant 0 : i32
        %dma_wait3A_165 = tpu.memref_slice %arg6[%dma_wait3A_157, %dma_wait3A_164] : memref<2x128xi32, #tpu.memory_space<vmem>> -> memref<1x128xi32, #tpu.memory_space<vmem>>
        %dma_wait3A_166 = tpu.memref_squeeze %dma_wait3A_165 : memref<1x128xi32, #tpu.memory_space<vmem>> -> memref<128xi32, #tpu.memory_space<vmem>>
        %dma_wait3A_167 = arith.constant 0 : i32
        %dma_wait3A_168 = tpu.memref_slice %arg3[%add3A, %dma_wait3A_156, %dma_wait3A_167] : memref<32x80x128xi32, #tpu.memory_space<hbm>> -> memref<1x1x128xi32, #tpu.memory_space<hbm>>
        %dma_wait3A_169 = tpu.memref_squeeze %dma_wait3A_168 : memref<1x1x128xi32, #tpu.memory_space<hbm>> -> memref<128xi32, #tpu.memory_space<hbm>>
        tpu.wait_dma2 semaphore(%arg12 : memref<!tpu.dma_semaphore, #tpu.memory_space<semaphore_mem>>) src(%dma_wait3A_169 : memref<128xi32, #tpu.memory_space<hbm>>) dst(%dma_wait3A_166 : memref<128xi32, #tpu.memory_space<vmem>>)
        %dma_wait3A_170 = arith.constant 0 : i32
        %dma_wait3A_171 = arith.constant 1 : i32
        %dma_wait3A_172 = arith.constant 0 : i32
        %dma_wait3A_173 = tpu.memref_slice %arg7[%dma_wait3A_171, %dma_wait3A_172] : memref<2x128xi32, #tpu.memory_space<vmem>> -> memref<1x128xi32, #tpu.memory_space<vmem>>
        %dma_wait3A_174 = tpu.memref_squeeze %dma_wait3A_173 : memref<1x128xi32, #tpu.memory_space<vmem>> -> memref<128xi32, #tpu.memory_space<vmem>>
        %dma_wait3A_175 = arith.constant 0 : i32
        %dma_wait3A_176 = tpu.memref_slice %arg4[%add3A, %dma_wait3A_170, %dma_wait3A_175] : memref<32x80x128xi32, #tpu.memory_space<hbm>> -> memref<1x1x128xi32, #tpu.memory_space<hbm>>
        %dma_wait3A_177 = tpu.memref_squeeze %dma_wait3A_176 : memref<1x1x128xi32, #tpu.memory_space<hbm>> -> memref<128xi32, #tpu.memory_space<hbm>>
        %dma_wait3A_178 = arith.constant 0 : i32
        %dma_wait3A_179 = tpu.memref_slice %arg7[%dma_wait3A_171, %dma_wait3A_178] : memref<2x128xi32, #tpu.memory_space<vmem>> -> memref<1x128xi32, #tpu.memory_space<vmem>>
        %dma_wait3A_180 = tpu.memref_squeeze %dma_wait3A_179 : memref<1x128xi32, #tpu.memory_space<vmem>> -> memref<128xi32, #tpu.memory_space<vmem>>
        %dma_wait3A_181 = arith.constant 0 : i32
        %dma_wait3A_182 = tpu.memref_slice %arg4[%add3A, %dma_wait3A_170, %dma_wait3A_181] : memref<32x80x128xi32, #tpu.memory_space<hbm>> -> memref<1x1x128xi32, #tpu.memory_space<hbm>>
        %dma_wait3A_183 = tpu.memref_squeeze %dma_wait3A_182 : memref<1x1x128xi32, #tpu.memory_space<hbm>> -> memref<128xi32, #tpu.memory_space<hbm>>
        tpu.wait_dma2 semaphore(%arg14 : memref<!tpu.dma_semaphore, #tpu.memory_space<semaphore_mem>>) src(%dma_wait3A_183 : memref<128xi32, #tpu.memory_space<hbm>>) dst(%dma_wait3A_180 : memref<128xi32, #tpu.memory_space<vmem>>)
        %dma_start3A_184 = arith.constant 1 : i32
        %dma_start3A_185 = arith.constant 0 : i32
        %dma_start3A_186 = tpu.memref_slice %arg6[%dma_start3A_184, %dma_start3A_185] : memref<2x128xi32, #tpu.memory_space<vmem>> -> memref<1x128xi32, #tpu.memory_space<vmem>>
        %dma_start3A_187 = tpu.memref_squeeze %dma_start3A_186 : memref<1x128xi32, #tpu.memory_space<vmem>> -> memref<128xi32, #tpu.memory_space<vmem>>
        %dma_start3A_188 = arith.constant 0 : i32
        %dma_start3A_189 = arith.constant 0 : i32
        %dma_start3A_190 = tpu.memref_slice %arg2[%dma_start3A_188, %dma_start3A_189] : memref<10000x128xf32, #tpu.memory_space<hbm>> -> memref<10000x128xf32, #tpu.memory_space<hbm>>
        tpu.enqueue_indirect_dma source(%dma_start3A_190 : memref<10000x128xf32, #tpu.memory_space<hbm>>) target(%arg9 : memref<128x128xf32, #tpu.memory_space<vmem>>) offsets(%dma_start3A_187 : memref<128xi32, #tpu.memory_space<vmem>>) semaphore(%arg16 : memref<!tpu.dma_semaphore, #tpu.memory_space<semaphore_mem>>)
      } else {
      }
      %dma_wait3A_118 = arith.constant 0 : i32
      %dma_wait3A_119 = arith.constant 0 : i32
      %dma_wait3A_120 = tpu.memref_slice %arg6[%dma_wait3A_118, %dma_wait3A_119] : memref<2x128xi32, #tpu.memory_space<vmem>> -> memref<1x128xi32, #tpu.memory_space<vmem>>
      %dma_wait3A_121 = tpu.memref_squeeze %dma_wait3A_120 : memref<1x128xi32, #tpu.memory_space<vmem>> -> memref<128xi32, #tpu.memory_space<vmem>>
      %dma_wait3A_122 = arith.constant 0 : i32
      %dma_wait3A_123 = arith.constant 0 : i32
      %dma_wait3A_124 = tpu.memref_slice %arg2[%dma_wait3A_122, %dma_wait3A_123] : memref<10000x128xf32, #tpu.memory_space<hbm>> -> memref<10000x128xf32, #tpu.memory_space<hbm>>
      tpu.wait_indirect_dma semaphore(%arg15 : memref<!tpu.dma_semaphore, #tpu.memory_space<semaphore_mem>>) src(%dma_wait3A_124 : memref<10000x128xf32, #tpu.memory_space<hbm>>) dst(%arg8 : memref<128x128xf32, #tpu.memory_space<vmem>>)
      %run_scoped3A = arith.constant 0 : i32
      "tpu.region"() ({
        %run_scoped3A_156 = tpu.sem_alloc : memref<!tpu.dma_semaphore, #tpu.memory_space<semaphore_mem>>
        %dma_start3A_157 = arith.constant 0 : i32
        %dma_start3A_158 = tpu.memref_slice %arg7[%run_scoped3A, %dma_start3A_157] : memref<2x128xi32, #tpu.memory_space<vmem>> -> memref<1x128xi32, #tpu.memory_space<vmem>>
        %dma_start3A_159 = tpu.memref_squeeze %dma_start3A_158 : memref<1x128xi32, #tpu.memory_space<vmem>> -> memref<128xi32, #tpu.memory_space<vmem>>
        %dma_start3A_160 = arith.constant 0 : i32
        %dma_start3A_161 = arith.constant 0 : i32
        %dma_start3A_162 = tpu.memref_slice %arg10[%dma_start3A_160, %dma_start3A_161] : memref<10240x128xf32, #tpu.memory_space<vmem_shared>> -> memref<10240x128xf32, #tpu.memory_space<vmem_shared>>
        tpu.enqueue_indirect_dma source(%arg8 : memref<128x128xf32, #tpu.memory_space<vmem>>) target(%dma_start3A_162 : memref<10240x128xf32, #tpu.memory_space<vmem_shared>>) offsets(%dma_start3A_159 : memref<128xi32, #tpu.memory_space<vmem>>) semaphore(%run_scoped3A_156 : memref<!tpu.dma_semaphore, #tpu.memory_space<semaphore_mem>>) {add = true}
        %dma_wait3A_163 = arith.constant 0 : i32
        %dma_wait3A_164 = tpu.memref_slice %arg7[%run_scoped3A, %dma_wait3A_163] : memref<2x128xi32, #tpu.memory_space<vmem>> -> memref<1x128xi32, #tpu.memory_space<vmem>>
        %dma_wait3A_165 = tpu.memref_squeeze %dma_wait3A_164 : memref<1x128xi32, #tpu.memory_space<vmem>> -> memref<128xi32, #tpu.memory_space<vmem>>
        %dma_wait3A_166 = arith.constant 0 : i32
        %dma_wait3A_167 = arith.constant 0 : i32
        %dma_wait3A_168 = tpu.memref_slice %arg10[%dma_wait3A_166, %dma_wait3A_167] : memref<10240x128xf32, #tpu.memory_space<vmem_shared>> -> memref<10240x128xf32, #tpu.memory_space<vmem_shared>>
        tpu.wait_indirect_dma semaphore(%run_scoped3A_156 : memref<!tpu.dma_semaphore, #tpu.memory_space<semaphore_mem>>) src(%arg8 : memref<128x128xf32, #tpu.memory_space<vmem>>) dst(%dma_wait3A_168 : memref<10240x128xf32, #tpu.memory_space<vmem_shared>>)
        tpu.yield
      }) : () -> ()
      %add3A_125 = arith.constant 2 : i32
      %add3A_126 = arith.addi %add3A_113, %add3A_125 : i32
      %lt3A_127 = arith.constant 80 : i32
      %lt3A_128 = arith.cmpi slt, %add3A_126, %lt3A_127 : i32
      %convert_element_type3A_129 = arith.extui %lt3A_128 : i1 to i32
      %cond3A_130 = arith.constant 0 : i32
      %cond3A_131 = arith.cmpi ne, %convert_element_type3A_129, %cond3A_130 : i32
      scf.if %cond3A_131 {
        %add3A_156 = arith.constant 2 : i32
        %add3A_157 = arith.addi %add3A_113, %add3A_156 : i32
        %dma_start3A_158 = arith.constant 0 : i32
        %dma_start3A_159 = arith.constant 0 : i32
        %dma_start3A_160 = tpu.memref_slice %arg6[%dma_start3A_158, %dma_start3A_159] : memref<2x128xi32, #tpu.memory_space<vmem>> -> memref<1x128xi32, #tpu.memory_space<vmem>>
        %dma_start3A_161 = tpu.memref_squeeze %dma_start3A_160 : memref<1x128xi32, #tpu.memory_space<vmem>> -> memref<128xi32, #tpu.memory_space<vmem>>
        %dma_start3A_162 = arith.constant 0 : i32
        %dma_start3A_163 = tpu.memref_slice %arg3[%add3A, %add3A_157, %dma_start3A_162] : memref<32x80x128xi32, #tpu.memory_space<hbm>> -> memref<1x1x128xi32, #tpu.memory_space<hbm>>
        %dma_start3A_164 = tpu.memref_squeeze %dma_start3A_163 : memref<1x1x128xi32, #tpu.memory_space<hbm>> -> memref<128xi32, #tpu.memory_space<hbm>>
        %dma_start3A_165 = arith.constant 0 : i32
        %dma_start3A_166 = tpu.memref_slice %arg6[%dma_start3A_158, %dma_start3A_165] : memref<2x128xi32, #tpu.memory_space<vmem>> -> memref<1x128xi32, #tpu.memory_space<vmem>>
        %dma_start3A_167 = tpu.memref_squeeze %dma_start3A_166 : memref<1x128xi32, #tpu.memory_space<vmem>> -> memref<128xi32, #tpu.memory_space<vmem>>
        %dma_start3A_168 = arith.constant 0 : i32
        %dma_start3A_169 = tpu.memref_slice %arg3[%add3A, %add3A_157, %dma_start3A_168] : memref<32x80x128xi32, #tpu.memory_space<hbm>> -> memref<1x1x128xi32, #tpu.memory_space<hbm>>
        %dma_start3A_170 = tpu.memref_squeeze %dma_start3A_169 : memref<1x1x128xi32, #tpu.memory_space<hbm>> -> memref<128xi32, #tpu.memory_space<hbm>>
        tpu.enqueue_dma source(%dma_start3A_170 : memref<128xi32, #tpu.memory_space<hbm>>) target(%dma_start3A_167 : memref<128xi32, #tpu.memory_space<vmem>>) target_semaphore(%arg11 : memref<!tpu.dma_semaphore, #tpu.memory_space<semaphore_mem>>)
        %dma_start3A_171 = arith.constant 0 : i32
        %dma_start3A_172 = arith.constant 0 : i32
        %dma_start3A_173 = tpu.memref_slice %arg7[%dma_start3A_171, %dma_start3A_172] : memref<2x128xi32, #tpu.memory_space<vmem>> -> memref<1x128xi32, #tpu.memory_space<vmem>>
        %dma_start3A_174 = tpu.memref_squeeze %dma_start3A_173 : memref<1x128xi32, #tpu.memory_space<vmem>> -> memref<128xi32, #tpu.memory_space<vmem>>
        %dma_start3A_175 = arith.constant 0 : i32
        %dma_start3A_176 = tpu.memref_slice %arg4[%add3A, %add3A_157, %dma_start3A_175] : memref<32x80x128xi32, #tpu.memory_space<hbm>> -> memref<1x1x128xi32, #tpu.memory_space<hbm>>
        %dma_start3A_177 = tpu.memref_squeeze %dma_start3A_176 : memref<1x1x128xi32, #tpu.memory_space<hbm>> -> memref<128xi32, #tpu.memory_space<hbm>>
        %dma_start3A_178 = arith.constant 0 : i32
        %dma_start3A_179 = tpu.memref_slice %arg7[%dma_start3A_171, %dma_start3A_178] : memref<2x128xi32, #tpu.memory_space<vmem>> -> memref<1x128xi32, #tpu.memory_space<vmem>>
        %dma_start3A_180 = tpu.memref_squeeze %dma_start3A_179 : memref<1x128xi32, #tpu.memory_space<vmem>> -> memref<128xi32, #tpu.memory_space<vmem>>
        %dma_start3A_181 = arith.constant 0 : i32
        %dma_start3A_182 = tpu.memref_slice %arg4[%add3A, %add3A_157, %dma_start3A_181] : memref<32x80x128xi32, #tpu.memory_space<hbm>> -> memref<1x1x128xi32, #tpu.memory_space<hbm>>
        %dma_start3A_183 = tpu.memref_squeeze %dma_start3A_182 : memref<1x1x128xi32, #tpu.memory_space<hbm>> -> memref<128xi32, #tpu.memory_space<hbm>>
        tpu.enqueue_dma source(%dma_start3A_183 : memref<128xi32, #tpu.memory_space<hbm>>) target(%dma_start3A_180 : memref<128xi32, #tpu.memory_space<vmem>>) target_semaphore(%arg13 : memref<!tpu.dma_semaphore, #tpu.memory_space<semaphore_mem>>)
      } else {
      }
      %add3A_132 = arith.constant 1 : i32
      %add3A_133 = arith.addi %add3A_113, %add3A_132 : i32
      %add3A_134 = arith.constant 1 : i32
      %add3A_135 = arith.addi %add3A_133, %add3A_134 : i32
      %lt3A_136 = arith.constant 80 : i32
      %lt3A_137 = arith.cmpi slt, %add3A_135, %lt3A_136 : i32
      %convert_element_type3A_138 = arith.extui %lt3A_137 : i1 to i32
      %cond3A_139 = arith.constant 0 : i32
      %cond3A_140 = arith.cmpi ne, %convert_element_type3A_138, %cond3A_139 : i32
      scf.if %cond3A_140 {
        %dma_wait3A_156 = arith.constant 0 : i32
        %dma_wait3A_157 = arith.constant 0 : i32
        %dma_wait3A_158 = arith.constant 0 : i32
        %dma_wait3A_159 = tpu.memref_slice %arg6[%dma_wait3A_157, %dma_wait3A_158] : memref<2x128xi32, #tpu.memory_space<vmem>> -> memref<1x128xi32, #tpu.memory_space<vmem>>
        %dma_wait3A_160 = tpu.memref_squeeze %dma_wait3A_159 : memref<1x128xi32, #tpu.memory_space<vmem>> -> memref<128xi32, #tpu.memory_space<vmem>>
        %dma_wait3A_161 = arith.constant 0 : i32
        %dma_wait3A_162 = tpu.memref_slice %arg3[%add3A, %dma_wait3A_156, %dma_wait3A_161] : memref<32x80x128xi32, #tpu.memory_space<hbm>> -> memref<1x1x128xi32, #tpu.memory_space<hbm>>
        %dma_wait3A_163 = tpu.memref_squeeze %dma_wait3A_162 : memref<1x1x128xi32, #tpu.memory_space<hbm>> -> memref<128xi32, #tpu.memory_space<hbm>>
        %dma_wait3A_164 = arith.constant 0 : i32
        %dma_wait3A_165 = tpu.memref_slice %arg6[%dma_wait3A_157, %dma_wait3A_164] : memref<2x128xi32, #tpu.memory_space<vmem>> -> memref<1x128xi32, #tpu.memory_space<vmem>>
        %dma_wait3A_166 = tpu.memref_squeeze %dma_wait3A_165 : memref<1x128xi32, #tpu.memory_space<vmem>> -> memref<128xi32, #tpu.memory_space<vmem>>
        %dma_wait3A_167 = arith.constant 0 : i32
        %dma_wait3A_168 = tpu.memref_slice %arg3[%add3A, %dma_wait3A_156, %dma_wait3A_167] : memref<32x80x128xi32, #tpu.memory_space<hbm>> -> memref<1x1x128xi32, #tpu.memory_space<hbm>>
        %dma_wait3A_169 = tpu.memref_squeeze %dma_wait3A_168 : memref<1x1x128xi32, #tpu.memory_space<hbm>> -> memref<128xi32, #tpu.memory_space<hbm>>
        tpu.wait_dma2 semaphore(%arg11 : memref<!tpu.dma_semaphore, #tpu.memory_space<semaphore_mem>>) src(%dma_wait3A_169 : memref<128xi32, #tpu.memory_space<hbm>>) dst(%dma_wait3A_166 : memref<128xi32, #tpu.memory_space<vmem>>)
        %dma_wait3A_170 = arith.constant 0 : i32
        %dma_wait3A_171 = arith.constant 0 : i32
        %dma_wait3A_172 = arith.constant 0 : i32
        %dma_wait3A_173 = tpu.memref_slice %arg7[%dma_wait3A_171, %dma_wait3A_172] : memref<2x128xi32, #tpu.memory_space<vmem>> -> memref<1x128xi32, #tpu.memory_space<vmem>>
        %dma_wait3A_174 = tpu.memref_squeeze %dma_wait3A_173 : memref<1x128xi32, #tpu.memory_space<vmem>> -> memref<128xi32, #tpu.memory_space<vmem>>
        %dma_wait3A_175 = arith.constant 0 : i32
        %dma_wait3A_176 = tpu.memref_slice %arg4[%add3A, %dma_wait3A_170, %dma_wait3A_175] : memref<32x80x128xi32, #tpu.memory_space<hbm>> -> memref<1x1x128xi32, #tpu.memory_space<hbm>>
        %dma_wait3A_177 = tpu.memref_squeeze %dma_wait3A_176 : memref<1x1x128xi32, #tpu.memory_space<hbm>> -> memref<128xi32, #tpu.memory_space<hbm>>
        %dma_wait3A_178 = arith.constant 0 : i32
        %dma_wait3A_179 = tpu.memref_slice %arg7[%dma_wait3A_171, %dma_wait3A_178] : memref<2x128xi32, #tpu.memory_space<vmem>> -> memref<1x128xi32, #tpu.memory_space<vmem>>
        %dma_wait3A_180 = tpu.memref_squeeze %dma_wait3A_179 : memref<1x128xi32, #tpu.memory_space<vmem>> -> memref<128xi32, #tpu.memory_space<vmem>>
        %dma_wait3A_181 = arith.constant 0 : i32
        %dma_wait3A_182 = tpu.memref_slice %arg4[%add3A, %dma_wait3A_170, %dma_wait3A_181] : memref<32x80x128xi32, #tpu.memory_space<hbm>> -> memref<1x1x128xi32, #tpu.memory_space<hbm>>
        %dma_wait3A_183 = tpu.memref_squeeze %dma_wait3A_182 : memref<1x1x128xi32, #tpu.memory_space<hbm>> -> memref<128xi32, #tpu.memory_space<hbm>>
        tpu.wait_dma2 semaphore(%arg13 : memref<!tpu.dma_semaphore, #tpu.memory_space<semaphore_mem>>) src(%dma_wait3A_183 : memref<128xi32, #tpu.memory_space<hbm>>) dst(%dma_wait3A_180 : memref<128xi32, #tpu.memory_space<vmem>>)
        %dma_start3A_184 = arith.constant 0 : i32
        %dma_start3A_185 = arith.constant 0 : i32
        %dma_start3A_186 = tpu.memref_slice %arg6[%dma_start3A_184, %dma_start3A_185] : memref<2x128xi32, #tpu.memory_space<vmem>> -> memref<1x128xi32, #tpu.memory_space<vmem>>
        %dma_start3A_187 = tpu.memref_squeeze %dma_start3A_186 : memref<1x128xi32, #tpu.memory_space<vmem>> -> memref<128xi32, #tpu.memory_space<vmem>>
        %dma_start3A_188 = arith.constant 0 : i32
        %dma_start3A_189 = arith.constant 0 : i32
        %dma_start3A_190 = tpu.memref_slice %arg2[%dma_start3A_188, %dma_start3A_189] : memref<10000x128xf32, #tpu.memory_space<hbm>> -> memref<10000x128xf32, #tpu.memory_space<hbm>>
        tpu.enqueue_indirect_dma source(%dma_start3A_190 : memref<10000x128xf32, #tpu.memory_space<hbm>>) target(%arg8 : memref<128x128xf32, #tpu.memory_space<vmem>>) offsets(%dma_start3A_187 : memref<128xi32, #tpu.memory_space<vmem>>) semaphore(%arg15 : memref<!tpu.dma_semaphore, #tpu.memory_space<semaphore_mem>>)
      } else {
      }
      %dma_wait3A_141 = arith.constant 1 : i32
      %dma_wait3A_142 = arith.constant 0 : i32
      %dma_wait3A_143 = tpu.memref_slice %arg6[%dma_wait3A_141, %dma_wait3A_142] : memref<2x128xi32, #tpu.memory_space<vmem>> -> memref<1x128xi32, #tpu.memory_space<vmem>>
      %dma_wait3A_144 = tpu.memref_squeeze %dma_wait3A_143 : memref<1x128xi32, #tpu.memory_space<vmem>> -> memref<128xi32, #tpu.memory_space<vmem>>
      %dma_wait3A_145 = arith.constant 0 : i32
      %dma_wait3A_146 = arith.constant 0 : i32
      %dma_wait3A_147 = tpu.memref_slice %arg2[%dma_wait3A_145, %dma_wait3A_146] : memref<10000x128xf32, #tpu.memory_space<hbm>> -> memref<10000x128xf32, #tpu.memory_space<hbm>>
      tpu.wait_indirect_dma semaphore(%arg16 : memref<!tpu.dma_semaphore, #tpu.memory_space<semaphore_mem>>) src(%dma_wait3A_147 : memref<10000x128xf32, #tpu.memory_space<hbm>>) dst(%arg9 : memref<128x128xf32, #tpu.memory_space<vmem>>)
      %run_scoped3A_148 = arith.constant 1 : i32
      "tpu.region"() ({
        %run_scoped3A_156 = tpu.sem_alloc : memref<!tpu.dma_semaphore, #tpu.memory_space<semaphore_mem>>
        %dma_start3A_157 = arith.constant 0 : i32
        %dma_start3A_158 = tpu.memref_slice %arg7[%run_scoped3A_148, %dma_start3A_157] : memref<2x128xi32, #tpu.memory_space<vmem>> -> memref<1x128xi32, #tpu.memory_space<vmem>>
        %dma_start3A_159 = tpu.memref_squeeze %dma_start3A_158 : memref<1x128xi32, #tpu.memory_space<vmem>> -> memref<128xi32, #tpu.memory_space<vmem>>
        %dma_start3A_160 = arith.constant 0 : i32
        %dma_start3A_161 = arith.constant 0 : i32
        %dma_start3A_162 = tpu.memref_slice %arg10[%dma_start3A_160, %dma_start3A_161] : memref<10240x128xf32, #tpu.memory_space<vmem_shared>> -> memref<10240x128xf32, #tpu.memory_space<vmem_shared>>
        tpu.enqueue_indirect_dma source(%arg9 : memref<128x128xf32, #tpu.memory_space<vmem>>) target(%dma_start3A_162 : memref<10240x128xf32, #tpu.memory_space<vmem_shared>>) offsets(%dma_start3A_159 : memref<128xi32, #tpu.memory_space<vmem>>) semaphore(%run_scoped3A_156 : memref<!tpu.dma_semaphore, #tpu.memory_space<semaphore_mem>>) {add = true}
        %dma_wait3A_163 = arith.constant 0 : i32
        %dma_wait3A_164 = tpu.memref_slice %arg7[%run_scoped3A_148, %dma_wait3A_163] : memref<2x128xi32, #tpu.memory_space<vmem>> -> memref<1x128xi32, #tpu.memory_space<vmem>>
        %dma_wait3A_165 = tpu.memref_squeeze %dma_wait3A_164 : memref<1x128xi32, #tpu.memory_space<vmem>> -> memref<128xi32, #tpu.memory_space<vmem>>
        %dma_wait3A_166 = arith.constant 0 : i32
        %dma_wait3A_167 = arith.constant 0 : i32
        %dma_wait3A_168 = tpu.memref_slice %arg10[%dma_wait3A_166, %dma_wait3A_167] : memref<10240x128xf32, #tpu.memory_space<vmem_shared>> -> memref<10240x128xf32, #tpu.memory_space<vmem_shared>>
        tpu.wait_indirect_dma semaphore(%run_scoped3A_156 : memref<!tpu.dma_semaphore, #tpu.memory_space<semaphore_mem>>) src(%arg9 : memref<128x128xf32, #tpu.memory_space<vmem>>) dst(%dma_wait3A_168 : memref<10240x128xf32, #tpu.memory_space<vmem_shared>>)
        tpu.yield
      }) : () -> ()
      %add3A_149 = arith.constant 2 : i32
      %add3A_150 = arith.addi %add3A_133, %add3A_149 : i32
      %lt3A_151 = arith.constant 80 : i32
      %lt3A_152 = arith.cmpi slt, %add3A_150, %lt3A_151 : i32
      %convert_element_type3A_153 = arith.extui %lt3A_152 : i1 to i32
      %cond3A_154 = arith.constant 0 : i32
      %cond3A_155 = arith.cmpi ne, %convert_element_type3A_153, %cond3A_154 : i32
      scf.if %cond3A_155 {
        %add3A_156 = arith.constant 2 : i32
        %add3A_157 = arith.addi %add3A_133, %add3A_156 : i32
        %dma_start3A_158 = arith.constant 1 : i32
        %dma_start3A_159 = arith.constant 0 : i32
        %dma_start3A_160 = tpu.memref_slice %arg6[%dma_start3A_158, %dma_start3A_159] : memref<2x128xi32, #tpu.memory_space<vmem>> -> memref<1x128xi32, #tpu.memory_space<vmem>>
        %dma_start3A_161 = tpu.memref_squeeze %dma_start3A_160 : memref<1x128xi32, #tpu.memory_space<vmem>> -> memref<128xi32, #tpu.memory_space<vmem>>
        %dma_start3A_162 = arith.constant 0 : i32
        %dma_start3A_163 = tpu.memref_slice %arg3[%add3A, %add3A_157, %dma_start3A_162] : memref<32x80x128xi32, #tpu.memory_space<hbm>> -> memref<1x1x128xi32, #tpu.memory_space<hbm>>
        %dma_start3A_164 = tpu.memref_squeeze %dma_start3A_163 : memref<1x1x128xi32, #tpu.memory_space<hbm>> -> memref<128xi32, #tpu.memory_space<hbm>>
        %dma_start3A_165 = arith.constant 0 : i32
        %dma_start3A_166 = tpu.memref_slice %arg6[%dma_start3A_158, %dma_start3A_165] : memref<2x128xi32, #tpu.memory_space<vmem>> -> memref<1x128xi32, #tpu.memory_space<vmem>>
        %dma_start3A_167 = tpu.memref_squeeze %dma_start3A_166 : memref<1x128xi32, #tpu.memory_space<vmem>> -> memref<128xi32, #tpu.memory_space<vmem>>
        %dma_start3A_168 = arith.constant 0 : i32
        %dma_start3A_169 = tpu.memref_slice %arg3[%add3A, %add3A_157, %dma_start3A_168] : memref<32x80x128xi32, #tpu.memory_space<hbm>> -> memref<1x1x128xi32, #tpu.memory_space<hbm>>
        %dma_start3A_170 = tpu.memref_squeeze %dma_start3A_169 : memref<1x1x128xi32, #tpu.memory_space<hbm>> -> memref<128xi32, #tpu.memory_space<hbm>>
        tpu.enqueue_dma source(%dma_start3A_170 : memref<128xi32, #tpu.memory_space<hbm>>) target(%dma_start3A_167 : memref<128xi32, #tpu.memory_space<vmem>>) target_semaphore(%arg12 : memref<!tpu.dma_semaphore, #tpu.memory_space<semaphore_mem>>)
        %dma_start3A_171 = arith.constant 1 : i32
        %dma_start3A_172 = arith.constant 0 : i32
        %dma_start3A_173 = tpu.memref_slice %arg7[%dma_start3A_171, %dma_start3A_172] : memref<2x128xi32, #tpu.memory_space<vmem>> -> memref<1x128xi32, #tpu.memory_space<vmem>>
        %dma_start3A_174 = tpu.memref_squeeze %dma_start3A_173 : memref<1x128xi32, #tpu.memory_space<vmem>> -> memref<128xi32, #tpu.memory_space<vmem>>
        %dma_start3A_175 = arith.constant 0 : i32
        %dma_start3A_176 = tpu.memref_slice %arg4[%add3A, %add3A_157, %dma_start3A_175] : memref<32x80x128xi32, #tpu.memory_space<hbm>> -> memref<1x1x128xi32, #tpu.memory_space<hbm>>
        %dma_start3A_177 = tpu.memref_squeeze %dma_start3A_176 : memref<1x1x128xi32, #tpu.memory_space<hbm>> -> memref<128xi32, #tpu.memory_space<hbm>>
        %dma_start3A_178 = arith.constant 0 : i32
        %dma_start3A_179 = tpu.memref_slice %arg7[%dma_start3A_171, %dma_start3A_178] : memref<2x128xi32, #tpu.memory_space<vmem>> -> memref<1x128xi32, #tpu.memory_space<vmem>>
        %dma_start3A_180 = tpu.memref_squeeze %dma_start3A_179 : memref<1x128xi32, #tpu.memory_space<vmem>> -> memref<128xi32, #tpu.memory_space<vmem>>
        %dma_start3A_181 = arith.constant 0 : i32
        %dma_start3A_182 = tpu.memref_slice %arg4[%add3A, %add3A_157, %dma_start3A_181] : memref<32x80x128xi32, #tpu.memory_space<hbm>> -> memref<1x1x128xi32, #tpu.memory_space<hbm>>
        %dma_start3A_183 = tpu.memref_squeeze %dma_start3A_182 : memref<1x1x128xi32, #tpu.memory_space<hbm>> -> memref<128xi32, #tpu.memory_space<hbm>>
        tpu.enqueue_dma source(%dma_start3A_183 : memref<128xi32, #tpu.memory_space<hbm>>) target(%dma_start3A_180 : memref<128xi32, #tpu.memory_space<vmem>>) target_semaphore(%arg14 : memref<!tpu.dma_semaphore, #tpu.memory_space<semaphore_mem>>)
      } else {
      }
    }
    %scan3A_103 = arith.constant 40 : i32
    %barrier3A_104 = arith.constant 0 : index
    tpu.barrier barrier_id(%barrier3A_104)
    %mul3A_105 = arith.constant 640 : i32
    %mul3A_106 = arith.muli %arg1, %mul3A_105 : i32
    %mul3A_107 = arith.constant 640 : i32
    %mul3A_108 = arith.muli %arg1, %mul3A_107 : i32
    "tpu.region"() ({
      %run_scoped3A = tpu.sem_alloc : memref<!tpu.dma_semaphore, #tpu.memory_space<semaphore_mem>>
      %dma_start3A_109 = arith.constant 0 : i32
      %dma_start3A_110 = tpu.memref_slice %arg5[%arg0, %mul3A_108, %dma_start3A_109] : memref<2x10240x128xf32, #tpu.memory_space<hbm>> -> memref<1x640x128xf32, #tpu.memory_space<hbm>>
      %dma_start3A_111 = tpu.memref_squeeze %dma_start3A_110 : memref<1x640x128xf32, #tpu.memory_space<hbm>> -> memref<640x128xf32, #tpu.memory_space<hbm>>
      %dma_start3A_112 = arith.constant 0 : i32
      %dma_start3A_113 = tpu.memref_slice %arg10[%mul3A_106, %dma_start3A_112] : memref<10240x128xf32, #tpu.memory_space<vmem_shared>> -> memref<640x128xf32, #tpu.memory_space<vmem_shared>>
      tpu.enqueue_dma source(%dma_start3A_113 : memref<640x128xf32, #tpu.memory_space<vmem_shared>>) target(%dma_start3A_111 : memref<640x128xf32, #tpu.memory_space<hbm>>) target_semaphore(%run_scoped3A : memref<!tpu.dma_semaphore, #tpu.memory_space<semaphore_mem>>)
      %dma_wait3A_114 = arith.constant 0 : i32
      %dma_wait3A_115 = tpu.memref_slice %arg5[%arg0, %mul3A_108, %dma_wait3A_114] : memref<2x10240x128xf32, #tpu.memory_space<hbm>> -> memref<1x640x128xf32, #tpu.memory_space<hbm>>
      %dma_wait3A_116 = tpu.memref_squeeze %dma_wait3A_115 : memref<1x640x128xf32, #tpu.memory_space<hbm>> -> memref<640x128xf32, #tpu.memory_space<hbm>>
      %dma_wait3A_117 = arith.constant 0 : i32
      %dma_wait3A_118 = tpu.memref_slice %arg10[%mul3A_106, %dma_wait3A_117] : memref<10240x128xf32, #tpu.memory_space<vmem_shared>> -> memref<640x128xf32, #tpu.memory_space<vmem_shared>>
      tpu.wait_dma2 semaphore(%run_scoped3A : memref<!tpu.dma_semaphore, #tpu.memory_space<semaphore_mem>>) src(%dma_wait3A_118 : memref<640x128xf32, #tpu.memory_space<vmem_shared>>) dst(%dma_wait3A_116 : memref<640x128xf32, #tpu.memory_space<hbm>>)
      tpu.yield
    }) : () -> ()
    return
  }
}

#map = affine_map<(d0, d1) -> (0, 0)>
#map1 = affine_map<(d0, d1) -> (0, 0, 0)>
module attributes {stable_mosaic.version = 14 : i64} {
  func.func @k(%arg0: i32, %arg1: i32, %arg2: memref<10000x128xf32, #tpu.memory_space<hbm>>, %arg3: memref<32x80x128xi32, #tpu.memory_space<hbm>>, %arg4: memref<32x80x128xi32, #tpu.memory_space<hbm>>, %arg5: memref<2x10240x128xf32, #tpu.memory_space<hbm>>, %arg6: memref<2x128xi32, #tpu.memory_space<vmem>>, %arg7: memref<2x128xi32, #tpu.memory_space<vmem>>, %arg8: memref<128x128xf32, #tpu.memory_space<vmem>>, %arg9: memref<128x128xf32, #tpu.memory_space<vmem>>, %arg10: memref<10240x128xf32, #tpu.memory_space<vmem_shared>>, %arg11: memref<!tpu.dma_semaphore, #tpu.memory_space<semaphore_mem>>, %arg12: memref<!tpu.dma_semaphore, #tpu.memory_space<semaphore_mem>>, %arg13: memref<!tpu.dma_semaphore, #tpu.memory_space<semaphore_mem>>, %arg14: memref<!tpu.dma_semaphore, #tpu.memory_space<semaphore_mem>>, %arg15: memref<!tpu.dma_semaphore, #tpu.memory_space<semaphore_mem>>, %arg16: memref<!tpu.dma_semaphore, #tpu.memory_space<semaphore_mem>>) attributes {dimension_semantics = [#tpu.dimension_semantics<core_parallel>, #tpu.dimension_semantics<subcore_parallel>], iteration_bounds = array<i64: 2, 16>, scalar_prefetch = 0 : i64, scratch_operands = 11 : i64, tpu.core_type = #tpu.core_type<sc_vector_subcore>, window_params = [{transform_indices = #map}, {transform_indices = #map1}, {transform_indices = #map1}, {transform_indices = #map1}]} {
    %mul3A = arith.constant 16 : i32
    %mul3A_0 = arith.muli %arg0, %mul3A : i32
    %add3A = arith.addi %mul3A_0, %arg1 : i32
    %scan3A = arith.constant 0 : i32
    %scan3A_1 = arith.constant 128 : i32
    %scan3A_2 = arith.addi %scan3A, %scan3A_1 : i32
    %scan3A_3 = arith.constant 1 : i32
    scf.for %scan3A_109 = %scan3A to %scan3A_2 step %scan3A_3  : i32 {
      %mul3A_110 = arith.constant 1 : i32
      %mul3A_111 = arith.muli %scan3A_109, %mul3A_110 : i32
      %add3A_112 = arith.constant 0 : i32
      %add3A_113 = arith.addi %add3A_112, %mul3A_111 : i32
      %scan3A_114 = arith.constant 0 : i32
      %scan3A_115 = arith.constant 8 : i32
      %scan3A_116 = arith.addi %scan3A_114, %scan3A_115 : i32
      %scan3A_117 = arith.constant 1 : i32
      scf.for %scan3A_119 = %scan3A_114 to %scan3A_116 step %scan3A_117  : i32 {
        %mul3A_120 = arith.constant 16 : i32
        %mul3A_121 = arith.muli %scan3A_119, %mul3A_120 : i32
        %add3A_122 = arith.constant 0 : i32
        %add3A_123 = arith.addi %add3A_122, %mul3A_121 : i32
        %broadcast_in_dim3A = arith.constant 0.000000e+00 : f32
        %broadcast_in_dim3A_124 = vector.broadcast %broadcast_in_dim3A : f32 to vector<16xf32>
        %swap3A = arith.index_cast %add3A_113 : i32 to index
        %swap3A_125 = arith.index_cast %add3A_123 : i32 to index
        %swap3A_126 = tpu.vector_load %arg8[%swap3A, %swap3A_125] {strides = array<i32>} : memref<128x128xf32, #tpu.memory_space<vmem>>, vector<1x16xf32>,
        %swap3A_127 = vector.shape_cast %swap3A_126 : vector<1x16xf32> to vector<16xf32>
        %swap3A_128 = vector.shape_cast %broadcast_in_dim3A_124 : vector<16xf32> to vector<1x16xf32>
        tpu.vector_store %arg8[%swap3A, %swap3A_125], %swap3A_128 {strides = array<i32>} : memref<128x128xf32, #tpu.memory_space<vmem>>, vector<1x16xf32>,
      }
      %scan3A_118 = arith.constant 8 : i32
    }
    %scan3A_4 = arith.constant 128 : i32
    %scan3A_5 = arith.constant 0 : i32
    %scan3A_6 = arith.constant 5 : i32
    %scan3A_7 = arith.addi %scan3A_5, %scan3A_6 : i32
    %scan3A_8 = arith.constant 1 : i32
    scf.for %scan3A_109 = %scan3A_5 to %scan3A_7 step %scan3A_8  : i32 {
      %mul3A_110 = arith.constant 128 : i32
      %mul3A_111 = arith.muli %scan3A_109, %mul3A_110 : i32
      %add3A_112 = arith.constant 0 : i32
      %add3A_113 = arith.addi %add3A_112, %mul3A_111 : i32
      %mul3A_114 = arith.constant 640 : i32
      %mul3A_115 = arith.muli %arg1, %mul3A_114 : i32
      %add3A_116 = arith.addi %mul3A_115, %add3A_113 : i32
      "tpu.region"() ({
        %run_scoped3A = tpu.sem_alloc : memref<!tpu.dma_semaphore, #tpu.memory_space<semaphore_mem>>
        %dma_start3A_117 = arith.constant 0 : i32
        %dma_start3A_118 = tpu.memref_slice %arg10[%add3A_116, %dma_start3A_117] : memref<10240x128xf32, #tpu.memory_space<vmem_shared>> -> memref<128x128xf32, #tpu.memory_space<vmem_shared>>
        %dma_start3A_119 = arith.constant 0 : i32
        %dma_start3A_120 = tpu.memref_slice %arg10[%add3A_116, %dma_start3A_119] : memref<10240x128xf32, #tpu.memory_space<vmem_shared>> -> memref<128x128xf32, #tpu.memory_space<vmem_shared>>
        tpu.enqueue_dma source(%arg8 : memref<128x128xf32, #tpu.memory_space<vmem>>) target(%dma_start3A_120 : memref<128x128xf32, #tpu.memory_space<vmem_shared>>) target_semaphore(%run_scoped3A : memref<!tpu.dma_semaphore, #tpu.memory_space<semaphore_mem>>)
        %dma_wait3A_121 = arith.constant 0 : i32
        %dma_wait3A_122 = tpu.memref_slice %arg10[%add3A_116, %dma_wait3A_121] : memref<10240x128xf32, #tpu.memory_space<vmem_shared>> -> memref<128x128xf32, #tpu.memory_space<vmem_shared>>
        %dma_wait3A_123 = arith.constant 0 : i32
        %dma_wait3A_124 = tpu.memref_slice %arg10[%add3A_116, %dma_wait3A_123] : memref<10240x128xf32, #tpu.memory_space<vmem_shared>> -> memref<128x128xf32, #tpu.memory_space<vmem_shared>>
        tpu.wait_dma2 semaphore(%run_scoped3A : memref<!tpu.dma_semaphore, #tpu.memory_space<semaphore_mem>>) src(%arg8 : memref<128x128xf32, #tpu.memory_space<vmem>>) dst(%dma_wait3A_124 : memref<128x128xf32, #tpu.memory_space<vmem_shared>>)
        tpu.yield
      }) : () -> ()
    }
    %scan3A_9 = arith.constant 5 : i32
    %barrier3A = arith.constant 0 : index
    tpu.barrier barrier_id(%barrier3A)
    %dma_start3A = arith.constant 0 : i32
    %dma_start3A_10 = arith.constant 0 : i32
    %dma_start3A_11 = arith.constant 0 : i32
    %dma_start3A_12 = tpu.memref_slice %arg6[%dma_start3A_10, %dma_start3A_11] : memref<2x128xi32, #tpu.memory_space<vmem>> -> memref<1x128xi32, #tpu.memory_space<vmem>>
    %dma_start3A_13 = tpu.memref_squeeze %dma_start3A_12 : memref<1x128xi32, #tpu.memory_space<vmem>> -> memref<128xi32, #tpu.memory_space<vmem>>
    %dma_start3A_14 = arith.constant 0 : i32
    %dma_start3A_15 = tpu.memref_slice %arg3[%add3A, %dma_start3A, %dma_start3A_14] : memref<32x80x128xi32, #tpu.memory_space<hbm>> -> memref<1x1x128xi32, #tpu.memory_space<hbm>>
    %dma_start3A_16 = tpu.memref_squeeze %dma_start3A_15 : memref<1x1x128xi32, #tpu.memory_space<hbm>> -> memref<128xi32, #tpu.memory_space<hbm>>
    %dma_start3A_17 = arith.constant 0 : i32
    %dma_start3A_18 = tpu.memref_slice %arg6[%dma_start3A_10, %dma_start3A_17] : memref<2x128xi32, #tpu.memory_space<vmem>> -> memref<1x128xi32, #tpu.memory_space<vmem>>
    %dma_start3A_19 = tpu.memref_squeeze %dma_start3A_18 : memref<1x128xi32, #tpu.memory_space<vmem>> -> memref<128xi32, #tpu.memory_space<vmem>>
    %dma_start3A_20 = arith.constant 0 : i32
    %dma_start3A_21 = tpu.memref_slice %arg3[%add3A, %dma_start3A, %dma_start3A_20] : memref<32x80x128xi32, #tpu.memory_space<hbm>> -> memref<1x1x128xi32, #tpu.memory_space<hbm>>
    %dma_start3A_22 = tpu.memref_squeeze %dma_start3A_21 : memref<1x1x128xi32, #tpu.memory_space<hbm>> -> memref<128xi32, #tpu.memory_space<hbm>>
    tpu.enqueue_dma source(%dma_start3A_22 : memref<128xi32, #tpu.memory_space<hbm>>) target(%dma_start3A_19 : memref<128xi32, #tpu.memory_space<vmem>>) target_semaphore(%arg11 : memref<!tpu.dma_semaphore, #tpu.memory_space<semaphore_mem>>)
    %dma_start3A_23 = arith.constant 0 : i32
    %dma_start3A_24 = arith.constant 0 : i32
    %dma_start3A_25 = arith.constant 0 : i32
    %dma_start3A_26 = tpu.memref_slice %arg7[%dma_start3A_24, %dma_start3A_25] : memref<2x128xi32, #tpu.memory_space<vmem>> -> memref<1x128xi32, #tpu.memory_space<vmem>>
    %dma_start3A_27 = tpu.memref_squeeze %dma_start3A_26 : memref<1x128xi32, #tpu.memory_space<vmem>> -> memref<128xi32, #tpu.memory_space<vmem>>
    %dma_start3A_28 = arith.constant 0 : i32
    %dma_start3A_29 = tpu.memref_slice %arg4[%add3A, %dma_start3A_23, %dma_start3A_28] : memref<32x80x128xi32, #tpu.memory_space<hbm>> -> memref<1x1x128xi32, #tpu.memory_space<hbm>>
    %dma_start3A_30 = tpu.memref_squeeze %dma_start3A_29 : memref<1x1x128xi32, #tpu.memory_space<hbm>> -> memref<128xi32, #tpu.memory_space<hbm>>
    %dma_start3A_31 = arith.constant 0 : i32
    %dma_start3A_32 = tpu.memref_slice %arg7[%dma_start3A_24, %dma_start3A_31] : memref<2x128xi32, #tpu.memory_space<vmem>> -> memref<1x128xi32, #tpu.memory_space<vmem>>
    %dma_start3A_33 = tpu.memref_squeeze %dma_start3A_32 : memref<1x128xi32, #tpu.memory_space<vmem>> -> memref<128xi32, #tpu.memory_space<vmem>>
    %dma_start3A_34 = arith.constant 0 : i32
    %dma_start3A_35 = tpu.memref_slice %arg4[%add3A, %dma_start3A_23, %dma_start3A_34] : memref<32x80x128xi32, #tpu.memory_space<hbm>> -> memref<1x1x128xi32, #tpu.memory_space<hbm>>
    %dma_start3A_36 = tpu.memref_squeeze %dma_start3A_35 : memref<1x1x128xi32, #tpu.memory_space<hbm>> -> memref<128xi32, #tpu.memory_space<hbm>>
    tpu.enqueue_dma source(%dma_start3A_36 : memref<128xi32, #tpu.memory_space<hbm>>) target(%dma_start3A_33 : memref<128xi32, #tpu.memory_space<vmem>>) target_semaphore(%arg13 : memref<!tpu.dma_semaphore, #tpu.memory_space<semaphore_mem>>)
    %dma_start3A_37 = arith.constant 1 : i32
    %dma_start3A_38 = arith.constant 1 : i32
    %dma_start3A_39 = arith.constant 0 : i32
    %dma_start3A_40 = tpu.memref_slice %arg6[%dma_start3A_38, %dma_start3A_39] : memref<2x128xi32, #tpu.memory_space<vmem>> -> memref<1x128xi32, #tpu.memory_space<vmem>>
    %dma_start3A_41 = tpu.memref_squeeze %dma_start3A_40 : memref<1x128xi32, #tpu.memory_space<vmem>> -> memref<128xi32, #tpu.memory_space<vmem>>
    %dma_start3A_42 = arith.constant 0 : i32
    %dma_start3A_43 = tpu.memref_slice %arg3[%add3A, %dma_start3A_37, %dma_start3A_42] : memref<32x80x128xi32, #tpu.memory_space<hbm>> -> memref<1x1x128xi32, #tpu.memory_space<hbm>>
    %dma_start3A_44 = tpu.memref_squeeze %dma_start3A_43 : memref<1x1x128xi32, #tpu.memory_space<hbm>> -> memref<128xi32, #tpu.memory_space<hbm>>
    %dma_start3A_45 = arith.constant 0 : i32
    %dma_start3A_46 = tpu.memref_slice %arg6[%dma_start3A_38, %dma_start3A_45] : memref<2x128xi32, #tpu.memory_space<vmem>> -> memref<1x128xi32, #tpu.memory_space<vmem>>
    %dma_start3A_47 = tpu.memref_squeeze %dma_start3A_46 : memref<1x128xi32, #tpu.memory_space<vmem>> -> memref<128xi32, #tpu.memory_space<vmem>>
    %dma_start3A_48 = arith.constant 0 : i32
    %dma_start3A_49 = tpu.memref_slice %arg3[%add3A, %dma_start3A_37, %dma_start3A_48] : memref<32x80x128xi32, #tpu.memory_space<hbm>> -> memref<1x1x128xi32, #tpu.memory_space<hbm>>
    %dma_start3A_50 = tpu.memref_squeeze %dma_start3A_49 : memref<1x1x128xi32, #tpu.memory_space<hbm>> -> memref<128xi32, #tpu.memory_space<hbm>>
    tpu.enqueue_dma source(%dma_start3A_50 : memref<128xi32, #tpu.memory_space<hbm>>) target(%dma_start3A_47 : memref<128xi32, #tpu.memory_space<vmem>>) target_semaphore(%arg12 : memref<!tpu.dma_semaphore, #tpu.memory_space<semaphore_mem>>)
    %dma_start3A_51 = arith.constant 1 : i32
    %dma_start3A_52 = arith.constant 1 : i32
    %dma_start3A_53 = arith.constant 0 : i32
    %dma_start3A_54 = tpu.memref_slice %arg7[%dma_start3A_52, %dma_start3A_53] : memref<2x128xi32, #tpu.memory_space<vmem>> -> memref<1x128xi32, #tpu.memory_space<vmem>>
    %dma_start3A_55 = tpu.memref_squeeze %dma_start3A_54 : memref<1x128xi32, #tpu.memory_space<vmem>> -> memref<128xi32, #tpu.memory_space<vmem>>
    %dma_start3A_56 = arith.constant 0 : i32
    %dma_start3A_57 = tpu.memref_slice %arg4[%add3A, %dma_start3A_51, %dma_start3A_56] : memref<32x80x128xi32, #tpu.memory_space<hbm>> -> memref<1x1x128xi32, #tpu.memory_space<hbm>>
    %dma_start3A_58 = tpu.memref_squeeze %dma_start3A_57 : memref<1x1x128xi32, #tpu.memory_space<hbm>> -> memref<128xi32, #tpu.memory_space<hbm>>
    %dma_start3A_59 = arith.constant 0 : i32
    %dma_start3A_60 = tpu.memref_slice %arg7[%dma_start3A_52, %dma_start3A_59] : memref<2x128xi32, #tpu.memory_space<vmem>> -> memref<1x128xi32, #tpu.memory_space<vmem>>
    %dma_start3A_61 = tpu.memref_squeeze %dma_start3A_60 : memref<1x128xi32, #tpu.memory_space<vmem>> -> memref<128xi32, #tpu.memory_space<vmem>>
    %dma_start3A_62 = arith.constant 0 : i32
    %dma_start3A_63 = tpu.memref_slice %arg4[%add3A, %dma_start3A_51, %dma_start3A_62] : memref<32x80x128xi32, #tpu.memory_space<hbm>> -> memref<1x1x128xi32, #tpu.memory_space<hbm>>
    %dma_start3A_64 = tpu.memref_squeeze %dma_start3A_63 : memref<1x1x128xi32, #tpu.memory_space<hbm>> -> memref<128xi32, #tpu.memory_space<hbm>>
    tpu.enqueue_dma source(%dma_start3A_64 : memref<128xi32, #tpu.memory_space<hbm>>) target(%dma_start3A_61 : memref<128xi32, #tpu.memory_space<vmem>>) target_semaphore(%arg14 : memref<!tpu.dma_semaphore, #tpu.memory_space<semaphore_mem>>)
    %dma_wait3A = arith.constant 0 : i32
    %dma_wait3A_65 = arith.constant 0 : i32
    %dma_wait3A_66 = arith.constant 0 : i32
    %dma_wait3A_67 = tpu.memref_slice %arg6[%dma_wait3A_65, %dma_wait3A_66] : memref<2x128xi32, #tpu.memory_space<vmem>> -> memref<1x128xi32, #tpu.memory_space<vmem>>
    %dma_wait3A_68 = tpu.memref_squeeze %dma_wait3A_67 : memref<1x128xi32, #tpu.memory_space<vmem>> -> memref<128xi32, #tpu.memory_space<vmem>>
    %dma_wait3A_69 = arith.constant 0 : i32
    %dma_wait3A_70 = tpu.memref_slice %arg3[%add3A, %dma_wait3A, %dma_wait3A_69] : memref<32x80x128xi32, #tpu.memory_space<hbm>> -> memref<1x1x128xi32, #tpu.memory_space<hbm>>
    %dma_wait3A_71 = tpu.memref_squeeze %dma_wait3A_70 : memref<1x1x128xi32, #tpu.memory_space<hbm>> -> memref<128xi32, #tpu.memory_space<hbm>>
    %dma_wait3A_72 = arith.constant 0 : i32
    %dma_wait3A_73 = tpu.memref_slice %arg6[%dma_wait3A_65, %dma_wait3A_72] : memref<2x128xi32, #tpu.memory_space<vmem>> -> memref<1x128xi32, #tpu.memory_space<vmem>>
    %dma_wait3A_74 = tpu.memref_squeeze %dma_wait3A_73 : memref<1x128xi32, #tpu.memory_space<vmem>> -> memref<128xi32, #tpu.memory_space<vmem>>
    %dma_wait3A_75 = arith.constant 0 : i32
    %dma_wait3A_76 = tpu.memref_slice %arg3[%add3A, %dma_wait3A, %dma_wait3A_75] : memref<32x80x128xi32, #tpu.memory_space<hbm>> -> memref<1x1x128xi32, #tpu.memory_space<hbm>>
    %dma_wait3A_77 = tpu.memref_squeeze %dma_wait3A_76 : memref<1x1x128xi32, #tpu.memory_space<hbm>> -> memref<128xi32, #tpu.memory_space<hbm>>
    tpu.wait_dma2 semaphore(%arg11 : memref<!tpu.dma_semaphore, #tpu.memory_space<semaphore_mem>>) src(%dma_wait3A_77 : memref<128xi32, #tpu.memory_space<hbm>>) dst(%dma_wait3A_74 : memref<128xi32, #tpu.memory_space<vmem>>)
    %dma_wait3A_78 = arith.constant 0 : i32
    %dma_wait3A_79 = arith.constant 0 : i32
    %dma_wait3A_80 = arith.constant 0 : i32
    %dma_wait3A_81 = tpu.memref_slice %arg7[%dma_wait3A_79, %dma_wait3A_80] : memref<2x128xi32, #tpu.memory_space<vmem>> -> memref<1x128xi32, #tpu.memory_space<vmem>>
    %dma_wait3A_82 = tpu.memref_squeeze %dma_wait3A_81 : memref<1x128xi32, #tpu.memory_space<vmem>> -> memref<128xi32, #tpu.memory_space<vmem>>
    %dma_wait3A_83 = arith.constant 0 : i32
    %dma_wait3A_84 = tpu.memref_slice %arg4[%add3A, %dma_wait3A_78, %dma_wait3A_83] : memref<32x80x128xi32, #tpu.memory_space<hbm>> -> memref<1x1x128xi32, #tpu.memory_space<hbm>>
    %dma_wait3A_85 = tpu.memref_squeeze %dma_wait3A_84 : memref<1x1x128xi32, #tpu.memory_space<hbm>> -> memref<128xi32, #tpu.memory_space<hbm>>
    %dma_wait3A_86 = arith.constant 0 : i32
    %dma_wait3A_87 = tpu.memref_slice %arg7[%dma_wait3A_79, %dma_wait3A_86] : memref<2x128xi32, #tpu.memory_space<vmem>> -> memref<1x128xi32, #tpu.memory_space<vmem>>
    %dma_wait3A_88 = tpu.memref_squeeze %dma_wait3A_87 : memref<1x128xi32, #tpu.memory_space<vmem>> -> memref<128xi32, #tpu.memory_space<vmem>>
    %dma_wait3A_89 = arith.constant 0 : i32
    %dma_wait3A_90 = tpu.memref_slice %arg4[%add3A, %dma_wait3A_78, %dma_wait3A_89] : memref<32x80x128xi32, #tpu.memory_space<hbm>> -> memref<1x1x128xi32, #tpu.memory_space<hbm>>
    %dma_wait3A_91 = tpu.memref_squeeze %dma_wait3A_90 : memref<1x1x128xi32, #tpu.memory_space<hbm>> -> memref<128xi32, #tpu.memory_space<hbm>>
    tpu.wait_dma2 semaphore(%arg13 : memref<!tpu.dma_semaphore, #tpu.memory_space<semaphore_mem>>) src(%dma_wait3A_91 : memref<128xi32, #tpu.memory_space<hbm>>) dst(%dma_wait3A_88 : memref<128xi32, #tpu.memory_space<vmem>>)
    %dma_start3A_92 = arith.constant 0 : i32
    %dma_start3A_93 = arith.constant 0 : i32
    %dma_start3A_94 = tpu.memref_slice %arg6[%dma_start3A_92, %dma_start3A_93] : memref<2x128xi32, #tpu.memory_space<vmem>> -> memref<1x128xi32, #tpu.memory_space<vmem>>
    %dma_start3A_95 = tpu.memref_squeeze %dma_start3A_94 : memref<1x128xi32, #tpu.memory_space<vmem>> -> memref<128xi32, #tpu.memory_space<vmem>>
    %dma_start3A_96 = arith.constant 0 : i32
    %dma_start3A_97 = arith.constant 0 : i32
    %dma_start3A_98 = tpu.memref_slice %arg2[%dma_start3A_96, %dma_start3A_97] : memref<10000x128xf32, #tpu.memory_space<hbm>> -> memref<10000x128xf32, #tpu.memory_space<hbm>>
    tpu.enqueue_indirect_dma source(%dma_start3A_98 : memref<10000x128xf32, #tpu.memory_space<hbm>>) target(%arg8 : memref<128x128xf32, #tpu.memory_space<vmem>>) offsets(%dma_start3A_95 : memref<128xi32, #tpu.memory_space<vmem>>) semaphore(%arg15 : memref<!tpu.dma_semaphore, #tpu.memory_space<semaphore_mem>>)
    %scan3A_99 = arith.constant 0 : i32
    %scan3A_100 = arith.constant 40 : i32
    %scan3A_101 = arith.addi %scan3A_99, %scan3A_100 : i32
    %scan3A_102 = arith.constant 1 : i32
    scf.for %scan3A_109 = %scan3A_99 to %scan3A_101 step %scan3A_102  : i32 {
      %mul3A_110 = arith.constant 2 : i32
      %mul3A_111 = arith.muli %scan3A_109, %mul3A_110 : i32
      %add3A_112 = arith.constant 0 : i32
      %add3A_113 = arith.addi %add3A_112, %mul3A_111 : i32
      %add3A_114 = arith.constant 1 : i32
      %add3A_115 = arith.addi %add3A_113, %add3A_114 : i32
      %lt3A = arith.constant 80 : i32
      %lt3A_116 = arith.cmpi slt, %add3A_115, %lt3A : i32
      %convert_element_type3A = arith.extui %lt3A_116 : i1 to i32
      %cond3A = arith.constant 0 : i32
      %cond3A_117 = arith.cmpi ne, %convert_element_type3A, %cond3A : i32
      scf.if %cond3A_117 {
        %dma_wait3A_156 = arith.constant 0 : i32
        %dma_wait3A_157 = arith.constant 1 : i32
        %dma_wait3A_158 = arith.constant 0 : i32
        %dma_wait3A_159 = tpu.memref_slice %arg6[%dma_wait3A_157, %dma_wait3A_158] : memref<2x128xi32, #tpu.memory_space<vmem>> -> memref<1x128xi32, #tpu.memory_space<vmem>>
        %dma_wait3A_160 = tpu.memref_squeeze %dma_wait3A_159 : memref<1x128xi32, #tpu.memory_space<vmem>> -> memref<128xi32, #tpu.memory_space<vmem>>
        %dma_wait3A_161 = arith.constant 0 : i32
        %dma_wait3A_162 = tpu.memref_slice %arg3[%add3A, %dma_wait3A_156, %dma_wait3A_161] : memref<32x80x128xi32, #tpu.memory_space<hbm>> -> memref<1x1x128xi32, #tpu.memory_space<hbm>>
        %dma_wait3A_163 = tpu.memref_squeeze %dma_wait3A_162 : memref<1x1x128xi32, #tpu.memory_space<hbm>> -> memref<128xi32, #tpu.memory_space<hbm>>
        %dma_wait3A_164 = arith.constant 0 : i32
        %dma_wait3A_165 = tpu.memref_slice %arg6[%dma_wait3A_157, %dma_wait3A_164] : memref<2x128xi32, #tpu.memory_space<vmem>> -> memref<1x128xi32, #tpu.memory_space<vmem>>
        %dma_wait3A_166 = tpu.memref_squeeze %dma_wait3A_165 : memref<1x128xi32, #tpu.memory_space<vmem>> -> memref<128xi32, #tpu.memory_space<vmem>>
        %dma_wait3A_167 = arith.constant 0 : i32
        %dma_wait3A_168 = tpu.memref_slice %arg3[%add3A, %dma_wait3A_156, %dma_wait3A_167] : memref<32x80x128xi32, #tpu.memory_space<hbm>> -> memref<1x1x128xi32, #tpu.memory_space<hbm>>
        %dma_wait3A_169 = tpu.memref_squeeze %dma_wait3A_168 : memref<1x1x128xi32, #tpu.memory_space<hbm>> -> memref<128xi32, #tpu.memory_space<hbm>>
        tpu.wait_dma2 semaphore(%arg12 : memref<!tpu.dma_semaphore, #tpu.memory_space<semaphore_mem>>) src(%dma_wait3A_169 : memref<128xi32, #tpu.memory_space<hbm>>) dst(%dma_wait3A_166 : memref<128xi32, #tpu.memory_space<vmem>>)
        %dma_wait3A_170 = arith.constant 0 : i32
        %dma_wait3A_171 = arith.constant 1 : i32
        %dma_wait3A_172 = arith.constant 0 : i32
        %dma_wait3A_173 = tpu.memref_slice %arg7[%dma_wait3A_171, %dma_wait3A_172] : memref<2x128xi32, #tpu.memory_space<vmem>> -> memref<1x128xi32, #tpu.memory_space<vmem>>
        %dma_wait3A_174 = tpu.memref_squeeze %dma_wait3A_173 : memref<1x128xi32, #tpu.memory_space<vmem>> -> memref<128xi32, #tpu.memory_space<vmem>>
        %dma_wait3A_175 = arith.constant 0 : i32
        %dma_wait3A_176 = tpu.memref_slice %arg4[%add3A, %dma_wait3A_170, %dma_wait3A_175] : memref<32x80x128xi32, #tpu.memory_space<hbm>> -> memref<1x1x128xi32, #tpu.memory_space<hbm>>
        %dma_wait3A_177 = tpu.memref_squeeze %dma_wait3A_176 : memref<1x1x128xi32, #tpu.memory_space<hbm>> -> memref<128xi32, #tpu.memory_space<hbm>>
        %dma_wait3A_178 = arith.constant 0 : i32
        %dma_wait3A_179 = tpu.memref_slice %arg7[%dma_wait3A_171, %dma_wait3A_178] : memref<2x128xi32, #tpu.memory_space<vmem>> -> memref<1x128xi32, #tpu.memory_space<vmem>>
        %dma_wait3A_180 = tpu.memref_squeeze %dma_wait3A_179 : memref<1x128xi32, #tpu.memory_space<vmem>> -> memref<128xi32, #tpu.memory_space<vmem>>
        %dma_wait3A_181 = arith.constant 0 : i32
        %dma_wait3A_182 = tpu.memref_slice %arg4[%add3A, %dma_wait3A_170, %dma_wait3A_181] : memref<32x80x128xi32, #tpu.memory_space<hbm>> -> memref<1x1x128xi32, #tpu.memory_space<hbm>>
        %dma_wait3A_183 = tpu.memref_squeeze %dma_wait3A_182 : memref<1x1x128xi32, #tpu.memory_space<hbm>> -> memref<128xi32, #tpu.memory_space<hbm>>
        tpu.wait_dma2 semaphore(%arg14 : memref<!tpu.dma_semaphore, #tpu.memory_space<semaphore_mem>>) src(%dma_wait3A_183 : memref<128xi32, #tpu.memory_space<hbm>>) dst(%dma_wait3A_180 : memref<128xi32, #tpu.memory_space<vmem>>)
        %dma_start3A_184 = arith.constant 1 : i32
        %dma_start3A_185 = arith.constant 0 : i32
        %dma_start3A_186 = tpu.memref_slice %arg6[%dma_start3A_184, %dma_start3A_185] : memref<2x128xi32, #tpu.memory_space<vmem>> -> memref<1x128xi32, #tpu.memory_space<vmem>>
        %dma_start3A_187 = tpu.memref_squeeze %dma_start3A_186 : memref<1x128xi32, #tpu.memory_space<vmem>> -> memref<128xi32, #tpu.memory_space<vmem>>
        %dma_start3A_188 = arith.constant 0 : i32
        %dma_start3A_189 = arith.constant 0 : i32
        %dma_start3A_190 = tpu.memref_slice %arg2[%dma_start3A_188, %dma_start3A_189] : memref<10000x128xf32, #tpu.memory_space<hbm>> -> memref<10000x128xf32, #tpu.memory_space<hbm>>
        tpu.enqueue_indirect_dma source(%dma_start3A_190 : memref<10000x128xf32, #tpu.memory_space<hbm>>) target(%arg9 : memref<128x128xf32, #tpu.memory_space<vmem>>) offsets(%dma_start3A_187 : memref<128xi32, #tpu.memory_space<vmem>>) semaphore(%arg16 : memref<!tpu.dma_semaphore, #tpu.memory_space<semaphore_mem>>)
      } else {
      }
      %dma_wait3A_118 = arith.constant 0 : i32
      %dma_wait3A_119 = arith.constant 0 : i32
      %dma_wait3A_120 = tpu.memref_slice %arg6[%dma_wait3A_118, %dma_wait3A_119] : memref<2x128xi32, #tpu.memory_space<vmem>> -> memref<1x128xi32, #tpu.memory_space<vmem>>
      %dma_wait3A_121 = tpu.memref_squeeze %dma_wait3A_120 : memref<1x128xi32, #tpu.memory_space<vmem>> -> memref<128xi32, #tpu.memory_space<vmem>>
      %dma_wait3A_122 = arith.constant 0 : i32
      %dma_wait3A_123 = arith.constant 0 : i32
      %dma_wait3A_124 = tpu.memref_slice %arg2[%dma_wait3A_122, %dma_wait3A_123] : memref<10000x128xf32, #tpu.memory_space<hbm>> -> memref<10000x128xf32, #tpu.memory_space<hbm>>
      tpu.wait_indirect_dma semaphore(%arg15 : memref<!tpu.dma_semaphore, #tpu.memory_space<semaphore_mem>>) src(%dma_wait3A_124 : memref<10000x128xf32, #tpu.memory_space<hbm>>) dst(%arg8 : memref<128x128xf32, #tpu.memory_space<vmem>>)
      %run_scoped3A = arith.constant 0 : i32
      "tpu.region"() ({
        %run_scoped3A_156 = tpu.sem_alloc : memref<!tpu.dma_semaphore, #tpu.memory_space<semaphore_mem>>
        %dma_start3A_157 = arith.constant 0 : i32
        %dma_start3A_158 = tpu.memref_slice %arg7[%run_scoped3A, %dma_start3A_157] : memref<2x128xi32, #tpu.memory_space<vmem>> -> memref<1x128xi32, #tpu.memory_space<vmem>>
        %dma_start3A_159 = tpu.memref_squeeze %dma_start3A_158 : memref<1x128xi32, #tpu.memory_space<vmem>> -> memref<128xi32, #tpu.memory_space<vmem>>
        %dma_start3A_160 = arith.constant 0 : i32
        %dma_start3A_161 = arith.constant 0 : i32
        %dma_start3A_162 = tpu.memref_slice %arg10[%dma_start3A_160, %dma_start3A_161] : memref<10240x128xf32, #tpu.memory_space<vmem_shared>> -> memref<10240x128xf32, #tpu.memory_space<vmem_shared>>
        tpu.enqueue_indirect_dma source(%arg8 : memref<128x128xf32, #tpu.memory_space<vmem>>) target(%dma_start3A_162 : memref<10240x128xf32, #tpu.memory_space<vmem_shared>>) offsets(%dma_start3A_159 : memref<128xi32, #tpu.memory_space<vmem>>) semaphore(%run_scoped3A_156 : memref<!tpu.dma_semaphore, #tpu.memory_space<semaphore_mem>>) {add = true}
        %dma_wait3A_163 = arith.constant 0 : i32
        %dma_wait3A_164 = tpu.memref_slice %arg7[%run_scoped3A, %dma_wait3A_163] : memref<2x128xi32, #tpu.memory_space<vmem>> -> memref<1x128xi32, #tpu.memory_space<vmem>>
        %dma_wait3A_165 = tpu.memref_squeeze %dma_wait3A_164 : memref<1x128xi32, #tpu.memory_space<vmem>> -> memref<128xi32, #tpu.memory_space<vmem>>
        %dma_wait3A_166 = arith.constant 0 : i32
        %dma_wait3A_167 = arith.constant 0 : i32
        %dma_wait3A_168 = tpu.memref_slice %arg10[%dma_wait3A_166, %dma_wait3A_167] : memref<10240x128xf32, #tpu.memory_space<vmem_shared>> -> memref<10240x128xf32, #tpu.memory_space<vmem_shared>>
        tpu.wait_indirect_dma semaphore(%run_scoped3A_156 : memref<!tpu.dma_semaphore, #tpu.memory_space<semaphore_mem>>) src(%arg8 : memref<128x128xf32, #tpu.memory_space<vmem>>) dst(%dma_wait3A_168 : memref<10240x128xf32, #tpu.memory_space<vmem_shared>>)
        tpu.yield
      }) : () -> ()
      %add3A_125 = arith.constant 2 : i32
      %add3A_126 = arith.addi %add3A_113, %add3A_125 : i32
      %lt3A_127 = arith.constant 80 : i32
      %lt3A_128 = arith.cmpi slt, %add3A_126, %lt3A_127 : i32
      %convert_element_type3A_129 = arith.extui %lt3A_128 : i1 to i32
      %cond3A_130 = arith.constant 0 : i32
      %cond3A_131 = arith.cmpi ne, %convert_element_type3A_129, %cond3A_130 : i32
      scf.if %cond3A_131 {
        %add3A_156 = arith.constant 2 : i32
        %add3A_157 = arith.addi %add3A_113, %add3A_156 : i32
        %dma_start3A_158 = arith.constant 0 : i32
        %dma_start3A_159 = arith.constant 0 : i32
        %dma_start3A_160 = tpu.memref_slice %arg6[%dma_start3A_158, %dma_start3A_159] : memref<2x128xi32, #tpu.memory_space<vmem>> -> memref<1x128xi32, #tpu.memory_space<vmem>>
        %dma_start3A_161 = tpu.memref_squeeze %dma_start3A_160 : memref<1x128xi32, #tpu.memory_space<vmem>> -> memref<128xi32, #tpu.memory_space<vmem>>
        %dma_start3A_162 = arith.constant 0 : i32
        %dma_start3A_163 = tpu.memref_slice %arg3[%add3A, %add3A_157, %dma_start3A_162] : memref<32x80x128xi32, #tpu.memory_space<hbm>> -> memref<1x1x128xi32, #tpu.memory_space<hbm>>
        %dma_start3A_164 = tpu.memref_squeeze %dma_start3A_163 : memref<1x1x128xi32, #tpu.memory_space<hbm>> -> memref<128xi32, #tpu.memory_space<hbm>>
        %dma_start3A_165 = arith.constant 0 : i32
        %dma_start3A_166 = tpu.memref_slice %arg6[%dma_start3A_158, %dma_start3A_165] : memref<2x128xi32, #tpu.memory_space<vmem>> -> memref<1x128xi32, #tpu.memory_space<vmem>>
        %dma_start3A_167 = tpu.memref_squeeze %dma_start3A_166 : memref<1x128xi32, #tpu.memory_space<vmem>> -> memref<128xi32, #tpu.memory_space<vmem>>
        %dma_start3A_168 = arith.constant 0 : i32
        %dma_start3A_169 = tpu.memref_slice %arg3[%add3A, %add3A_157, %dma_start3A_168] : memref<32x80x128xi32, #tpu.memory_space<hbm>> -> memref<1x1x128xi32, #tpu.memory_space<hbm>>
        %dma_start3A_170 = tpu.memref_squeeze %dma_start3A_169 : memref<1x1x128xi32, #tpu.memory_space<hbm>> -> memref<128xi32, #tpu.memory_space<hbm>>
        tpu.enqueue_dma source(%dma_start3A_170 : memref<128xi32, #tpu.memory_space<hbm>>) target(%dma_start3A_167 : memref<128xi32, #tpu.memory_space<vmem>>) target_semaphore(%arg11 : memref<!tpu.dma_semaphore, #tpu.memory_space<semaphore_mem>>)
        %dma_start3A_171 = arith.constant 0 : i32
        %dma_start3A_172 = arith.constant 0 : i32
        %dma_start3A_173 = tpu.memref_slice %arg7[%dma_start3A_171, %dma_start3A_172] : memref<2x128xi32, #tpu.memory_space<vmem>> -> memref<1x128xi32, #tpu.memory_space<vmem>>
        %dma_start3A_174 = tpu.memref_squeeze %dma_start3A_173 : memref<1x128xi32, #tpu.memory_space<vmem>> -> memref<128xi32, #tpu.memory_space<vmem>>
        %dma_start3A_175 = arith.constant 0 : i32
        %dma_start3A_176 = tpu.memref_slice %arg4[%add3A, %add3A_157, %dma_start3A_175] : memref<32x80x128xi32, #tpu.memory_space<hbm>> -> memref<1x1x128xi32, #tpu.memory_space<hbm>>
        %dma_start3A_177 = tpu.memref_squeeze %dma_start3A_176 : memref<1x1x128xi32, #tpu.memory_space<hbm>> -> memref<128xi32, #tpu.memory_space<hbm>>
        %dma_start3A_178 = arith.constant 0 : i32
        %dma_start3A_179 = tpu.memref_slice %arg7[%dma_start3A_171, %dma_start3A_178] : memref<2x128xi32, #tpu.memory_space<vmem>> -> memref<1x128xi32, #tpu.memory_space<vmem>>
        %dma_start3A_180 = tpu.memref_squeeze %dma_start3A_179 : memref<1x128xi32, #tpu.memory_space<vmem>> -> memref<128xi32, #tpu.memory_space<vmem>>
        %dma_start3A_181 = arith.constant 0 : i32
        %dma_start3A_182 = tpu.memref_slice %arg4[%add3A, %add3A_157, %dma_start3A_181] : memref<32x80x128xi32, #tpu.memory_space<hbm>> -> memref<1x1x128xi32, #tpu.memory_space<hbm>>
        %dma_start3A_183 = tpu.memref_squeeze %dma_start3A_182 : memref<1x1x128xi32, #tpu.memory_space<hbm>> -> memref<128xi32, #tpu.memory_space<hbm>>
        tpu.enqueue_dma source(%dma_start3A_183 : memref<128xi32, #tpu.memory_space<hbm>>) target(%dma_start3A_180 : memref<128xi32, #tpu.memory_space<vmem>>) target_semaphore(%arg13 : memref<!tpu.dma_semaphore, #tpu.memory_space<semaphore_mem>>)
      } else {
      }
      %add3A_132 = arith.constant 1 : i32
      %add3A_133 = arith.addi %add3A_113, %add3A_132 : i32
      %add3A_134 = arith.constant 1 : i32
      %add3A_135 = arith.addi %add3A_133, %add3A_134 : i32
      %lt3A_136 = arith.constant 80 : i32
      %lt3A_137 = arith.cmpi slt, %add3A_135, %lt3A_136 : i32
      %convert_element_type3A_138 = arith.extui %lt3A_137 : i1 to i32
      %cond3A_139 = arith.constant 0 : i32
      %cond3A_140 = arith.cmpi ne, %convert_element_type3A_138, %cond3A_139 : i32
      scf.if %cond3A_140 {
        %dma_wait3A_156 = arith.constant 0 : i32
        %dma_wait3A_157 = arith.constant 0 : i32
        %dma_wait3A_158 = arith.constant 0 : i32
        %dma_wait3A_159 = tpu.memref_slice %arg6[%dma_wait3A_157, %dma_wait3A_158] : memref<2x128xi32, #tpu.memory_space<vmem>> -> memref<1x128xi32, #tpu.memory_space<vmem>>
        %dma_wait3A_160 = tpu.memref_squeeze %dma_wait3A_159 : memref<1x128xi32, #tpu.memory_space<vmem>> -> memref<128xi32, #tpu.memory_space<vmem>>
        %dma_wait3A_161 = arith.constant 0 : i32
        %dma_wait3A_162 = tpu.memref_slice %arg3[%add3A, %dma_wait3A_156, %dma_wait3A_161] : memref<32x80x128xi32, #tpu.memory_space<hbm>> -> memref<1x1x128xi32, #tpu.memory_space<hbm>>
        %dma_wait3A_163 = tpu.memref_squeeze %dma_wait3A_162 : memref<1x1x128xi32, #tpu.memory_space<hbm>> -> memref<128xi32, #tpu.memory_space<hbm>>
        %dma_wait3A_164 = arith.constant 0 : i32
        %dma_wait3A_165 = tpu.memref_slice %arg6[%dma_wait3A_157, %dma_wait3A_164] : memref<2x128xi32, #tpu.memory_space<vmem>> -> memref<1x128xi32, #tpu.memory_space<vmem>>
        %dma_wait3A_166 = tpu.memref_squeeze %dma_wait3A_165 : memref<1x128xi32, #tpu.memory_space<vmem>> -> memref<128xi32, #tpu.memory_space<vmem>>
        %dma_wait3A_167 = arith.constant 0 : i32
        %dma_wait3A_168 = tpu.memref_slice %arg3[%add3A, %dma_wait3A_156, %dma_wait3A_167] : memref<32x80x128xi32, #tpu.memory_space<hbm>> -> memref<1x1x128xi32, #tpu.memory_space<hbm>>
        %dma_wait3A_169 = tpu.memref_squeeze %dma_wait3A_168 : memref<1x1x128xi32, #tpu.memory_space<hbm>> -> memref<128xi32, #tpu.memory_space<hbm>>
        tpu.wait_dma2 semaphore(%arg11 : memref<!tpu.dma_semaphore, #tpu.memory_space<semaphore_mem>>) src(%dma_wait3A_169 : memref<128xi32, #tpu.memory_space<hbm>>) dst(%dma_wait3A_166 : memref<128xi32, #tpu.memory_space<vmem>>)
        %dma_wait3A_170 = arith.constant 0 : i32
        %dma_wait3A_171 = arith.constant 0 : i32
        %dma_wait3A_172 = arith.constant 0 : i32
        %dma_wait3A_173 = tpu.memref_slice %arg7[%dma_wait3A_171, %dma_wait3A_172] : memref<2x128xi32, #tpu.memory_space<vmem>> -> memref<1x128xi32, #tpu.memory_space<vmem>>
        %dma_wait3A_174 = tpu.memref_squeeze %dma_wait3A_173 : memref<1x128xi32, #tpu.memory_space<vmem>> -> memref<128xi32, #tpu.memory_space<vmem>>
        %dma_wait3A_175 = arith.constant 0 : i32
        %dma_wait3A_176 = tpu.memref_slice %arg4[%add3A, %dma_wait3A_170, %dma_wait3A_175] : memref<32x80x128xi32, #tpu.memory_space<hbm>> -> memref<1x1x128xi32, #tpu.memory_space<hbm>>
        %dma_wait3A_177 = tpu.memref_squeeze %dma_wait3A_176 : memref<1x1x128xi32, #tpu.memory_space<hbm>> -> memref<128xi32, #tpu.memory_space<hbm>>
        %dma_wait3A_178 = arith.constant 0 : i32
        %dma_wait3A_179 = tpu.memref_slice %arg7[%dma_wait3A_171, %dma_wait3A_178] : memref<2x128xi32, #tpu.memory_space<vmem>> -> memref<1x128xi32, #tpu.memory_space<vmem>>
        %dma_wait3A_180 = tpu.memref_squeeze %dma_wait3A_179 : memref<1x128xi32, #tpu.memory_space<vmem>> -> memref<128xi32, #tpu.memory_space<vmem>>
        %dma_wait3A_181 = arith.constant 0 : i32
        %dma_wait3A_182 = tpu.memref_slice %arg4[%add3A, %dma_wait3A_170, %dma_wait3A_181] : memref<32x80x128xi32, #tpu.memory_space<hbm>> -> memref<1x1x128xi32, #tpu.memory_space<hbm>>
        %dma_wait3A_183 = tpu.memref_squeeze %dma_wait3A_182 : memref<1x1x128xi32, #tpu.memory_space<hbm>> -> memref<128xi32, #tpu.memory_space<hbm>>
        tpu.wait_dma2 semaphore(%arg13 : memref<!tpu.dma_semaphore, #tpu.memory_space<semaphore_mem>>) src(%dma_wait3A_183 : memref<128xi32, #tpu.memory_space<hbm>>) dst(%dma_wait3A_180 : memref<128xi32, #tpu.memory_space<vmem>>)
        %dma_start3A_184 = arith.constant 0 : i32
        %dma_start3A_185 = arith.constant 0 : i32
        %dma_start3A_186 = tpu.memref_slice %arg6[%dma_start3A_184, %dma_start3A_185] : memref<2x128xi32, #tpu.memory_space<vmem>> -> memref<1x128xi32, #tpu.memory_space<vmem>>
        %dma_start3A_187 = tpu.memref_squeeze %dma_start3A_186 : memref<1x128xi32, #tpu.memory_space<vmem>> -> memref<128xi32, #tpu.memory_space<vmem>>
        %dma_start3A_188 = arith.constant 0 : i32
        %dma_start3A_189 = arith.constant 0 : i32
        %dma_start3A_190 = tpu.memref_slice %arg2[%dma_start3A_188, %dma_start3A_189] : memref<10000x128xf32, #tpu.memory_space<hbm>> -> memref<10000x128xf32, #tpu.memory_space<hbm>>
        tpu.enqueue_indirect_dma source(%dma_start3A_190 : memref<10000x128xf32, #tpu.memory_space<hbm>>) target(%arg8 : memref<128x128xf32, #tpu.memory_space<vmem>>) offsets(%dma_start3A_187 : memref<128xi32, #tpu.memory_space<vmem>>) semaphore(%arg15 : memref<!tpu.dma_semaphore, #tpu.memory_space<semaphore_mem>>)
      } else {
      }
      %dma_wait3A_141 = arith.constant 1 : i32
      %dma_wait3A_142 = arith.constant 0 : i32
      %dma_wait3A_143 = tpu.memref_slice %arg6[%dma_wait3A_141, %dma_wait3A_142] : memref<2x128xi32, #tpu.memory_space<vmem>> -> memref<1x128xi32, #tpu.memory_space<vmem>>
      %dma_wait3A_144 = tpu.memref_squeeze %dma_wait3A_143 : memref<1x128xi32, #tpu.memory_space<vmem>> -> memref<128xi32, #tpu.memory_space<vmem>>
      %dma_wait3A_145 = arith.constant 0 : i32
      %dma_wait3A_146 = arith.constant 0 : i32
      %dma_wait3A_147 = tpu.memref_slice %arg2[%dma_wait3A_145, %dma_wait3A_146] : memref<10000x128xf32, #tpu.memory_space<hbm>> -> memref<10000x128xf32, #tpu.memory_space<hbm>>
      tpu.wait_indirect_dma semaphore(%arg16 : memref<!tpu.dma_semaphore, #tpu.memory_space<semaphore_mem>>) src(%dma_wait3A_147 : memref<10000x128xf32, #tpu.memory_space<hbm>>) dst(%arg9 : memref<128x128xf32, #tpu.memory_space<vmem>>)
      %run_scoped3A_148 = arith.constant 1 : i32
      "tpu.region"() ({
        %run_scoped3A_156 = tpu.sem_alloc : memref<!tpu.dma_semaphore, #tpu.memory_space<semaphore_mem>>
        %dma_start3A_157 = arith.constant 0 : i32
        %dma_start3A_158 = tpu.memref_slice %arg7[%run_scoped3A_148, %dma_start3A_157] : memref<2x128xi32, #tpu.memory_space<vmem>> -> memref<1x128xi32, #tpu.memory_space<vmem>>
        %dma_start3A_159 = tpu.memref_squeeze %dma_start3A_158 : memref<1x128xi32, #tpu.memory_space<vmem>> -> memref<128xi32, #tpu.memory_space<vmem>>
        %dma_start3A_160 = arith.constant 0 : i32
        %dma_start3A_161 = arith.constant 0 : i32
        %dma_start3A_162 = tpu.memref_slice %arg10[%dma_start3A_160, %dma_start3A_161] : memref<10240x128xf32, #tpu.memory_space<vmem_shared>> -> memref<10240x128xf32, #tpu.memory_space<vmem_shared>>
        tpu.enqueue_indirect_dma source(%arg9 : memref<128x128xf32, #tpu.memory_space<vmem>>) target(%dma_start3A_162 : memref<10240x128xf32, #tpu.memory_space<vmem_shared>>) offsets(%dma_start3A_159 : memref<128xi32, #tpu.memory_space<vmem>>) semaphore(%run_scoped3A_156 : memref<!tpu.dma_semaphore, #tpu.memory_space<semaphore_mem>>) {add = true}
        %dma_wait3A_163 = arith.constant 0 : i32
        %dma_wait3A_164 = tpu.memref_slice %arg7[%run_scoped3A_148, %dma_wait3A_163] : memref<2x128xi32, #tpu.memory_space<vmem>> -> memref<1x128xi32, #tpu.memory_space<vmem>>
        %dma_wait3A_165 = tpu.memref_squeeze %dma_wait3A_164 : memref<1x128xi32, #tpu.memory_space<vmem>> -> memref<128xi32, #tpu.memory_space<vmem>>
        %dma_wait3A_166 = arith.constant 0 : i32
        %dma_wait3A_167 = arith.constant 0 : i32
        %dma_wait3A_168 = tpu.memref_slice %arg10[%dma_wait3A_166, %dma_wait3A_167] : memref<10240x128xf32, #tpu.memory_space<vmem_shared>> -> memref<10240x128xf32, #tpu.memory_space<vmem_shared>>
        tpu.wait_indirect_dma semaphore(%run_scoped3A_156 : memref<!tpu.dma_semaphore, #tpu.memory_space<semaphore_mem>>) src(%arg9 : memref<128x128xf32, #tpu.memory_space<vmem>>) dst(%dma_wait3A_168 : memref<10240x128xf32, #tpu.memory_space<vmem_shared>>)
        tpu.yield
      }) : () -> ()
      %add3A_149 = arith.constant 2 : i32
      %add3A_150 = arith.addi %add3A_133, %add3A_149 : i32
      %lt3A_151 = arith.constant 80 : i32
      %lt3A_152 = arith.cmpi slt, %add3A_150, %lt3A_151 : i32
      %convert_element_type3A_153 = arith.extui %lt3A_152 : i1 to i32
      %cond3A_154 = arith.constant 0 : i32
      %cond3A_155 = arith.cmpi ne, %convert_element_type3A_153, %cond3A_154 : i32
      scf.if %cond3A_155 {
        %add3A_156 = arith.constant 2 : i32
        %add3A_157 = arith.addi %add3A_133, %add3A_156 : i32
        %dma_start3A_158 = arith.constant 1 : i32
        %dma_start3A_159 = arith.constant 0 : i32
        %dma_start3A_160 = tpu.memref_slice %arg6[%dma_start3A_158, %dma_start3A_159] : memref<2x128xi32, #tpu.memory_space<vmem>> -> memref<1x128xi32, #tpu.memory_space<vmem>>
        %dma_start3A_161 = tpu.memref_squeeze %dma_start3A_160 : memref<1x128xi32, #tpu.memory_space<vmem>> -> memref<128xi32, #tpu.memory_space<vmem>>
        %dma_start3A_162 = arith.constant 0 : i32
        %dma_start3A_163 = tpu.memref_slice %arg3[%add3A, %add3A_157, %dma_start3A_162] : memref<32x80x128xi32, #tpu.memory_space<hbm>> -> memref<1x1x128xi32, #tpu.memory_space<hbm>>
        %dma_start3A_164 = tpu.memref_squeeze %dma_start3A_163 : memref<1x1x128xi32, #tpu.memory_space<hbm>> -> memref<128xi32, #tpu.memory_space<hbm>>
        %dma_start3A_165 = arith.constant 0 : i32
        %dma_start3A_166 = tpu.memref_slice %arg6[%dma_start3A_158, %dma_start3A_165] : memref<2x128xi32, #tpu.memory_space<vmem>> -> memref<1x128xi32, #tpu.memory_space<vmem>>
        %dma_start3A_167 = tpu.memref_squeeze %dma_start3A_166 : memref<1x128xi32, #tpu.memory_space<vmem>> -> memref<128xi32, #tpu.memory_space<vmem>>
        %dma_start3A_168 = arith.constant 0 : i32
        %dma_start3A_169 = tpu.memref_slice %arg3[%add3A, %add3A_157, %dma_start3A_168] : memref<32x80x128xi32, #tpu.memory_space<hbm>> -> memref<1x1x128xi32, #tpu.memory_space<hbm>>
        %dma_start3A_170 = tpu.memref_squeeze %dma_start3A_169 : memref<1x1x128xi32, #tpu.memory_space<hbm>> -> memref<128xi32, #tpu.memory_space<hbm>>
        tpu.enqueue_dma source(%dma_start3A_170 : memref<128xi32, #tpu.memory_space<hbm>>) target(%dma_start3A_167 : memref<128xi32, #tpu.memory_space<vmem>>) target_semaphore(%arg12 : memref<!tpu.dma_semaphore, #tpu.memory_space<semaphore_mem>>)
        %dma_start3A_171 = arith.constant 1 : i32
        %dma_start3A_172 = arith.constant 0 : i32
        %dma_start3A_173 = tpu.memref_slice %arg7[%dma_start3A_171, %dma_start3A_172] : memref<2x128xi32, #tpu.memory_space<vmem>> -> memref<1x128xi32, #tpu.memory_space<vmem>>
        %dma_start3A_174 = tpu.memref_squeeze %dma_start3A_173 : memref<1x128xi32, #tpu.memory_space<vmem>> -> memref<128xi32, #tpu.memory_space<vmem>>
        %dma_start3A_175 = arith.constant 0 : i32
        %dma_start3A_176 = tpu.memref_slice %arg4[%add3A, %add3A_157, %dma_start3A_175] : memref<32x80x128xi32, #tpu.memory_space<hbm>> -> memref<1x1x128xi32, #tpu.memory_space<hbm>>
        %dma_start3A_177 = tpu.memref_squeeze %dma_start3A_176 : memref<1x1x128xi32, #tpu.memory_space<hbm>> -> memref<128xi32, #tpu.memory_space<hbm>>
        %dma_start3A_178 = arith.constant 0 : i32
        %dma_start3A_179 = tpu.memref_slice %arg7[%dma_start3A_171, %dma_start3A_178] : memref<2x128xi32, #tpu.memory_space<vmem>> -> memref<1x128xi32, #tpu.memory_space<vmem>>
        %dma_start3A_180 = tpu.memref_squeeze %dma_start3A_179 : memref<1x128xi32, #tpu.memory_space<vmem>> -> memref<128xi32, #tpu.memory_space<vmem>>
        %dma_start3A_181 = arith.constant 0 : i32
        %dma_start3A_182 = tpu.memref_slice %arg4[%add3A, %add3A_157, %dma_start3A_181] : memref<32x80x128xi32, #tpu.memory_space<hbm>> -> memref<1x1x128xi32, #tpu.memory_space<hbm>>
        %dma_start3A_183 = tpu.memref_squeeze %dma_start3A_182 : memref<1x1x128xi32, #tpu.memory_space<hbm>> -> memref<128xi32, #tpu.memory_space<hbm>>
        tpu.enqueue_dma source(%dma_start3A_183 : memref<128xi32, #tpu.memory_space<hbm>>) target(%dma_start3A_180 : memref<128xi32, #tpu.memory_space<vmem>>) target_semaphore(%arg14 : memref<!tpu.dma_semaphore, #tpu.memory_space<semaphore_mem>>)
      } else {
      }
    }
    %scan3A_103 = arith.constant 40 : i32
    %barrier3A_104 = arith.constant 0 : index
    tpu.barrier barrier_id(%barrier3A_104)
    %mul3A_105 = arith.constant 640 : i32
    %mul3A_106 = arith.muli %arg1, %mul3A_105 : i32
    %mul3A_107 = arith.constant 640 : i32
    %mul3A_108 = arith.muli %arg1, %mul3A_107 : i32
    "tpu.region"() ({
      %run_scoped3A = tpu.sem_alloc : memref<!tpu.dma_semaphore, #tpu.memory_space<semaphore_mem>>
      %dma_start3A_109 = arith.constant 0 : i32
      %dma_start3A_110 = tpu.memref_slice %arg5[%arg0, %mul3A_108, %dma_start3A_109] : memref<2x10240x128xf32, #tpu.memory_space<hbm>> -> memref<1x640x128xf32, #tpu.memory_space<hbm>>
      %dma_start3A_111 = tpu.memref_squeeze %dma_start3A_110 : memref<1x640x128xf32, #tpu.memory_space<hbm>> -> memref<640x128xf32, #tpu.memory_space<hbm>>
      %dma_start3A_112 = arith.constant 0 : i32
      %dma_start3A_113 = tpu.memref_slice %arg10[%mul3A_106, %dma_start3A_112] : memref<10240x128xf32, #tpu.memory_space<vmem_shared>> -> memref<640x128xf32, #tpu.memory_space<vmem_shared>>
      tpu.enqueue_dma source(%dma_start3A_113 : memref<640x128xf32, #tpu.memory_space<vmem_shared>>) target(%dma_start3A_111 : memref<640x128xf32, #tpu.memory_space<hbm>>) target_semaphore(%run_scoped3A : memref<!tpu.dma_semaphore, #tpu.memory_space<semaphore_mem>>)
      %dma_wait3A_114 = arith.constant 0 : i32
      %dma_wait3A_115 = tpu.memref_slice %arg5[%arg0, %mul3A_108, %dma_wait3A_114] : memref<2x10240x128xf32, #tpu.memory_space<hbm>> -> memref<1x640x128xf32, #tpu.memory_space<hbm>>
      %dma_wait3A_116 = tpu.memref_squeeze %dma_wait3A_115 : memref<1x640x128xf32, #tpu.memory_space<hbm>> -> memref<640x128xf32, #tpu.memory_space<hbm>>
      %dma_wait3A_117 = arith.constant 0 : i32
      %dma_wait3A_118 = tpu.memref_slice %arg10[%mul3A_106, %dma_wait3A_117] : memref<10240x128xf32, #tpu.memory_space<vmem_shared>> -> memref<640x128xf32, #tpu.memory_space<vmem_shared>>
      tpu.wait_dma2 semaphore(%run_scoped3A : memref<!tpu.dma_semaphore, #tpu.memory_space<semaphore_mem>>) src(%dma_wait3A_118 : memref<640x128xf32, #tpu.memory_space<vmem_shared>>) dst(%dma_wait3A_116 : memref<640x128xf32, #tpu.memory_space<hbm>>)
      tpu.yield
    }) : () -> ()
    return
  }
}

module attributes {stable_mosaic.version = 14 : i64} {
  func.func @_tc_layer_body(%arg0: memref<10000x128xf32, #tpu.memory_space<vmem>>, %arg1: memref<10240x128xf32, #tpu.memory_space<vmem>>, %arg2: memref<10240x128xf32, #tpu.memory_space<vmem>>, %arg3: memref<128x128xf32, #tpu.memory_space<vmem>>, %arg4: memref<128xf32, #tpu.memory_space<vmem>>, %arg5: memref<128xf32, #tpu.memory_space<vmem>>, %arg6: memref<128xf32, #tpu.memory_space<vmem>>, %arg7: memref<128x15xf32, #tpu.memory_space<vmem>>, %arg8: memref<15xf32, #tpu.memory_space<vmem>>, %arg9: memref<15x128xf32, #tpu.memory_space<vmem>>, %arg10: memref<128xf32, #tpu.memory_space<vmem>>, %arg11: memref<128xf32, #tpu.memory_space<vmem>>, %arg12: memref<128xf32, #tpu.memory_space<vmem>>, %arg13: memref<128x15xf32, #tpu.memory_space<vmem>>, %arg14: memref<15xf32, #tpu.memory_space<vmem>>, %arg15: memref<15x128xf32, #tpu.memory_space<vmem>>, %arg16: memref<128xf32, #tpu.memory_space<vmem>>, %arg17: memref<128xf32, #tpu.memory_space<vmem>>, %arg18: memref<128xf32, #tpu.memory_space<vmem>>, %arg19: memref<2xf32, #tpu.memory_space<vmem>>, %arg20: memref<10000x128xf32, #tpu.memory_space<vmem>>) attributes {dimension_semantics = [], scalar_prefetch = 0 : i64, scratch_operands = 0 : i64, tpu.core_type = #tpu.core_type<tc>} {
    %get3A = arith.constant 0 : index
    %get3A_0 = arith.constant 0 : index
    %get3A_1 = vector.load %arg0[%get3A, %get3A_0] : memref<10000x128xf32, #tpu.memory_space<vmem>>, vector<10000x128xf32>
    %get3A_2 = arith.constant 0 : index
    %get3A_3 = arith.constant 0 : index
    %get3A_4 = vector.load %arg1[%get3A_2, %get3A_3] : memref<10240x128xf32, #tpu.memory_space<vmem>>, vector<10240x128xf32>
    %slice3A = vector.extract_strided_slice %get3A_4 {offsets = [0, 0], sizes = [10000, 128], strides = [1, 1]} : vector<10240x128xf32> to vector<10000x128xf32>
    %get3A_5 = arith.constant 0 : index
    %get3A_6 = arith.constant 0 : index
    %get3A_7 = vector.load %arg2[%get3A_5, %get3A_6] : memref<10240x128xf32, #tpu.memory_space<vmem>>, vector<10240x128xf32>
    %slice3A_8 = vector.extract_strided_slice %get3A_7 {offsets = [0, 0], sizes = [10000, 128], strides = [1, 1]} : vector<10240x128xf32> to vector<10000x128xf32>
    %add3A = arith.addf %slice3A, %slice3A_8 : vector<10000x128xf32>
    %add3A_9 = arith.addf %get3A_1, %add3A : vector<10000x128xf32>
    %get3A_10 = arith.constant 0 : index
    %get3A_11 = arith.constant 0 : index
    %get3A_12 = vector.load %arg3[%get3A_10, %get3A_11] : memref<128x128xf32, #tpu.memory_space<vmem>>, vector<128x128xf32>
    %convert_element_type3A = arith.truncf %add3A_9 : vector<10000x128xf32> to vector<10000x128xbf16>
    %convert_element_type3A_13 = arith.truncf %get3A_12 : vector<128x128xf32> to vector<128x128xbf16>
    %dot_general3A = arith.constant dense<0.000000e+00> : vector<10000x128xf32>
    %dot_general3A_14 = tpu.matmul %convert_element_type3A, %convert_element_type3A_13, %dot_general3A {dimension_numbers = #tpu.dot_dimension_numbers<[1], [0], [0], [1], [0, 0, 1, 1], [], []>, transpose_lhs_hint = false} : vector<10000x128xbf16>, vector<128x128xbf16>, vector<10000x128xf32> -> vector<10000x128xf32>
    %get3A_15 = arith.constant 0 : index
    %get3A_16 = vector.load %arg4[%get3A_15] : memref<128xf32, #tpu.memory_space<vmem>>, vector<128xf32>
    %broadcast_in_dim3A = vector.shape_cast %get3A_16 : vector<128xf32> to vector<1x128xf32>
    %add3A_17 = vector.broadcast %broadcast_in_dim3A : vector<1x128xf32> to vector<10000x128xf32>
    %add3A_18 = arith.addf %dot_general3A_14, %add3A_17 : vector<10000x128xf32>
    %get3A_19 = arith.constant 0 : index
    %get3A_20 = vector.load %arg5[%get3A_19] : memref<128xf32, #tpu.memory_space<vmem>>, vector<128xf32>
    %get3A_21 = arith.constant 0 : index
    %get3A_22 = vector.load %arg6[%get3A_21] : memref<128xf32, #tpu.memory_space<vmem>>, vector<128xf32>
    %reduce_sum3A = arith.constant dense<0.000000e+00> : vector<128xf32>
    %reduce_sum3A_23 = vector.multi_reduction <add>, %add3A_18, %reduce_sum3A [0] : vector<10000x128xf32> to vector<128xf32>
    %broadcast_in_dim3A_24 = vector.shape_cast %reduce_sum3A_23 : vector<128xf32> to vector<1x128xf32>
    %div3A = arith.constant 1.000000e+04 : f32
    %div3A_25 = vector.broadcast %div3A : f32 to vector<1x128xf32>
    %div3A_26 = arith.divf %broadcast_in_dim3A_24, %div3A_25 : vector<1x128xf32>
    %sub3A = vector.broadcast %div3A_26 : vector<1x128xf32> to vector<10000x128xf32>
    %sub3A_27 = arith.subf %add3A_18, %sub3A : vector<10000x128xf32>
    %integer_pow3A = arith.mulf %sub3A_27, %sub3A_27 : vector<10000x128xf32>
    %reduce_sum3A_28 = arith.constant dense<0.000000e+00> : vector<128xf32>
    %reduce_sum3A_29 = vector.multi_reduction <add>, %integer_pow3A, %reduce_sum3A_28 [0] : vector<10000x128xf32> to vector<128xf32>
    %broadcast_in_dim3A_30 = vector.shape_cast %reduce_sum3A_29 : vector<128xf32> to vector<1x128xf32>
    %div3A_31 = arith.constant 1.000000e+04 : f32
    %div3A_32 = vector.broadcast %div3A_31 : f32 to vector<1x128xf32>
    %div3A_33 = arith.divf %broadcast_in_dim3A_30, %div3A_32 : vector<1x128xf32>
    %sub3A_34 = vector.broadcast %div3A_26 : vector<1x128xf32> to vector<10000x128xf32>
    %sub3A_35 = arith.subf %add3A_18, %sub3A_34 : vector<10000x128xf32>
    %broadcast_in_dim3A_36 = vector.shape_cast %get3A_20 : vector<128xf32> to vector<1x128xf32>
    %mul3A = vector.broadcast %broadcast_in_dim3A_36 : vector<1x128xf32> to vector<10000x128xf32>
    %mul3A_37 = arith.mulf %mul3A, %sub3A_35 : vector<10000x128xf32>
    %add3A_38 = arith.constant 9.99999974E-6 : f32
    %add3A_39 = vector.broadcast %add3A_38 : f32 to vector<1x128xf32>
    %add3A_40 = arith.addf %div3A_33, %add3A_39 : vector<1x128xf32>
    %sqrt3A = math.sqrt %add3A_40 : vector<1x128xf32>
    %div3A_41 = vector.broadcast %sqrt3A : vector<1x128xf32> to vector<10000x128xf32>
    %div3A_42 = arith.divf %mul3A_37, %div3A_41 : vector<10000x128xf32>
    %broadcast_in_dim3A_43 = vector.shape_cast %get3A_22 : vector<128xf32> to vector<1x128xf32>
    %add3A_44 = vector.broadcast %broadcast_in_dim3A_43 : vector<1x128xf32> to vector<10000x128xf32>
    %add3A_45 = arith.addf %div3A_42, %add3A_44 : vector<10000x128xf32>
    %get3A_46 = arith.constant 0 : index
    %get3A_47 = arith.constant 0 : index
    %get3A_48 = vector.load %arg7[%get3A_46, %get3A_47] : memref<128x15xf32, #tpu.memory_space<vmem>>, vector<128x15xf32>
    %get3A_49 = arith.constant 0 : index
    %get3A_50 = vector.load %arg8[%get3A_49] : memref<15xf32, #tpu.memory_space<vmem>>, vector<15xf32>
    %get3A_51 = arith.constant 0 : index
    %get3A_52 = arith.constant 0 : index
    %get3A_53 = vector.load %arg9[%get3A_51, %get3A_52] : memref<15x128xf32, #tpu.memory_space<vmem>>, vector<15x128xf32>
    %get3A_54 = arith.constant 0 : index
    %get3A_55 = vector.load %arg10[%get3A_54] : memref<128xf32, #tpu.memory_space<vmem>>, vector<128xf32>
    %get3A_56 = arith.constant 0 : index
    %get3A_57 = vector.load %arg11[%get3A_56] : memref<128xf32, #tpu.memory_space<vmem>>, vector<128xf32>
    %get3A_58 = arith.constant 0 : index
    %get3A_59 = vector.load %arg12[%get3A_58] : memref<128xf32, #tpu.memory_space<vmem>>, vector<128xf32>
    %convert_element_type3A_60 = arith.truncf %get3A_1 : vector<10000x128xf32> to vector<10000x128xbf16>
    %convert_element_type3A_61 = arith.truncf %get3A_48 : vector<128x15xf32> to vector<128x15xbf16>
    %dot_general3A_62 = arith.constant dense<0.000000e+00> : vector<10000x15xf32>
    %dot_general3A_63 = tpu.matmul %convert_element_type3A_60, %convert_element_type3A_61, %dot_general3A_62 {dimension_numbers = #tpu.dot_dimension_numbers<[1], [0], [0], [1], [0, 0, 1, 1], [], []>, transpose_lhs_hint = false} : vector<10000x128xbf16>, vector<128x15xbf16>, vector<10000x15xf32> -> vector<10000x15xf32>
    %broadcast_in_dim3A_64 = vector.shape_cast %get3A_50 : vector<15xf32> to vector<1x15xf32>
    %add3A_65 = vector.broadcast %broadcast_in_dim3A_64 : vector<1x15xf32> to vector<10000x15xf32>
    %add3A_66 = arith.addf %dot_general3A_63, %add3A_65 : vector<10000x15xf32>
    %max3A = arith.constant 0.000000e+00 : f32
    %max3A_67 = vector.broadcast %max3A : f32 to vector<10000x15xf32>
    %max3A_68 = arith.maximumf %add3A_66, %max3A_67 : vector<10000x15xf32>
    %convert_element_type3A_69 = arith.truncf %max3A_68 : vector<10000x15xf32> to vector<10000x15xbf16>
    %convert_element_type3A_70 = arith.truncf %get3A_53 : vector<15x128xf32> to vector<15x128xbf16>
    %dot_general3A_71 = arith.constant dense<0.000000e+00> : vector<10000x128xf32>
    %dot_general3A_72 = tpu.matmul %convert_element_type3A_69, %convert_element_type3A_70, %dot_general3A_71 {dimension_numbers = #tpu.dot_dimension_numbers<[1], [0], [0], [1], [0, 0, 1, 1], [], []>, transpose_lhs_hint = false} : vector<10000x15xbf16>, vector<15x128xbf16>, vector<10000x128xf32> -> vector<10000x128xf32>
    %broadcast_in_dim3A_73 = vector.shape_cast %get3A_55 : vector<128xf32> to vector<1x128xf32>
    %add3A_74 = vector.broadcast %broadcast_in_dim3A_73 : vector<1x128xf32> to vector<10000x128xf32>
    %add3A_75 = arith.addf %dot_general3A_72, %add3A_74 : vector<10000x128xf32>
    %reduce_sum3A_76 = arith.constant dense<0.000000e+00> : vector<128xf32>
    %reduce_sum3A_77 = vector.multi_reduction <add>, %add3A_75, %reduce_sum3A_76 [0] : vector<10000x128xf32> to vector<128xf32>
    %broadcast_in_dim3A_78 = vector.shape_cast %reduce_sum3A_77 : vector<128xf32> to vector<1x128xf32>
    %div3A_79 = arith.constant 1.000000e+04 : f32
    %div3A_80 = vector.broadcast %div3A_79 : f32 to vector<1x128xf32>
    %div3A_81 = arith.divf %broadcast_in_dim3A_78, %div3A_80 : vector<1x128xf32>
    %sub3A_82 = vector.broadcast %div3A_81 : vector<1x128xf32> to vector<10000x128xf32>
    %sub3A_83 = arith.subf %add3A_75, %sub3A_82 : vector<10000x128xf32>
    %integer_pow3A_84 = arith.mulf %sub3A_83, %sub3A_83 : vector<10000x128xf32>
    %reduce_sum3A_85 = arith.constant dense<0.000000e+00> : vector<128xf32>
    %reduce_sum3A_86 = vector.multi_reduction <add>, %integer_pow3A_84, %reduce_sum3A_85 [0] : vector<10000x128xf32> to vector<128xf32>
    %broadcast_in_dim3A_87 = vector.shape_cast %reduce_sum3A_86 : vector<128xf32> to vector<1x128xf32>
    %div3A_88 = arith.constant 1.000000e+04 : f32
    %div3A_89 = vector.broadcast %div3A_88 : f32 to vector<1x128xf32>
    %div3A_90 = arith.divf %broadcast_in_dim3A_87, %div3A_89 : vector<1x128xf32>
    %sub3A_91 = vector.broadcast %div3A_81 : vector<1x128xf32> to vector<10000x128xf32>
    %sub3A_92 = arith.subf %add3A_75, %sub3A_91 : vector<10000x128xf32>
    %broadcast_in_dim3A_93 = vector.shape_cast %get3A_57 : vector<128xf32> to vector<1x128xf32>
    %mul3A_94 = vector.broadcast %broadcast_in_dim3A_93 : vector<1x128xf32> to vector<10000x128xf32>
    %mul3A_95 = arith.mulf %mul3A_94, %sub3A_92 : vector<10000x128xf32>
    %add3A_96 = arith.constant 9.99999974E-6 : f32
    %add3A_97 = vector.broadcast %add3A_96 : f32 to vector<1x128xf32>
    %add3A_98 = arith.addf %div3A_90, %add3A_97 : vector<1x128xf32>
    %sqrt3A_99 = math.sqrt %add3A_98 : vector<1x128xf32>
    %div3A_100 = vector.broadcast %sqrt3A_99 : vector<1x128xf32> to vector<10000x128xf32>
    %div3A_101 = arith.divf %mul3A_95, %div3A_100 : vector<10000x128xf32>
    %broadcast_in_dim3A_102 = vector.shape_cast %get3A_59 : vector<128xf32> to vector<1x128xf32>
    %add3A_103 = vector.broadcast %broadcast_in_dim3A_102 : vector<1x128xf32> to vector<10000x128xf32>
    %add3A_104 = arith.addf %div3A_101, %add3A_103 : vector<10000x128xf32>
    %get3A_105 = arith.constant 0 : index
    %get3A_106 = arith.constant 0 : index
    %get3A_107 = vector.load %arg13[%get3A_105, %get3A_106] : memref<128x15xf32, #tpu.memory_space<vmem>>, vector<128x15xf32>
    %get3A_108 = arith.constant 0 : index
    %get3A_109 = vector.load %arg14[%get3A_108] : memref<15xf32, #tpu.memory_space<vmem>>, vector<15xf32>
    %get3A_110 = arith.constant 0 : index
    %get3A_111 = arith.constant 0 : index
    %get3A_112 = vector.load %arg15[%get3A_110, %get3A_111] : memref<15x128xf32, #tpu.memory_space<vmem>>, vector<15x128xf32>
    %get3A_113 = arith.constant 0 : index
    %get3A_114 = vector.load %arg16[%get3A_113] : memref<128xf32, #tpu.memory_space<vmem>>, vector<128xf32>
    %get3A_115 = arith.constant 0 : index
    %get3A_116 = vector.load %arg17[%get3A_115] : memref<128xf32, #tpu.memory_space<vmem>>, vector<128xf32>
    %get3A_117 = arith.constant 0 : index
    %get3A_118 = vector.load %arg18[%get3A_117] : memref<128xf32, #tpu.memory_space<vmem>>, vector<128xf32>
    %convert_element_type3A_119 = arith.truncf %add3A : vector<10000x128xf32> to vector<10000x128xbf16>
    %convert_element_type3A_120 = arith.truncf %get3A_107 : vector<128x15xf32> to vector<128x15xbf16>
    %dot_general3A_121 = arith.constant dense<0.000000e+00> : vector<10000x15xf32>
    %dot_general3A_122 = tpu.matmul %convert_element_type3A_119, %convert_element_type3A_120, %dot_general3A_121 {dimension_numbers = #tpu.dot_dimension_numbers<[1], [0], [0], [1], [0, 0, 1, 1], [], []>, transpose_lhs_hint = false} : vector<10000x128xbf16>, vector<128x15xbf16>, vector<10000x15xf32> -> vector<10000x15xf32>
    %broadcast_in_dim3A_123 = vector.shape_cast %get3A_109 : vector<15xf32> to vector<1x15xf32>
    %add3A_124 = vector.broadcast %broadcast_in_dim3A_123 : vector<1x15xf32> to vector<10000x15xf32>
    %add3A_125 = arith.addf %dot_general3A_122, %add3A_124 : vector<10000x15xf32>
    %max3A_126 = arith.constant 0.000000e+00 : f32
    %max3A_127 = vector.broadcast %max3A_126 : f32 to vector<10000x15xf32>
    %max3A_128 = arith.maximumf %add3A_125, %max3A_127 : vector<10000x15xf32>
    %convert_element_type3A_129 = arith.truncf %max3A_128 : vector<10000x15xf32> to vector<10000x15xbf16>
    %convert_element_type3A_130 = arith.truncf %get3A_112 : vector<15x128xf32> to vector<15x128xbf16>
    %dot_general3A_131 = arith.constant dense<0.000000e+00> : vector<10000x128xf32>
    %dot_general3A_132 = tpu.matmul %convert_element_type3A_129, %convert_element_type3A_130, %dot_general3A_131 {dimension_numbers = #tpu.dot_dimension_numbers<[1], [0], [0], [1], [0, 0, 1, 1], [], []>, transpose_lhs_hint = false} : vector<10000x15xbf16>, vector<15x128xbf16>, vector<10000x128xf32> -> vector<10000x128xf32>
    %broadcast_in_dim3A_133 = vector.shape_cast %get3A_114 : vector<128xf32> to vector<1x128xf32>
    %add3A_134 = vector.broadcast %broadcast_in_dim3A_133 : vector<1x128xf32> to vector<10000x128xf32>
    %add3A_135 = arith.addf %dot_general3A_132, %add3A_134 : vector<10000x128xf32>
    %reduce_sum3A_136 = arith.constant dense<0.000000e+00> : vector<128xf32>
    %reduce_sum3A_137 = vector.multi_reduction <add>, %add3A_135, %reduce_sum3A_136 [0] : vector<10000x128xf32> to vector<128xf32>
    %broadcast_in_dim3A_138 = vector.shape_cast %reduce_sum3A_137 : vector<128xf32> to vector<1x128xf32>
    %div3A_139 = arith.constant 1.000000e+04 : f32
    %div3A_140 = vector.broadcast %div3A_139 : f32 to vector<1x128xf32>
    %div3A_141 = arith.divf %broadcast_in_dim3A_138, %div3A_140 : vector<1x128xf32>
    %sub3A_142 = vector.broadcast %div3A_141 : vector<1x128xf32> to vector<10000x128xf32>
    %sub3A_143 = arith.subf %add3A_135, %sub3A_142 : vector<10000x128xf32>
    %integer_pow3A_144 = arith.mulf %sub3A_143, %sub3A_143 : vector<10000x128xf32>
    %reduce_sum3A_145 = arith.constant dense<0.000000e+00> : vector<128xf32>
    %reduce_sum3A_146 = vector.multi_reduction <add>, %integer_pow3A_144, %reduce_sum3A_145 [0] : vector<10000x128xf32> to vector<128xf32>
    %broadcast_in_dim3A_147 = vector.shape_cast %reduce_sum3A_146 : vector<128xf32> to vector<1x128xf32>
    %div3A_148 = arith.constant 1.000000e+04 : f32
    %div3A_149 = vector.broadcast %div3A_148 : f32 to vector<1x128xf32>
    %div3A_150 = arith.divf %broadcast_in_dim3A_147, %div3A_149 : vector<1x128xf32>
    %sub3A_151 = vector.broadcast %div3A_141 : vector<1x128xf32> to vector<10000x128xf32>
    %sub3A_152 = arith.subf %add3A_135, %sub3A_151 : vector<10000x128xf32>
    %broadcast_in_dim3A_153 = vector.shape_cast %get3A_116 : vector<128xf32> to vector<1x128xf32>
    %mul3A_154 = vector.broadcast %broadcast_in_dim3A_153 : vector<1x128xf32> to vector<10000x128xf32>
    %mul3A_155 = arith.mulf %mul3A_154, %sub3A_152 : vector<10000x128xf32>
    %add3A_156 = arith.constant 9.99999974E-6 : f32
    %add3A_157 = vector.broadcast %add3A_156 : f32 to vector<1x128xf32>
    %add3A_158 = arith.addf %div3A_150, %add3A_157 : vector<1x128xf32>
    %sqrt3A_159 = math.sqrt %add3A_158 : vector<1x128xf32>
    %div3A_160 = vector.broadcast %sqrt3A_159 : vector<1x128xf32> to vector<10000x128xf32>
    %div3A_161 = arith.divf %mul3A_155, %div3A_160 : vector<10000x128xf32>
    %broadcast_in_dim3A_162 = vector.shape_cast %get3A_118 : vector<128xf32> to vector<1x128xf32>
    %add3A_163 = vector.broadcast %broadcast_in_dim3A_162 : vector<1x128xf32> to vector<10000x128xf32>
    %add3A_164 = arith.addf %div3A_161, %add3A_163 : vector<10000x128xf32>
    %get3A_165 = arith.constant 0 : index
    %get3A_166 = vector.load %arg19[%get3A_165] : memref<2xf32, #tpu.memory_space<vmem>>, vector<2xf32>
    %slice3A_167 = vector.extract_strided_slice %get3A_166 {offsets = [0], sizes = [1], strides = [1]} : vector<2xf32> to vector<1xf32>
    %squeeze3A = vector.extract %slice3A_167[0] : f32 from vector<1xf32>
    %mul3A_168 = vector.broadcast %squeeze3A : f32 to vector<10000x128xf32>
    %mul3A_169 = arith.mulf %add3A_104, %mul3A_168 : vector<10000x128xf32>
    %add3A_170 = arith.addf %add3A_45, %mul3A_169 : vector<10000x128xf32>
    %slice3A_171 = vector.extract_strided_slice %get3A_166 {offsets = [1], sizes = [1], strides = [1]} : vector<2xf32> to vector<1xf32>
    %squeeze3A_172 = vector.extract %slice3A_171[0] : f32 from vector<1xf32>
    %mul3A_173 = vector.broadcast %squeeze3A_172 : f32 to vector<10000x128xf32>
    %mul3A_174 = arith.mulf %add3A_164, %mul3A_173 : vector<10000x128xf32>
    %add3A_175 = arith.addf %add3A_170, %mul3A_174 : vector<10000x128xf32>
    %max3A_176 = arith.constant 0.000000e+00 : f32
    %max3A_177 = vector.broadcast %max3A_176 : f32 to vector<10000x128xf32>
    %max3A_178 = arith.maximumf %add3A_175, %max3A_177 : vector<10000x128xf32>
    %swap3A = arith.constant 0 : index
    %swap3A_179 = arith.constant 0 : index
    %swap3A_180 = vector.load %arg20[%swap3A, %swap3A_179] : memref<10000x128xf32, #tpu.memory_space<vmem>>, vector<10000x128xf32>
    tpu.vector_store %arg20[%swap3A, %swap3A_179], %max3A_178 {strides = array<i32>} : memref<10000x128xf32, #tpu.memory_space<vmem>>, vector<10000x128xf32>,
    return
  }
}

module attributes {stable_mosaic.version = 14 : i64} {
  func.func @_tc_layer_body(%arg0: memref<10000x128xf32, #tpu.memory_space<vmem>>, %arg1: memref<10240x128xf32, #tpu.memory_space<vmem>>, %arg2: memref<10240x128xf32, #tpu.memory_space<vmem>>, %arg3: memref<128x128xf32, #tpu.memory_space<vmem>>, %arg4: memref<128xf32, #tpu.memory_space<vmem>>, %arg5: memref<128xf32, #tpu.memory_space<vmem>>, %arg6: memref<128xf32, #tpu.memory_space<vmem>>, %arg7: memref<128x15xf32, #tpu.memory_space<vmem>>, %arg8: memref<15xf32, #tpu.memory_space<vmem>>, %arg9: memref<15x128xf32, #tpu.memory_space<vmem>>, %arg10: memref<128xf32, #tpu.memory_space<vmem>>, %arg11: memref<128xf32, #tpu.memory_space<vmem>>, %arg12: memref<128xf32, #tpu.memory_space<vmem>>, %arg13: memref<128x15xf32, #tpu.memory_space<vmem>>, %arg14: memref<15xf32, #tpu.memory_space<vmem>>, %arg15: memref<15x128xf32, #tpu.memory_space<vmem>>, %arg16: memref<128xf32, #tpu.memory_space<vmem>>, %arg17: memref<128xf32, #tpu.memory_space<vmem>>, %arg18: memref<128xf32, #tpu.memory_space<vmem>>, %arg19: memref<2xf32, #tpu.memory_space<vmem>>, %arg20: memref<10000x128xf32, #tpu.memory_space<vmem>>) attributes {dimension_semantics = [], scalar_prefetch = 0 : i64, scratch_operands = 0 : i64, tpu.core_type = #tpu.core_type<tc>} {
    %get3A = arith.constant 0 : index
    %get3A_0 = arith.constant 0 : index
    %get3A_1 = vector.load %arg0[%get3A, %get3A_0] : memref<10000x128xf32, #tpu.memory_space<vmem>>, vector<10000x128xf32>
    %get3A_2 = arith.constant 0 : index
    %get3A_3 = arith.constant 0 : index
    %get3A_4 = vector.load %arg1[%get3A_2, %get3A_3] : memref<10240x128xf32, #tpu.memory_space<vmem>>, vector<10240x128xf32>
    %slice3A = vector.extract_strided_slice %get3A_4 {offsets = [0, 0], sizes = [10000, 128], strides = [1, 1]} : vector<10240x128xf32> to vector<10000x128xf32>
    %get3A_5 = arith.constant 0 : index
    %get3A_6 = arith.constant 0 : index
    %get3A_7 = vector.load %arg2[%get3A_5, %get3A_6] : memref<10240x128xf32, #tpu.memory_space<vmem>>, vector<10240x128xf32>
    %slice3A_8 = vector.extract_strided_slice %get3A_7 {offsets = [0, 0], sizes = [10000, 128], strides = [1, 1]} : vector<10240x128xf32> to vector<10000x128xf32>
    %add3A = arith.addf %slice3A, %slice3A_8 : vector<10000x128xf32>
    %add3A_9 = arith.addf %get3A_1, %add3A : vector<10000x128xf32>
    %get3A_10 = arith.constant 0 : index
    %get3A_11 = arith.constant 0 : index
    %get3A_12 = vector.load %arg3[%get3A_10, %get3A_11] : memref<128x128xf32, #tpu.memory_space<vmem>>, vector<128x128xf32>
    %convert_element_type3A = arith.truncf %add3A_9 : vector<10000x128xf32> to vector<10000x128xbf16>
    %convert_element_type3A_13 = arith.truncf %get3A_12 : vector<128x128xf32> to vector<128x128xbf16>
    %dot_general3A = arith.constant dense<0.000000e+00> : vector<10000x128xf32>
    %dot_general3A_14 = tpu.matmul %convert_element_type3A, %convert_element_type3A_13, %dot_general3A {dimension_numbers = #tpu.dot_dimension_numbers<[1], [0], [0], [1], [0, 0, 1, 1], [], []>, transpose_lhs_hint = false} : vector<10000x128xbf16>, vector<128x128xbf16>, vector<10000x128xf32> -> vector<10000x128xf32>
    %get3A_15 = arith.constant 0 : index
    %get3A_16 = vector.load %arg4[%get3A_15] : memref<128xf32, #tpu.memory_space<vmem>>, vector<128xf32>
    %broadcast_in_dim3A = vector.shape_cast %get3A_16 : vector<128xf32> to vector<1x128xf32>
    %add3A_17 = vector.broadcast %broadcast_in_dim3A : vector<1x128xf32> to vector<10000x128xf32>
    %add3A_18 = arith.addf %dot_general3A_14, %add3A_17 : vector<10000x128xf32>
    %get3A_19 = arith.constant 0 : index
    %get3A_20 = vector.load %arg5[%get3A_19] : memref<128xf32, #tpu.memory_space<vmem>>, vector<128xf32>
    %get3A_21 = arith.constant 0 : index
    %get3A_22 = vector.load %arg6[%get3A_21] : memref<128xf32, #tpu.memory_space<vmem>>, vector<128xf32>
    %reduce_sum3A = arith.constant dense<0.000000e+00> : vector<128xf32>
    %reduce_sum3A_23 = vector.multi_reduction <add>, %add3A_18, %reduce_sum3A [0] : vector<10000x128xf32> to vector<128xf32>
    %broadcast_in_dim3A_24 = vector.shape_cast %reduce_sum3A_23 : vector<128xf32> to vector<1x128xf32>
    %div3A = arith.constant 1.000000e+04 : f32
    %div3A_25 = vector.broadcast %div3A : f32 to vector<1x128xf32>
    %div3A_26 = arith.divf %broadcast_in_dim3A_24, %div3A_25 : vector<1x128xf32>
    %sub3A = vector.broadcast %div3A_26 : vector<1x128xf32> to vector<10000x128xf32>
    %sub3A_27 = arith.subf %add3A_18, %sub3A : vector<10000x128xf32>
    %integer_pow3A = arith.mulf %sub3A_27, %sub3A_27 : vector<10000x128xf32>
    %reduce_sum3A_28 = arith.constant dense<0.000000e+00> : vector<128xf32>
    %reduce_sum3A_29 = vector.multi_reduction <add>, %integer_pow3A, %reduce_sum3A_28 [0] : vector<10000x128xf32> to vector<128xf32>
    %broadcast_in_dim3A_30 = vector.shape_cast %reduce_sum3A_29 : vector<128xf32> to vector<1x128xf32>
    %div3A_31 = arith.constant 1.000000e+04 : f32
    %div3A_32 = vector.broadcast %div3A_31 : f32 to vector<1x128xf32>
    %div3A_33 = arith.divf %broadcast_in_dim3A_30, %div3A_32 : vector<1x128xf32>
    %sub3A_34 = vector.broadcast %div3A_26 : vector<1x128xf32> to vector<10000x128xf32>
    %sub3A_35 = arith.subf %add3A_18, %sub3A_34 : vector<10000x128xf32>
    %broadcast_in_dim3A_36 = vector.shape_cast %get3A_20 : vector<128xf32> to vector<1x128xf32>
    %mul3A = vector.broadcast %broadcast_in_dim3A_36 : vector<1x128xf32> to vector<10000x128xf32>
    %mul3A_37 = arith.mulf %mul3A, %sub3A_35 : vector<10000x128xf32>
    %add3A_38 = arith.constant 9.99999974E-6 : f32
    %add3A_39 = vector.broadcast %add3A_38 : f32 to vector<1x128xf32>
    %add3A_40 = arith.addf %div3A_33, %add3A_39 : vector<1x128xf32>
    %sqrt3A = math.sqrt %add3A_40 : vector<1x128xf32>
    %div3A_41 = vector.broadcast %sqrt3A : vector<1x128xf32> to vector<10000x128xf32>
    %div3A_42 = arith.divf %mul3A_37, %div3A_41 : vector<10000x128xf32>
    %broadcast_in_dim3A_43 = vector.shape_cast %get3A_22 : vector<128xf32> to vector<1x128xf32>
    %add3A_44 = vector.broadcast %broadcast_in_dim3A_43 : vector<1x128xf32> to vector<10000x128xf32>
    %add3A_45 = arith.addf %div3A_42, %add3A_44 : vector<10000x128xf32>
    %get3A_46 = arith.constant 0 : index
    %get3A_47 = arith.constant 0 : index
    %get3A_48 = vector.load %arg7[%get3A_46, %get3A_47] : memref<128x15xf32, #tpu.memory_space<vmem>>, vector<128x15xf32>
    %get3A_49 = arith.constant 0 : index
    %get3A_50 = vector.load %arg8[%get3A_49] : memref<15xf32, #tpu.memory_space<vmem>>, vector<15xf32>
    %get3A_51 = arith.constant 0 : index
    %get3A_52 = arith.constant 0 : index
    %get3A_53 = vector.load %arg9[%get3A_51, %get3A_52] : memref<15x128xf32, #tpu.memory_space<vmem>>, vector<15x128xf32>
    %get3A_54 = arith.constant 0 : index
    %get3A_55 = vector.load %arg10[%get3A_54] : memref<128xf32, #tpu.memory_space<vmem>>, vector<128xf32>
    %get3A_56 = arith.constant 0 : index
    %get3A_57 = vector.load %arg11[%get3A_56] : memref<128xf32, #tpu.memory_space<vmem>>, vector<128xf32>
    %get3A_58 = arith.constant 0 : index
    %get3A_59 = vector.load %arg12[%get3A_58] : memref<128xf32, #tpu.memory_space<vmem>>, vector<128xf32>
    %convert_element_type3A_60 = arith.truncf %get3A_1 : vector<10000x128xf32> to vector<10000x128xbf16>
    %convert_element_type3A_61 = arith.truncf %get3A_48 : vector<128x15xf32> to vector<128x15xbf16>
    %dot_general3A_62 = arith.constant dense<0.000000e+00> : vector<10000x15xf32>
    %dot_general3A_63 = tpu.matmul %convert_element_type3A_60, %convert_element_type3A_61, %dot_general3A_62 {dimension_numbers = #tpu.dot_dimension_numbers<[1], [0], [0], [1], [0, 0, 1, 1], [], []>, transpose_lhs_hint = false} : vector<10000x128xbf16>, vector<128x15xbf16>, vector<10000x15xf32> -> vector<10000x15xf32>
    %broadcast_in_dim3A_64 = vector.shape_cast %get3A_50 : vector<15xf32> to vector<1x15xf32>
    %add3A_65 = vector.broadcast %broadcast_in_dim3A_64 : vector<1x15xf32> to vector<10000x15xf32>
    %add3A_66 = arith.addf %dot_general3A_63, %add3A_65 : vector<10000x15xf32>
    %max3A = arith.constant 0.000000e+00 : f32
    %max3A_67 = vector.broadcast %max3A : f32 to vector<10000x15xf32>
    %max3A_68 = arith.maximumf %add3A_66, %max3A_67 : vector<10000x15xf32>
    %convert_element_type3A_69 = arith.truncf %max3A_68 : vector<10000x15xf32> to vector<10000x15xbf16>
    %convert_element_type3A_70 = arith.truncf %get3A_53 : vector<15x128xf32> to vector<15x128xbf16>
    %dot_general3A_71 = arith.constant dense<0.000000e+00> : vector<10000x128xf32>
    %dot_general3A_72 = tpu.matmul %convert_element_type3A_69, %convert_element_type3A_70, %dot_general3A_71 {dimension_numbers = #tpu.dot_dimension_numbers<[1], [0], [0], [1], [0, 0, 1, 1], [], []>, transpose_lhs_hint = false} : vector<10000x15xbf16>, vector<15x128xbf16>, vector<10000x128xf32> -> vector<10000x128xf32>
    %broadcast_in_dim3A_73 = vector.shape_cast %get3A_55 : vector<128xf32> to vector<1x128xf32>
    %add3A_74 = vector.broadcast %broadcast_in_dim3A_73 : vector<1x128xf32> to vector<10000x128xf32>
    %add3A_75 = arith.addf %dot_general3A_72, %add3A_74 : vector<10000x128xf32>
    %reduce_sum3A_76 = arith.constant dense<0.000000e+00> : vector<128xf32>
    %reduce_sum3A_77 = vector.multi_reduction <add>, %add3A_75, %reduce_sum3A_76 [0] : vector<10000x128xf32> to vector<128xf32>
    %broadcast_in_dim3A_78 = vector.shape_cast %reduce_sum3A_77 : vector<128xf32> to vector<1x128xf32>
    %div3A_79 = arith.constant 1.000000e+04 : f32
    %div3A_80 = vector.broadcast %div3A_79 : f32 to vector<1x128xf32>
    %div3A_81 = arith.divf %broadcast_in_dim3A_78, %div3A_80 : vector<1x128xf32>
    %sub3A_82 = vector.broadcast %div3A_81 : vector<1x128xf32> to vector<10000x128xf32>
    %sub3A_83 = arith.subf %add3A_75, %sub3A_82 : vector<10000x128xf32>
    %integer_pow3A_84 = arith.mulf %sub3A_83, %sub3A_83 : vector<10000x128xf32>
    %reduce_sum3A_85 = arith.constant dense<0.000000e+00> : vector<128xf32>
    %reduce_sum3A_86 = vector.multi_reduction <add>, %integer_pow3A_84, %reduce_sum3A_85 [0] : vector<10000x128xf32> to vector<128xf32>
    %broadcast_in_dim3A_87 = vector.shape_cast %reduce_sum3A_86 : vector<128xf32> to vector<1x128xf32>
    %div3A_88 = arith.constant 1.000000e+04 : f32
    %div3A_89 = vector.broadcast %div3A_88 : f32 to vector<1x128xf32>
    %div3A_90 = arith.divf %broadcast_in_dim3A_87, %div3A_89 : vector<1x128xf32>
    %sub3A_91 = vector.broadcast %div3A_81 : vector<1x128xf32> to vector<10000x128xf32>
    %sub3A_92 = arith.subf %add3A_75, %sub3A_91 : vector<10000x128xf32>
    %broadcast_in_dim3A_93 = vector.shape_cast %get3A_57 : vector<128xf32> to vector<1x128xf32>
    %mul3A_94 = vector.broadcast %broadcast_in_dim3A_93 : vector<1x128xf32> to vector<10000x128xf32>
    %mul3A_95 = arith.mulf %mul3A_94, %sub3A_92 : vector<10000x128xf32>
    %add3A_96 = arith.constant 9.99999974E-6 : f32
    %add3A_97 = vector.broadcast %add3A_96 : f32 to vector<1x128xf32>
    %add3A_98 = arith.addf %div3A_90, %add3A_97 : vector<1x128xf32>
    %sqrt3A_99 = math.sqrt %add3A_98 : vector<1x128xf32>
    %div3A_100 = vector.broadcast %sqrt3A_99 : vector<1x128xf32> to vector<10000x128xf32>
    %div3A_101 = arith.divf %mul3A_95, %div3A_100 : vector<10000x128xf32>
    %broadcast_in_dim3A_102 = vector.shape_cast %get3A_59 : vector<128xf32> to vector<1x128xf32>
    %add3A_103 = vector.broadcast %broadcast_in_dim3A_102 : vector<1x128xf32> to vector<10000x128xf32>
    %add3A_104 = arith.addf %div3A_101, %add3A_103 : vector<10000x128xf32>
    %get3A_105 = arith.constant 0 : index
    %get3A_106 = arith.constant 0 : index
    %get3A_107 = vector.load %arg13[%get3A_105, %get3A_106] : memref<128x15xf32, #tpu.memory_space<vmem>>, vector<128x15xf32>
    %get3A_108 = arith.constant 0 : index
    %get3A_109 = vector.load %arg14[%get3A_108] : memref<15xf32, #tpu.memory_space<vmem>>, vector<15xf32>
    %get3A_110 = arith.constant 0 : index
    %get3A_111 = arith.constant 0 : index
    %get3A_112 = vector.load %arg15[%get3A_110, %get3A_111] : memref<15x128xf32, #tpu.memory_space<vmem>>, vector<15x128xf32>
    %get3A_113 = arith.constant 0 : index
    %get3A_114 = vector.load %arg16[%get3A_113] : memref<128xf32, #tpu.memory_space<vmem>>, vector<128xf32>
    %get3A_115 = arith.constant 0 : index
    %get3A_116 = vector.load %arg17[%get3A_115] : memref<128xf32, #tpu.memory_space<vmem>>, vector<128xf32>
    %get3A_117 = arith.constant 0 : index
    %get3A_118 = vector.load %arg18[%get3A_117] : memref<128xf32, #tpu.memory_space<vmem>>, vector<128xf32>
    %convert_element_type3A_119 = arith.truncf %add3A : vector<10000x128xf32> to vector<10000x128xbf16>
    %convert_element_type3A_120 = arith.truncf %get3A_107 : vector<128x15xf32> to vector<128x15xbf16>
    %dot_general3A_121 = arith.constant dense<0.000000e+00> : vector<10000x15xf32>
    %dot_general3A_122 = tpu.matmul %convert_element_type3A_119, %convert_element_type3A_120, %dot_general3A_121 {dimension_numbers = #tpu.dot_dimension_numbers<[1], [0], [0], [1], [0, 0, 1, 1], [], []>, transpose_lhs_hint = false} : vector<10000x128xbf16>, vector<128x15xbf16>, vector<10000x15xf32> -> vector<10000x15xf32>
    %broadcast_in_dim3A_123 = vector.shape_cast %get3A_109 : vector<15xf32> to vector<1x15xf32>
    %add3A_124 = vector.broadcast %broadcast_in_dim3A_123 : vector<1x15xf32> to vector<10000x15xf32>
    %add3A_125 = arith.addf %dot_general3A_122, %add3A_124 : vector<10000x15xf32>
    %max3A_126 = arith.constant 0.000000e+00 : f32
    %max3A_127 = vector.broadcast %max3A_126 : f32 to vector<10000x15xf32>
    %max3A_128 = arith.maximumf %add3A_125, %max3A_127 : vector<10000x15xf32>
    %convert_element_type3A_129 = arith.truncf %max3A_128 : vector<10000x15xf32> to vector<10000x15xbf16>
    %convert_element_type3A_130 = arith.truncf %get3A_112 : vector<15x128xf32> to vector<15x128xbf16>
    %dot_general3A_131 = arith.constant dense<0.000000e+00> : vector<10000x128xf32>
    %dot_general3A_132 = tpu.matmul %convert_element_type3A_129, %convert_element_type3A_130, %dot_general3A_131 {dimension_numbers = #tpu.dot_dimension_numbers<[1], [0], [0], [1], [0, 0, 1, 1], [], []>, transpose_lhs_hint = false} : vector<10000x15xbf16>, vector<15x128xbf16>, vector<10000x128xf32> -> vector<10000x128xf32>
    %broadcast_in_dim3A_133 = vector.shape_cast %get3A_114 : vector<128xf32> to vector<1x128xf32>
    %add3A_134 = vector.broadcast %broadcast_in_dim3A_133 : vector<1x128xf32> to vector<10000x128xf32>
    %add3A_135 = arith.addf %dot_general3A_132, %add3A_134 : vector<10000x128xf32>
    %reduce_sum3A_136 = arith.constant dense<0.000000e+00> : vector<128xf32>
    %reduce_sum3A_137 = vector.multi_reduction <add>, %add3A_135, %reduce_sum3A_136 [0] : vector<10000x128xf32> to vector<128xf32>
    %broadcast_in_dim3A_138 = vector.shape_cast %reduce_sum3A_137 : vector<128xf32> to vector<1x128xf32>
    %div3A_139 = arith.constant 1.000000e+04 : f32
    %div3A_140 = vector.broadcast %div3A_139 : f32 to vector<1x128xf32>
    %div3A_141 = arith.divf %broadcast_in_dim3A_138, %div3A_140 : vector<1x128xf32>
    %sub3A_142 = vector.broadcast %div3A_141 : vector<1x128xf32> to vector<10000x128xf32>
    %sub3A_143 = arith.subf %add3A_135, %sub3A_142 : vector<10000x128xf32>
    %integer_pow3A_144 = arith.mulf %sub3A_143, %sub3A_143 : vector<10000x128xf32>
    %reduce_sum3A_145 = arith.constant dense<0.000000e+00> : vector<128xf32>
    %reduce_sum3A_146 = vector.multi_reduction <add>, %integer_pow3A_144, %reduce_sum3A_145 [0] : vector<10000x128xf32> to vector<128xf32>
    %broadcast_in_dim3A_147 = vector.shape_cast %reduce_sum3A_146 : vector<128xf32> to vector<1x128xf32>
    %div3A_148 = arith.constant 1.000000e+04 : f32
    %div3A_149 = vector.broadcast %div3A_148 : f32 to vector<1x128xf32>
    %div3A_150 = arith.divf %broadcast_in_dim3A_147, %div3A_149 : vector<1x128xf32>
    %sub3A_151 = vector.broadcast %div3A_141 : vector<1x128xf32> to vector<10000x128xf32>
    %sub3A_152 = arith.subf %add3A_135, %sub3A_151 : vector<10000x128xf32>
    %broadcast_in_dim3A_153 = vector.shape_cast %get3A_116 : vector<128xf32> to vector<1x128xf32>
    %mul3A_154 = vector.broadcast %broadcast_in_dim3A_153 : vector<1x128xf32> to vector<10000x128xf32>
    %mul3A_155 = arith.mulf %mul3A_154, %sub3A_152 : vector<10000x128xf32>
    %add3A_156 = arith.constant 9.99999974E-6 : f32
    %add3A_157 = vector.broadcast %add3A_156 : f32 to vector<1x128xf32>
    %add3A_158 = arith.addf %div3A_150, %add3A_157 : vector<1x128xf32>
    %sqrt3A_159 = math.sqrt %add3A_158 : vector<1x128xf32>
    %div3A_160 = vector.broadcast %sqrt3A_159 : vector<1x128xf32> to vector<10000x128xf32>
    %div3A_161 = arith.divf %mul3A_155, %div3A_160 : vector<10000x128xf32>
    %broadcast_in_dim3A_162 = vector.shape_cast %get3A_118 : vector<128xf32> to vector<1x128xf32>
    %add3A_163 = vector.broadcast %broadcast_in_dim3A_162 : vector<1x128xf32> to vector<10000x128xf32>
    %add3A_164 = arith.addf %div3A_161, %add3A_163 : vector<10000x128xf32>
    %get3A_165 = arith.constant 0 : index
    %get3A_166 = vector.load %arg19[%get3A_165] : memref<2xf32, #tpu.memory_space<vmem>>, vector<2xf32>
    %slice3A_167 = vector.extract_strided_slice %get3A_166 {offsets = [0], sizes = [1], strides = [1]} : vector<2xf32> to vector<1xf32>
    %squeeze3A = vector.extract %slice3A_167[0] : f32 from vector<1xf32>
    %mul3A_168 = vector.broadcast %squeeze3A : f32 to vector<10000x128xf32>
    %mul3A_169 = arith.mulf %add3A_104, %mul3A_168 : vector<10000x128xf32>
    %add3A_170 = arith.addf %add3A_45, %mul3A_169 : vector<10000x128xf32>
    %slice3A_171 = vector.extract_strided_slice %get3A_166 {offsets = [1], sizes = [1], strides = [1]} : vector<2xf32> to vector<1xf32>
    %squeeze3A_172 = vector.extract %slice3A_171[0] : f32 from vector<1xf32>
    %mul3A_173 = vector.broadcast %squeeze3A_172 : f32 to vector<10000x128xf32>
    %mul3A_174 = arith.mulf %add3A_164, %mul3A_173 : vector<10000x128xf32>
    %add3A_175 = arith.addf %add3A_170, %mul3A_174 : vector<10000x128xf32>
    %swap3A = arith.constant 0 : index
    %swap3A_176 = arith.constant 0 : index
    %swap3A_177 = vector.load %arg20[%swap3A, %swap3A_176] : memref<10000x128xf32, #tpu.memory_space<vmem>>, vector<10000x128xf32>
    tpu.vector_store %arg20[%swap3A, %swap3A_176], %add3A_175 {strides = array<i32>} : memref<10000x128xf32, #tpu.memory_space<vmem>>, vector<10000x128xf32>,
    return
  }
}

</mosaic_0001>

<sc_bundles>
// kernel: kernel.12.cloned.1.call-start
scs
__scs_entry_jumppad:
0x0: {  	(pc) =	sbr.rel $0x88, $3  }
0x1: {  	(tag) =	ssettag $0x0;
	lr =	simm.s32 $0x1  }
0x2: {  	[smem:$0x3F94] =	sst lr;
	_ =	strace $0xD0000000  }
0x3: {  	_ = 	snop  }
0x4: {  	_ = 	snop  }
0x5: {  	_ = 	snop  }
0x6: {  	_ = 	snop  }
0x7: {  	_ = 	snop  }
__scs_overlays_trampoline_lowered:
0x8: {  	[smem:$0x3FA3] =	sst s0  }
0x9: {  	[smem:$0x3FA4] =	sst s1  }
0xa: {  	[smem:$0x3FA5] =	sst s2  }
0xb: {  	[smem:$0x3FA6] =	sst s3  }
0xc: {  	[smem:$0x3FA7] =	sst s4  }
0xd: {  	[smem:$0x3FA8] =	sst s5  }
0xe: {  	[smem:$0x3FA9] =	sst s6  }
0xf: {  	[smem:$0x3FAA] =	sst s7  }
0x10: {  	[smem:$0x3FAB] =	sst s8  }
0x11: {  	[smem:$0x3FAC] =	sst s9;
	s0 =	simm.s32 @!p0 $0x0  }
0x12: {  	s1 =	sld [smem:$0x3F92];
	s0 =	simm.s32 @p0 $0x1  }
0x13: {  	[smem:$0x3FAD] =	sst s0;
	s0 =	simm.s32 @!p1 $0x0  }
0x14: {  	s2 =	sld [smem:$0x3F91];
	s0 =	simm.s32 @p1 $0x1  }
0x15: {  	[smem:$0x3FAE] =	sst s0;
	s0 =	simm.s32 @!p2 $0x0  }
0x16: {  	s3 =	sld [smem:$0x3FDB];
	s0 =	simm.s32 @p2 $0x1  }
0x17: {  	s4 =	simm.s32 $0x1BF5;
	[smem:$0x3FB0] =	sst s0  }
0x18: {  	s0 =	sld [smem:$0x3F93];
	_ =	swait.ge [sflag:s4], $0x0  }
0x19: {  	s7 =	sld [smem:$0x3F94]  }
0x1a: {  	s8 =	sadd.s32 $0xFFFFE003, lr  }
0x1b: {  	s9 =	sadd.s32 $0xFFFFFEF7, lr;
	s5 =	simm.s32 $0xFFFFFFFF;
	p2 =	slt.u32 s8, $0xFFFFF086  }
0x1c: {  	p1 =	slt.u32 s9, $0xF7A;
	s5 =	simm.s32 @!p2 $0x0  }
0x1d: {  	s5 =	simm.s32 @p1 $0x1;
	p0 =	seq.s32 s7, s2  }
0x1e: {  	s7 =	smul.u32 @!p0 $0xF7A, s2;
	p2 =	seq.s32 @!p0 s5, $0x0  }
0x1f: {  	s9 =	smul.u32 $0xF7A, s1;
	s8 =	simm.s32 @!p0 $0x1BF5;
	p2 =	por !p2, p0  }
0x20: {  	[sflag:s8] =	ssyncset.s32 @!p0 $0xFFFFF086;
	s6 =	sadd.s32 @!p0 s3, s7;
	s7 =	simm.s32 @!p0 $0x108  }
0x21: {  	s3 =	sadd.s32 s3, s9;
	s6 =	sadd.s32 @!p0 $0x88, s6;
	s7 =	simm.s32 @p2 $0x1082  }
0x22: {  	[simem:s7], [sflag:s8] =	dma.local @!p0 [hbm:s6], $0xF7A  }
0x23: {  	s9 =	sor.u32 $0xD0000000, s2;
	s6 =	simm.s32 $0x108;
	_ =	swait.ge @!p0 [sflag:s8], $0x0  }
0x24: {  	s3 =	sadd.s32 $0x88, s3;
	s6 =	simm.s32 @!p1 $0x1082;
	[sflag:s4] =	ssyncset.s32 $0xFFFFF086  }
0x25: {  	[simem:s6], [sflag:s4] =	dma.local [hbm:s3], $0xF7A  }
0x26: {  	[smem:$0x3F94] =	sst s1;
	(tag) =	ssettag s2;
	_ =	strace s9  }
0x27: {  	s1 =	sld [smem:$0x3FA4]  }
0x28: {  	s2 =	sld [smem:$0x3FA5]  }
0x29: {  	s4 =	sld [smem:$0x3FA7]  }
0x2a: {  	p0 =	seq.s32 s5, $0x0;
	s5 =	sld [smem:$0x3FA8]  }
0x2b: {  	s6 =	sld [smem:$0x3FA9]  }
0x2c: {  	s7 =	sld [smem:$0x3FAA]  }
0x2d: {  	s3 =	simm.s32 $0x108;
	s8 =	sld [smem:$0x3FAB]  }
0x2e: {  	s3 =	simm.s32 @!p0 $0x1082;
	s9 =	sld [smem:$0x3FAC]  }
0x2f: {  	lr =	sadd.s32 s0, s3;
	s0 =	sld [smem:$0x3FA3]  }
0x30: {  	s3 =	sld [smem:$0x3FA6]  }
0x31: {  	[smem:$0x3FAF] =	sst s10  }
0x32: {  	s10 =	sld [smem:$0x3FAD];
	_ =	sdelay $0x3  }
0x33: {  	p0 =	seq.s32 s10, $0x1;
	s10 =	sld [smem:$0x3FAF];
	_ =	sdelay $0x3  }
0x34: {  	[smem:$0x3FAF] =	sst s10  }
0x35: {  	s10 =	sld [smem:$0x3FAE];
	_ =	sdelay $0x3  }
0x36: {  	p1 =	seq.s32 s10, $0x1;
	s10 =	sld [smem:$0x3FAF];
	_ =	sdelay $0x3  }
0x37: {  	[smem:$0x3FAF] =	sst s10  }
0x38: {  	s10 =	sld [smem:$0x3FB0]  }
0x39: {  	_ = 	snop;
	(pc) =	sbr.ind lr, $3  }
0x3a: {  	_ = 	snop  }
0x3b: {  	_ = 	snop  }
0x3c: {  	p2 =	seq.s32 s10, $0x1;
	s10 =	sld [smem:$0x3FAF]  }
0x3d: {  	_ =	shalt  }
0x3e: {  	_ =	shalt  }
0x3f: {  	_ =	shalt  }
0x40: {  	_ =	shalt  }
0x41: {  	_ =	shalt  }
0x42: {  	_ =	shalt  }
0x43: {  	_ =	shalt  }
0x44: {  	_ =	shalt  }
0x45: {  	_ =	shalt  }
0x46: {  	_ =	shalt  }
0x47: {  	_ =	shalt  }
0x48: {  	_ =	shalt  }
0x49: {  	_ =	shalt  }
0x4a: {  	_ =	shalt  }
0x4b: {  	_ =	shalt  }
0x4c: {  	_ =	shalt  }
0x4d: {  	_ =	shalt  }
0x4e: {  	_ =	shalt  }
0x4f: {  	_ =	shalt  }
0x50: {  	_ =	shalt  }
0x51: {  	_ =	shalt  }
0x52: {  	_ =	shalt  }
0x53: {  	_ =	shalt  }
0x54: {  	_ =	shalt  }
0x55: {  	_ =	shalt  }
0x56: {  	_ =	shalt  }
0x57: {  	_ =	shalt  }
0x58: {  	_ =	shalt  }
0x59: {  	_ =	shalt  }
0x5a: {  	_ =	shalt  }
0x5b: {  	_ =	shalt  }
0x5c: {  	_ =	shalt  }
0x5d: {  	_ =	shalt  }
0x5e: {  	_ =	shalt  }
0x5f: {  	_ =	shalt  }
0x60: {  	_ =	shalt  }
0x61: {  	_ =	shalt  }
0x62: {  	_ =	shalt  }
0x63: {  	_ =	shalt  }
0x64: {  	_ =	shalt  }
0x65: {  	_ =	shalt  }
0x66: {  	_ =	shalt  }
0x67: {  	_ =	shalt  }
0x68: {  	_ =	shalt  }
0x69: {  	_ =	shalt  }
0x6a: {  	_ =	shalt  }
0x6b: {  	_ =	shalt  }
0x6c: {  	_ =	shalt  }
0x6d: {  	_ =	shalt  }
0x6e: {  	_ =	shalt  }
0x6f: {  	_ =	shalt  }
0x70: {  	_ =	shalt  }
0x71: {  	_ =	shalt  }
0x72: {  	_ =	shalt  }
0x73: {  	_ =	shalt  }
0x74: {  	_ =	shalt  }
0x75: {  	_ =	shalt  }
0x76: {  	_ =	shalt  }
0x77: {  	_ =	shalt  }
0x78: {  	_ =	shalt  }
0x79: {  	_ =	shalt  }
0x7a: {  	_ =	shalt  }
0x7b: {  	_ =	shalt  }
0x7c: {  	_ =	shalt  }
0x7d: {  	_ =	shalt  }
0x7e: {  	_ =	shalt  }
0x7f: {  	_ =	shalt  }
0x80: {  	_ =	shalt  }
0x81: {  	_ =	shalt  }
0x82: {  	_ =	shalt  }
0x83: {  	_ =	shalt  }
0x84: {  	_ =	shalt  }
0x85: {  	_ =	shalt  }
0x86: {  	_ =	shalt  }
0x87: {  	_ =	shalt  }
.Lfunc_end0:
.L_simem_size_0:
called_computation_lowered:
.L_overlay_start_0:
0x88: {  	s2 =	sld [smem:$0x3FD9]  }
0x89: {  	s3 =	sld [smem:$0x3FFE];
	_ =	sdelay $0x1  }
0x8a: {  	s1 =	srdreg.scid  }
0x8b: {  	s0 =	sand.u32 $0x1, s1  }
0x8c: {  	s17 =	sshll.u32 s0, $0xA;
	s2 =	sadd.s32 s3, s2  }
0x8d: {  	s2 =	sadd.s32 s2, s17  }
0x8e: {  	[smem:$0x3FBB] =	sst s2  }
0x8f: {  	_ = 	snop  }
0x90: {  	s2 =	sld [smem:$0x3FC9];
	(tm) =	ssettm $0x1  }
0x91: {  	s18 =	sld [smem:$0x3FFB];
	_ =	sdelay $0x3  }
0x92: {  	_ =	strace s18  }
0x93: {  	s3 =	sld [smem:$0x3FFC];
	_ =	sdelay $0x3  }
0x94: {  	_ =	strace s3  }
0x95: {  	s3 =	sld [smem:$0x3FFD];
	_ =	sdelay $0x3  }
0x96: {  	_ =	strace s3  }
0x97: {  	_ =	strace $0x8FFFFFFF  }
0x98: {  	s19 =	sld [smem:$0x3FDB];
	_ =	sdelay $0x1  }
0x99: {  	s4 =	simm.s32 $_scs_section_size  }
0x9a: {  	s5 =	simm.s32 $_size__tile_overlayer_lowered;
	s6 =	simm.s32 $_tile_overlayer_lowered  }
0x9b: {  	s22 =	simm.s32 $0x1BFF;
	s21 =	sshll.u32 s6, $0x1;
	s3 =	sadd.s32 s4, s19  }
0x9c: {  	s7 =	simm.s32 $0x0;
	s20 =	sshll.u32 s5, $0x1;
	s5 =	sadd.s32 s21, s3  }
0x9d: {  	[timem:s7], [sflag:s22] =	dma.local [hbm:s5], s20  }
0x9e: {  	_ =	swait.ge [sflag:s22], s20  }
0x9f: {  	s4 =	ssub.s32 $0x0, s20;
	[sflag:s22] =	ssyncset.done $0x0  }
0xa0: {  	[sflag:s22] =	ssyncadd.s32 s4;
	_ =	sdelay $0x1  }
0xa1: {  	s23 =	simm.s32 $0x1B8B  }
0xa2: {  	_ =	swait.ge [sflag:s23], $0x1  }
0xa3: {  	[sflag:s23] =	ssyncset.done $0x0  }
0xa4: {  	s25 =	simm.s32 $0x1B8E;
	s24 =	sld [smem:$0x3FFE];
	[sflag:s23] =	ssyncadd.s32 $0xFFFFFFFF  }
0xa5: {  	s26 =	simm.s32 $execute0_lowered;
	[smem:$0x3FD2] =	sst s25  }
0xa6: {  	s5 =	sshll.u32 s26, $0x1;
	_ =	strace $0x80000046;
	[dreg:$0x1] =	wrdreg $0xFFFFFFFF  }
0xa7: {  	s28 =	simm.s32 $_size_execute0_lowered;
	s3 =	sadd.s32 s3, s5;
	[dreg:$0x0] =	wrdreg $0x0  }
0xa8: {  	s5 =	sshll.u32 s28, $0x1;
	[dreg:$0x2] =	wrdreg s3  }
0xa9: {  	[dreg:$0x3] =	wrdreg s5  }
0xaa: {  	[dreg:$0x4] =	wrdreg $0xC0  }
0xab: {  	_ =	task [dreg:s7], $0x5FFFF  }
0xac: {  	[dreg:$0x1] =	wrdreg $0xFFFFFFFF  }
0xad: {  	[dreg:$0x0] =	wrdreg $0x60  }
0xae: {  	[dreg:$0x2] =	wrdreg s2  }
0xaf: {  	[dreg:$0x3] =	wrdreg s24  }
0xb0: {  	[dreg:$0x4] =	wrdreg $0x82000  }
0xb1: {  	[dreg:$0x5] =	wrdreg $0x9  }
0xb2: {  	_ =	task.clear_ibuf [dreg:s7], $0x6FFFF;
	_ =	strace $0x90000046  }
0xb3: {  	s29 =	simm.s32 $0x9;
	_ =	strace $0x80000048  }
0xb4: {  	_ =	swait.ge [sflag:s29], $0x1  }
0xb5: {  	[sflag:s29] =	ssyncadd.s32 $0xFFFFFFFF  }
0xb6: {  	_ =	strace $0x90000048  }
0xb7: {  	_ =	sfence  }
0xb8: {  	s30 =	sld [smem:$0x0];
	_ =	sdelay $0x2  }
0xb9: {  	s31 =	sshll.u32 s1, $0xD;
	s1 =	sshrl.u32 s1, $0x2  }
0xba: {  	s3 =	sand.u32 $0x4000, s31;
	s1 =	sadd.s32 s1, s30  }
0xbb: {  	s0 =	sor.u32 s3, s0;
	s1 =	sshll.u32 s1, $0x11  }
0xbc: {  	s0 =	sor.u32 s1, s0  }
0xbd: {  	s0 =	sadd.s32 $0x8F2B, s0  }
0xbe: {  	[sflag:s0] =	ssyncadd.remote.s32 $0x1  }
0xbf: {  	_ =	sfence.sel $0xFFFF  }
0xc0: {  	[dreg:$0x0] =	wrdreg $0xFFFFFFFF;
	(pc) =	sbr.abs _section_cstart, $3  }
0xc1: {  	[dreg:$0x1] =	wrdreg $0xFFFFFFFF  }
0xc2: {  	_ =	task.clear_ibuf [dreg:s7], $0x2FFFF;
	_ =	strace $0x9FFFFFFF  }
0xc3: {  	(tm) =	ssettm $0x7FFFFFFF  }
tec
execute0_lowered:
.L_overlay_start_1:
0x0: {  	(tag) =	ssettag $0x1  }
0x1: {  	s1 =	rddreg [dreg:$0x0]  }
0x2: {  	s0 =	rddreg [dreg:$0x1]  }
0x3: {  	s2 =	rddreg [dreg:$0x2]  }
0x4: {  	s4 =	simm.s32 $0x0;
	s3 =	srdreg.scid;
	s10 =	stileid.u32  }
0x5: {  	s28 =	simm.s32 $0x4200;
	s29 =	simm.s32 $0x5;
	s30 =	simm.s32 $0x6  }
0x6: {  	s31 =	simm.s32 $0x180;
	[smem:$0x7FF] =	sst s4;
	s8 =	smul.u32 $0x14000, s10  }
0x7: {  	s3 =	sand.u32 $0x1, s3;
	s5 =	sadd.s32 $0x4A00, s0;
	s20 =	smul.u32 $0x50000, s10  }
0x8: {  	s6 =	sadd.s32 $0xEA00, s0;
	s7 =	smul.u32 $0x140000, s3;
	s9 =	sshll.u32 s3, $0x4  }
0x9: {  	_ =	strace $0x80000047;
	s3 =	ssub.s32 $0x2, s3;
	s19 =	sor.u32 s10, s9  }
0xa: {  	s22 =	sshrl.u32 s3, $0x1;
	s9 =	sshrl.u32 s20, $0x2;
	s20 =	simm.s32 $0x7  }
0xb: {  	s7 =	sadd.s32 s8, s7;
	s3 =	ssub.s32 s3, s22;
	s8 =	sadd.s32 s9, s2  }
0xc: {  	s22 =	simm.s32 $0x80;
	s21 =	sshrl.u32 s7, $0x3;
	s7 =	smul.u32 $0x2800, s19  }
0xd: {  	s14 =	smax.u32 s3, $0x1;
	s15 =	sadd.s32 $0x4000, s8;
	s16 =	sadd.s32 $0x8000, s8  }
0xe: {  	s17 =	sadd.s32 $0xC000, s8;
	s18 =	sadd.s32 $0x10000, s8;
	s19 =	simm.s32 $0x200  }
0xf: {  	s0 =	sadd.s32 s21, s0;
	s21 =	simm.s32 $0x100;
	s23 =	sshrl.u32 s7, $0x3  }
0x10: {  	s13 =	sadd.s32 $0x18A00, s0;
	s0 =	simm.s32 $0x0;
	s24 =	sadd.s32 s5, s23  }
0x11: {  	s25 =	sadd.s32 s6, s23;
	s9 =	sor.u32 $0x10, s23;
	[dreg:$0x4] =	wrdreg s24  }
0x12: {  	s23 =	simm.s32 $0x1;
	[dreg:$0x5] =	wrdreg s25;
	s26 =	sadd.s32 s5, s9  }
0x13: {  	s9 =	sadd.s32 s6, s9;
	s24 =	simm.s32 $0x3;
	[dreg:$0x6] =	wrdreg s26  }
0x14: {  	v0 =	vimm.f32 $0.0e+00;
	s25 =	simm.s32 $0x2;
	[dreg:$0x7] =	wrdreg s9;
	s26 =	simm.s32 $0x4  }
.LBB2_1:
0x15: {  	s3 =	simm.s32 $0x0;
	s9 =	simm.s32 $0x200  }
.LBB2_2:
0x16: {  	p0 =	sne.s32 s9, $0xFE00;
	[tilespmem:s3+$0x270] =	vst v0  }
0x17: {  	[tilespmem:s3+$0x200] =	vst v0  }
0x18: {  	[tilespmem:s3+$0x210] =	vst v0  }
.Ltmp0:
0x19: {  	[tilespmem:s3+$0x220] =	vst v0;
	(pc) =	sbr.rel @p0 .LBB2_2-.Ltmp0, $4  }
0x1a: {  	[tilespmem:s3+$0x230] =	vst v0  }
0x1b: {  	[tilespmem:s3+$0x240] =	vst v0  }
0x1c: {  	[tilespmem:s3+$0x250] =	vst v0  }
0x1d: {  	[tilespmem:s3+$0x260] =	vst v0;
	s3 =	sshra.s32 s9, $0x2;
	s9 =	sadd.s32 $0x200, s9  }
0x1e: {  	[tilespmem:s3+$0x270] =	vst v0  }
0x1f: {  	[tilespmem:s3+$0x200] =	vst v0  }
0x20: {  	[tilespmem:s3+$0x210] =	vst v0  }
0x21: {  	[tilespmem:s3+$0x220] =	vst v0  }
0x22: {  	[tilespmem:s3+$0x230] =	vst v0  }
0x23: {  	[tilespmem:s3+$0x240] =	vst v0  }
0x24: {  	[tilespmem:s3+$0x250] =	vst v0  }
0x25: {  	[tilespmem:s3+$0x260] =	vst v0  }
0x26: {  	[spmem:s8] =	stream.linear.scatter [tilespmem:s19], [sflag:$0x7], $0x4000, $0x38;
	[tilespmem:$0x1C200] =	vst v63  }
0x27: {  	_ =	swait.ge [sflag:s20], $0x4000  }
0x28: {  	[sflag:s20] =	ssyncset.done $0x0  }
0x29: {  	[sflag:s20] =	ssyncadd.s32 $0xFFFFC000  }
0x2a: {  	[spmem:s15] =	stream.linear.scatter [tilespmem:s19], [sflag:$0x7], $0x4000, $0x38;
	[tilespmem:$0x1C200] =	vst v63  }
0x2b: {  	_ =	swait.ge [sflag:s20], $0x4000  }
0x2c: {  	[sflag:s20] =	ssyncset.done $0x0  }
0x2d: {  	[sflag:s20] =	ssyncadd.s32 $0xFFFFC000  }
0x2e: {  	[spmem:s16] =	stream.linear.scatter [tilespmem:s19], [sflag:$0x7], $0x4000, $0x38;
	[tilespmem:$0x1C200] =	vst v63  }
0x2f: {  	_ =	swait.ge [sflag:s20], $0x4000  }
0x30: {  	[sflag:s20] =	ssyncset.done $0x0  }
0x31: {  	[sflag:s20] =	ssyncadd.s32 $0xFFFFC000  }
0x32: {  	[spmem:s17] =	stream.linear.scatter [tilespmem:s19], [sflag:$0x7], $0x4000, $0x38;
	[tilespmem:$0x1C200] =	vst v63  }
0x33: {  	_ =	swait.ge [sflag:s20], $0x4000  }
0x34: {  	[sflag:s20] =	ssyncset.done $0x0  }
0x35: {  	[sflag:s20] =	ssyncadd.s32 $0xFFFFC000  }
0x36: {  	[spmem:s18] =	stream.linear.scatter [tilespmem:s19], [sflag:$0x7], $0x4000, $0x38;
	[tilespmem:$0x1C200] =	vst v63  }
0x37: {  	_ =	swait.ge [sflag:s20], $0x4000  }
0x38: {  	[sflag:s20] =	ssyncset.done $0x0  }
0x39: {  	[sflag:s20] =	ssyncadd.s32 $0xFFFFC000  }
0x3a: {  	[bflag:$0x0] =	sbarrier.arrive $0xFFFF  }
0x3b: {  	s9 =	rddreg [dreg:$0x4]  }
0x3c: {  	[tilespmem:s4], [sflag:$0x1] =	stream.linear.gather [hbm4b:s9+s4], $0x80, $0x38;
	[tilespmem:$0x1C200] =	vst v63  }
0x3d: {  	s10 =	rddreg [dreg:$0x5]  }
0x3e: {  	[tilespmem:s21], [sflag:$0x3] =	stream.linear.gather [hbm4b:s10+s4], $0x80, $0x38;
	[tilespmem:$0x1C200] =	vst v63  }
0x3f: {  	s11 =	rddreg [dreg:$0x6]  }
0x40: {  	[tilespmem:s22], [sflag:$0x2] =	stream.linear.gather [hbm4b:s11+s4], $0x80, $0x38;
	[tilespmem:$0x1C200] =	vst v63  }
0x41: {  	s3 =	simm.s32 $0x180;
	s9 =	rddreg [dreg:$0x7]  }
0x42: {  	[tilespmem:s3], [sflag:$0x4] =	stream.linear.gather [hbm4b:s9+s4], $0x80, $0x38;
	[tilespmem:$0x1C200] =	vst v63  }
0x43: {  	_ =	swait.ge [sflag:s23], $0x80  }
0x44: {  	[sflag:s23] =	ssyncset.done $0x0  }
0x45: {  	[sflag:s23] =	ssyncadd.s32 $0xFFFFFF80  }
0x46: {  	_ =	swait.ge [sflag:s24], $0x80  }
0x47: {  	[sflag:s24] =	ssyncset.done $0x0  }
0x48: {  	[sflag:s24] =	ssyncadd.s32 $0xFFFFFF80  }
0x49: {  	[tilespmem:s19], [sflag:$0x5] =	stream.indirect.gather [hbm4b:s1+s22], $0x80, s4, s22, $0xb8;
	[tilespmem:$0x1C200] =	vst v63  }
0x4a: {  	_ =	swait.ge [sflag:s25], $0x80  }
0x4b: {  	[sflag:s25] =	ssyncset.done $0x0  }
0x4c: {  	[sflag:s25] =	ssyncadd.s32 $0xFFFFFF80  }
0x4d: {  	_ =	swait.ge [sflag:s26], $0x80  }
0x4e: {  	[sflag:s26] =	ssyncset.done $0x0  }
0x4f: {  	[sflag:s26] =	ssyncadd.s32 $0xFFFFFF80  }
0x50: {  	[tilespmem:s28], [sflag:$0x6] =	stream.indirect.gather [hbm4b:s1+s22], $0x80, s22, s22, $0xb8;
	[tilespmem:$0x1C200] =	vst v63  }
0x51: {  	s12 =	simm.s32 $0x100;
	_ =	swait.ge [sflag:s29], $0x4000  }
0x52: {  	s10 =	sand.u32 $0x7C00, s12;
	[sflag:s29] =	ssyncset.done $0x0  }
0x53: {  	s10 =	sadd.s32 s7, s10;
	s9 =	sand.u32 $0x300, s12;
	[sflag:s29] =	ssyncadd.s32 $0xFFFFC000  }
0x54: {  	[spmem:s2] =	stream.indirect.scatter.add.f32 [tilespmem:s19], [sflag:$0x7], $0x80, s21, s22, $0xb8;
	[tilespmem:$0x1C200] =	vst v63  }
0x55: {  	s9 =	sor.u32 s9, s10;
	_ =	swait.ge [sflag:s20], $0x4000  }
0x56: {  	s9 =	sshrl.u32 s9, $0x3;
	[sflag:s20] =	ssyncset.done $0x0  }
0x57: {  	s11 =	sadd.s32 s5, s9;
	[sflag:s20] =	ssyncadd.s32 $0xFFFFC000  }
0x58: {  	[tilespmem:s4], [sflag:$0x1] =	stream.linear.gather [hbm4b:s11+s4], $0x80, $0x38;
	[tilespmem:$0x1C200] =	vst v63  }
0x59: {  	s9 =	sadd.s32 s6, s9  }
0x5a: {  	[tilespmem:s21], [sflag:$0x3] =	stream.linear.gather [hbm4b:s9+s4], $0x80, $0x38;
	[tilespmem:$0x1C200] =	vst v63  }
0x5b: {  	_ =	swait.ge [sflag:s23], $0x80  }
0x5c: {  	[sflag:s23] =	ssyncset.done $0x0  }
0x5d: {  	[sflag:s23] =	ssyncadd.s32 $0xFFFFFF80  }
0x5e: {  	_ =	swait.ge [sflag:s24], $0x80  }
0x5f: {  	[sflag:s24] =	ssyncset.done $0x0  }
0x60: {  	[sflag:s24] =	ssyncadd.s32 $0xFFFFFF80  }
0x61: {  	[tilespmem:s19], [sflag:$0x5] =	stream.indirect.gather [hbm4b:s1+s22], $0x80, s4, s22, $0xb8;
	[tilespmem:$0x1C200] =	vst v63  }
0x62: {  	_ =	swait.ge [sflag:s30], $0x4000  }
0x63: {  	s12 =	sand.u32 $0x7C00, s3;
	[sflag:s30] =	ssyncset.done $0x0  }
0x64: {  	s3 =	sand.u32 $0x380, s3;
	s9 =	sadd.s32 s7, s12;
	[sflag:s30] =	ssyncadd.s32 $0xFFFFC000  }
0x65: {  	[spmem:s2] =	stream.indirect.scatter.add.f32 [tilespmem:s28], [sflag:$0x7], $0x80, s31, s22, $0xb8;
	[tilespmem:$0x1C200] =	vst v63  }
0x66: {  	s3 =	sor.u32 s3, s9;
	_ =	swait.ge [sflag:s20], $0x4000  }
0x67: {  	s3 =	sshrl.u32 s3, $0x3;
	[sflag:s20] =	ssyncset.done $0x0  }
0x68: {  	s10 =	sadd.s32 s5, s3;
	[sflag:s20] =	ssyncadd.s32 $0xFFFFC000  }
0x69: {  	[tilespmem:s22], [sflag:$0x2] =	stream.linear.gather [hbm4b:s10+s4], $0x80, $0x38;
	[tilespmem:$0x1C200] =	vst v63  }
0x6a: {  	s3 =	sadd.s32 s6, s3  }
0x6b: {  	[tilespmem:s31], [sflag:$0x4] =	stream.linear.gather [hbm4b:s3+s4], $0x80, $0x38;
	[tilespmem:$0x1C200] =	vst v63  }
0x6c: {  	_ =	swait.ge [sflag:s25], $0x80  }
0x6d: {  	[sflag:s25] =	ssyncset.done $0x0  }
0x6e: {  	[sflag:s25] =	ssyncadd.s32 $0xFFFFFF80  }
0x6f: {  	s11 =	simm.s32 $0x200;
	_ =	swait.ge [sflag:s26], $0x80  }
0x70: {  	s12 =	sand.u32 $0x7C00, s11;
	[sflag:s26] =	ssyncset.done $0x0  }
0x71: {  	s9 =	sand.u32 $0x300, s11;
	s10 =	sadd.s32 s7, s12;
	[sflag:s26] =	ssyncadd.s32 $0xFFFFFF80  }
0x72: {  	[tilespmem:s28], [sflag:$0x6] =	stream.indirect.gather [hbm4b:s1+s22], $0x80, s22, s22, $0xb8;
	[tilespmem:$0x1C200] =	vst v63  }
0x73: {  	s10 =	sor.u32 s9, s10;
	_ =	swait.ge [sflag:s29], $0x4000  }
0x74: {  	s9 =	simm.s32 $0x380;
	s3 =	simm.s32 $0x280;
	[sflag:s29] =	ssyncset.done $0x0  }
.LBB2_4:
0x75: {  	s10 =	sshrl.u32 s10, $0x3  }
0x76: {  	[sflag:s29] =	ssyncadd.s32 $0xFFFFC000;
	s12 =	smov.u32 s9;
	s11 =	sadd.s32 $0x100, s9  }
0x77: {  	[spmem:s2] =	stream.indirect.scatter.add.f32 [tilespmem:s19], [sflag:$0x7], $0x80, s21, s22, $0xb8;
	[tilespmem:$0x1C200] =	vst v63  }
0x78: {  	p0 =	sne.s32 s9, $0x2780;
	_ =	swait.ge [sflag:s20], $0x4000  }
0x79: {  	[sflag:s20] =	ssyncset.done $0x0  }
0x7a: {  	s9 =	sadd.s32 s5, s10;
	[sflag:s20] =	ssyncadd.s32 $0xFFFFC000  }
0x7b: {  	[tilespmem:s4], [sflag:$0x1] =	stream.linear.gather [hbm4b:s9+s4], $0x80, $0x38;
	[tilespmem:$0x1C200] =	vst v63  }
0x7c: {  	s9 =	sadd.s32 s6, s10  }
0x7d: {  	[tilespmem:s21], [sflag:$0x3] =	stream.linear.gather [hbm4b:s9+s4], $0x80, $0x38;
	[tilespmem:$0x1C200] =	vst v63  }
0x7e: {  	_ =	swait.ge [sflag:s23], $0x80  }
0x7f: {  	[sflag:s23] =	ssyncset.done $0x0  }
0x80: {  	[sflag:s23] =	ssyncadd.s32 $0xFFFFFF80  }
0x81: {  	_ =	swait.ge [sflag:s24], $0x80  }
0x82: {  	[sflag:s24] =	ssyncset.done $0x0  }
0x83: {  	[sflag:s24] =	ssyncadd.s32 $0xFFFFFF80  }
0x84: {  	[tilespmem:s19], [sflag:$0x5] =	stream.indirect.gather [hbm4b:s1+s22], $0x80, s4, s22, $0xb8;
	[tilespmem:$0x1C200] =	vst v63  }
0x85: {  	_ =	swait.ge [sflag:s30], $0x4000  }
0x86: {  	[sflag:s30] =	ssyncset.done $0x0  }
0x87: {  	s9 =	sand.u32 $0x7C00, s3;
	[sflag:s30] =	ssyncadd.s32 $0xFFFFC000  }
0x88: {  	[spmem:s2] =	stream.indirect.scatter.add.f32 [tilespmem:s28], [sflag:$0x7], $0x80, s31, s22, $0xb8;
	[tilespmem:$0x1C200] =	vst v63  }
0x89: {  	s3 =	sand.u32 $0x380, s3;
	s9 =	sadd.s32 s7, s9;
	_ =	swait.ge [sflag:s20], $0x4000  }
0x8a: {  	s9 =	sor.u32 s3, s9;
	s3 =	smov.u32 s12;
	[sflag:s20] =	ssyncset.done $0x0  }
0x8b: {  	s9 =	sshrl.u32 s9, $0x3;
	[sflag:s20] =	ssyncadd.s32 $0xFFFFC000  }
0x8c: {  	s10 =	sadd.s32 s5, s9  }
0x8d: {  	[tilespmem:s22], [sflag:$0x2] =	stream.linear.gather [hbm4b:s10+s4], $0x80, $0x38;
	[tilespmem:$0x1C200] =	vst v63  }
0x8e: {  	s9 =	sadd.s32 s6, s9  }
0x8f: {  	[tilespmem:s31], [sflag:$0x4] =	stream.linear.gather [hbm4b:s9+s4], $0x80, $0x38;
	[tilespmem:$0x1C200] =	vst v63  }
0x90: {  	_ =	swait.ge [sflag:s25], $0x80  }
0x91: {  	[sflag:s25] =	ssyncset.done $0x0  }
0x92: {  	[sflag:s25] =	ssyncadd.s32 $0xFFFFFF80  }
0x93: {  	_ =	swait.ge [sflag:s26], $0x80  }
.Ltmp1:
0x94: {  	s9 =	sadd.s32 $0xFFFFFF80, s3;
	[sflag:s26] =	ssyncset.done $0x0;
	(pc) =	sbr.rel @p0 .LBB2_4-.Ltmp1, $4  }
0x95: {  	s10 =	sand.u32 $0x7C00, s9;
	[sflag:s26] =	ssyncadd.s32 $0xFFFFFF80  }
0x96: {  	[tilespmem:s28], [sflag:$0x6] =	stream.indirect.gather [hbm4b:s1+s22], $0x80, s22, s22, $0xb8;
	[tilespmem:$0x1C200] =	vst v63  }
0x97: {  	s9 =	sand.u32 $0x300, s9;
	s10 =	sadd.s32 s7, s10;
	_ =	swait.ge [sflag:s29], $0x4000  }
0x98: {  	s10 =	sor.u32 s9, s10;
	s9 =	smov.u32 s11;
	[sflag:s29] =	ssyncset.done $0x0  }
0x99: {  	[sflag:s29] =	ssyncadd.s32 $0xFFFFC000  }
0x9a: {  	[spmem:s2] =	stream.indirect.scatter.add.f32 [tilespmem:s19], [sflag:$0x7], $0x80, s21, s22, $0xb8;
	[tilespmem:$0x1C200] =	vst v63  }
0x9b: {  	_ =	swait.ge [sflag:s20], $0x4000  }
0x9c: {  	s9 =	sshrl.u32 s10, $0x3;
	[sflag:s20] =	ssyncset.done $0x0  }
0x9d: {  	s10 =	sadd.s32 s5, s9;
	[sflag:s20] =	ssyncadd.s32 $0xFFFFC000  }
0x9e: {  	[tilespmem:s4], [sflag:$0x1] =	stream.linear.gather [hbm4b:s10+s4], $0x80, $0x38;
	[tilespmem:$0x1C200] =	vst v63  }
0x9f: {  	s9 =	sadd.s32 s6, s9  }
0xa0: {  	[tilespmem:s21], [sflag:$0x3] =	stream.linear.gather [hbm4b:s9+s4], $0x80, $0x38;
	[tilespmem:$0x1C200] =	vst v63  }
0xa1: {  	_ =	swait.ge [sflag:s23], $0x80  }
0xa2: {  	[sflag:s23] =	ssyncset.done $0x0  }
0xa3: {  	[sflag:s23] =	ssyncadd.s32 $0xFFFFFF80  }
0xa4: {  	_ =	swait.ge [sflag:s24], $0x80  }
0xa5: {  	[sflag:s24] =	ssyncset.done $0x0  }
0xa6: {  	[sflag:s24] =	ssyncadd.s32 $0xFFFFFF80  }
0xa7: {  	[tilespmem:s19], [sflag:$0x5] =	stream.indirect.gather [hbm4b:s1+s22], $0x80, s4, s22, $0xb8;
	[tilespmem:$0x1C200] =	vst v63  }
0xa8: {  	_ =	swait.ge [sflag:s30], $0x4000  }
0xa9: {  	s11 =	sand.u32 $0x7C00, s3;
	[sflag:s30] =	ssyncset.done $0x0  }
0xaa: {  	s12 =	sand.u32 $0x380, s3;
	s9 =	sadd.s32 s7, s11;
	[sflag:s30] =	ssyncadd.s32 $0xFFFFC000  }
0xab: {  	[spmem:s2] =	stream.indirect.scatter.add.f32 [tilespmem:s28], [sflag:$0x7], $0x80, s31, s22, $0xb8;
	[tilespmem:$0x1C200] =	vst v63  }
0xac: {  	s3 =	sor.u32 s12, s9;
	_ =	swait.ge [sflag:s20], $0x4000  }
0xad: {  	s3 =	sshrl.u32 s3, $0x3;
	[sflag:s20] =	ssyncset.done $0x0  }
0xae: {  	s10 =	sadd.s32 s5, s3;
	[sflag:s20] =	ssyncadd.s32 $0xFFFFC000  }
0xaf: {  	[tilespmem:s22], [sflag:$0x2] =	stream.linear.gather [hbm4b:s10+s4], $0x80, $0x38;
	[tilespmem:$0x1C200] =	vst v63  }
0xb0: {  	s3 =	sadd.s32 s6, s3  }
0xb1: {  	[tilespmem:s31], [sflag:$0x4] =	stream.linear.gather [hbm4b:s3+s4], $0x80, $0x38;
	[tilespmem:$0x1C200] =	vst v63  }
0xb2: {  	_ =	swait.ge [sflag:s25], $0x80  }
0xb3: {  	[sflag:s25] =	ssyncset.done $0x0  }
0xb4: {  	[sflag:s25] =	ssyncadd.s32 $0xFFFFFF80  }
0xb5: {  	_ =	swait.ge [sflag:s26], $0x80  }
0xb6: {  	[sflag:s26] =	ssyncset.done $0x0  }
0xb7: {  	[sflag:s26] =	ssyncadd.s32 $0xFFFFFF80  }
0xb8: {  	[tilespmem:s28], [sflag:$0x6] =	stream.indirect.gather [hbm4b:s1+s22], $0x80, s22, s22, $0xb8;
	[tilespmem:$0x1C200] =	vst v63  }
0xb9: {  	_ =	swait.ge [sflag:s29], $0x4000  }
0xba: {  	[sflag:s29] =	ssyncset.done $0x0  }
0xbb: {  	[sflag:s29] =	ssyncadd.s32 $0xFFFFC000  }
0xbc: {  	[spmem:s2] =	stream.indirect.scatter.add.f32 [tilespmem:s19], [sflag:$0x7], $0x80, s21, s22, $0xb8;
	[tilespmem:$0x1C200] =	vst v63  }
0xbd: {  	_ =	swait.ge [sflag:s20], $0x4000  }
0xbe: {  	[sflag:s20] =	ssyncset.done $0x0  }
0xbf: {  	[sflag:s20] =	ssyncadd.s32 $0xFFFFC000  }
0xc0: {  	_ =	swait.ge [sflag:s30], $0x4000  }
0xc1: {  	[sflag:s30] =	ssyncset.done $0x0  }
0xc2: {  	[sflag:s30] =	ssyncadd.s32 $0xFFFFC000  }
0xc3: {  	[spmem:s2] =	stream.indirect.scatter.add.f32 [tilespmem:s28], [sflag:$0x7], $0x80, s31, s22, $0xb8;
	[tilespmem:$0x1C200] =	vst v63  }
0xc4: {  	s0 =	sadd.s32 $0x1, s0;
	_ =	swait.ge [sflag:s20], $0x4000  }
0xc5: {  	p0 =	sne.s32 s0, s14;
	s11 =	stileid.u32;
	[sflag:s20] =	ssyncset.done $0x0  }
0xc6: {  	s12 =	sshrl.u32 s8, $0x3;
	s3 =	sshll.u32 s11, $0x6;
	[sflag:s20] =	ssyncadd.s32 $0xFFFFC000  }
.Ltmp2:
0xc7: {  	s3 =	sor.u32 $0x1C07, s3;
	[bflag:$0x0] =	sbarrier.arrive $0xFFFF;
	(pc) =	sbr.rel @p0 .LBB2_1-.Ltmp2, $4  }
0xc8: {  	[hbm:s13], [sflag:s3] =	dma.local [spmem:s12], $0x2800  }
0xc9: {  	_ =	swait.ge [sflag:s20], $0x2800  }
0xca: {  	[sflag:s20] =	ssyncset.done $0x0  }
0xcb: {  	[sflag:s20] =	ssyncadd.s32 $0xFFFFD800  }
0xcc: {  	_ =	sfence.sel $0x180000  }
0xcd: {  	[bflag:$0x0] =	sbarrier.arrive $0xFFFF  }
0xce: {  	_ =	strace $0x90000047  }
0xcf: {  	s0 =	stileid.u32;
	[bflag:$0x2] =	sbarrier.arrive $0xFFFF  }
0xd0: {  	p0 =	sne.s32 s0, $0x0;
	s0 =	rddreg [dreg:$0x3]  }
0xd1: {  	s0 =	sadd.s32 @!p0 $0x100000, s0  }
0xd2: {  	[sflag:s0] =	ssyncadd.tile.s32 @!p0 $0x1;
	_ =	shalt  }
.Lfunc_end2:
_tile_overlayer_lowered:
.L_overlay_start_2:
0xd3: {  	(tag) =	ssettag $0x2  }
0xd4: {  	s0 =	rddreg [dreg:$0x0];
	s2 =	stileid.u32  }
0xd5: {  	s1 =	rddreg [dreg:$0x1];
	p0 =	sne.s32 s2, $0x0  }
0xd6: {  	s3 =	rddreg [dreg:$0x2];
	[bflag:$0x3] =	sbarrier.arrive $0xFFFF;
	s2 =	simm.s32 @!p0 $0x1C07  }
0xd7: {  	[timem:s3], [sflag:s2] =	dma.local @!p0 [hbm:s0], s1  }
0xd8: {  	s0 =	simm.s32 @!p0 $0x7  }
0xd9: {  	_ =	swait.ge @!p0 [sflag:s0], s1  }
0xda: {  	s1 =	ssub.s32 @!p0 $0x0, s1;
	[sflag:s0] =	ssyncset.done @!p0 $0x0  }
0xdb: {  	[sflag:s0] =	ssyncadd.s32 @!p0 s1  }
0xdc: {  	[bflag:$0x3] =	sbarrier.arrive $0xFFFF  }
0xdd: {  	_ =	shalt  }

// kernel: kernel.15.cloned.1.call-start
scs
__scs_entry_jumppad:
0x0: {  	(pc) =	sbr.rel $0x88, $3  }
0x1: {  	(tag) =	ssettag $0x0;
	lr =	simm.s32 $0x1  }
0x2: {  	[smem:$0x3F94] =	sst lr;
	_ =	strace $0xD0000000  }
0x3: {  	_ = 	snop  }
0x4: {  	_ = 	snop  }
0x5: {  	_ = 	snop  }
0x6: {  	_ = 	snop  }
0x7: {  	_ = 	snop  }
__scs_overlays_trampoline_lowered:
0x8: {  	[smem:$0x3FA3] =	sst s0  }
0x9: {  	[smem:$0x3FA4] =	sst s1  }
0xa: {  	[smem:$0x3FA5] =	sst s2  }
0xb: {  	[smem:$0x3FA6] =	sst s3  }
0xc: {  	[smem:$0x3FA7] =	sst s4  }
0xd: {  	[smem:$0x3FA8] =	sst s5  }
0xe: {  	[smem:$0x3FA9] =	sst s6  }
0xf: {  	[smem:$0x3FAA] =	sst s7  }
0x10: {  	[smem:$0x3FAB] =	sst s8  }
0x11: {  	[smem:$0x3FAC] =	sst s9;
	s0 =	simm.s32 @!p0 $0x0  }
0x12: {  	s1 =	sld [smem:$0x3F92];
	s0 =	simm.s32 @p0 $0x1  }
0x13: {  	[smem:$0x3FAD] =	sst s0;
	s0 =	simm.s32 @!p1 $0x0  }
0x14: {  	s2 =	sld [smem:$0x3F91];
	s0 =	simm.s32 @p1 $0x1  }
0x15: {  	[smem:$0x3FAE] =	sst s0;
	s0 =	simm.s32 @!p2 $0x0  }
0x16: {  	s3 =	sld [smem:$0x3FDB];
	s0 =	simm.s32 @p2 $0x1  }
0x17: {  	s4 =	simm.s32 $0x1BF5;
	[smem:$0x3FB0] =	sst s0  }
0x18: {  	s0 =	sld [smem:$0x3F93];
	_ =	swait.ge [sflag:s4], $0x0  }
0x19: {  	s7 =	sld [smem:$0x3F94]  }
0x1a: {  	s8 =	sadd.s32 $0xFFFFE003, lr  }
0x1b: {  	s9 =	sadd.s32 $0xFFFFFEF7, lr;
	s5 =	simm.s32 $0xFFFFFFFF;
	p2 =	slt.u32 s8, $0xFFFFF086  }
0x1c: {  	p1 =	slt.u32 s9, $0xF7A;
	s5 =	simm.s32 @!p2 $0x0  }
0x1d: {  	s5 =	simm.s32 @p1 $0x1;
	p0 =	seq.s32 s7, s2  }
0x1e: {  	s7 =	smul.u32 @!p0 $0xF7A, s2;
	p2 =	seq.s32 @!p0 s5, $0x0  }
0x1f: {  	s9 =	smul.u32 $0xF7A, s1;
	s8 =	simm.s32 @!p0 $0x1BF5;
	p2 =	por !p2, p0  }
0x20: {  	[sflag:s8] =	ssyncset.s32 @!p0 $0xFFFFF086;
	s6 =	sadd.s32 @!p0 s3, s7;
	s7 =	simm.s32 @!p0 $0x108  }
0x21: {  	s3 =	sadd.s32 s3, s9;
	s6 =	sadd.s32 @!p0 $0x88, s6;
	s7 =	simm.s32 @p2 $0x1082  }
0x22: {  	[simem:s7], [sflag:s8] =	dma.local @!p0 [hbm:s6], $0xF7A  }
0x23: {  	s9 =	sor.u32 $0xD0000000, s2;
	s6 =	simm.s32 $0x108;
	_ =	swait.ge @!p0 [sflag:s8], $0x0  }
0x24: {  	s3 =	sadd.s32 $0x88, s3;
	s6 =	simm.s32 @!p1 $0x1082;
	[sflag:s4] =	ssyncset.s32 $0xFFFFF086  }
0x25: {  	[simem:s6], [sflag:s4] =	dma.local [hbm:s3], $0xF7A  }
0x26: {  	[smem:$0x3F94] =	sst s1;
	(tag) =	ssettag s2;
	_ =	strace s9  }
0x27: {  	s1 =	sld [smem:$0x3FA4]  }
0x28: {  	s2 =	sld [smem:$0x3FA5]  }
0x29: {  	s4 =	sld [smem:$0x3FA7]  }
0x2a: {  	p0 =	seq.s32 s5, $0x0;
	s5 =	sld [smem:$0x3FA8]  }
0x2b: {  	s6 =	sld [smem:$0x3FA9]  }
0x2c: {  	s7 =	sld [smem:$0x3FAA]  }
0x2d: {  	s3 =	simm.s32 $0x108;
	s8 =	sld [smem:$0x3FAB]  }
0x2e: {  	s3 =	simm.s32 @!p0 $0x1082;
	s9 =	sld [smem:$0x3FAC]  }
0x2f: {  	lr =	sadd.s32 s0, s3;
	s0 =	sld [smem:$0x3FA3]  }
0x30: {  	s3 =	sld [smem:$0x3FA6]  }
0x31: {  	[smem:$0x3FAF] =	sst s10  }
0x32: {  	s10 =	sld [smem:$0x3FAD];
	_ =	sdelay $0x3  }
0x33: {  	p0 =	seq.s32 s10, $0x1;
	s10 =	sld [smem:$0x3FAF];
	_ =	sdelay $0x3  }
0x34: {  	[smem:$0x3FAF] =	sst s10  }
0x35: {  	s10 =	sld [smem:$0x3FAE];
	_ =	sdelay $0x3  }
0x36: {  	p1 =	seq.s32 s10, $0x1;
	s10 =	sld [smem:$0x3FAF];
	_ =	sdelay $0x3  }
0x37: {  	[smem:$0x3FAF] =	sst s10  }
0x38: {  	s10 =	sld [smem:$0x3FB0]  }
0x39: {  	_ = 	snop;
	(pc) =	sbr.ind lr, $3  }
0x3a: {  	_ = 	snop  }
0x3b: {  	_ = 	snop  }
0x3c: {  	p2 =	seq.s32 s10, $0x1;
	s10 =	sld [smem:$0x3FAF]  }
0x3d: {  	_ =	shalt  }
0x3e: {  	_ =	shalt  }
0x3f: {  	_ =	shalt  }
0x40: {  	_ =	shalt  }
0x41: {  	_ =	shalt  }
0x42: {  	_ =	shalt  }
0x43: {  	_ =	shalt  }
0x44: {  	_ =	shalt  }
0x45: {  	_ =	shalt  }
0x46: {  	_ =	shalt  }
0x47: {  	_ =	shalt  }
0x48: {  	_ =	shalt  }
0x49: {  	_ =	shalt  }
0x4a: {  	_ =	shalt  }
0x4b: {  	_ =	shalt  }
0x4c: {  	_ =	shalt  }
0x4d: {  	_ =	shalt  }
0x4e: {  	_ =	shalt  }
0x4f: {  	_ =	shalt  }
0x50: {  	_ =	shalt  }
0x51: {  	_ =	shalt  }
0x52: {  	_ =	shalt  }
0x53: {  	_ =	shalt  }
0x54: {  	_ =	shalt  }
0x55: {  	_ =	shalt  }
0x56: {  	_ =	shalt  }
0x57: {  	_ =	shalt  }
0x58: {  	_ =	shalt  }
0x59: {  	_ =	shalt  }
0x5a: {  	_ =	shalt  }
0x5b: {  	_ =	shalt  }
0x5c: {  	_ =	shalt  }
0x5d: {  	_ =	shalt  }
0x5e: {  	_ =	shalt  }
0x5f: {  	_ =	shalt  }
0x60: {  	_ =	shalt  }
0x61: {  	_ =	shalt  }
0x62: {  	_ =	shalt  }
0x63: {  	_ =	shalt  }
0x64: {  	_ =	shalt  }
0x65: {  	_ =	shalt  }
0x66: {  	_ =	shalt  }
0x67: {  	_ =	shalt  }
0x68: {  	_ =	shalt  }
0x69: {  	_ =	shalt  }
0x6a: {  	_ =	shalt  }
0x6b: {  	_ =	shalt  }
0x6c: {  	_ =	shalt  }
0x6d: {  	_ =	shalt  }
0x6e: {  	_ =	shalt  }
0x6f: {  	_ =	shalt  }
0x70: {  	_ =	shalt  }
0x71: {  	_ =	shalt  }
0x72: {  	_ =	shalt  }
0x73: {  	_ =	shalt  }
0x74: {  	_ =	shalt  }
0x75: {  	_ =	shalt  }
0x76: {  	_ =	shalt  }
0x77: {  	_ =	shalt  }
0x78: {  	_ =	shalt  }
0x79: {  	_ =	shalt  }
0x7a: {  	_ =	shalt  }
0x7b: {  	_ =	shalt  }
0x7c: {  	_ =	shalt  }
0x7d: {  	_ =	shalt  }
0x7e: {  	_ =	shalt  }
0x7f: {  	_ =	shalt  }
0x80: {  	_ =	shalt  }
0x81: {  	_ =	shalt  }
0x82: {  	_ =	shalt  }
0x83: {  	_ =	shalt  }
0x84: {  	_ =	shalt  }
0x85: {  	_ =	shalt  }
0x86: {  	_ =	shalt  }
0x87: {  	_ =	shalt  }
.Lfunc_end0:
.L_simem_size_0:
called_computation.1_lowered:
.L_overlay_start_0:
0x88: {  	s2 =	sld [smem:$0x3FD9]  }
0x89: {  	s3 =	sld [smem:$0x3FFE];
	_ =	sdelay $0x1  }
0x8a: {  	s1 =	srdreg.scid  }
0x8b: {  	s0 =	sand.u32 $0x1, s1  }
0x8c: {  	s17 =	sshll.u32 s0, $0xA;
	s2 =	sadd.s32 s3, s2  }
0x8d: {  	s2 =	sadd.s32 s2, s17  }
0x8e: {  	[smem:$0x3FBB] =	sst s2  }
0x8f: {  	_ = 	snop  }
0x90: {  	s2 =	sld [smem:$0x3FD0];
	(tm) =	ssettm $0x1  }
0x91: {  	s18 =	sld [smem:$0x3FFB];
	_ =	sdelay $0x3  }
0x92: {  	_ =	strace s18  }
0x93: {  	s3 =	sld [smem:$0x3FFC];
	_ =	sdelay $0x3  }
0x94: {  	_ =	strace s3  }
0x95: {  	s3 =	sld [smem:$0x3FFD];
	_ =	sdelay $0x3  }
0x96: {  	_ =	strace s3  }
0x97: {  	_ =	strace $0x8FFFFFFF  }
0x98: {  	s19 =	sld [smem:$0x3FDB];
	_ =	sdelay $0x1  }
0x99: {  	s4 =	simm.s32 $_scs_section_size  }
0x9a: {  	s5 =	simm.s32 $_size__tile_overlayer_lowered;
	s6 =	simm.s32 $_tile_overlayer_lowered  }
0x9b: {  	s22 =	simm.s32 $0x1BFF;
	s21 =	sshll.u32 s6, $0x1;
	s3 =	sadd.s32 s4, s19  }
0x9c: {  	s7 =	simm.s32 $0x0;
	s20 =	sshll.u32 s5, $0x1;
	s5 =	sadd.s32 s21, s3  }
0x9d: {  	[timem:s7], [sflag:s22] =	dma.local [hbm:s5], s20  }
0x9e: {  	_ =	swait.ge [sflag:s22], s20  }
0x9f: {  	s4 =	ssub.s32 $0x0, s20;
	[sflag:s22] =	ssyncset.done $0x0  }
0xa0: {  	[sflag:s22] =	ssyncadd.s32 s4;
	_ =	sdelay $0x1  }
0xa1: {  	s23 =	simm.s32 $0x1B8B  }
0xa2: {  	_ =	swait.ge [sflag:s23], $0x1  }
0xa3: {  	[sflag:s23] =	ssyncset.done $0x0  }
0xa4: {  	s25 =	simm.s32 $0x1B8E;
	s24 =	sld [smem:$0x3FFE];
	[sflag:s23] =	ssyncadd.s32 $0xFFFFFFFF  }
0xa5: {  	s26 =	simm.s32 $execute0_lowered;
	[smem:$0x3FD2] =	sst s25  }
0xa6: {  	s5 =	sshll.u32 s26, $0x1;
	_ =	strace $0x80000049;
	[dreg:$0x1] =	wrdreg $0xFFFFFFFF  }
0xa7: {  	s28 =	simm.s32 $_size_execute0_lowered;
	s3 =	sadd.s32 s3, s5;
	[dreg:$0x0] =	wrdreg $0x0  }
0xa8: {  	s5 =	sshll.u32 s28, $0x1;
	[dreg:$0x2] =	wrdreg s3  }
0xa9: {  	[dreg:$0x3] =	wrdreg s5  }
0xaa: {  	[dreg:$0x4] =	wrdreg $0xC0  }
0xab: {  	_ =	task [dreg:s7], $0x5FFFF  }
0xac: {  	[dreg:$0x1] =	wrdreg $0xFFFFFFFF  }
0xad: {  	[dreg:$0x0] =	wrdreg $0x60  }
0xae: {  	[dreg:$0x2] =	wrdreg s2  }
0xaf: {  	[dreg:$0x3] =	wrdreg s24  }
0xb0: {  	[dreg:$0x4] =	wrdreg $0x82000  }
0xb1: {  	[dreg:$0x5] =	wrdreg $0x9  }
0xb2: {  	_ =	task.clear_ibuf [dreg:s7], $0x6FFFF;
	_ =	strace $0x90000049  }
0xb3: {  	s29 =	simm.s32 $0x9;
	_ =	strace $0x8000004B  }
0xb4: {  	_ =	swait.ge [sflag:s29], $0x1  }
0xb5: {  	[sflag:s29] =	ssyncadd.s32 $0xFFFFFFFF  }
0xb6: {  	_ =	strace $0x9000004B  }
0xb7: {  	_ =	sfence  }
0xb8: {  	s30 =	sld [smem:$0x0];
	_ =	sdelay $0x2  }
0xb9: {  	s31 =	sshll.u32 s1, $0xD;
	s1 =	sshrl.u32 s1, $0x2  }
0xba: {  	s3 =	sand.u32 $0x4000, s31;
	s1 =	sadd.s32 s1, s30  }
0xbb: {  	s0 =	sor.u32 s3, s0;
	s1 =	sshll.u32 s1, $0x11  }
0xbc: {  	s0 =	sor.u32 s1, s0  }
0xbd: {  	s0 =	sadd.s32 $0x8F2B, s0  }
0xbe: {  	[sflag:s0] =	ssyncadd.remote.s32 $0x1  }
0xbf: {  	_ =	sfence.sel $0xFFFF  }
0xc0: {  	[dreg:$0x0] =	wrdreg $0xFFFFFFFF;
	(pc) =	sbr.abs _section_cstart, $3  }
0xc1: {  	[dreg:$0x1] =	wrdreg $0xFFFFFFFF  }
0xc2: {  	_ =	task.clear_ibuf [dreg:s7], $0x2FFFF;
	_ =	strace $0x9FFFFFFF  }
0xc3: {  	(tm) =	ssettm $0x7FFFFFFF  }
tec
execute0_lowered:
.L_overlay_start_1:
0x0: {  	(tag) =	ssettag $0x1  }
0x1: {  	s1 =	rddreg [dreg:$0x0]  }
0x2: {  	s0 =	rddreg [dreg:$0x1]  }
0x3: {  	s2 =	rddreg [dreg:$0x2]  }
0x4: {  	s4 =	simm.s32 $0x0;
	s3 =	srdreg.scid;
	s10 =	stileid.u32  }
0x5: {  	s28 =	simm.s32 $0x4200;
	s29 =	simm.s32 $0x5;
	s30 =	simm.s32 $0x6  }
0x6: {  	s31 =	simm.s32 $0x180;
	[smem:$0x7FF] =	sst s4;
	s8 =	smul.u32 $0x14000, s10  }
0x7: {  	s3 =	sand.u32 $0x1, s3;
	s5 =	sadd.s32 $0x4A00, s0;
	s20 =	smul.u32 $0x50000, s10  }
0x8: {  	s6 =	sadd.s32 $0xEA00, s0;
	s7 =	smul.u32 $0x140000, s3;
	s9 =	sshll.u32 s3, $0x4  }
0x9: {  	_ =	strace $0x8000004A;
	s3 =	ssub.s32 $0x2, s3;
	s19 =	sor.u32 s10, s9  }
0xa: {  	s22 =	sshrl.u32 s3, $0x1;
	s9 =	sshrl.u32 s20, $0x2;
	s20 =	simm.s32 $0x7  }
0xb: {  	s7 =	sadd.s32 s8, s7;
	s3 =	ssub.s32 s3, s22;
	s8 =	sadd.s32 s9, s2  }
0xc: {  	s22 =	simm.s32 $0x80;
	s21 =	sshrl.u32 s7, $0x3;
	s7 =	smul.u32 $0x2800, s19  }
0xd: {  	s14 =	smax.u32 s3, $0x1;
	s15 =	sadd.s32 $0x4000, s8;
	s16 =	sadd.s32 $0x8000, s8  }
0xe: {  	s17 =	sadd.s32 $0xC000, s8;
	s18 =	sadd.s32 $0x10000, s8;
	s19 =	simm.s32 $0x200  }
0xf: {  	s0 =	sadd.s32 s21, s0;
	s21 =	simm.s32 $0x100;
	s23 =	sshrl.u32 s7, $0x3  }
0x10: {  	s13 =	sadd.s32 $0x18A00, s0;
	s0 =	simm.s32 $0x0;
	s24 =	sadd.s32 s5, s23  }
0x11: {  	s25 =	sadd.s32 s6, s23;
	s9 =	sor.u32 $0x10, s23;
	[dreg:$0x4] =	wrdreg s24  }
0x12: {  	s23 =	simm.s32 $0x1;
	[dreg:$0x5] =	wrdreg s25;
	s26 =	sadd.s32 s5, s9  }
0x13: {  	s9 =	sadd.s32 s6, s9;
	s24 =	simm.s32 $0x3;
	[dreg:$0x6] =	wrdreg s26  }
0x14: {  	v0 =	vimm.f32 $0.0e+00;
	s25 =	simm.s32 $0x2;
	[dreg:$0x7] =	wrdreg s9;
	s26 =	simm.s32 $0x4  }
.LBB2_1:
0x15: {  	s3 =	simm.s32 $0x0;
	s9 =	simm.s32 $0x200  }
.LBB2_2:
0x16: {  	p0 =	sne.s32 s9, $0xFE00;
	[tilespmem:s3+$0x270] =	vst v0  }
0x17: {  	[tilespmem:s3+$0x200] =	vst v0  }
0x18: {  	[tilespmem:s3+$0x210] =	vst v0  }
.Ltmp0:
0x19: {  	[tilespmem:s3+$0x220] =	vst v0;
	(pc) =	sbr.rel @p0 .LBB2_2-.Ltmp0, $4  }
0x1a: {  	[tilespmem:s3+$0x230] =	vst v0  }
0x1b: {  	[tilespmem:s3+$0x240] =	vst v0  }
0x1c: {  	[tilespmem:s3+$0x250] =	vst v0  }
0x1d: {  	[tilespmem:s3+$0x260] =	vst v0;
	s3 =	sshra.s32 s9, $0x2;
	s9 =	sadd.s32 $0x200, s9  }
0x1e: {  	[tilespmem:s3+$0x270] =	vst v0  }
0x1f: {  	[tilespmem:s3+$0x200] =	vst v0  }
0x20: {  	[tilespmem:s3+$0x210] =	vst v0  }
0x21: {  	[tilespmem:s3+$0x220] =	vst v0  }
0x22: {  	[tilespmem:s3+$0x230] =	vst v0  }
0x23: {  	[tilespmem:s3+$0x240] =	vst v0  }
0x24: {  	[tilespmem:s3+$0x250] =	vst v0  }
0x25: {  	[tilespmem:s3+$0x260] =	vst v0  }
0x26: {  	[spmem:s8] =	stream.linear.scatter [tilespmem:s19], [sflag:$0x7], $0x4000, $0x38;
	[tilespmem:$0x1C200] =	vst v63  }
0x27: {  	_ =	swait.ge [sflag:s20], $0x4000  }
0x28: {  	[sflag:s20] =	ssyncset.done $0x0  }
0x29: {  	[sflag:s20] =	ssyncadd.s32 $0xFFFFC000  }
0x2a: {  	[spmem:s15] =	stream.linear.scatter [tilespmem:s19], [sflag:$0x7], $0x4000, $0x38;
	[tilespmem:$0x1C200] =	vst v63  }
0x2b: {  	_ =	swait.ge [sflag:s20], $0x4000  }
0x2c: {  	[sflag:s20] =	ssyncset.done $0x0  }
0x2d: {  	[sflag:s20] =	ssyncadd.s32 $0xFFFFC000  }
0x2e: {  	[spmem:s16] =	stream.linear.scatter [tilespmem:s19], [sflag:$0x7], $0x4000, $0x38;
	[tilespmem:$0x1C200] =	vst v63  }
0x2f: {  	_ =	swait.ge [sflag:s20], $0x4000  }
0x30: {  	[sflag:s20] =	ssyncset.done $0x0  }
0x31: {  	[sflag:s20] =	ssyncadd.s32 $0xFFFFC000  }
0x32: {  	[spmem:s17] =	stream.linear.scatter [tilespmem:s19], [sflag:$0x7], $0x4000, $0x38;
	[tilespmem:$0x1C200] =	vst v63  }
0x33: {  	_ =	swait.ge [sflag:s20], $0x4000  }
0x34: {  	[sflag:s20] =	ssyncset.done $0x0  }
0x35: {  	[sflag:s20] =	ssyncadd.s32 $0xFFFFC000  }
0x36: {  	[spmem:s18] =	stream.linear.scatter [tilespmem:s19], [sflag:$0x7], $0x4000, $0x38;
	[tilespmem:$0x1C200] =	vst v63  }
0x37: {  	_ =	swait.ge [sflag:s20], $0x4000  }
0x38: {  	[sflag:s20] =	ssyncset.done $0x0  }
0x39: {  	[sflag:s20] =	ssyncadd.s32 $0xFFFFC000  }
0x3a: {  	[bflag:$0x0] =	sbarrier.arrive $0xFFFF  }
0x3b: {  	s9 =	rddreg [dreg:$0x4]  }
0x3c: {  	[tilespmem:s4], [sflag:$0x1] =	stream.linear.gather [hbm4b:s9+s4], $0x80, $0x38;
	[tilespmem:$0x1C200] =	vst v63  }
0x3d: {  	s10 =	rddreg [dreg:$0x5]  }
0x3e: {  	[tilespmem:s21], [sflag:$0x3] =	stream.linear.gather [hbm4b:s10+s4], $0x80, $0x38;
	[tilespmem:$0x1C200] =	vst v63  }
0x3f: {  	s11 =	rddreg [dreg:$0x6]  }
0x40: {  	[tilespmem:s22], [sflag:$0x2] =	stream.linear.gather [hbm4b:s11+s4], $0x80, $0x38;
	[tilespmem:$0x1C200] =	vst v63  }
0x41: {  	s3 =	simm.s32 $0x180;
	s9 =	rddreg [dreg:$0x7]  }
0x42: {  	[tilespmem:s3], [sflag:$0x4] =	stream.linear.gather [hbm4b:s9+s4], $0x80, $0x38;
	[tilespmem:$0x1C200] =	vst v63  }
0x43: {  	_ =	swait.ge [sflag:s23], $0x80  }
0x44: {  	[sflag:s23] =	ssyncset.done $0x0  }
0x45: {  	[sflag:s23] =	ssyncadd.s32 $0xFFFFFF80  }
0x46: {  	_ =	swait.ge [sflag:s24], $0x80  }
0x47: {  	[sflag:s24] =	ssyncset.done $0x0  }
0x48: {  	[sflag:s24] =	ssyncadd.s32 $0xFFFFFF80  }
0x49: {  	[tilespmem:s19], [sflag:$0x5] =	stream.indirect.gather [hbm4b:s1+s22], $0x80, s4, s22, $0xb8;
	[tilespmem:$0x1C200] =	vst v63  }
0x4a: {  	_ =	swait.ge [sflag:s25], $0x80  }
0x4b: {  	[sflag:s25] =	ssyncset.done $0x0  }
0x4c: {  	[sflag:s25] =	ssyncadd.s32 $0xFFFFFF80  }
0x4d: {  	_ =	swait.ge [sflag:s26], $0x80  }
0x4e: {  	[sflag:s26] =	ssyncset.done $0x0  }
0x4f: {  	[sflag:s26] =	ssyncadd.s32 $0xFFFFFF80  }
0x50: {  	[tilespmem:s28], [sflag:$0x6] =	stream.indirect.gather [hbm4b:s1+s22], $0x80, s22, s22, $0xb8;
	[tilespmem:$0x1C200] =	vst v63  }
0x51: {  	s12 =	simm.s32 $0x100;
	_ =	swait.ge [sflag:s29], $0x4000  }
0x52: {  	s10 =	sand.u32 $0x7C00, s12;
	[sflag:s29] =	ssyncset.done $0x0  }
0x53: {  	s10 =	sadd.s32 s7, s10;
	s9 =	sand.u32 $0x300, s12;
	[sflag:s29] =	ssyncadd.s32 $0xFFFFC000  }
0x54: {  	[spmem:s2] =	stream.indirect.scatter.add.f32 [tilespmem:s19], [sflag:$0x7], $0x80, s21, s22, $0xb8;
	[tilespmem:$0x1C200] =	vst v63  }
0x55: {  	s9 =	sor.u32 s9, s10;
	_ =	swait.ge [sflag:s20], $0x4000  }
0x56: {  	s9 =	sshrl.u32 s9, $0x3;
	[sflag:s20] =	ssyncset.done $0x0  }
0x57: {  	s11 =	sadd.s32 s5, s9;
	[sflag:s20] =	ssyncadd.s32 $0xFFFFC000  }
0x58: {  	[tilespmem:s4], [sflag:$0x1] =	stream.linear.gather [hbm4b:s11+s4], $0x80, $0x38;
	[tilespmem:$0x1C200] =	vst v63  }
0x59: {  	s9 =	sadd.s32 s6, s9  }
0x5a: {  	[tilespmem:s21], [sflag:$0x3] =	stream.linear.gather [hbm4b:s9+s4], $0x80, $0x38;
	[tilespmem:$0x1C200] =	vst v63  }
0x5b: {  	_ =	swait.ge [sflag:s23], $0x80  }
0x5c: {  	[sflag:s23] =	ssyncset.done $0x0  }
0x5d: {  	[sflag:s23] =	ssyncadd.s32 $0xFFFFFF80  }
0x5e: {  	_ =	swait.ge [sflag:s24], $0x80  }
0x5f: {  	[sflag:s24] =	ssyncset.done $0x0  }
0x60: {  	[sflag:s24] =	ssyncadd.s32 $0xFFFFFF80  }
0x61: {  	[tilespmem:s19], [sflag:$0x5] =	stream.indirect.gather [hbm4b:s1+s22], $0x80, s4, s22, $0xb8;
	[tilespmem:$0x1C200] =	vst v63  }
0x62: {  	_ =	swait.ge [sflag:s30], $0x4000  }
0x63: {  	s12 =	sand.u32 $0x7C00, s3;
	[sflag:s30] =	ssyncset.done $0x0  }
0x64: {  	s3 =	sand.u32 $0x380, s3;
	s9 =	sadd.s32 s7, s12;
	[sflag:s30] =	ssyncadd.s32 $0xFFFFC000  }
0x65: {  	[spmem:s2] =	stream.indirect.scatter.add.f32 [tilespmem:s28], [sflag:$0x7], $0x80, s31, s22, $0xb8;
	[tilespmem:$0x1C200] =	vst v63  }
0x66: {  	s3 =	sor.u32 s3, s9;
	_ =	swait.ge [sflag:s20], $0x4000  }
0x67: {  	s3 =	sshrl.u32 s3, $0x3;
	[sflag:s20] =	ssyncset.done $0x0  }
0x68: {  	s10 =	sadd.s32 s5, s3;
	[sflag:s20] =	ssyncadd.s32 $0xFFFFC000  }
0x69: {  	[tilespmem:s22], [sflag:$0x2] =	stream.linear.gather [hbm4b:s10+s4], $0x80, $0x38;
	[tilespmem:$0x1C200] =	vst v63  }
0x6a: {  	s3 =	sadd.s32 s6, s3  }
0x6b: {  	[tilespmem:s31], [sflag:$0x4] =	stream.linear.gather [hbm4b:s3+s4], $0x80, $0x38;
	[tilespmem:$0x1C200] =	vst v63  }
0x6c: {  	_ =	swait.ge [sflag:s25], $0x80  }
0x6d: {  	[sflag:s25] =	ssyncset.done $0x0  }
0x6e: {  	[sflag:s25] =	ssyncadd.s32 $0xFFFFFF80  }
0x6f: {  	s11 =	simm.s32 $0x200;
	_ =	swait.ge [sflag:s26], $0x80  }
0x70: {  	s12 =	sand.u32 $0x7C00, s11;
	[sflag:s26] =	ssyncset.done $0x0  }
0x71: {  	s9 =	sand.u32 $0x300, s11;
	s10 =	sadd.s32 s7, s12;
	[sflag:s26] =	ssyncadd.s32 $0xFFFFFF80  }
0x72: {  	[tilespmem:s28], [sflag:$0x6] =	stream.indirect.gather [hbm4b:s1+s22], $0x80, s22, s22, $0xb8;
	[tilespmem:$0x1C200] =	vst v63  }
0x73: {  	s10 =	sor.u32 s9, s10;
	_ =	swait.ge [sflag:s29], $0x4000  }
0x74: {  	s9 =	simm.s32 $0x380;
	s3 =	simm.s32 $0x280;
	[sflag:s29] =	ssyncset.done $0x0  }
.LBB2_4:
0x75: {  	s10 =	sshrl.u32 s10, $0x3  }
0x76: {  	[sflag:s29] =	ssyncadd.s32 $0xFFFFC000;
	s12 =	smov.u32 s9;
	s11 =	sadd.s32 $0x100, s9  }
0x77: {  	[spmem:s2] =	stream.indirect.scatter.add.f32 [tilespmem:s19], [sflag:$0x7], $0x80, s21, s22, $0xb8;
	[tilespmem:$0x1C200] =	vst v63  }
0x78: {  	p0 =	sne.s32 s9, $0x2780;
	_ =	swait.ge [sflag:s20], $0x4000  }
0x79: {  	[sflag:s20] =	ssyncset.done $0x0  }
0x7a: {  	s9 =	sadd.s32 s5, s10;
	[sflag:s20] =	ssyncadd.s32 $0xFFFFC000  }
0x7b: {  	[tilespmem:s4], [sflag:$0x1] =	stream.linear.gather [hbm4b:s9+s4], $0x80, $0x38;
	[tilespmem:$0x1C200] =	vst v63  }
0x7c: {  	s9 =	sadd.s32 s6, s10  }
0x7d: {  	[tilespmem:s21], [sflag:$0x3] =	stream.linear.gather [hbm4b:s9+s4], $0x80, $0x38;
	[tilespmem:$0x1C200] =	vst v63  }
0x7e: {  	_ =	swait.ge [sflag:s23], $0x80  }
0x7f: {  	[sflag:s23] =	ssyncset.done $0x0  }
0x80: {  	[sflag:s23] =	ssyncadd.s32 $0xFFFFFF80  }
0x81: {  	_ =	swait.ge [sflag:s24], $0x80  }
0x82: {  	[sflag:s24] =	ssyncset.done $0x0  }
0x83: {  	[sflag:s24] =	ssyncadd.s32 $0xFFFFFF80  }
0x84: {  	[tilespmem:s19], [sflag:$0x5] =	stream.indirect.gather [hbm4b:s1+s22], $0x80, s4, s22, $0xb8;
	[tilespmem:$0x1C200] =	vst v63  }
0x85: {  	_ =	swait.ge [sflag:s30], $0x4000  }
0x86: {  	[sflag:s30] =	ssyncset.done $0x0  }
0x87: {  	s9 =	sand.u32 $0x7C00, s3;
	[sflag:s30] =	ssyncadd.s32 $0xFFFFC000  }
0x88: {  	[spmem:s2] =	stream.indirect.scatter.add.f32 [tilespmem:s28], [sflag:$0x7], $0x80, s31, s22, $0xb8;
	[tilespmem:$0x1C200] =	vst v63  }
0x89: {  	s3 =	sand.u32 $0x380, s3;
	s9 =	sadd.s32 s7, s9;
	_ =	swait.ge [sflag:s20], $0x4000  }
0x8a: {  	s9 =	sor.u32 s3, s9;
	s3 =	smov.u32 s12;
	[sflag:s20] =	ssyncset.done $0x0  }
0x8b: {  	s9 =	sshrl.u32 s9, $0x3;
	[sflag:s20] =	ssyncadd.s32 $0xFFFFC000  }
0x8c: {  	s10 =	sadd.s32 s5, s9  }
0x8d: {  	[tilespmem:s22], [sflag:$0x2] =	stream.linear.gather [hbm4b:s10+s4], $0x80, $0x38;
	[tilespmem:$0x1C200] =	vst v63  }
0x8e: {  	s9 =	sadd.s32 s6, s9  }
0x8f: {  	[tilespmem:s31], [sflag:$0x4] =	stream.linear.gather [hbm4b:s9+s4], $0x80, $0x38;
	[tilespmem:$0x1C200] =	vst v63  }
0x90: {  	_ =	swait.ge [sflag:s25], $0x80  }
0x91: {  	[sflag:s25] =	ssyncset.done $0x0  }
0x92: {  	[sflag:s25] =	ssyncadd.s32 $0xFFFFFF80  }
0x93: {  	_ =	swait.ge [sflag:s26], $0x80  }
.Ltmp1:
0x94: {  	s9 =	sadd.s32 $0xFFFFFF80, s3;
	[sflag:s26] =	ssyncset.done $0x0;
	(pc) =	sbr.rel @p0 .LBB2_4-.Ltmp1, $4  }
0x95: {  	s10 =	sand.u32 $0x7C00, s9;
	[sflag:s26] =	ssyncadd.s32 $0xFFFFFF80  }
0x96: {  	[tilespmem:s28], [sflag:$0x6] =	stream.indirect.gather [hbm4b:s1+s22], $0x80, s22, s22, $0xb8;
	[tilespmem:$0x1C200] =	vst v63  }
0x97: {  	s9 =	sand.u32 $0x300, s9;
	s10 =	sadd.s32 s7, s10;
	_ =	swait.ge [sflag:s29], $0x4000  }
0x98: {  	s10 =	sor.u32 s9, s10;
	s9 =	smov.u32 s11;
	[sflag:s29] =	ssyncset.done $0x0  }
0x99: {  	[sflag:s29] =	ssyncadd.s32 $0xFFFFC000  }
0x9a: {  	[spmem:s2] =	stream.indirect.scatter.add.f32 [tilespmem:s19], [sflag:$0x7], $0x80, s21, s22, $0xb8;
	[tilespmem:$0x1C200] =	vst v63  }
0x9b: {  	_ =	swait.ge [sflag:s20], $0x4000  }
0x9c: {  	s9 =	sshrl.u32 s10, $0x3;
	[sflag:s20] =	ssyncset.done $0x0  }
0x9d: {  	s10 =	sadd.s32 s5, s9;
	[sflag:s20] =	ssyncadd.s32 $0xFFFFC000  }
0x9e: {  	[tilespmem:s4], [sflag:$0x1] =	stream.linear.gather [hbm4b:s10+s4], $0x80, $0x38;
	[tilespmem:$0x1C200] =	vst v63  }
0x9f: {  	s9 =	sadd.s32 s6, s9  }
0xa0: {  	[tilespmem:s21], [sflag:$0x3] =	stream.linear.gather [hbm4b:s9+s4], $0x80, $0x38;
	[tilespmem:$0x1C200] =	vst v63  }
0xa1: {  	_ =	swait.ge [sflag:s23], $0x80  }
0xa2: {  	[sflag:s23] =	ssyncset.done $0x0  }
0xa3: {  	[sflag:s23] =	ssyncadd.s32 $0xFFFFFF80  }
0xa4: {  	_ =	swait.ge [sflag:s24], $0x80  }
0xa5: {  	[sflag:s24] =	ssyncset.done $0x0  }
0xa6: {  	[sflag:s24] =	ssyncadd.s32 $0xFFFFFF80  }
0xa7: {  	[tilespmem:s19], [sflag:$0x5] =	stream.indirect.gather [hbm4b:s1+s22], $0x80, s4, s22, $0xb8;
	[tilespmem:$0x1C200] =	vst v63  }
0xa8: {  	_ =	swait.ge [sflag:s30], $0x4000  }
0xa9: {  	s11 =	sand.u32 $0x7C00, s3;
	[sflag:s30] =	ssyncset.done $0x0  }
0xaa: {  	s12 =	sand.u32 $0x380, s3;
	s9 =	sadd.s32 s7, s11;
	[sflag:s30] =	ssyncadd.s32 $0xFFFFC000  }
0xab: {  	[spmem:s2] =	stream.indirect.scatter.add.f32 [tilespmem:s28], [sflag:$0x7], $0x80, s31, s22, $0xb8;
	[tilespmem:$0x1C200] =	vst v63  }
0xac: {  	s3 =	sor.u32 s12, s9;
	_ =	swait.ge [sflag:s20], $0x4000  }
0xad: {  	s3 =	sshrl.u32 s3, $0x3;
	[sflag:s20] =	ssyncset.done $0x0  }
0xae: {  	s10 =	sadd.s32 s5, s3;
	[sflag:s20] =	ssyncadd.s32 $0xFFFFC000  }
0xaf: {  	[tilespmem:s22], [sflag:$0x2] =	stream.linear.gather [hbm4b:s10+s4], $0x80, $0x38;
	[tilespmem:$0x1C200] =	vst v63  }
0xb0: {  	s3 =	sadd.s32 s6, s3  }
0xb1: {  	[tilespmem:s31], [sflag:$0x4] =	stream.linear.gather [hbm4b:s3+s4], $0x80, $0x38;
	[tilespmem:$0x1C200] =	vst v63  }
0xb2: {  	_ =	swait.ge [sflag:s25], $0x80  }
0xb3: {  	[sflag:s25] =	ssyncset.done $0x0  }
0xb4: {  	[sflag:s25] =	ssyncadd.s32 $0xFFFFFF80  }
0xb5: {  	_ =	swait.ge [sflag:s26], $0x80  }
0xb6: {  	[sflag:s26] =	ssyncset.done $0x0  }
0xb7: {  	[sflag:s26] =	ssyncadd.s32 $0xFFFFFF80  }
0xb8: {  	[tilespmem:s28], [sflag:$0x6] =	stream.indirect.gather [hbm4b:s1+s22], $0x80, s22, s22, $0xb8;
	[tilespmem:$0x1C200] =	vst v63  }
0xb9: {  	_ =	swait.ge [sflag:s29], $0x4000  }
0xba: {  	[sflag:s29] =	ssyncset.done $0x0  }
0xbb: {  	[sflag:s29] =	ssyncadd.s32 $0xFFFFC000  }
0xbc: {  	[spmem:s2] =	stream.indirect.scatter.add.f32 [tilespmem:s19], [sflag:$0x7], $0x80, s21, s22, $0xb8;
	[tilespmem:$0x1C200] =	vst v63  }
0xbd: {  	_ =	swait.ge [sflag:s20], $0x4000  }
0xbe: {  	[sflag:s20] =	ssyncset.done $0x0  }
0xbf: {  	[sflag:s20] =	ssyncadd.s32 $0xFFFFC000  }
0xc0: {  	_ =	swait.ge [sflag:s30], $0x4000  }
0xc1: {  	[sflag:s30] =	ssyncset.done $0x0  }
0xc2: {  	[sflag:s30] =	ssyncadd.s32 $0xFFFFC000  }
0xc3: {  	[spmem:s2] =	stream.indirect.scatter.add.f32 [tilespmem:s28], [sflag:$0x7], $0x80, s31, s22, $0xb8;
	[tilespmem:$0x1C200] =	vst v63  }
0xc4: {  	s0 =	sadd.s32 $0x1, s0;
	_ =	swait.ge [sflag:s20], $0x4000  }
0xc5: {  	p0 =	sne.s32 s0, s14;
	s11 =	stileid.u32;
	[sflag:s20] =	ssyncset.done $0x0  }
0xc6: {  	s12 =	sshrl.u32 s8, $0x3;
	s3 =	sshll.u32 s11, $0x6;
	[sflag:s20] =	ssyncadd.s32 $0xFFFFC000  }
.Ltmp2:
0xc7: {  	s3 =	sor.u32 $0x1C07, s3;
	[bflag:$0x0] =	sbarrier.arrive $0xFFFF;
	(pc) =	sbr.rel @p0 .LBB2_1-.Ltmp2, $4  }
0xc8: {  	[hbm:s13], [sflag:s3] =	dma.local [spmem:s12], $0x2800  }
0xc9: {  	_ =	swait.ge [sflag:s20], $0x2800  }
0xca: {  	[sflag:s20] =	ssyncset.done $0x0  }
0xcb: {  	[sflag:s20] =	ssyncadd.s32 $0xFFFFD800  }
0xcc: {  	_ =	sfence.sel $0x180000  }
0xcd: {  	[bflag:$0x0] =	sbarrier.arrive $0xFFFF  }
0xce: {  	_ =	strace $0x9000004A  }
0xcf: {  	s0 =	stileid.u32;
	[bflag:$0x2] =	sbarrier.arrive $0xFFFF  }
0xd0: {  	p0 =	sne.s32 s0, $0x0;
	s0 =	rddreg [dreg:$0x3]  }
0xd1: {  	s0 =	sadd.s32 @!p0 $0x100000, s0  }
0xd2: {  	[sflag:s0] =	ssyncadd.tile.s32 @!p0 $0x1;
	_ =	shalt  }
.Lfunc_end2:
_tile_overlayer_lowered:
.L_overlay_start_2:
0xd3: {  	(tag) =	ssettag $0x2  }
0xd4: {  	s0 =	rddreg [dreg:$0x0];
	s2 =	stileid.u32  }
0xd5: {  	s1 =	rddreg [dreg:$0x1];
	p0 =	sne.s32 s2, $0x0  }
0xd6: {  	s3 =	rddreg [dreg:$0x2];
	[bflag:$0x3] =	sbarrier.arrive $0xFFFF;
	s2 =	simm.s32 @!p0 $0x1C07  }
0xd7: {  	[timem:s3], [sflag:s2] =	dma.local @!p0 [hbm:s0], s1  }
0xd8: {  	s0 =	simm.s32 @!p0 $0x7  }
0xd9: {  	_ =	swait.ge @!p0 [sflag:s0], s1  }
0xda: {  	s1 =	ssub.s32 @!p0 $0x0, s1;
	[sflag:s0] =	ssyncset.done @!p0 $0x0  }
0xdb: {  	[sflag:s0] =	ssyncadd.s32 @!p0 s1  }
0xdc: {  	[bflag:$0x3] =	sbarrier.arrive $0xFFFF  }
0xdd: {  	_ =	shalt  }

// kernel: kernel.18.cloned.1.call-start
scs
__scs_entry_jumppad:
0x0: {  	(pc) =	sbr.rel $0x88, $3  }
0x1: {  	(tag) =	ssettag $0x0;
	lr =	simm.s32 $0x1  }
0x2: {  	[smem:$0x3F94] =	sst lr;
	_ =	strace $0xD0000000  }
0x3: {  	_ = 	snop  }
0x4: {  	_ = 	snop  }
0x5: {  	_ = 	snop  }
0x6: {  	_ = 	snop  }
0x7: {  	_ = 	snop  }
__scs_overlays_trampoline_lowered:
0x8: {  	[smem:$0x3FA3] =	sst s0  }
0x9: {  	[smem:$0x3FA4] =	sst s1  }
0xa: {  	[smem:$0x3FA5] =	sst s2  }
0xb: {  	[smem:$0x3FA6] =	sst s3  }
0xc: {  	[smem:$0x3FA7] =	sst s4  }
0xd: {  	[smem:$0x3FA8] =	sst s5  }
0xe: {  	[smem:$0x3FA9] =	sst s6  }
0xf: {  	[smem:$0x3FAA] =	sst s7  }
0x10: {  	[smem:$0x3FAB] =	sst s8  }
0x11: {  	[smem:$0x3FAC] =	sst s9;
	s0 =	simm.s32 @!p0 $0x0  }
0x12: {  	s1 =	sld [smem:$0x3F92];
	s0 =	simm.s32 @p0 $0x1  }
0x13: {  	[smem:$0x3FAD] =	sst s0;
	s0 =	simm.s32 @!p1 $0x0  }
0x14: {  	s2 =	sld [smem:$0x3F91];
	s0 =	simm.s32 @p1 $0x1  }
0x15: {  	[smem:$0x3FAE] =	sst s0;
	s0 =	simm.s32 @!p2 $0x0  }
0x16: {  	s3 =	sld [smem:$0x3FDB];
	s0 =	simm.s32 @p2 $0x1  }
0x17: {  	s4 =	simm.s32 $0x1BF5;
	[smem:$0x3FB0] =	sst s0  }
0x18: {  	s0 =	sld [smem:$0x3F93];
	_ =	swait.ge [sflag:s4], $0x0  }
0x19: {  	s7 =	sld [smem:$0x3F94]  }
0x1a: {  	s8 =	sadd.s32 $0xFFFFE003, lr  }
0x1b: {  	s9 =	sadd.s32 $0xFFFFFEF7, lr;
	s5 =	simm.s32 $0xFFFFFFFF;
	p2 =	slt.u32 s8, $0xFFFFF086  }
0x1c: {  	p1 =	slt.u32 s9, $0xF7A;
	s5 =	simm.s32 @!p2 $0x0  }
0x1d: {  	s5 =	simm.s32 @p1 $0x1;
	p0 =	seq.s32 s7, s2  }
0x1e: {  	s7 =	smul.u32 @!p0 $0xF7A, s2;
	p2 =	seq.s32 @!p0 s5, $0x0  }
0x1f: {  	s9 =	smul.u32 $0xF7A, s1;
	s8 =	simm.s32 @!p0 $0x1BF5;
	p2 =	por !p2, p0  }
0x20: {  	[sflag:s8] =	ssyncset.s32 @!p0 $0xFFFFF086;
	s6 =	sadd.s32 @!p0 s3, s7;
	s7 =	simm.s32 @!p0 $0x108  }
0x21: {  	s3 =	sadd.s32 s3, s9;
	s6 =	sadd.s32 @!p0 $0x88, s6;
	s7 =	simm.s32 @p2 $0x1082  }
0x22: {  	[simem:s7], [sflag:s8] =	dma.local @!p0 [hbm:s6], $0xF7A  }
0x23: {  	s9 =	sor.u32 $0xD0000000, s2;
	s6 =	simm.s32 $0x108;
	_ =	swait.ge @!p0 [sflag:s8], $0x0  }
0x24: {  	s3 =	sadd.s32 $0x88, s3;
	s6 =	simm.s32 @!p1 $0x1082;
	[sflag:s4] =	ssyncset.s32 $0xFFFFF086  }
0x25: {  	[simem:s6], [sflag:s4] =	dma.local [hbm:s3], $0xF7A  }
0x26: {  	[smem:$0x3F94] =	sst s1;
	(tag) =	ssettag s2;
	_ =	strace s9  }
0x27: {  	s1 =	sld [smem:$0x3FA4]  }
0x28: {  	s2 =	sld [smem:$0x3FA5]  }
0x29: {  	s4 =	sld [smem:$0x3FA7]  }
0x2a: {  	p0 =	seq.s32 s5, $0x0;
	s5 =	sld [smem:$0x3FA8]  }
0x2b: {  	s6 =	sld [smem:$0x3FA9]  }
0x2c: {  	s7 =	sld [smem:$0x3FAA]  }
0x2d: {  	s3 =	simm.s32 $0x108;
	s8 =	sld [smem:$0x3FAB]  }
0x2e: {  	s3 =	simm.s32 @!p0 $0x1082;
	s9 =	sld [smem:$0x3FAC]  }
0x2f: {  	lr =	sadd.s32 s0, s3;
	s0 =	sld [smem:$0x3FA3]  }
0x30: {  	s3 =	sld [smem:$0x3FA6]  }
0x31: {  	[smem:$0x3FAF] =	sst s10  }
0x32: {  	s10 =	sld [smem:$0x3FAD];
	_ =	sdelay $0x3  }
0x33: {  	p0 =	seq.s32 s10, $0x1;
	s10 =	sld [smem:$0x3FAF];
	_ =	sdelay $0x3  }
0x34: {  	[smem:$0x3FAF] =	sst s10  }
0x35: {  	s10 =	sld [smem:$0x3FAE];
	_ =	sdelay $0x3  }
0x36: {  	p1 =	seq.s32 s10, $0x1;
	s10 =	sld [smem:$0x3FAF];
	_ =	sdelay $0x3  }
0x37: {  	[smem:$0x3FAF] =	sst s10  }
0x38: {  	s10 =	sld [smem:$0x3FB0]  }
0x39: {  	_ = 	snop;
	(pc) =	sbr.ind lr, $3  }
0x3a: {  	_ = 	snop  }
0x3b: {  	_ = 	snop  }
0x3c: {  	p2 =	seq.s32 s10, $0x1;
	s10 =	sld [smem:$0x3FAF]  }
0x3d: {  	_ =	shalt  }
0x3e: {  	_ =	shalt  }
0x3f: {  	_ =	shalt  }
0x40: {  	_ =	shalt  }
0x41: {  	_ =	shalt  }
0x42: {  	_ =	shalt  }
0x43: {  	_ =	shalt  }
0x44: {  	_ =	shalt  }
0x45: {  	_ =	shalt  }
0x46: {  	_ =	shalt  }
0x47: {  	_ =	shalt  }
0x48: {  	_ =	shalt  }
0x49: {  	_ =	shalt  }
0x4a: {  	_ =	shalt  }
0x4b: {  	_ =	shalt  }
0x4c: {  	_ =	shalt  }
0x4d: {  	_ =	shalt  }
0x4e: {  	_ =	shalt  }
0x4f: {  	_ =	shalt  }
0x50: {  	_ =	shalt  }
0x51: {  	_ =	shalt  }
0x52: {  	_ =	shalt  }
0x53: {  	_ =	shalt  }
0x54: {  	_ =	shalt  }
0x55: {  	_ =	shalt  }
0x56: {  	_ =	shalt  }
0x57: {  	_ =	shalt  }
0x58: {  	_ =	shalt  }
0x59: {  	_ =	shalt  }
0x5a: {  	_ =	shalt  }
0x5b: {  	_ =	shalt  }
0x5c: {  	_ =	shalt  }
0x5d: {  	_ =	shalt  }
0x5e: {  	_ =	shalt  }
0x5f: {  	_ =	shalt  }
0x60: {  	_ =	shalt  }
0x61: {  	_ =	shalt  }
0x62: {  	_ =	shalt  }
0x63: {  	_ =	shalt  }
0x64: {  	_ =	shalt  }
0x65: {  	_ =	shalt  }
0x66: {  	_ =	shalt  }
0x67: {  	_ =	shalt  }
0x68: {  	_ =	shalt  }
0x69: {  	_ =	shalt  }
0x6a: {  	_ =	shalt  }
0x6b: {  	_ =	shalt  }
0x6c: {  	_ =	shalt  }
0x6d: {  	_ =	shalt  }
0x6e: {  	_ =	shalt  }
0x6f: {  	_ =	shalt  }
0x70: {  	_ =	shalt  }
0x71: {  	_ =	shalt  }
0x72: {  	_ =	shalt  }
0x73: {  	_ =	shalt  }
0x74: {  	_ =	shalt  }
0x75: {  	_ =	shalt  }
0x76: {  	_ =	shalt  }
0x77: {  	_ =	shalt  }
0x78: {  	_ =	shalt  }
0x79: {  	_ =	shalt  }
0x7a: {  	_ =	shalt  }
0x7b: {  	_ =	shalt  }
0x7c: {  	_ =	shalt  }
0x7d: {  	_ =	shalt  }
0x7e: {  	_ =	shalt  }
0x7f: {  	_ =	shalt  }
0x80: {  	_ =	shalt  }
0x81: {  	_ =	shalt  }
0x82: {  	_ =	shalt  }
0x83: {  	_ =	shalt  }
0x84: {  	_ =	shalt  }
0x85: {  	_ =	shalt  }
0x86: {  	_ =	shalt  }
0x87: {  	_ =	shalt  }
.Lfunc_end0:
.L_simem_size_0:
called_computation.2_lowered:
.L_overlay_start_0:
0x88: {  	s2 =	sld [smem:$0x3FD9]  }
0x89: {  	s3 =	sld [smem:$0x3FFE];
	_ =	sdelay $0x1  }
0x8a: {  	s1 =	srdreg.scid  }
0x8b: {  	s0 =	sand.u32 $0x1, s1  }
0x8c: {  	s16 =	sshll.u32 s0, $0xA;
	s2 =	sadd.s32 s3, s2  }
0x8d: {  	s2 =	sadd.s32 s2, s16  }
0x8e: {  	[smem:$0x3FBB] =	sst s2  }
0x8f: {  	_ = 	snop  }
0x90: {  	(tm) =	ssettm $0x1  }
0x91: {  	s17 =	sld [smem:$0x3FFB];
	_ =	sdelay $0x3  }
0x92: {  	_ =	strace s17  }
0x93: {  	s2 =	sld [smem:$0x3FFC];
	_ =	sdelay $0x3  }
0x94: {  	_ =	strace s2  }
0x95: {  	s2 =	sld [smem:$0x3FFD];
	_ =	sdelay $0x3  }
0x96: {  	_ =	strace s2  }
0x97: {  	_ =	strace $0x8FFFFFFF  }
0x98: {  	s18 =	sld [smem:$0x3FDB];
	_ =	sdelay $0x1  }
0x99: {  	s19 =	simm.s32 $_scs_section_size  }
0x9a: {  	s4 =	simm.s32 $_size__tile_overlayer_lowered;
	s5 =	simm.s32 $_tile_overlayer_lowered  }
0x9b: {  	s22 =	simm.s32 $0x1BFF;
	s21 =	sshll.u32 s5, $0x1;
	s2 =	sadd.s32 s19, s18  }
0x9c: {  	s6 =	simm.s32 $0x0;
	s20 =	sshll.u32 s4, $0x1;
	s4 =	sadd.s32 s21, s2  }
0x9d: {  	[timem:s6], [sflag:s22] =	dma.local [hbm:s4], s20  }
0x9e: {  	_ =	swait.ge [sflag:s22], s20  }
0x9f: {  	s3 =	ssub.s32 $0x0, s20;
	[sflag:s22] =	ssyncset.done $0x0  }
0xa0: {  	[sflag:s22] =	ssyncadd.s32 s3;
	_ =	sdelay $0x1  }
0xa1: {  	s23 =	simm.s32 $0x1B8B  }
0xa2: {  	_ =	swait.ge [sflag:s23], $0x1  }
0xa3: {  	[sflag:s23] =	ssyncset.done $0x0  }
0xa4: {  	s25 =	simm.s32 $0x1B8E;
	s24 =	sld [smem:$0x3FFE];
	[sflag:s23] =	ssyncadd.s32 $0xFFFFFFFF  }
0xa5: {  	s26 =	simm.s32 $execute0_lowered;
	[smem:$0x3FD2] =	sst s25  }
0xa6: {  	s4 =	sshll.u32 s26, $0x1;
	_ =	strace $0x8000004C;
	[dreg:$0x1] =	wrdreg $0xFFFFFFFF  }
0xa7: {  	s28 =	simm.s32 $_size_execute0_lowered;
	s2 =	sadd.s32 s2, s4;
	[dreg:$0x0] =	wrdreg $0x0  }
0xa8: {  	s4 =	sshll.u32 s28, $0x1;
	[dreg:$0x2] =	wrdreg s2  }
0xa9: {  	[dreg:$0x3] =	wrdreg s4  }
0xaa: {  	[dreg:$0x4] =	wrdreg $0xC0  }
0xab: {  	_ =	task [dreg:s6], $0x5FFFF  }
0xac: {  	[dreg:$0x1] =	wrdreg $0xFFFFFFFF  }
0xad: {  	[dreg:$0x0] =	wrdreg $0x60  }
0xae: {  	[dreg:$0x2] =	wrdreg s24  }
0xaf: {  	[dreg:$0x3] =	wrdreg $0x82000  }
0xb0: {  	[dreg:$0x4] =	wrdreg $0x9  }
0xb1: {  	_ =	task.clear_ibuf [dreg:s6], $0x5FFFF;
	_ =	strace $0x9000004C  }
0xb2: {  	s29 =	simm.s32 $0x9;
	_ =	strace $0x8000004E  }
0xb3: {  	_ =	swait.ge [sflag:s29], $0x1  }
0xb4: {  	[sflag:s29] =	ssyncadd.s32 $0xFFFFFFFF  }
0xb5: {  	_ =	strace $0x9000004E  }
0xb6: {  	_ =	sfence  }
0xb7: {  	s30 =	sld [smem:$0x0];
	_ =	sdelay $0x2  }
0xb8: {  	s31 =	sshll.u32 s1, $0xD;
	s1 =	sshrl.u32 s1, $0x2  }
0xb9: {  	s3 =	sand.u32 $0x4000, s31;
	s1 =	sadd.s32 s1, s30  }
0xba: {  	s0 =	sor.u32 s3, s0;
	s1 =	sshll.u32 s1, $0x11  }
0xbb: {  	s0 =	sor.u32 s1, s0  }
0xbc: {  	s0 =	sadd.s32 $0x8F2B, s0  }
0xbd: {  	[sflag:s0] =	ssyncadd.remote.s32 $0x1  }
0xbe: {  	_ =	sfence.sel $0xFFFF  }
0xbf: {  	[dreg:$0x0] =	wrdreg $0xFFFFFFFF;
	(pc) =	sbr.abs _section_cstart, $3  }
0xc0: {  	[dreg:$0x1] =	wrdreg $0xFFFFFFFF  }
0xc1: {  	_ =	task.clear_ibuf [dreg:s6], $0x2FFFF;
	_ =	strace $0x9FFFFFFF  }
0xc2: {  	(tm) =	ssettm $0x7FFFFFFF  }
0xc3: {  	_ =	shalt  }
tec
execute0_lowered:
.L_overlay_start_1:
0x0: {  	(tag) =	ssettag $0x1  }
0x1: {  	s0 =	rddreg [dreg:$0x0]  }
0x2: {  	s1 =	rddreg [dreg:$0x1];
	s3 =	simm.s32 $0x0  }
0x3: {  	s2 =	srdreg.scid;
	s10 =	stileid.u32;
	s28 =	simm.s32 $0x4200  }
0x4: {  	s29 =	simm.s32 $0x5;
	s30 =	simm.s32 $0x6;
	s31 =	simm.s32 $0x180  }
0x5: {  	[smem:$0x7FF] =	sst s3;
	s2 =	sand.u32 $0x1, s2;
	s8 =	smul.u32 $0x14000, s10  }
0x6: {  	s4 =	sadd.s32 $0x18A00, s0;
	s5 =	sadd.s32 $0x4A00, s0;
	s20 =	smul.u32 $0x50000, s10  }
0x7: {  	s6 =	sadd.s32 $0xEA00, s0;
	s7 =	smul.u32 $0x140000, s2;
	s9 =	sshll.u32 s2, $0x4  }
0x8: {  	_ =	strace $0x8000004D;
	s2 =	ssub.s32 $0x2, s2;
	s19 =	sor.u32 s10, s9  }
0x9: {  	s22 =	sshrl.u32 s2, $0x1;
	s9 =	sshrl.u32 s20, $0x2;
	s20 =	simm.s32 $0x7  }
0xa: {  	s7 =	sadd.s32 s8, s7;
	s2 =	ssub.s32 s2, s22;
	s8 =	sadd.s32 s9, s1  }
0xb: {  	s22 =	simm.s32 $0x80;
	s21 =	sshrl.u32 s7, $0x3;
	s7 =	smul.u32 $0x2800, s19  }
0xc: {  	s14 =	smax.u32 s2, $0x1;
	s15 =	sadd.s32 $0x4000, s8;
	s16 =	sadd.s32 $0x8000, s8  }
0xd: {  	s17 =	sadd.s32 $0xC000, s8;
	s18 =	sadd.s32 $0x10000, s8;
	s19 =	simm.s32 $0x200  }
0xe: {  	s0 =	sadd.s32 s21, s0;
	s21 =	simm.s32 $0x100;
	s23 =	sshrl.u32 s7, $0x3  }
0xf: {  	s13 =	sadd.s32 $0x74600, s0;
	s0 =	simm.s32 $0x0;
	s24 =	sadd.s32 s5, s23  }
0x10: {  	s25 =	sadd.s32 s6, s23;
	s9 =	sor.u32 $0x10, s23;
	[dreg:$0x3] =	wrdreg s24  }
0x11: {  	s23 =	simm.s32 $0x1;
	[dreg:$0x4] =	wrdreg s25;
	s26 =	sadd.s32 s5, s9  }
0x12: {  	s9 =	sadd.s32 s6, s9;
	s24 =	simm.s32 $0x3;
	[dreg:$0x5] =	wrdreg s26  }
0x13: {  	v0 =	vimm.f32 $0.0e+00;
	s25 =	simm.s32 $0x2;
	[dreg:$0x6] =	wrdreg s9;
	s26 =	simm.s32 $0x4  }
.LBB2_1:
0x14: {  	s2 =	simm.s32 $0x0;
	s9 =	simm.s32 $0x200  }
.LBB2_2:
0x15: {  	p0 =	sne.s32 s9, $0xFE00;
	[tilespmem:s2+$0x270] =	vst v0  }
0x16: {  	[tilespmem:s2+$0x200] =	vst v0  }
0x17: {  	[tilespmem:s2+$0x210] =	vst v0  }
.Ltmp0:
0x18: {  	[tilespmem:s2+$0x220] =	vst v0;
	(pc) =	sbr.rel @p0 .LBB2_2-.Ltmp0, $4  }
0x19: {  	[tilespmem:s2+$0x230] =	vst v0  }
0x1a: {  	[tilespmem:s2+$0x240] =	vst v0  }
0x1b: {  	[tilespmem:s2+$0x250] =	vst v0  }
0x1c: {  	[tilespmem:s2+$0x260] =	vst v0;
	s2 =	sshra.s32 s9, $0x2;
	s9 =	sadd.s32 $0x200, s9  }
0x1d: {  	[tilespmem:s2+$0x270] =	vst v0  }
0x1e: {  	[tilespmem:s2+$0x200] =	vst v0  }
0x1f: {  	[tilespmem:s2+$0x210] =	vst v0  }
0x20: {  	[tilespmem:s2+$0x220] =	vst v0  }
0x21: {  	[tilespmem:s2+$0x230] =	vst v0  }
0x22: {  	[tilespmem:s2+$0x240] =	vst v0  }
0x23: {  	[tilespmem:s2+$0x250] =	vst v0  }
0x24: {  	[tilespmem:s2+$0x260] =	vst v0  }
0x25: {  	[spmem:s8] =	stream.linear.scatter [tilespmem:s19], [sflag:$0x7], $0x4000, $0x38;
	[tilespmem:$0x1C200] =	vst v63  }
0x26: {  	_ =	swait.ge [sflag:s20], $0x4000  }
0x27: {  	[sflag:s20] =	ssyncset.done $0x0  }
0x28: {  	[sflag:s20] =	ssyncadd.s32 $0xFFFFC000  }
0x29: {  	[spmem:s15] =	stream.linear.scatter [tilespmem:s19], [sflag:$0x7], $0x4000, $0x38;
	[tilespmem:$0x1C200] =	vst v63  }
0x2a: {  	_ =	swait.ge [sflag:s20], $0x4000  }
0x2b: {  	[sflag:s20] =	ssyncset.done $0x0  }
0x2c: {  	[sflag:s20] =	ssyncadd.s32 $0xFFFFC000  }
0x2d: {  	[spmem:s16] =	stream.linear.scatter [tilespmem:s19], [sflag:$0x7], $0x4000, $0x38;
	[tilespmem:$0x1C200] =	vst v63  }
0x2e: {  	_ =	swait.ge [sflag:s20], $0x4000  }
0x2f: {  	[sflag:s20] =	ssyncset.done $0x0  }
0x30: {  	[sflag:s20] =	ssyncadd.s32 $0xFFFFC000  }
0x31: {  	[spmem:s17] =	stream.linear.scatter [tilespmem:s19], [sflag:$0x7], $0x4000, $0x38;
	[tilespmem:$0x1C200] =	vst v63  }
0x32: {  	_ =	swait.ge [sflag:s20], $0x4000  }
0x33: {  	[sflag:s20] =	ssyncset.done $0x0  }
0x34: {  	[sflag:s20] =	ssyncadd.s32 $0xFFFFC000  }
0x35: {  	[spmem:s18] =	stream.linear.scatter [tilespmem:s19], [sflag:$0x7], $0x4000, $0x38;
	[tilespmem:$0x1C200] =	vst v63  }
0x36: {  	_ =	swait.ge [sflag:s20], $0x4000  }
0x37: {  	[sflag:s20] =	ssyncset.done $0x0  }
0x38: {  	[sflag:s20] =	ssyncadd.s32 $0xFFFFC000  }
0x39: {  	[bflag:$0x0] =	sbarrier.arrive $0xFFFF  }
0x3a: {  	s9 =	rddreg [dreg:$0x3]  }
0x3b: {  	[tilespmem:s3], [sflag:$0x1] =	stream.linear.gather [hbm4b:s9+s3], $0x80, $0x38;
	[tilespmem:$0x1C200] =	vst v63  }
0x3c: {  	s10 =	rddreg [dreg:$0x4]  }
0x3d: {  	[tilespmem:s21], [sflag:$0x3] =	stream.linear.gather [hbm4b:s10+s3], $0x80, $0x38;
	[tilespmem:$0x1C200] =	vst v63  }
0x3e: {  	s11 =	rddreg [dreg:$0x5]  }
0x3f: {  	[tilespmem:s22], [sflag:$0x2] =	stream.linear.gather [hbm4b:s11+s3], $0x80, $0x38;
	[tilespmem:$0x1C200] =	vst v63  }
0x40: {  	s2 =	simm.s32 $0x180;
	s9 =	rddreg [dreg:$0x6]  }
0x41: {  	[tilespmem:s2], [sflag:$0x4] =	stream.linear.gather [hbm4b:s9+s3], $0x80, $0x38;
	[tilespmem:$0x1C200] =	vst v63  }
0x42: {  	_ =	swait.ge [sflag:s23], $0x80  }
0x43: {  	[sflag:s23] =	ssyncset.done $0x0  }
0x44: {  	[sflag:s23] =	ssyncadd.s32 $0xFFFFFF80  }
0x45: {  	_ =	swait.ge [sflag:s24], $0x80  }
0x46: {  	[sflag:s24] =	ssyncset.done $0x0  }
0x47: {  	[sflag:s24] =	ssyncadd.s32 $0xFFFFFF80  }
0x48: {  	[tilespmem:s19], [sflag:$0x5] =	stream.indirect.gather [hbm4b:s4+s22], $0x80, s3, s22, $0xb8;
	[tilespmem:$0x1C200] =	vst v63  }
0x49: {  	_ =	swait.ge [sflag:s25], $0x80  }
0x4a: {  	[sflag:s25] =	ssyncset.done $0x0  }
0x4b: {  	[sflag:s25] =	ssyncadd.s32 $0xFFFFFF80  }
0x4c: {  	_ =	swait.ge [sflag:s26], $0x80  }
0x4d: {  	[sflag:s26] =	ssyncset.done $0x0  }
0x4e: {  	[sflag:s26] =	ssyncadd.s32 $0xFFFFFF80  }
0x4f: {  	[tilespmem:s28], [sflag:$0x6] =	stream.indirect.gather [hbm4b:s4+s22], $0x80, s22, s22, $0xb8;
	[tilespmem:$0x1C200] =	vst v63  }
0x50: {  	s12 =	simm.s32 $0x100;
	_ =	swait.ge [sflag:s29], $0x4000  }
0x51: {  	s10 =	sand.u32 $0x7C00, s12;
	[sflag:s29] =	ssyncset.done $0x0  }
0x52: {  	s10 =	sadd.s32 s7, s10;
	s9 =	sand.u32 $0x300, s12;
	[sflag:s29] =	ssyncadd.s32 $0xFFFFC000  }
0x53: {  	[spmem:s1] =	stream.indirect.scatter.add.f32 [tilespmem:s19], [sflag:$0x7], $0x80, s21, s22, $0xb8;
	[tilespmem:$0x1C200] =	vst v63  }
0x54: {  	s9 =	sor.u32 s9, s10;
	_ =	swait.ge [sflag:s20], $0x4000  }
0x55: {  	s9 =	sshrl.u32 s9, $0x3;
	[sflag:s20] =	ssyncset.done $0x0  }
0x56: {  	s11 =	sadd.s32 s5, s9;
	[sflag:s20] =	ssyncadd.s32 $0xFFFFC000  }
0x57: {  	[tilespmem:s3], [sflag:$0x1] =	stream.linear.gather [hbm4b:s11+s3], $0x80, $0x38;
	[tilespmem:$0x1C200] =	vst v63  }
0x58: {  	s9 =	sadd.s32 s6, s9  }
0x59: {  	[tilespmem:s21], [sflag:$0x3] =	stream.linear.gather [hbm4b:s9+s3], $0x80, $0x38;
	[tilespmem:$0x1C200] =	vst v63  }
0x5a: {  	_ =	swait.ge [sflag:s23], $0x80  }
0x5b: {  	[sflag:s23] =	ssyncset.done $0x0  }
0x5c: {  	[sflag:s23] =	ssyncadd.s32 $0xFFFFFF80  }
0x5d: {  	_ =	swait.ge [sflag:s24], $0x80  }
0x5e: {  	[sflag:s24] =	ssyncset.done $0x0  }
0x5f: {  	[sflag:s24] =	ssyncadd.s32 $0xFFFFFF80  }
0x60: {  	[tilespmem:s19], [sflag:$0x5] =	stream.indirect.gather [hbm4b:s4+s22], $0x80, s3, s22, $0xb8;
	[tilespmem:$0x1C200] =	vst v63  }
0x61: {  	_ =	swait.ge [sflag:s30], $0x4000  }
0x62: {  	s12 =	sand.u32 $0x7C00, s2;
	[sflag:s30] =	ssyncset.done $0x0  }
0x63: {  	s2 =	sand.u32 $0x380, s2;
	s9 =	sadd.s32 s7, s12;
	[sflag:s30] =	ssyncadd.s32 $0xFFFFC000  }
0x64: {  	[spmem:s1] =	stream.indirect.scatter.add.f32 [tilespmem:s28], [sflag:$0x7], $0x80, s31, s22, $0xb8;
	[tilespmem:$0x1C200] =	vst v63  }
0x65: {  	s2 =	sor.u32 s2, s9;
	_ =	swait.ge [sflag:s20], $0x4000  }
0x66: {  	s2 =	sshrl.u32 s2, $0x3;
	[sflag:s20] =	ssyncset.done $0x0  }
0x67: {  	s10 =	sadd.s32 s5, s2;
	[sflag:s20] =	ssyncadd.s32 $0xFFFFC000  }
0x68: {  	[tilespmem:s22], [sflag:$0x2] =	stream.linear.gather [hbm4b:s10+s3], $0x80, $0x38;
	[tilespmem:$0x1C200] =	vst v63  }
0x69: {  	s2 =	sadd.s32 s6, s2  }
0x6a: {  	[tilespmem:s31], [sflag:$0x4] =	stream.linear.gather [hbm4b:s2+s3], $0x80, $0x38;
	[tilespmem:$0x1C200] =	vst v63  }
0x6b: {  	_ =	swait.ge [sflag:s25], $0x80  }
0x6c: {  	[sflag:s25] =	ssyncset.done $0x0  }
0x6d: {  	[sflag:s25] =	ssyncadd.s32 $0xFFFFFF80  }
0x6e: {  	s11 =	simm.s32 $0x200;
	_ =	swait.ge [sflag:s26], $0x80  }
0x6f: {  	s12 =	sand.u32 $0x7C00, s11;
	[sflag:s26] =	ssyncset.done $0x0  }
0x70: {  	s9 =	sand.u32 $0x300, s11;
	s10 =	sadd.s32 s7, s12;
	[sflag:s26] =	ssyncadd.s32 $0xFFFFFF80  }
0x71: {  	[tilespmem:s28], [sflag:$0x6] =	stream.indirect.gather [hbm4b:s4+s22], $0x80, s22, s22, $0xb8;
	[tilespmem:$0x1C200] =	vst v63  }
0x72: {  	s10 =	sor.u32 s9, s10;
	_ =	swait.ge [sflag:s29], $0x4000  }
0x73: {  	s9 =	simm.s32 $0x380;
	s2 =	simm.s32 $0x280;
	[sflag:s29] =	ssyncset.done $0x0  }
.LBB2_4:
0x74: {  	s10 =	sshrl.u32 s10, $0x3  }
0x75: {  	[sflag:s29] =	ssyncadd.s32 $0xFFFFC000;
	s12 =	smov.u32 s9;
	s11 =	sadd.s32 $0x100, s9  }
0x76: {  	[spmem:s1] =	stream.indirect.scatter.add.f32 [tilespmem:s19], [sflag:$0x7], $0x80, s21, s22, $0xb8;
	[tilespmem:$0x1C200] =	vst v63  }
0x77: {  	p0 =	sne.s32 s9, $0x2780;
	_ =	swait.ge [sflag:s20], $0x4000  }
0x78: {  	[sflag:s20] =	ssyncset.done $0x0  }
0x79: {  	s9 =	sadd.s32 s5, s10;
	[sflag:s20] =	ssyncadd.s32 $0xFFFFC000  }
0x7a: {  	[tilespmem:s3], [sflag:$0x1] =	stream.linear.gather [hbm4b:s9+s3], $0x80, $0x38;
	[tilespmem:$0x1C200] =	vst v63  }
0x7b: {  	s9 =	sadd.s32 s6, s10  }
0x7c: {  	[tilespmem:s21], [sflag:$0x3] =	stream.linear.gather [hbm4b:s9+s3], $0x80, $0x38;
	[tilespmem:$0x1C200] =	vst v63  }
0x7d: {  	_ =	swait.ge [sflag:s23], $0x80  }
0x7e: {  	[sflag:s23] =	ssyncset.done $0x0  }
0x7f: {  	[sflag:s23] =	ssyncadd.s32 $0xFFFFFF80  }
0x80: {  	_ =	swait.ge [sflag:s24], $0x80  }
0x81: {  	[sflag:s24] =	ssyncset.done $0x0  }
0x82: {  	[sflag:s24] =	ssyncadd.s32 $0xFFFFFF80  }
0x83: {  	[tilespmem:s19], [sflag:$0x5] =	stream.indirect.gather [hbm4b:s4+s22], $0x80, s3, s22, $0xb8;
	[tilespmem:$0x1C200] =	vst v63  }
0x84: {  	_ =	swait.ge [sflag:s30], $0x4000  }
0x85: {  	[sflag:s30] =	ssyncset.done $0x0  }
0x86: {  	s9 =	sand.u32 $0x7C00, s2;
	[sflag:s30] =	ssyncadd.s32 $0xFFFFC000  }
0x87: {  	[spmem:s1] =	stream.indirect.scatter.add.f32 [tilespmem:s28], [sflag:$0x7], $0x80, s31, s22, $0xb8;
	[tilespmem:$0x1C200] =	vst v63  }
0x88: {  	s2 =	sand.u32 $0x380, s2;
	s9 =	sadd.s32 s7, s9;
	_ =	swait.ge [sflag:s20], $0x4000  }
0x89: {  	s9 =	sor.u32 s2, s9;
	s2 =	smov.u32 s12;
	[sflag:s20] =	ssyncset.done $0x0  }
0x8a: {  	s9 =	sshrl.u32 s9, $0x3;
	[sflag:s20] =	ssyncadd.s32 $0xFFFFC000  }
0x8b: {  	s10 =	sadd.s32 s5, s9  }
0x8c: {  	[tilespmem:s22], [sflag:$0x2] =	stream.linear.gather [hbm4b:s10+s3], $0x80, $0x38;
	[tilespmem:$0x1C200] =	vst v63  }
0x8d: {  	s9 =	sadd.s32 s6, s9  }
0x8e: {  	[tilespmem:s31], [sflag:$0x4] =	stream.linear.gather [hbm4b:s9+s3], $0x80, $0x38;
	[tilespmem:$0x1C200] =	vst v63  }
0x8f: {  	_ =	swait.ge [sflag:s25], $0x80  }
0x90: {  	[sflag:s25] =	ssyncset.done $0x0  }
0x91: {  	[sflag:s25] =	ssyncadd.s32 $0xFFFFFF80  }
0x92: {  	_ =	swait.ge [sflag:s26], $0x80  }
.Ltmp1:
0x93: {  	s9 =	sadd.s32 $0xFFFFFF80, s2;
	[sflag:s26] =	ssyncset.done $0x0;
	(pc) =	sbr.rel @p0 .LBB2_4-.Ltmp1, $4  }
0x94: {  	s10 =	sand.u32 $0x7C00, s9;
	[sflag:s26] =	ssyncadd.s32 $0xFFFFFF80  }
0x95: {  	[tilespmem:s28], [sflag:$0x6] =	stream.indirect.gather [hbm4b:s4+s22], $0x80, s22, s22, $0xb8;
	[tilespmem:$0x1C200] =	vst v63  }
0x96: {  	s9 =	sand.u32 $0x300, s9;
	s10 =	sadd.s32 s7, s10;
	_ =	swait.ge [sflag:s29], $0x4000  }
0x97: {  	s10 =	sor.u32 s9, s10;
	s9 =	smov.u32 s11;
	[sflag:s29] =	ssyncset.done $0x0  }
0x98: {  	[sflag:s29] =	ssyncadd.s32 $0xFFFFC000  }
0x99: {  	[spmem:s1] =	stream.indirect.scatter.add.f32 [tilespmem:s19], [sflag:$0x7], $0x80, s21, s22, $0xb8;
	[tilespmem:$0x1C200] =	vst v63  }
0x9a: {  	_ =	swait.ge [sflag:s20], $0x4000  }
0x9b: {  	s9 =	sshrl.u32 s10, $0x3;
	[sflag:s20] =	ssyncset.done $0x0  }
0x9c: {  	s10 =	sadd.s32 s5, s9;
	[sflag:s20] =	ssyncadd.s32 $0xFFFFC000  }
0x9d: {  	[tilespmem:s3], [sflag:$0x1] =	stream.linear.gather [hbm4b:s10+s3], $0x80, $0x38;
	[tilespmem:$0x1C200] =	vst v63  }
0x9e: {  	s9 =	sadd.s32 s6, s9  }
0x9f: {  	[tilespmem:s21], [sflag:$0x3] =	stream.linear.gather [hbm4b:s9+s3], $0x80, $0x38;
	[tilespmem:$0x1C200] =	vst v63  }
0xa0: {  	_ =	swait.ge [sflag:s23], $0x80  }
0xa1: {  	[sflag:s23] =	ssyncset.done $0x0  }
0xa2: {  	[sflag:s23] =	ssyncadd.s32 $0xFFFFFF80  }
0xa3: {  	_ =	swait.ge [sflag:s24], $0x80  }
0xa4: {  	[sflag:s24] =	ssyncset.done $0x0  }
0xa5: {  	[sflag:s24] =	ssyncadd.s32 $0xFFFFFF80  }
0xa6: {  	[tilespmem:s19], [sflag:$0x5] =	stream.indirect.gather [hbm4b:s4+s22], $0x80, s3, s22, $0xb8;
	[tilespmem:$0x1C200] =	vst v63  }
0xa7: {  	_ =	swait.ge [sflag:s30], $0x4000  }
0xa8: {  	s11 =	sand.u32 $0x7C00, s2;
	[sflag:s30] =	ssyncset.done $0x0  }
0xa9: {  	s12 =	sand.u32 $0x380, s2;
	s9 =	sadd.s32 s7, s11;
	[sflag:s30] =	ssyncadd.s32 $0xFFFFC000  }
0xaa: {  	[spmem:s1] =	stream.indirect.scatter.add.f32 [tilespmem:s28], [sflag:$0x7], $0x80, s31, s22, $0xb8;
	[tilespmem:$0x1C200] =	vst v63  }
0xab: {  	s2 =	sor.u32 s12, s9;
	_ =	swait.ge [sflag:s20], $0x4000  }
0xac: {  	s2 =	sshrl.u32 s2, $0x3;
	[sflag:s20] =	ssyncset.done $0x0  }
0xad: {  	s10 =	sadd.s32 s5, s2;
	[sflag:s20] =	ssyncadd.s32 $0xFFFFC000  }
0xae: {  	[tilespmem:s22], [sflag:$0x2] =	stream.linear.gather [hbm4b:s10+s3], $0x80, $0x38;
	[tilespmem:$0x1C200] =	vst v63  }
0xaf: {  	s2 =	sadd.s32 s6, s2  }
0xb0: {  	[tilespmem:s31], [sflag:$0x4] =	stream.linear.gather [hbm4b:s2+s3], $0x80, $0x38;
	[tilespmem:$0x1C200] =	vst v63  }
0xb1: {  	_ =	swait.ge [sflag:s25], $0x80  }
0xb2: {  	[sflag:s25] =	ssyncset.done $0x0  }
0xb3: {  	[sflag:s25] =	ssyncadd.s32 $0xFFFFFF80  }
0xb4: {  	_ =	swait.ge [sflag:s26], $0x80  }
0xb5: {  	[sflag:s26] =	ssyncset.done $0x0  }
0xb6: {  	[sflag:s26] =	ssyncadd.s32 $0xFFFFFF80  }
0xb7: {  	[tilespmem:s28], [sflag:$0x6] =	stream.indirect.gather [hbm4b:s4+s22], $0x80, s22, s22, $0xb8;
	[tilespmem:$0x1C200] =	vst v63  }
0xb8: {  	_ =	swait.ge [sflag:s29], $0x4000  }
0xb9: {  	[sflag:s29] =	ssyncset.done $0x0  }
0xba: {  	[sflag:s29] =	ssyncadd.s32 $0xFFFFC000  }
0xbb: {  	[spmem:s1] =	stream.indirect.scatter.add.f32 [tilespmem:s19], [sflag:$0x7], $0x80, s21, s22, $0xb8;
	[tilespmem:$0x1C200] =	vst v63  }
0xbc: {  	_ =	swait.ge [sflag:s20], $0x4000  }
0xbd: {  	[sflag:s20] =	ssyncset.done $0x0  }
0xbe: {  	[sflag:s20] =	ssyncadd.s32 $0xFFFFC000  }
0xbf: {  	_ =	swait.ge [sflag:s30], $0x4000  }
0xc0: {  	[sflag:s30] =	ssyncset.done $0x0  }
0xc1: {  	[sflag:s30] =	ssyncadd.s32 $0xFFFFC000  }
0xc2: {  	[spmem:s1] =	stream.indirect.scatter.add.f32 [tilespmem:s28], [sflag:$0x7], $0x80, s31, s22, $0xb8;
	[tilespmem:$0x1C200] =	vst v63  }
0xc3: {  	s0 =	sadd.s32 $0x1, s0;
	_ =	swait.ge [sflag:s20], $0x4000  }
0xc4: {  	p0 =	sne.s32 s0, s14;
	s11 =	stileid.u32;
	[sflag:s20] =	ssyncset.done $0x0  }
0xc5: {  	s12 =	sshrl.u32 s8, $0x3;
	s2 =	sshll.u32 s11, $0x6;
	[sflag:s20] =	ssyncadd.s32 $0xFFFFC000  }
.Ltmp2:
0xc6: {  	s2 =	sor.u32 $0x1C07, s2;
	[bflag:$0x0] =	sbarrier.arrive $0xFFFF;
	(pc) =	sbr.rel @p0 .LBB2_1-.Ltmp2, $4  }
0xc7: {  	[hbm:s13], [sflag:s2] =	dma.local [spmem:s12], $0x2800  }
0xc8: {  	_ =	swait.ge [sflag:s20], $0x2800  }
0xc9: {  	[sflag:s20] =	ssyncset.done $0x0  }
0xca: {  	[sflag:s20] =	ssyncadd.s32 $0xFFFFD800  }
0xcb: {  	_ =	sfence.sel $0x180000  }
0xcc: {  	[bflag:$0x0] =	sbarrier.arrive $0xFFFF  }
0xcd: {  	_ =	strace $0x9000004D  }
0xce: {  	s0 =	stileid.u32;
	[bflag:$0x2] =	sbarrier.arrive $0xFFFF  }
0xcf: {  	p0 =	sne.s32 s0, $0x0;
	s0 =	rddreg [dreg:$0x2]  }
0xd0: {  	s0 =	sadd.s32 @!p0 $0x100000, s0  }
0xd1: {  	[sflag:s0] =	ssyncadd.tile.s32 @!p0 $0x1;
	_ =	shalt  }
.Lfunc_end2:
_tile_overlayer_lowered:
.L_overlay_start_2:
0xd2: {  	(tag) =	ssettag $0x2  }
0xd3: {  	s0 =	rddreg [dreg:$0x0];
	s2 =	stileid.u32  }
0xd4: {  	s1 =	rddreg [dreg:$0x1];
	p0 =	sne.s32 s2, $0x0  }
0xd5: {  	s3 =	rddreg [dreg:$0x2];
	[bflag:$0x3] =	sbarrier.arrive $0xFFFF;
	s2 =	simm.s32 @!p0 $0x1C07  }
0xd6: {  	[timem:s3], [sflag:s2] =	dma.local @!p0 [hbm:s0], s1  }
0xd7: {  	s0 =	simm.s32 @!p0 $0x7  }
0xd8: {  	_ =	swait.ge @!p0 [sflag:s0], s1  }
0xd9: {  	s1 =	ssub.s32 @!p0 $0x0, s1;
	[sflag:s0] =	ssyncset.done @!p0 $0x0  }
0xda: {  	[sflag:s0] =	ssyncadd.s32 @!p0 s1  }
0xdb: {  	[bflag:$0x3] =	sbarrier.arrive $0xFFFF  }
0xdc: {  	_ =	shalt  }

// kernel: kernel.21.cloned.1.call-start
scs
__scs_entry_jumppad:
0x0: {  	(pc) =	sbr.rel $0x88, $3  }
0x1: {  	(tag) =	ssettag $0x0;
	lr =	simm.s32 $0x1  }
0x2: {  	[smem:$0x3F94] =	sst lr;
	_ =	strace $0xD0000000  }
0x3: {  	_ = 	snop  }
0x4: {  	_ = 	snop  }
0x5: {  	_ = 	snop  }
0x6: {  	_ = 	snop  }
0x7: {  	_ = 	snop  }
__scs_overlays_trampoline_lowered:
0x8: {  	[smem:$0x3FA3] =	sst s0  }
0x9: {  	[smem:$0x3FA4] =	sst s1  }
0xa: {  	[smem:$0x3FA5] =	sst s2  }
0xb: {  	[smem:$0x3FA6] =	sst s3  }
0xc: {  	[smem:$0x3FA7] =	sst s4  }
0xd: {  	[smem:$0x3FA8] =	sst s5  }
0xe: {  	[smem:$0x3FA9] =	sst s6  }
0xf: {  	[smem:$0x3FAA] =	sst s7  }
0x10: {  	[smem:$0x3FAB] =	sst s8  }
0x11: {  	[smem:$0x3FAC] =	sst s9;
	s0 =	simm.s32 @!p0 $0x0  }
0x12: {  	s1 =	sld [smem:$0x3F92];
	s0 =	simm.s32 @p0 $0x1  }
0x13: {  	[smem:$0x3FAD] =	sst s0;
	s0 =	simm.s32 @!p1 $0x0  }
0x14: {  	s2 =	sld [smem:$0x3F91];
	s0 =	simm.s32 @p1 $0x1  }
0x15: {  	[smem:$0x3FAE] =	sst s0;
	s0 =	simm.s32 @!p2 $0x0  }
0x16: {  	s3 =	sld [smem:$0x3FDB];
	s0 =	simm.s32 @p2 $0x1  }
0x17: {  	s4 =	simm.s32 $0x1BF5;
	[smem:$0x3FB0] =	sst s0  }
0x18: {  	s0 =	sld [smem:$0x3F93];
	_ =	swait.ge [sflag:s4], $0x0  }
0x19: {  	s7 =	sld [smem:$0x3F94]  }
0x1a: {  	s8 =	sadd.s32 $0xFFFFE003, lr  }
0x1b: {  	s9 =	sadd.s32 $0xFFFFFEF7, lr;
	s5 =	simm.s32 $0xFFFFFFFF;
	p2 =	slt.u32 s8, $0xFFFFF086  }
0x1c: {  	p1 =	slt.u32 s9, $0xF7A;
	s5 =	simm.s32 @!p2 $0x0  }
0x1d: {  	s5 =	simm.s32 @p1 $0x1;
	p0 =	seq.s32 s7, s2  }
0x1e: {  	s7 =	smul.u32 @!p0 $0xF7A, s2;
	p2 =	seq.s32 @!p0 s5, $0x0  }
0x1f: {  	s9 =	smul.u32 $0xF7A, s1;
	s8 =	simm.s32 @!p0 $0x1BF5;
	p2 =	por !p2, p0  }
0x20: {  	[sflag:s8] =	ssyncset.s32 @!p0 $0xFFFFF086;
	s6 =	sadd.s32 @!p0 s3, s7;
	s7 =	simm.s32 @!p0 $0x108  }
0x21: {  	s3 =	sadd.s32 s3, s9;
	s6 =	sadd.s32 @!p0 $0x88, s6;
	s7 =	simm.s32 @p2 $0x1082  }
0x22: {  	[simem:s7], [sflag:s8] =	dma.local @!p0 [hbm:s6], $0xF7A  }
0x23: {  	s9 =	sor.u32 $0xD0000000, s2;
	s6 =	simm.s32 $0x108;
	_ =	swait.ge @!p0 [sflag:s8], $0x0  }
0x24: {  	s3 =	sadd.s32 $0x88, s3;
	s6 =	simm.s32 @!p1 $0x1082;
	[sflag:s4] =	ssyncset.s32 $0xFFFFF086  }
0x25: {  	[simem:s6], [sflag:s4] =	dma.local [hbm:s3], $0xF7A  }
0x26: {  	[smem:$0x3F94] =	sst s1;
	(tag) =	ssettag s2;
	_ =	strace s9  }
0x27: {  	s1 =	sld [smem:$0x3FA4]  }
0x28: {  	s2 =	sld [smem:$0x3FA5]  }
0x29: {  	s4 =	sld [smem:$0x3FA7]  }
0x2a: {  	p0 =	seq.s32 s5, $0x0;
	s5 =	sld [smem:$0x3FA8]  }
0x2b: {  	s6 =	sld [smem:$0x3FA9]  }
0x2c: {  	s7 =	sld [smem:$0x3FAA]  }
0x2d: {  	s3 =	simm.s32 $0x108;
	s8 =	sld [smem:$0x3FAB]  }
0x2e: {  	s3 =	simm.s32 @!p0 $0x1082;
	s9 =	sld [smem:$0x3FAC]  }
0x2f: {  	lr =	sadd.s32 s0, s3;
	s0 =	sld [smem:$0x3FA3]  }
0x30: {  	s3 =	sld [smem:$0x3FA6]  }
0x31: {  	[smem:$0x3FAF] =	sst s10  }
0x32: {  	s10 =	sld [smem:$0x3FAD];
	_ =	sdelay $0x3  }
0x33: {  	p0 =	seq.s32 s10, $0x1;
	s10 =	sld [smem:$0x3FAF];
	_ =	sdelay $0x3  }
0x34: {  	[smem:$0x3FAF] =	sst s10  }
0x35: {  	s10 =	sld [smem:$0x3FAE];
	_ =	sdelay $0x3  }
0x36: {  	p1 =	seq.s32 s10, $0x1;
	s10 =	sld [smem:$0x3FAF];
	_ =	sdelay $0x3  }
0x37: {  	[smem:$0x3FAF] =	sst s10  }
0x38: {  	s10 =	sld [smem:$0x3FB0]  }
0x39: {  	_ = 	snop;
	(pc) =	sbr.ind lr, $3  }
0x3a: {  	_ = 	snop  }
0x3b: {  	_ = 	snop  }
0x3c: {  	p2 =	seq.s32 s10, $0x1;
	s10 =	sld [smem:$0x3FAF]  }
0x3d: {  	_ =	shalt  }
0x3e: {  	_ =	shalt  }
0x3f: {  	_ =	shalt  }
0x40: {  	_ =	shalt  }
0x41: {  	_ =	shalt  }
0x42: {  	_ =	shalt  }
0x43: {  	_ =	shalt  }
0x44: {  	_ =	shalt  }
0x45: {  	_ =	shalt  }
0x46: {  	_ =	shalt  }
0x47: {  	_ =	shalt  }
0x48: {  	_ =	shalt  }
0x49: {  	_ =	shalt  }
0x4a: {  	_ =	shalt  }
0x4b: {  	_ =	shalt  }
0x4c: {  	_ =	shalt  }
0x4d: {  	_ =	shalt  }
0x4e: {  	_ =	shalt  }
0x4f: {  	_ =	shalt  }
0x50: {  	_ =	shalt  }
0x51: {  	_ =	shalt  }
0x52: {  	_ =	shalt  }
0x53: {  	_ =	shalt  }
0x54: {  	_ =	shalt  }
0x55: {  	_ =	shalt  }
0x56: {  	_ =	shalt  }
0x57: {  	_ =	shalt  }
0x58: {  	_ =	shalt  }
0x59: {  	_ =	shalt  }
0x5a: {  	_ =	shalt  }
0x5b: {  	_ =	shalt  }
0x5c: {  	_ =	shalt  }
0x5d: {  	_ =	shalt  }
0x5e: {  	_ =	shalt  }
0x5f: {  	_ =	shalt  }
0x60: {  	_ =	shalt  }
0x61: {  	_ =	shalt  }
0x62: {  	_ =	shalt  }
0x63: {  	_ =	shalt  }
0x64: {  	_ =	shalt  }
0x65: {  	_ =	shalt  }
0x66: {  	_ =	shalt  }
0x67: {  	_ =	shalt  }
0x68: {  	_ =	shalt  }
0x69: {  	_ =	shalt  }
0x6a: {  	_ =	shalt  }
0x6b: {  	_ =	shalt  }
0x6c: {  	_ =	shalt  }
0x6d: {  	_ =	shalt  }
0x6e: {  	_ =	shalt  }
0x6f: {  	_ =	shalt  }
0x70: {  	_ =	shalt  }
0x71: {  	_ =	shalt  }
0x72: {  	_ =	shalt  }
0x73: {  	_ =	shalt  }
0x74: {  	_ =	shalt  }
0x75: {  	_ =	shalt  }
0x76: {  	_ =	shalt  }
0x77: {  	_ =	shalt  }
0x78: {  	_ =	shalt  }
0x79: {  	_ =	shalt  }
0x7a: {  	_ =	shalt  }
0x7b: {  	_ =	shalt  }
0x7c: {  	_ =	shalt  }
0x7d: {  	_ =	shalt  }
0x7e: {  	_ =	shalt  }
0x7f: {  	_ =	shalt  }
0x80: {  	_ =	shalt  }
0x81: {  	_ =	shalt  }
0x82: {  	_ =	shalt  }
0x83: {  	_ =	shalt  }
0x84: {  	_ =	shalt  }
0x85: {  	_ =	shalt  }
0x86: {  	_ =	shalt  }
0x87: {  	_ =	shalt  }
.Lfunc_end0:
.L_simem_size_0:
called_computation.3_lowered:
.L_overlay_start_0:
0x88: {  	s2 =	sld [smem:$0x3FD9]  }
0x89: {  	s3 =	sld [smem:$0x3FFE];
	_ =	sdelay $0x1  }
0x8a: {  	s1 =	srdreg.scid  }
0x8b: {  	s0 =	sand.u32 $0x1, s1  }
0x8c: {  	s17 =	sshll.u32 s0, $0xA;
	s2 =	sadd.s32 s3, s2  }
0x8d: {  	s2 =	sadd.s32 s2, s17  }
0x8e: {  	[smem:$0x3FBB] =	sst s2  }
0x8f: {  	_ = 	snop  }
0x90: {  	s2 =	sld [smem:$0x3FD0];
	(tm) =	ssettm $0x1  }
0x91: {  	s18 =	sld [smem:$0x3FFB];
	_ =	sdelay $0x3  }
0x92: {  	_ =	strace s18  }
0x93: {  	s3 =	sld [smem:$0x3FFC];
	_ =	sdelay $0x3  }
0x94: {  	_ =	strace s3  }
0x95: {  	s3 =	sld [smem:$0x3FFD];
	_ =	sdelay $0x3  }
0x96: {  	_ =	strace s3  }
0x97: {  	_ =	strace $0x8FFFFFFF  }
0x98: {  	s19 =	sld [smem:$0x3FDB];
	_ =	sdelay $0x1  }
0x99: {  	s4 =	simm.s32 $_scs_section_size  }
0x9a: {  	s5 =	simm.s32 $_size__tile_overlayer_lowered;
	s6 =	simm.s32 $_tile_overlayer_lowered  }
0x9b: {  	s22 =	simm.s32 $0x1BFF;
	s21 =	sshll.u32 s6, $0x1;
	s3 =	sadd.s32 s4, s19  }
0x9c: {  	s7 =	simm.s32 $0x0;
	s20 =	sshll.u32 s5, $0x1;
	s5 =	sadd.s32 s21, s3  }
0x9d: {  	[timem:s7], [sflag:s22] =	dma.local [hbm:s5], s20  }
0x9e: {  	_ =	swait.ge [sflag:s22], s20  }
0x9f: {  	s4 =	ssub.s32 $0x0, s20;
	[sflag:s22] =	ssyncset.done $0x0  }
0xa0: {  	[sflag:s22] =	ssyncadd.s32 s4;
	_ =	sdelay $0x1  }
0xa1: {  	s23 =	simm.s32 $0x1B8B  }
0xa2: {  	_ =	swait.ge [sflag:s23], $0x1  }
0xa3: {  	[sflag:s23] =	ssyncset.done $0x0  }
0xa4: {  	s25 =	simm.s32 $0x1B8E;
	s24 =	sld [smem:$0x3FFE];
	[sflag:s23] =	ssyncadd.s32 $0xFFFFFFFF  }
0xa5: {  	s26 =	simm.s32 $execute0_lowered;
	[smem:$0x3FD2] =	sst s25  }
0xa6: {  	s5 =	sshll.u32 s26, $0x1;
	_ =	strace $0x8000004F;
	[dreg:$0x1] =	wrdreg $0xFFFFFFFF  }
0xa7: {  	s28 =	simm.s32 $_size_execute0_lowered;
	s3 =	sadd.s32 s3, s5;
	[dreg:$0x0] =	wrdreg $0x0  }
0xa8: {  	s5 =	sshll.u32 s28, $0x1;
	[dreg:$0x2] =	wrdreg s3  }
0xa9: {  	[dreg:$0x3] =	wrdreg s5  }
0xaa: {  	[dreg:$0x4] =	wrdreg $0xC0  }
0xab: {  	_ =	task [dreg:s7], $0x5FFFF  }
0xac: {  	[dreg:$0x1] =	wrdreg $0xFFFFFFFF  }
0xad: {  	[dreg:$0x0] =	wrdreg $0x60  }
0xae: {  	[dreg:$0x2] =	wrdreg s2  }
0xaf: {  	[dreg:$0x3] =	wrdreg s24  }
0xb0: {  	[dreg:$0x4] =	wrdreg $0x82000  }
0xb1: {  	[dreg:$0x5] =	wrdreg $0x9  }
0xb2: {  	_ =	task.clear_ibuf [dreg:s7], $0x6FFFF;
	_ =	strace $0x9000004F  }
0xb3: {  	s29 =	simm.s32 $0x9;
	_ =	strace $0x80000051  }
0xb4: {  	_ =	swait.ge [sflag:s29], $0x1  }
0xb5: {  	[sflag:s29] =	ssyncadd.s32 $0xFFFFFFFF  }
0xb6: {  	_ =	strace $0x90000051  }
0xb7: {  	_ =	sfence  }
0xb8: {  	s30 =	sld [smem:$0x0];
	_ =	sdelay $0x2  }
0xb9: {  	s31 =	sshll.u32 s1, $0xD;
	s1 =	sshrl.u32 s1, $0x2  }
0xba: {  	s3 =	sand.u32 $0x4000, s31;
	s1 =	sadd.s32 s1, s30  }
0xbb: {  	s0 =	sor.u32 s3, s0;
	s1 =	sshll.u32 s1, $0x11  }
0xbc: {  	s0 =	sor.u32 s1, s0  }
0xbd: {  	s0 =	sadd.s32 $0x8F2B, s0  }
0xbe: {  	[sflag:s0] =	ssyncadd.remote.s32 $0x1  }
0xbf: {  	_ =	sfence.sel $0xFFFF  }
0xc0: {  	[dreg:$0x0] =	wrdreg $0xFFFFFFFF;
	(pc) =	sbr.abs _section_cstart, $3  }
0xc1: {  	[dreg:$0x1] =	wrdreg $0xFFFFFFFF  }
0xc2: {  	_ =	task.clear_ibuf [dreg:s7], $0x2FFFF;
	_ =	strace $0x9FFFFFFF  }
0xc3: {  	(tm) =	ssettm $0x7FFFFFFF  }
tec
execute0_lowered:
.L_overlay_start_1:
0x0: {  	(tag) =	ssettag $0x1  }
0x1: {  	s1 =	rddreg [dreg:$0x0]  }
0x2: {  	s0 =	rddreg [dreg:$0x1]  }
0x3: {  	s2 =	rddreg [dreg:$0x2]  }
0x4: {  	s4 =	simm.s32 $0x0;
	s3 =	srdreg.scid;
	s10 =	stileid.u32  }
0x5: {  	s28 =	simm.s32 $0x4200;
	s29 =	simm.s32 $0x5;
	s30 =	simm.s32 $0x6  }
0x6: {  	s31 =	simm.s32 $0x180;
	[smem:$0x7FF] =	sst s4;
	s8 =	smul.u32 $0x14000, s10  }
0x7: {  	s3 =	sand.u32 $0x1, s3;
	s5 =	sadd.s32 $0x4A00, s0;
	s20 =	smul.u32 $0x50000, s10  }
0x8: {  	s6 =	sadd.s32 $0xEA00, s0;
	s7 =	smul.u32 $0x140000, s3;
	s9 =	sshll.u32 s3, $0x4  }
0x9: {  	_ =	strace $0x80000050;
	s3 =	ssub.s32 $0x2, s3;
	s19 =	sor.u32 s10, s9  }
0xa: {  	s22 =	sshrl.u32 s3, $0x1;
	s9 =	sshrl.u32 s20, $0x2;
	s20 =	simm.s32 $0x7  }
0xb: {  	s7 =	sadd.s32 s8, s7;
	s3 =	ssub.s32 s3, s22;
	s8 =	sadd.s32 s9, s2  }
0xc: {  	s22 =	simm.s32 $0x80;
	s21 =	sshrl.u32 s7, $0x3;
	s7 =	smul.u32 $0x2800, s19  }
0xd: {  	s14 =	smax.u32 s3, $0x1;
	s15 =	sadd.s32 $0x4000, s8;
	s16 =	sadd.s32 $0x8000, s8  }
0xe: {  	s17 =	sadd.s32 $0xC000, s8;
	s18 =	sadd.s32 $0x10000, s8;
	s19 =	simm.s32 $0x200  }
0xf: {  	s0 =	sadd.s32 s21, s0;
	s21 =	simm.s32 $0x100;
	s23 =	sshrl.u32 s7, $0x3  }
0x10: {  	s13 =	sadd.s32 $0x18A00, s0;
	s0 =	simm.s32 $0x0;
	s24 =	sadd.s32 s5, s23  }
0x11: {  	s25 =	sadd.s32 s6, s23;
	s9 =	sor.u32 $0x10, s23;
	[dreg:$0x4] =	wrdreg s24  }
0x12: {  	s23 =	simm.s32 $0x1;
	[dreg:$0x5] =	wrdreg s25;
	s26 =	sadd.s32 s5, s9  }
0x13: {  	s9 =	sadd.s32 s6, s9;
	s24 =	simm.s32 $0x3;
	[dreg:$0x6] =	wrdreg s26  }
0x14: {  	v0 =	vimm.f32 $0.0e+00;
	s25 =	simm.s32 $0x2;
	[dreg:$0x7] =	wrdreg s9;
	s26 =	simm.s32 $0x4  }
.LBB2_1:
0x15: {  	s3 =	simm.s32 $0x0;
	s9 =	simm.s32 $0x200  }
.LBB2_2:
0x16: {  	p0 =	sne.s32 s9, $0xFE00;
	[tilespmem:s3+$0x270] =	vst v0  }
0x17: {  	[tilespmem:s3+$0x200] =	vst v0  }
0x18: {  	[tilespmem:s3+$0x210] =	vst v0  }
.Ltmp0:
0x19: {  	[tilespmem:s3+$0x220] =	vst v0;
	(pc) =	sbr.rel @p0 .LBB2_2-.Ltmp0, $4  }
0x1a: {  	[tilespmem:s3+$0x230] =	vst v0  }
0x1b: {  	[tilespmem:s3+$0x240] =	vst v0  }
0x1c: {  	[tilespmem:s3+$0x250] =	vst v0  }
0x1d: {  	[tilespmem:s3+$0x260] =	vst v0;
	s3 =	sshra.s32 s9, $0x2;
	s9 =	sadd.s32 $0x200, s9  }
0x1e: {  	[tilespmem:s3+$0x270] =	vst v0  }
0x1f: {  	[tilespmem:s3+$0x200] =	vst v0  }
0x20: {  	[tilespmem:s3+$0x210] =	vst v0  }
0x21: {  	[tilespmem:s3+$0x220] =	vst v0  }
0x22: {  	[tilespmem:s3+$0x230] =	vst v0  }
0x23: {  	[tilespmem:s3+$0x240] =	vst v0  }
0x24: {  	[tilespmem:s3+$0x250] =	vst v0  }
0x25: {  	[tilespmem:s3+$0x260] =	vst v0  }
0x26: {  	[spmem:s8] =	stream.linear.scatter [tilespmem:s19], [sflag:$0x7], $0x4000, $0x38;
	[tilespmem:$0x1C200] =	vst v63  }
0x27: {  	_ =	swait.ge [sflag:s20], $0x4000  }
0x28: {  	[sflag:s20] =	ssyncset.done $0x0  }
0x29: {  	[sflag:s20] =	ssyncadd.s32 $0xFFFFC000  }
0x2a: {  	[spmem:s15] =	stream.linear.scatter [tilespmem:s19], [sflag:$0x7], $0x4000, $0x38;
	[tilespmem:$0x1C200] =	vst v63  }
0x2b: {  	_ =	swait.ge [sflag:s20], $0x4000  }
0x2c: {  	[sflag:s20] =	ssyncset.done $0x0  }
0x2d: {  	[sflag:s20] =	ssyncadd.s32 $0xFFFFC000  }
0x2e: {  	[spmem:s16] =	stream.linear.scatter [tilespmem:s19], [sflag:$0x7], $0x4000, $0x38;
	[tilespmem:$0x1C200] =	vst v63  }
0x2f: {  	_ =	swait.ge [sflag:s20], $0x4000  }
0x30: {  	[sflag:s20] =	ssyncset.done $0x0  }
0x31: {  	[sflag:s20] =	ssyncadd.s32 $0xFFFFC000  }
0x32: {  	[spmem:s17] =	stream.linear.scatter [tilespmem:s19], [sflag:$0x7], $0x4000, $0x38;
	[tilespmem:$0x1C200] =	vst v63  }
0x33: {  	_ =	swait.ge [sflag:s20], $0x4000  }
0x34: {  	[sflag:s20] =	ssyncset.done $0x0  }
0x35: {  	[sflag:s20] =	ssyncadd.s32 $0xFFFFC000  }
0x36: {  	[spmem:s18] =	stream.linear.scatter [tilespmem:s19], [sflag:$0x7], $0x4000, $0x38;
	[tilespmem:$0x1C200] =	vst v63  }
0x37: {  	_ =	swait.ge [sflag:s20], $0x4000  }
0x38: {  	[sflag:s20] =	ssyncset.done $0x0  }
0x39: {  	[sflag:s20] =	ssyncadd.s32 $0xFFFFC000  }
0x3a: {  	[bflag:$0x0] =	sbarrier.arrive $0xFFFF  }
0x3b: {  	s9 =	rddreg [dreg:$0x4]  }
0x3c: {  	[tilespmem:s4], [sflag:$0x1] =	stream.linear.gather [hbm4b:s9+s4], $0x80, $0x38;
	[tilespmem:$0x1C200] =	vst v63  }
0x3d: {  	s10 =	rddreg [dreg:$0x5]  }
0x3e: {  	[tilespmem:s21], [sflag:$0x3] =	stream.linear.gather [hbm4b:s10+s4], $0x80, $0x38;
	[tilespmem:$0x1C200] =	vst v63  }
0x3f: {  	s11 =	rddreg [dreg:$0x6]  }
0x40: {  	[tilespmem:s22], [sflag:$0x2] =	stream.linear.gather [hbm4b:s11+s4], $0x80, $0x38;
	[tilespmem:$0x1C200] =	vst v63  }
0x41: {  	s3 =	simm.s32 $0x180;
	s9 =	rddreg [dreg:$0x7]  }
0x42: {  	[tilespmem:s3], [sflag:$0x4] =	stream.linear.gather [hbm4b:s9+s4], $0x80, $0x38;
	[tilespmem:$0x1C200] =	vst v63  }
0x43: {  	_ =	swait.ge [sflag:s23], $0x80  }
0x44: {  	[sflag:s23] =	ssyncset.done $0x0  }
0x45: {  	[sflag:s23] =	ssyncadd.s32 $0xFFFFFF80  }
0x46: {  	_ =	swait.ge [sflag:s24], $0x80  }
0x47: {  	[sflag:s24] =	ssyncset.done $0x0  }
0x48: {  	[sflag:s24] =	ssyncadd.s32 $0xFFFFFF80  }
0x49: {  	[tilespmem:s19], [sflag:$0x5] =	stream.indirect.gather [hbm4b:s1+s22], $0x80, s4, s22, $0xb8;
	[tilespmem:$0x1C200] =	vst v63  }
0x4a: {  	_ =	swait.ge [sflag:s25], $0x80  }
0x4b: {  	[sflag:s25] =	ssyncset.done $0x0  }
0x4c: {  	[sflag:s25] =	ssyncadd.s32 $0xFFFFFF80  }
0x4d: {  	_ =	swait.ge [sflag:s26], $0x80  }
0x4e: {  	[sflag:s26] =	ssyncset.done $0x0  }
0x4f: {  	[sflag:s26] =	ssyncadd.s32 $0xFFFFFF80  }
0x50: {  	[tilespmem:s28], [sflag:$0x6] =	stream.indirect.gather [hbm4b:s1+s22], $0x80, s22, s22, $0xb8;
	[tilespmem:$0x1C200] =	vst v63  }
0x51: {  	s12 =	simm.s32 $0x100;
	_ =	swait.ge [sflag:s29], $0x4000  }
0x52: {  	s10 =	sand.u32 $0x7C00, s12;
	[sflag:s29] =	ssyncset.done $0x0  }
0x53: {  	s10 =	sadd.s32 s7, s10;
	s9 =	sand.u32 $0x300, s12;
	[sflag:s29] =	ssyncadd.s32 $0xFFFFC000  }
0x54: {  	[spmem:s2] =	stream.indirect.scatter.add.f32 [tilespmem:s19], [sflag:$0x7], $0x80, s21, s22, $0xb8;
	[tilespmem:$0x1C200] =	vst v63  }
0x55: {  	s9 =	sor.u32 s9, s10;
	_ =	swait.ge [sflag:s20], $0x4000  }
0x56: {  	s9 =	sshrl.u32 s9, $0x3;
	[sflag:s20] =	ssyncset.done $0x0  }
0x57: {  	s11 =	sadd.s32 s5, s9;
	[sflag:s20] =	ssyncadd.s32 $0xFFFFC000  }
0x58: {  	[tilespmem:s4], [sflag:$0x1] =	stream.linear.gather [hbm4b:s11+s4], $0x80, $0x38;
	[tilespmem:$0x1C200] =	vst v63  }
0x59: {  	s9 =	sadd.s32 s6, s9  }
0x5a: {  	[tilespmem:s21], [sflag:$0x3] =	stream.linear.gather [hbm4b:s9+s4], $0x80, $0x38;
	[tilespmem:$0x1C200] =	vst v63  }
0x5b: {  	_ =	swait.ge [sflag:s23], $0x80  }
0x5c: {  	[sflag:s23] =	ssyncset.done $0x0  }
0x5d: {  	[sflag:s23] =	ssyncadd.s32 $0xFFFFFF80  }
0x5e: {  	_ =	swait.ge [sflag:s24], $0x80  }
0x5f: {  	[sflag:s24] =	ssyncset.done $0x0  }
0x60: {  	[sflag:s24] =	ssyncadd.s32 $0xFFFFFF80  }
0x61: {  	[tilespmem:s19], [sflag:$0x5] =	stream.indirect.gather [hbm4b:s1+s22], $0x80, s4, s22, $0xb8;
	[tilespmem:$0x1C200] =	vst v63  }
0x62: {  	_ =	swait.ge [sflag:s30], $0x4000  }
0x63: {  	s12 =	sand.u32 $0x7C00, s3;
	[sflag:s30] =	ssyncset.done $0x0  }
0x64: {  	s3 =	sand.u32 $0x380, s3;
	s9 =	sadd.s32 s7, s12;
	[sflag:s30] =	ssyncadd.s32 $0xFFFFC000  }
0x65: {  	[spmem:s2] =	stream.indirect.scatter.add.f32 [tilespmem:s28], [sflag:$0x7], $0x80, s31, s22, $0xb8;
	[tilespmem:$0x1C200] =	vst v63  }
0x66: {  	s3 =	sor.u32 s3, s9;
	_ =	swait.ge [sflag:s20], $0x4000  }
0x67: {  	s3 =	sshrl.u32 s3, $0x3;
	[sflag:s20] =	ssyncset.done $0x0  }
0x68: {  	s10 =	sadd.s32 s5, s3;
	[sflag:s20] =	ssyncadd.s32 $0xFFFFC000  }
0x69: {  	[tilespmem:s22], [sflag:$0x2] =	stream.linear.gather [hbm4b:s10+s4], $0x80, $0x38;
	[tilespmem:$0x1C200] =	vst v63  }
0x6a: {  	s3 =	sadd.s32 s6, s3  }
0x6b: {  	[tilespmem:s31], [sflag:$0x4] =	stream.linear.gather [hbm4b:s3+s4], $0x80, $0x38;
	[tilespmem:$0x1C200] =	vst v63  }
0x6c: {  	_ =	swait.ge [sflag:s25], $0x80  }
0x6d: {  	[sflag:s25] =	ssyncset.done $0x0  }
0x6e: {  	[sflag:s25] =	ssyncadd.s32 $0xFFFFFF80  }
0x6f: {  	s11 =	simm.s32 $0x200;
	_ =	swait.ge [sflag:s26], $0x80  }
0x70: {  	s12 =	sand.u32 $0x7C00, s11;
	[sflag:s26] =	ssyncset.done $0x0  }
0x71: {  	s9 =	sand.u32 $0x300, s11;
	s10 =	sadd.s32 s7, s12;
	[sflag:s26] =	ssyncadd.s32 $0xFFFFFF80  }
0x72: {  	[tilespmem:s28], [sflag:$0x6] =	stream.indirect.gather [hbm4b:s1+s22], $0x80, s22, s22, $0xb8;
	[tilespmem:$0x1C200] =	vst v63  }
0x73: {  	s10 =	sor.u32 s9, s10;
	_ =	swait.ge [sflag:s29], $0x4000  }
0x74: {  	s9 =	simm.s32 $0x380;
	s3 =	simm.s32 $0x280;
	[sflag:s29] =	ssyncset.done $0x0  }
.LBB2_4:
0x75: {  	s10 =	sshrl.u32 s10, $0x3  }
0x76: {  	[sflag:s29] =	ssyncadd.s32 $0xFFFFC000;
	s12 =	smov.u32 s9;
	s11 =	sadd.s32 $0x100, s9  }
0x77: {  	[spmem:s2] =	stream.indirect.scatter.add.f32 [tilespmem:s19], [sflag:$0x7], $0x80, s21, s22, $0xb8;
	[tilespmem:$0x1C200] =	vst v63  }
0x78: {  	p0 =	sne.s32 s9, $0x2780;
	_ =	swait.ge [sflag:s20], $0x4000  }
0x79: {  	[sflag:s20] =	ssyncset.done $0x0  }
0x7a: {  	s9 =	sadd.s32 s5, s10;
	[sflag:s20] =	ssyncadd.s32 $0xFFFFC000  }
0x7b: {  	[tilespmem:s4], [sflag:$0x1] =	stream.linear.gather [hbm4b:s9+s4], $0x80, $0x38;
	[tilespmem:$0x1C200] =	vst v63  }
0x7c: {  	s9 =	sadd.s32 s6, s10  }
0x7d: {  	[tilespmem:s21], [sflag:$0x3] =	stream.linear.gather [hbm4b:s9+s4], $0x80, $0x38;
	[tilespmem:$0x1C200] =	vst v63  }
0x7e: {  	_ =	swait.ge [sflag:s23], $0x80  }
0x7f: {  	[sflag:s23] =	ssyncset.done $0x0  }
0x80: {  	[sflag:s23] =	ssyncadd.s32 $0xFFFFFF80  }
0x81: {  	_ =	swait.ge [sflag:s24], $0x80  }
0x82: {  	[sflag:s24] =	ssyncset.done $0x0  }
0x83: {  	[sflag:s24] =	ssyncadd.s32 $0xFFFFFF80  }
0x84: {  	[tilespmem:s19], [sflag:$0x5] =	stream.indirect.gather [hbm4b:s1+s22], $0x80, s4, s22, $0xb8;
	[tilespmem:$0x1C200] =	vst v63  }
0x85: {  	_ =	swait.ge [sflag:s30], $0x4000  }
0x86: {  	[sflag:s30] =	ssyncset.done $0x0  }
0x87: {  	s9 =	sand.u32 $0x7C00, s3;
	[sflag:s30] =	ssyncadd.s32 $0xFFFFC000  }
0x88: {  	[spmem:s2] =	stream.indirect.scatter.add.f32 [tilespmem:s28], [sflag:$0x7], $0x80, s31, s22, $0xb8;
	[tilespmem:$0x1C200] =	vst v63  }
0x89: {  	s3 =	sand.u32 $0x380, s3;
	s9 =	sadd.s32 s7, s9;
	_ =	swait.ge [sflag:s20], $0x4000  }
0x8a: {  	s9 =	sor.u32 s3, s9;
	s3 =	smov.u32 s12;
	[sflag:s20] =	ssyncset.done $0x0  }
0x8b: {  	s9 =	sshrl.u32 s9, $0x3;
	[sflag:s20] =	ssyncadd.s32 $0xFFFFC000  }
0x8c: {  	s10 =	sadd.s32 s5, s9  }
0x8d: {  	[tilespmem:s22], [sflag:$0x2] =	stream.linear.gather [hbm4b:s10+s4], $0x80, $0x38;
	[tilespmem:$0x1C200] =	vst v63  }
0x8e: {  	s9 =	sadd.s32 s6, s9  }
0x8f: {  	[tilespmem:s31], [sflag:$0x4] =	stream.linear.gather [hbm4b:s9+s4], $0x80, $0x38;
	[tilespmem:$0x1C200] =	vst v63  }
0x90: {  	_ =	swait.ge [sflag:s25], $0x80  }
0x91: {  	[sflag:s25] =	ssyncset.done $0x0  }
0x92: {  	[sflag:s25] =	ssyncadd.s32 $0xFFFFFF80  }
0x93: {  	_ =	swait.ge [sflag:s26], $0x80  }
.Ltmp1:
0x94: {  	s9 =	sadd.s32 $0xFFFFFF80, s3;
	[sflag:s26] =	ssyncset.done $0x0;
	(pc) =	sbr.rel @p0 .LBB2_4-.Ltmp1, $4  }
0x95: {  	s10 =	sand.u32 $0x7C00, s9;
	[sflag:s26] =	ssyncadd.s32 $0xFFFFFF80  }
0x96: {  	[tilespmem:s28], [sflag:$0x6] =	stream.indirect.gather [hbm4b:s1+s22], $0x80, s22, s22, $0xb8;
	[tilespmem:$0x1C200] =	vst v63  }
0x97: {  	s9 =	sand.u32 $0x300, s9;
	s10 =	sadd.s32 s7, s10;
	_ =	swait.ge [sflag:s29], $0x4000  }
0x98: {  	s10 =	sor.u32 s9, s10;
	s9 =	smov.u32 s11;
	[sflag:s29] =	ssyncset.done $0x0  }
0x99: {  	[sflag:s29] =	ssyncadd.s32 $0xFFFFC000  }
0x9a: {  	[spmem:s2] =	stream.indirect.scatter.add.f32 [tilespmem:s19], [sflag:$0x7], $0x80, s21, s22, $0xb8;
	[tilespmem:$0x1C200] =	vst v63  }
0x9b: {  	_ =	swait.ge [sflag:s20], $0x4000  }
0x9c: {  	s9 =	sshrl.u32 s10, $0x3;
	[sflag:s20] =	ssyncset.done $0x0  }
0x9d: {  	s10 =	sadd.s32 s5, s9;
	[sflag:s20] =	ssyncadd.s32 $0xFFFFC000  }
0x9e: {  	[tilespmem:s4], [sflag:$0x1] =	stream.linear.gather [hbm4b:s10+s4], $0x80, $0x38;
	[tilespmem:$0x1C200] =	vst v63  }
0x9f: {  	s9 =	sadd.s32 s6, s9  }
0xa0: {  	[tilespmem:s21], [sflag:$0x3] =	stream.linear.gather [hbm4b:s9+s4], $0x80, $0x38;
	[tilespmem:$0x1C200] =	vst v63  }
0xa1: {  	_ =	swait.ge [sflag:s23], $0x80  }
0xa2: {  	[sflag:s23] =	ssyncset.done $0x0  }
0xa3: {  	[sflag:s23] =	ssyncadd.s32 $0xFFFFFF80  }
0xa4: {  	_ =	swait.ge [sflag:s24], $0x80  }
0xa5: {  	[sflag:s24] =	ssyncset.done $0x0  }
0xa6: {  	[sflag:s24] =	ssyncadd.s32 $0xFFFFFF80  }
0xa7: {  	[tilespmem:s19], [sflag:$0x5] =	stream.indirect.gather [hbm4b:s1+s22], $0x80, s4, s22, $0xb8;
	[tilespmem:$0x1C200] =	vst v63  }
0xa8: {  	_ =	swait.ge [sflag:s30], $0x4000  }
0xa9: {  	s11 =	sand.u32 $0x7C00, s3;
	[sflag:s30] =	ssyncset.done $0x0  }
0xaa: {  	s12 =	sand.u32 $0x380, s3;
	s9 =	sadd.s32 s7, s11;
	[sflag:s30] =	ssyncadd.s32 $0xFFFFC000  }
0xab: {  	[spmem:s2] =	stream.indirect.scatter.add.f32 [tilespmem:s28], [sflag:$0x7], $0x80, s31, s22, $0xb8;
	[tilespmem:$0x1C200] =	vst v63  }
0xac: {  	s3 =	sor.u32 s12, s9;
	_ =	swait.ge [sflag:s20], $0x4000  }
0xad: {  	s3 =	sshrl.u32 s3, $0x3;
	[sflag:s20] =	ssyncset.done $0x0  }
0xae: {  	s10 =	sadd.s32 s5, s3;
	[sflag:s20] =	ssyncadd.s32 $0xFFFFC000  }
0xaf: {  	[tilespmem:s22], [sflag:$0x2] =	stream.linear.gather [hbm4b:s10+s4], $0x80, $0x38;
	[tilespmem:$0x1C200] =	vst v63  }
0xb0: {  	s3 =	sadd.s32 s6, s3  }
0xb1: {  	[tilespmem:s31], [sflag:$0x4] =	stream.linear.gather [hbm4b:s3+s4], $0x80, $0x38;
	[tilespmem:$0x1C200] =	vst v63  }
0xb2: {  	_ =	swait.ge [sflag:s25], $0x80  }
0xb3: {  	[sflag:s25] =	ssyncset.done $0x0  }
0xb4: {  	[sflag:s25] =	ssyncadd.s32 $0xFFFFFF80  }
0xb5: {  	_ =	swait.ge [sflag:s26], $0x80  }
0xb6: {  	[sflag:s26] =	ssyncset.done $0x0  }
0xb7: {  	[sflag:s26] =	ssyncadd.s32 $0xFFFFFF80  }
0xb8: {  	[tilespmem:s28], [sflag:$0x6] =	stream.indirect.gather [hbm4b:s1+s22], $0x80, s22, s22, $0xb8;
	[tilespmem:$0x1C200] =	vst v63  }
0xb9: {  	_ =	swait.ge [sflag:s29], $0x4000  }
0xba: {  	[sflag:s29] =	ssyncset.done $0x0  }
0xbb: {  	[sflag:s29] =	ssyncadd.s32 $0xFFFFC000  }
0xbc: {  	[spmem:s2] =	stream.indirect.scatter.add.f32 [tilespmem:s19], [sflag:$0x7], $0x80, s21, s22, $0xb8;
	[tilespmem:$0x1C200] =	vst v63  }
0xbd: {  	_ =	swait.ge [sflag:s20], $0x4000  }
0xbe: {  	[sflag:s20] =	ssyncset.done $0x0  }
0xbf: {  	[sflag:s20] =	ssyncadd.s32 $0xFFFFC000  }
0xc0: {  	_ =	swait.ge [sflag:s30], $0x4000  }
0xc1: {  	[sflag:s30] =	ssyncset.done $0x0  }
0xc2: {  	[sflag:s30] =	ssyncadd.s32 $0xFFFFC000  }
0xc3: {  	[spmem:s2] =	stream.indirect.scatter.add.f32 [tilespmem:s28], [sflag:$0x7], $0x80, s31, s22, $0xb8;
	[tilespmem:$0x1C200] =	vst v63  }
0xc4: {  	s0 =	sadd.s32 $0x1, s0;
	_ =	swait.ge [sflag:s20], $0x4000  }
0xc5: {  	p0 =	sne.s32 s0, s14;
	s11 =	stileid.u32;
	[sflag:s20] =	ssyncset.done $0x0  }
0xc6: {  	s12 =	sshrl.u32 s8, $0x3;
	s3 =	sshll.u32 s11, $0x6;
	[sflag:s20] =	ssyncadd.s32 $0xFFFFC000  }
.Ltmp2:
0xc7: {  	s3 =	sor.u32 $0x1C07, s3;
	[bflag:$0x0] =	sbarrier.arrive $0xFFFF;
	(pc) =	sbr.rel @p0 .LBB2_1-.Ltmp2, $4  }
0xc8: {  	[hbm:s13], [sflag:s3] =	dma.local [spmem:s12], $0x2800  }
0xc9: {  	_ =	swait.ge [sflag:s20], $0x2800  }
0xca: {  	[sflag:s20] =	ssyncset.done $0x0  }
0xcb: {  	[sflag:s20] =	ssyncadd.s32 $0xFFFFD800  }
0xcc: {  	_ =	sfence.sel $0x180000  }
0xcd: {  	[bflag:$0x0] =	sbarrier.arrive $0xFFFF  }
0xce: {  	_ =	strace $0x90000050  }
0xcf: {  	s0 =	stileid.u32;
	[bflag:$0x2] =	sbarrier.arrive $0xFFFF  }
0xd0: {  	p0 =	sne.s32 s0, $0x0;
	s0 =	rddreg [dreg:$0x3]  }
0xd1: {  	s0 =	sadd.s32 @!p0 $0x100000, s0  }
0xd2: {  	[sflag:s0] =	ssyncadd.tile.s32 @!p0 $0x1;
	_ =	shalt  }
.Lfunc_end2:
_tile_overlayer_lowered:
.L_overlay_start_2:
0xd3: {  	(tag) =	ssettag $0x2  }
0xd4: {  	s0 =	rddreg [dreg:$0x0];
	s2 =	stileid.u32  }
0xd5: {  	s1 =	rddreg [dreg:$0x1];
	p0 =	sne.s32 s2, $0x0  }
0xd6: {  	s3 =	rddreg [dreg:$0x2];
	[bflag:$0x3] =	sbarrier.arrive $0xFFFF;
	s2 =	simm.s32 @!p0 $0x1C07  }
0xd7: {  	[timem:s3], [sflag:s2] =	dma.local @!p0 [hbm:s0], s1  }
0xd8: {  	s0 =	simm.s32 @!p0 $0x7  }
0xd9: {  	_ =	swait.ge @!p0 [sflag:s0], s1  }
0xda: {  	s1 =	ssub.s32 @!p0 $0x0, s1;
	[sflag:s0] =	ssyncset.done @!p0 $0x0  }
0xdb: {  	[sflag:s0] =	ssyncadd.s32 @!p0 s1  }
0xdc: {  	[bflag:$0x3] =	sbarrier.arrive $0xFFFF  }
0xdd: {  	_ =	shalt  }

// kernel: kernel.24.cloned.1.call-start
scs
__scs_entry_jumppad:
0x0: {  	(pc) =	sbr.rel $0x88, $3  }
0x1: {  	(tag) =	ssettag $0x0;
	lr =	simm.s32 $0x1  }
0x2: {  	[smem:$0x3F94] =	sst lr;
	_ =	strace $0xD0000000  }
0x3: {  	_ = 	snop  }
0x4: {  	_ = 	snop  }
0x5: {  	_ = 	snop  }
0x6: {  	_ = 	snop  }
0x7: {  	_ = 	snop  }
__scs_overlays_trampoline_lowered:
0x8: {  	[smem:$0x3FA3] =	sst s0  }
0x9: {  	[smem:$0x3FA4] =	sst s1  }
0xa: {  	[smem:$0x3FA5] =	sst s2  }
0xb: {  	[smem:$0x3FA6] =	sst s3  }
0xc: {  	[smem:$0x3FA7] =	sst s4  }
0xd: {  	[smem:$0x3FA8] =	sst s5  }
0xe: {  	[smem:$0x3FA9] =	sst s6  }
0xf: {  	[smem:$0x3FAA] =	sst s7  }
0x10: {  	[smem:$0x3FAB] =	sst s8  }
0x11: {  	[smem:$0x3FAC] =	sst s9;
	s0 =	simm.s32 @!p0 $0x0  }
0x12: {  	s1 =	sld [smem:$0x3F92];
	s0 =	simm.s32 @p0 $0x1  }
0x13: {  	[smem:$0x3FAD] =	sst s0;
	s0 =	simm.s32 @!p1 $0x0  }
0x14: {  	s2 =	sld [smem:$0x3F91];
	s0 =	simm.s32 @p1 $0x1  }
0x15: {  	[smem:$0x3FAE] =	sst s0;
	s0 =	simm.s32 @!p2 $0x0  }
0x16: {  	s3 =	sld [smem:$0x3FDB];
	s0 =	simm.s32 @p2 $0x1  }
0x17: {  	s4 =	simm.s32 $0x1BF5;
	[smem:$0x3FB0] =	sst s0  }
0x18: {  	s0 =	sld [smem:$0x3F93];
	_ =	swait.ge [sflag:s4], $0x0  }
0x19: {  	s7 =	sld [smem:$0x3F94]  }
0x1a: {  	s8 =	sadd.s32 $0xFFFFE003, lr  }
0x1b: {  	s9 =	sadd.s32 $0xFFFFFEF7, lr;
	s5 =	simm.s32 $0xFFFFFFFF;
	p2 =	slt.u32 s8, $0xFFFFF086  }
0x1c: {  	p1 =	slt.u32 s9, $0xF7A;
	s5 =	simm.s32 @!p2 $0x0  }
0x1d: {  	s5 =	simm.s32 @p1 $0x1;
	p0 =	seq.s32 s7, s2  }
0x1e: {  	s7 =	smul.u32 @!p0 $0xF7A, s2;
	p2 =	seq.s32 @!p0 s5, $0x0  }
0x1f: {  	s9 =	smul.u32 $0xF7A, s1;
	s8 =	simm.s32 @!p0 $0x1BF5;
	p2 =	por !p2, p0  }
0x20: {  	[sflag:s8] =	ssyncset.s32 @!p0 $0xFFFFF086;
	s6 =	sadd.s32 @!p0 s3, s7;
	s7 =	simm.s32 @!p0 $0x108  }
0x21: {  	s3 =	sadd.s32 s3, s9;
	s6 =	sadd.s32 @!p0 $0x88, s6;
	s7 =	simm.s32 @p2 $0x1082  }
0x22: {  	[simem:s7], [sflag:s8] =	dma.local @!p0 [hbm:s6], $0xF7A  }
0x23: {  	s9 =	sor.u32 $0xD0000000, s2;
	s6 =	simm.s32 $0x108;
	_ =	swait.ge @!p0 [sflag:s8], $0x0  }
0x24: {  	s3 =	sadd.s32 $0x88, s3;
	s6 =	simm.s32 @!p1 $0x1082;
	[sflag:s4] =	ssyncset.s32 $0xFFFFF086  }
0x25: {  	[simem:s6], [sflag:s4] =	dma.local [hbm:s3], $0xF7A  }
0x26: {  	[smem:$0x3F94] =	sst s1;
	(tag) =	ssettag s2;
	_ =	strace s9  }
0x27: {  	s1 =	sld [smem:$0x3FA4]  }
0x28: {  	s2 =	sld [smem:$0x3FA5]  }
0x29: {  	s4 =	sld [smem:$0x3FA7]  }
0x2a: {  	p0 =	seq.s32 s5, $0x0;
	s5 =	sld [smem:$0x3FA8]  }
0x2b: {  	s6 =	sld [smem:$0x3FA9]  }
0x2c: {  	s7 =	sld [smem:$0x3FAA]  }
0x2d: {  	s3 =	simm.s32 $0x108;
	s8 =	sld [smem:$0x3FAB]  }
0x2e: {  	s3 =	simm.s32 @!p0 $0x1082;
	s9 =	sld [smem:$0x3FAC]  }
0x2f: {  	lr =	sadd.s32 s0, s3;
	s0 =	sld [smem:$0x3FA3]  }
0x30: {  	s3 =	sld [smem:$0x3FA6]  }
0x31: {  	[smem:$0x3FAF] =	sst s10  }
0x32: {  	s10 =	sld [smem:$0x3FAD];
	_ =	sdelay $0x3  }
0x33: {  	p0 =	seq.s32 s10, $0x1;
	s10 =	sld [smem:$0x3FAF];
	_ =	sdelay $0x3  }
0x34: {  	[smem:$0x3FAF] =	sst s10  }
0x35: {  	s10 =	sld [smem:$0x3FAE];
	_ =	sdelay $0x3  }
0x36: {  	p1 =	seq.s32 s10, $0x1;
	s10 =	sld [smem:$0x3FAF];
	_ =	sdelay $0x3  }
0x37: {  	[smem:$0x3FAF] =	sst s10  }
0x38: {  	s10 =	sld [smem:$0x3FB0]  }
0x39: {  	_ = 	snop;
	(pc) =	sbr.ind lr, $3  }
0x3a: {  	_ = 	snop  }
0x3b: {  	_ = 	snop  }
0x3c: {  	p2 =	seq.s32 s10, $0x1;
	s10 =	sld [smem:$0x3FAF]  }
0x3d: {  	_ =	shalt  }
0x3e: {  	_ =	shalt  }
0x3f: {  	_ =	shalt  }
0x40: {  	_ =	shalt  }
0x41: {  	_ =	shalt  }
0x42: {  	_ =	shalt  }
0x43: {  	_ =	shalt  }
0x44: {  	_ =	shalt  }
0x45: {  	_ =	shalt  }
0x46: {  	_ =	shalt  }
0x47: {  	_ =	shalt  }
0x48: {  	_ =	shalt  }
0x49: {  	_ =	shalt  }
0x4a: {  	_ =	shalt  }
0x4b: {  	_ =	shalt  }
0x4c: {  	_ =	shalt  }
0x4d: {  	_ =	shalt  }
0x4e: {  	_ =	shalt  }
0x4f: {  	_ =	shalt  }
0x50: {  	_ =	shalt  }
0x51: {  	_ =	shalt  }
0x52: {  	_ =	shalt  }
0x53: {  	_ =	shalt  }
0x54: {  	_ =	shalt  }
0x55: {  	_ =	shalt  }
0x56: {  	_ =	shalt  }
0x57: {  	_ =	shalt  }
0x58: {  	_ =	shalt  }
0x59: {  	_ =	shalt  }
0x5a: {  	_ =	shalt  }
0x5b: {  	_ =	shalt  }
0x5c: {  	_ =	shalt  }
0x5d: {  	_ =	shalt  }
0x5e: {  	_ =	shalt  }
0x5f: {  	_ =	shalt  }
0x60: {  	_ =	shalt  }
0x61: {  	_ =	shalt  }
0x62: {  	_ =	shalt  }
0x63: {  	_ =	shalt  }
0x64: {  	_ =	shalt  }
0x65: {  	_ =	shalt  }
0x66: {  	_ =	shalt  }
0x67: {  	_ =	shalt  }
0x68: {  	_ =	shalt  }
0x69: {  	_ =	shalt  }
0x6a: {  	_ =	shalt  }
0x6b: {  	_ =	shalt  }
0x6c: {  	_ =	shalt  }
0x6d: {  	_ =	shalt  }
0x6e: {  	_ =	shalt  }
0x6f: {  	_ =	shalt  }
0x70: {  	_ =	shalt  }
0x71: {  	_ =	shalt  }
0x72: {  	_ =	shalt  }
0x73: {  	_ =	shalt  }
0x74: {  	_ =	shalt  }
0x75: {  	_ =	shalt  }
0x76: {  	_ =	shalt  }
0x77: {  	_ =	shalt  }
0x78: {  	_ =	shalt  }
0x79: {  	_ =	shalt  }
0x7a: {  	_ =	shalt  }
0x7b: {  	_ =	shalt  }
0x7c: {  	_ =	shalt  }
0x7d: {  	_ =	shalt  }
0x7e: {  	_ =	shalt  }
0x7f: {  	_ =	shalt  }
0x80: {  	_ =	shalt  }
0x81: {  	_ =	shalt  }
0x82: {  	_ =	shalt  }
0x83: {  	_ =	shalt  }
0x84: {  	_ =	shalt  }
0x85: {  	_ =	shalt  }
0x86: {  	_ =	shalt  }
0x87: {  	_ =	shalt  }
.Lfunc_end0:
.L_simem_size_0:
called_computation.4_lowered:
.L_overlay_start_0:
0x88: {  	s2 =	sld [smem:$0x3FD9]  }
0x89: {  	s3 =	sld [smem:$0x3FFE];
	_ =	sdelay $0x1  }
0x8a: {  	s1 =	srdreg.scid  }
0x8b: {  	s0 =	sand.u32 $0x1, s1  }
0x8c: {  	s16 =	sshll.u32 s0, $0xA;
	s2 =	sadd.s32 s3, s2  }
0x8d: {  	s2 =	sadd.s32 s2, s16  }
0x8e: {  	[smem:$0x3FBB] =	sst s2  }
0x8f: {  	_ = 	snop  }
0x90: {  	(tm) =	ssettm $0x1  }
0x91: {  	s17 =	sld [smem:$0x3FFB];
	_ =	sdelay $0x3  }
0x92: {  	_ =	strace s17  }
0x93: {  	s2 =	sld [smem:$0x3FFC];
	_ =	sdelay $0x3  }
0x94: {  	_ =	strace s2  }
0x95: {  	s2 =	sld [smem:$0x3FFD];
	_ =	sdelay $0x3  }
0x96: {  	_ =	strace s2  }
0x97: {  	_ =	strace $0x8FFFFFFF  }
0x98: {  	s18 =	sld [smem:$0x3FDB];
	_ =	sdelay $0x1  }
0x99: {  	s19 =	simm.s32 $_scs_section_size  }
0x9a: {  	s4 =	simm.s32 $_size__tile_overlayer_lowered;
	s5 =	simm.s32 $_tile_overlayer_lowered  }
0x9b: {  	s22 =	simm.s32 $0x1BFF;
	s21 =	sshll.u32 s5, $0x1;
	s2 =	sadd.s32 s19, s18  }
0x9c: {  	s6 =	simm.s32 $0x0;
	s20 =	sshll.u32 s4, $0x1;
	s4 =	sadd.s32 s21, s2  }
0x9d: {  	[timem:s6], [sflag:s22] =	dma.local [hbm:s4], s20  }
0x9e: {  	_ =	swait.ge [sflag:s22], s20  }
0x9f: {  	s3 =	ssub.s32 $0x0, s20;
	[sflag:s22] =	ssyncset.done $0x0  }
0xa0: {  	[sflag:s22] =	ssyncadd.s32 s3;
	_ =	sdelay $0x1  }
0xa1: {  	s23 =	simm.s32 $0x1B8B  }
0xa2: {  	_ =	swait.ge [sflag:s23], $0x1  }
0xa3: {  	[sflag:s23] =	ssyncset.done $0x0  }
0xa4: {  	s25 =	simm.s32 $0x1B8E;
	s24 =	sld [smem:$0x3FFE];
	[sflag:s23] =	ssyncadd.s32 $0xFFFFFFFF  }
0xa5: {  	s26 =	simm.s32 $execute0_lowered;
	[smem:$0x3FD2] =	sst s25  }
0xa6: {  	s4 =	sshll.u32 s26, $0x1;
	_ =	strace $0x80000052;
	[dreg:$0x1] =	wrdreg $0xFFFFFFFF  }
0xa7: {  	s28 =	simm.s32 $_size_execute0_lowered;
	s2 =	sadd.s32 s2, s4;
	[dreg:$0x0] =	wrdreg $0x0  }
0xa8: {  	s4 =	sshll.u32 s28, $0x1;
	[dreg:$0x2] =	wrdreg s2  }
0xa9: {  	[dreg:$0x3] =	wrdreg s4  }
0xaa: {  	[dreg:$0x4] =	wrdreg $0xC0  }
0xab: {  	_ =	task [dreg:s6], $0x5FFFF  }
0xac: {  	[dreg:$0x1] =	wrdreg $0xFFFFFFFF  }
0xad: {  	[dreg:$0x0] =	wrdreg $0x60  }
0xae: {  	[dreg:$0x2] =	wrdreg s24  }
0xaf: {  	[dreg:$0x3] =	wrdreg $0x82000  }
0xb0: {  	[dreg:$0x4] =	wrdreg $0x9  }
0xb1: {  	_ =	task.clear_ibuf [dreg:s6], $0x5FFFF;
	_ =	strace $0x90000052  }
0xb2: {  	s29 =	simm.s32 $0x9;
	_ =	strace $0x80000054  }
0xb3: {  	_ =	swait.ge [sflag:s29], $0x1  }
0xb4: {  	[sflag:s29] =	ssyncadd.s32 $0xFFFFFFFF  }
0xb5: {  	_ =	strace $0x90000054  }
0xb6: {  	_ =	sfence  }
0xb7: {  	s30 =	sld [smem:$0x0];
	_ =	sdelay $0x2  }
0xb8: {  	s31 =	sshll.u32 s1, $0xD;
	s1 =	sshrl.u32 s1, $0x2  }
0xb9: {  	s3 =	sand.u32 $0x4000, s31;
	s1 =	sadd.s32 s1, s30  }
0xba: {  	s0 =	sor.u32 s3, s0;
	s1 =	sshll.u32 s1, $0x11  }
0xbb: {  	s0 =	sor.u32 s1, s0  }
0xbc: {  	s0 =	sadd.s32 $0x8F2B, s0  }
0xbd: {  	[sflag:s0] =	ssyncadd.remote.s32 $0x1  }
0xbe: {  	_ =	sfence.sel $0xFFFF  }
0xbf: {  	[dreg:$0x0] =	wrdreg $0xFFFFFFFF;
	(pc) =	sbr.abs _section_cstart, $3  }
0xc0: {  	[dreg:$0x1] =	wrdreg $0xFFFFFFFF  }
0xc1: {  	_ =	task.clear_ibuf [dreg:s6], $0x2FFFF;
	_ =	strace $0x9FFFFFFF  }
0xc2: {  	(tm) =	ssettm $0x7FFFFFFF  }
0xc3: {  	_ =	shalt  }
tec
execute0_lowered:
.L_overlay_start_1:
0x0: {  	(tag) =	ssettag $0x1  }
0x1: {  	s0 =	rddreg [dreg:$0x0]  }
0x2: {  	s1 =	rddreg [dreg:$0x1];
	s3 =	simm.s32 $0x0  }
0x3: {  	s2 =	srdreg.scid;
	s10 =	stileid.u32;
	s28 =	simm.s32 $0x4200  }
0x4: {  	s29 =	simm.s32 $0x5;
	s30 =	simm.s32 $0x6;
	s31 =	simm.s32 $0x180  }
0x5: {  	[smem:$0x7FF] =	sst s3;
	s2 =	sand.u32 $0x1, s2;
	s8 =	smul.u32 $0x14000, s10  }
0x6: {  	s4 =	sadd.s32 $0x18A00, s0;
	s5 =	sadd.s32 $0x4A00, s0;
	s20 =	smul.u32 $0x50000, s10  }
0x7: {  	s6 =	sadd.s32 $0xEA00, s0;
	s7 =	smul.u32 $0x140000, s2;
	s9 =	sshll.u32 s2, $0x4  }
0x8: {  	_ =	strace $0x80000053;
	s2 =	ssub.s32 $0x2, s2;
	s19 =	sor.u32 s10, s9  }
0x9: {  	s22 =	sshrl.u32 s2, $0x1;
	s9 =	sshrl.u32 s20, $0x2;
	s20 =	simm.s32 $0x7  }
0xa: {  	s7 =	sadd.s32 s8, s7;
	s2 =	ssub.s32 s2, s22;
	s8 =	sadd.s32 s9, s1  }
0xb: {  	s22 =	simm.s32 $0x80;
	s21 =	sshrl.u32 s7, $0x3;
	s7 =	smul.u32 $0x2800, s19  }
0xc: {  	s14 =	smax.u32 s2, $0x1;
	s15 =	sadd.s32 $0x4000, s8;
	s16 =	sadd.s32 $0x8000, s8  }
0xd: {  	s17 =	sadd.s32 $0xC000, s8;
	s18 =	sadd.s32 $0x10000, s8;
	s19 =	simm.s32 $0x200  }
0xe: {  	s0 =	sadd.s32 s21, s0;
	s21 =	simm.s32 $0x100;
	s23 =	sshrl.u32 s7, $0x3  }
0xf: {  	s13 =	sadd.s32 $0x74600, s0;
	s0 =	simm.s32 $0x0;
	s24 =	sadd.s32 s5, s23  }
0x10: {  	s25 =	sadd.s32 s6, s23;
	s9 =	sor.u32 $0x10, s23;
	[dreg:$0x3] =	wrdreg s24  }
0x11: {  	s23 =	simm.s32 $0x1;
	[dreg:$0x4] =	wrdreg s25;
	s26 =	sadd.s32 s5, s9  }
0x12: {  	s9 =	sadd.s32 s6, s9;
	s24 =	simm.s32 $0x3;
	[dreg:$0x5] =	wrdreg s26  }
0x13: {  	v0 =	vimm.f32 $0.0e+00;
	s25 =	simm.s32 $0x2;
	[dreg:$0x6] =	wrdreg s9;
	s26 =	simm.s32 $0x4  }
.LBB2_1:
0x14: {  	s2 =	simm.s32 $0x0;
	s9 =	simm.s32 $0x200  }
.LBB2_2:
0x15: {  	p0 =	sne.s32 s9, $0xFE00;
	[tilespmem:s2+$0x270] =	vst v0  }
0x16: {  	[tilespmem:s2+$0x200] =	vst v0  }
0x17: {  	[tilespmem:s2+$0x210] =	vst v0  }
.Ltmp0:
0x18: {  	[tilespmem:s2+$0x220] =	vst v0;
	(pc) =	sbr.rel @p0 .LBB2_2-.Ltmp0, $4  }
0x19: {  	[tilespmem:s2+$0x230] =	vst v0  }
0x1a: {  	[tilespmem:s2+$0x240] =	vst v0  }
0x1b: {  	[tilespmem:s2+$0x250] =	vst v0  }
0x1c: {  	[tilespmem:s2+$0x260] =	vst v0;
	s2 =	sshra.s32 s9, $0x2;
	s9 =	sadd.s32 $0x200, s9  }
0x1d: {  	[tilespmem:s2+$0x270] =	vst v0  }
0x1e: {  	[tilespmem:s2+$0x200] =	vst v0  }
0x1f: {  	[tilespmem:s2+$0x210] =	vst v0  }
0x20: {  	[tilespmem:s2+$0x220] =	vst v0  }
0x21: {  	[tilespmem:s2+$0x230] =	vst v0  }
0x22: {  	[tilespmem:s2+$0x240] =	vst v0  }
0x23: {  	[tilespmem:s2+$0x250] =	vst v0  }
0x24: {  	[tilespmem:s2+$0x260] =	vst v0  }
0x25: {  	[spmem:s8] =	stream.linear.scatter [tilespmem:s19], [sflag:$0x7], $0x4000, $0x38;
	[tilespmem:$0x1C200] =	vst v63  }
0x26: {  	_ =	swait.ge [sflag:s20], $0x4000  }
0x27: {  	[sflag:s20] =	ssyncset.done $0x0  }
0x28: {  	[sflag:s20] =	ssyncadd.s32 $0xFFFFC000  }
0x29: {  	[spmem:s15] =	stream.linear.scatter [tilespmem:s19], [sflag:$0x7], $0x4000, $0x38;
	[tilespmem:$0x1C200] =	vst v63  }
0x2a: {  	_ =	swait.ge [sflag:s20], $0x4000  }
0x2b: {  	[sflag:s20] =	ssyncset.done $0x0  }
0x2c: {  	[sflag:s20] =	ssyncadd.s32 $0xFFFFC000  }
0x2d: {  	[spmem:s16] =	stream.linear.scatter [tilespmem:s19], [sflag:$0x7], $0x4000, $0x38;
	[tilespmem:$0x1C200] =	vst v63  }
0x2e: {  	_ =	swait.ge [sflag:s20], $0x4000  }
0x2f: {  	[sflag:s20] =	ssyncset.done $0x0  }
0x30: {  	[sflag:s20] =	ssyncadd.s32 $0xFFFFC000  }
0x31: {  	[spmem:s17] =	stream.linear.scatter [tilespmem:s19], [sflag:$0x7], $0x4000, $0x38;
	[tilespmem:$0x1C200] =	vst v63  }
0x32: {  	_ =	swait.ge [sflag:s20], $0x4000  }
0x33: {  	[sflag:s20] =	ssyncset.done $0x0  }
0x34: {  	[sflag:s20] =	ssyncadd.s32 $0xFFFFC000  }
0x35: {  	[spmem:s18] =	stream.linear.scatter [tilespmem:s19], [sflag:$0x7], $0x4000, $0x38;
	[tilespmem:$0x1C200] =	vst v63  }
0x36: {  	_ =	swait.ge [sflag:s20], $0x4000  }
0x37: {  	[sflag:s20] =	ssyncset.done $0x0  }
0x38: {  	[sflag:s20] =	ssyncadd.s32 $0xFFFFC000  }
0x39: {  	[bflag:$0x0] =	sbarrier.arrive $0xFFFF  }
0x3a: {  	s9 =	rddreg [dreg:$0x3]  }
0x3b: {  	[tilespmem:s3], [sflag:$0x1] =	stream.linear.gather [hbm4b:s9+s3], $0x80, $0x38;
	[tilespmem:$0x1C200] =	vst v63  }
0x3c: {  	s10 =	rddreg [dreg:$0x4]  }
0x3d: {  	[tilespmem:s21], [sflag:$0x3] =	stream.linear.gather [hbm4b:s10+s3], $0x80, $0x38;
	[tilespmem:$0x1C200] =	vst v63  }
0x3e: {  	s11 =	rddreg [dreg:$0x5]  }
0x3f: {  	[tilespmem:s22], [sflag:$0x2] =	stream.linear.gather [hbm4b:s11+s3], $0x80, $0x38;
	[tilespmem:$0x1C200] =	vst v63  }
0x40: {  	s2 =	simm.s32 $0x180;
	s9 =	rddreg [dreg:$0x6]  }
0x41: {  	[tilespmem:s2], [sflag:$0x4] =	stream.linear.gather [hbm4b:s9+s3], $0x80, $0x38;
	[tilespmem:$0x1C200] =	vst v63  }
0x42: {  	_ =	swait.ge [sflag:s23], $0x80  }
0x43: {  	[sflag:s23] =	ssyncset.done $0x0  }
0x44: {  	[sflag:s23] =	ssyncadd.s32 $0xFFFFFF80  }
0x45: {  	_ =	swait.ge [sflag:s24], $0x80  }
0x46: {  	[sflag:s24] =	ssyncset.done $0x0  }
0x47: {  	[sflag:s24] =	ssyncadd.s32 $0xFFFFFF80  }
0x48: {  	[tilespmem:s19], [sflag:$0x5] =	stream.indirect.gather [hbm4b:s4+s22], $0x80, s3, s22, $0xb8;
	[tilespmem:$0x1C200] =	vst v63  }
0x49: {  	_ =	swait.ge [sflag:s25], $0x80  }
0x4a: {  	[sflag:s25] =	ssyncset.done $0x0  }
0x4b: {  	[sflag:s25] =	ssyncadd.s32 $0xFFFFFF80  }
0x4c: {  	_ =	swait.ge [sflag:s26], $0x80  }
0x4d: {  	[sflag:s26] =	ssyncset.done $0x0  }
0x4e: {  	[sflag:s26] =	ssyncadd.s32 $0xFFFFFF80  }
0x4f: {  	[tilespmem:s28], [sflag:$0x6] =	stream.indirect.gather [hbm4b:s4+s22], $0x80, s22, s22, $0xb8;
	[tilespmem:$0x1C200] =	vst v63  }
0x50: {  	s12 =	simm.s32 $0x100;
	_ =	swait.ge [sflag:s29], $0x4000  }
0x51: {  	s10 =	sand.u32 $0x7C00, s12;
	[sflag:s29] =	ssyncset.done $0x0  }
0x52: {  	s10 =	sadd.s32 s7, s10;
	s9 =	sand.u32 $0x300, s12;
	[sflag:s29] =	ssyncadd.s32 $0xFFFFC000  }
0x53: {  	[spmem:s1] =	stream.indirect.scatter.add.f32 [tilespmem:s19], [sflag:$0x7], $0x80, s21, s22, $0xb8;
	[tilespmem:$0x1C200] =	vst v63  }
0x54: {  	s9 =	sor.u32 s9, s10;
	_ =	swait.ge [sflag:s20], $0x4000  }
0x55: {  	s9 =	sshrl.u32 s9, $0x3;
	[sflag:s20] =	ssyncset.done $0x0  }
0x56: {  	s11 =	sadd.s32 s5, s9;
	[sflag:s20] =	ssyncadd.s32 $0xFFFFC000  }
0x57: {  	[tilespmem:s3], [sflag:$0x1] =	stream.linear.gather [hbm4b:s11+s3], $0x80, $0x38;
	[tilespmem:$0x1C200] =	vst v63  }
0x58: {  	s9 =	sadd.s32 s6, s9  }
0x59: {  	[tilespmem:s21], [sflag:$0x3] =	stream.linear.gather [hbm4b:s9+s3], $0x80, $0x38;
	[tilespmem:$0x1C200] =	vst v63  }
0x5a: {  	_ =	swait.ge [sflag:s23], $0x80  }
0x5b: {  	[sflag:s23] =	ssyncset.done $0x0  }
0x5c: {  	[sflag:s23] =	ssyncadd.s32 $0xFFFFFF80  }
0x5d: {  	_ =	swait.ge [sflag:s24], $0x80  }
0x5e: {  	[sflag:s24] =	ssyncset.done $0x0  }
0x5f: {  	[sflag:s24] =	ssyncadd.s32 $0xFFFFFF80  }
0x60: {  	[tilespmem:s19], [sflag:$0x5] =	stream.indirect.gather [hbm4b:s4+s22], $0x80, s3, s22, $0xb8;
	[tilespmem:$0x1C200] =	vst v63  }
0x61: {  	_ =	swait.ge [sflag:s30], $0x4000  }
0x62: {  	s12 =	sand.u32 $0x7C00, s2;
	[sflag:s30] =	ssyncset.done $0x0  }
0x63: {  	s2 =	sand.u32 $0x380, s2;
	s9 =	sadd.s32 s7, s12;
	[sflag:s30] =	ssyncadd.s32 $0xFFFFC000  }
0x64: {  	[spmem:s1] =	stream.indirect.scatter.add.f32 [tilespmem:s28], [sflag:$0x7], $0x80, s31, s22, $0xb8;
	[tilespmem:$0x1C200] =	vst v63  }
0x65: {  	s2 =	sor.u32 s2, s9;
	_ =	swait.ge [sflag:s20], $0x4000  }
0x66: {  	s2 =	sshrl.u32 s2, $0x3;
	[sflag:s20] =	ssyncset.done $0x0  }
0x67: {  	s10 =	sadd.s32 s5, s2;
	[sflag:s20] =	ssyncadd.s32 $0xFFFFC000  }
0x68: {  	[tilespmem:s22], [sflag:$0x2] =	stream.linear.gather [hbm4b:s10+s3], $0x80, $0x38;
	[tilespmem:$0x1C200] =	vst v63  }
0x69: {  	s2 =	sadd.s32 s6, s2  }
0x6a: {  	[tilespmem:s31], [sflag:$0x4] =	stream.linear.gather [hbm4b:s2+s3], $0x80, $0x38;
	[tilespmem:$0x1C200] =	vst v63  }
0x6b: {  	_ =	swait.ge [sflag:s25], $0x80  }
0x6c: {  	[sflag:s25] =	ssyncset.done $0x0  }
0x6d: {  	[sflag:s25] =	ssyncadd.s32 $0xFFFFFF80  }
0x6e: {  	s11 =	simm.s32 $0x200;
	_ =	swait.ge [sflag:s26], $0x80  }
0x6f: {  	s12 =	sand.u32 $0x7C00, s11;
	[sflag:s26] =	ssyncset.done $0x0  }
0x70: {  	s9 =	sand.u32 $0x300, s11;
	s10 =	sadd.s32 s7, s12;
	[sflag:s26] =	ssyncadd.s32 $0xFFFFFF80  }
0x71: {  	[tilespmem:s28], [sflag:$0x6] =	stream.indirect.gather [hbm4b:s4+s22], $0x80, s22, s22, $0xb8;
	[tilespmem:$0x1C200] =	vst v63  }
0x72: {  	s10 =	sor.u32 s9, s10;
	_ =	swait.ge [sflag:s29], $0x4000  }
0x73: {  	s9 =	simm.s32 $0x380;
	s2 =	simm.s32 $0x280;
	[sflag:s29] =	ssyncset.done $0x0  }
.LBB2_4:
0x74: {  	s10 =	sshrl.u32 s10, $0x3  }
0x75: {  	[sflag:s29] =	ssyncadd.s32 $0xFFFFC000;
	s12 =	smov.u32 s9;
	s11 =	sadd.s32 $0x100, s9  }
0x76: {  	[spmem:s1] =	stream.indirect.scatter.add.f32 [tilespmem:s19], [sflag:$0x7], $0x80, s21, s22, $0xb8;
	[tilespmem:$0x1C200] =	vst v63  }
0x77: {  	p0 =	sne.s32 s9, $0x2780;
	_ =	swait.ge [sflag:s20], $0x4000  }
0x78: {  	[sflag:s20] =	ssyncset.done $0x0  }
0x79: {  	s9 =	sadd.s32 s5, s10;
	[sflag:s20] =	ssyncadd.s32 $0xFFFFC000  }
0x7a: {  	[tilespmem:s3], [sflag:$0x1] =	stream.linear.gather [hbm4b:s9+s3], $0x80, $0x38;
	[tilespmem:$0x1C200] =	vst v63  }
0x7b: {  	s9 =	sadd.s32 s6, s10  }
0x7c: {  	[tilespmem:s21], [sflag:$0x3] =	stream.linear.gather [hbm4b:s9+s3], $0x80, $0x38;
	[tilespmem:$0x1C200] =	vst v63  }
0x7d: {  	_ =	swait.ge [sflag:s23], $0x80  }
0x7e: {  	[sflag:s23] =	ssyncset.done $0x0  }
0x7f: {  	[sflag:s23] =	ssyncadd.s32 $0xFFFFFF80  }
0x80: {  	_ =	swait.ge [sflag:s24], $0x80  }
0x81: {  	[sflag:s24] =	ssyncset.done $0x0  }
0x82: {  	[sflag:s24] =	ssyncadd.s32 $0xFFFFFF80  }
0x83: {  	[tilespmem:s19], [sflag:$0x5] =	stream.indirect.gather [hbm4b:s4+s22], $0x80, s3, s22, $0xb8;
	[tilespmem:$0x1C200] =	vst v63  }
0x84: {  	_ =	swait.ge [sflag:s30], $0x4000  }
0x85: {  	[sflag:s30] =	ssyncset.done $0x0  }
0x86: {  	s9 =	sand.u32 $0x7C00, s2;
	[sflag:s30] =	ssyncadd.s32 $0xFFFFC000  }
0x87: {  	[spmem:s1] =	stream.indirect.scatter.add.f32 [tilespmem:s28], [sflag:$0x7], $0x80, s31, s22, $0xb8;
	[tilespmem:$0x1C200] =	vst v63  }
0x88: {  	s2 =	sand.u32 $0x380, s2;
	s9 =	sadd.s32 s7, s9;
	_ =	swait.ge [sflag:s20], $0x4000  }
0x89: {  	s9 =	sor.u32 s2, s9;
	s2 =	smov.u32 s12;
	[sflag:s20] =	ssyncset.done $0x0  }
0x8a: {  	s9 =	sshrl.u32 s9, $0x3;
	[sflag:s20] =	ssyncadd.s32 $0xFFFFC000  }
0x8b: {  	s10 =	sadd.s32 s5, s9  }
0x8c: {  	[tilespmem:s22], [sflag:$0x2] =	stream.linear.gather [hbm4b:s10+s3], $0x80, $0x38;
	[tilespmem:$0x1C200] =	vst v63  }
0x8d: {  	s9 =	sadd.s32 s6, s9  }
0x8e: {  	[tilespmem:s31], [sflag:$0x4] =	stream.linear.gather [hbm4b:s9+s3], $0x80, $0x38;
	[tilespmem:$0x1C200] =	vst v63  }
0x8f: {  	_ =	swait.ge [sflag:s25], $0x80  }
0x90: {  	[sflag:s25] =	ssyncset.done $0x0  }
0x91: {  	[sflag:s25] =	ssyncadd.s32 $0xFFFFFF80  }
0x92: {  	_ =	swait.ge [sflag:s26], $0x80  }
.Ltmp1:
0x93: {  	s9 =	sadd.s32 $0xFFFFFF80, s2;
	[sflag:s26] =	ssyncset.done $0x0;
	(pc) =	sbr.rel @p0 .LBB2_4-.Ltmp1, $4  }
0x94: {  	s10 =	sand.u32 $0x7C00, s9;
	[sflag:s26] =	ssyncadd.s32 $0xFFFFFF80  }
0x95: {  	[tilespmem:s28], [sflag:$0x6] =	stream.indirect.gather [hbm4b:s4+s22], $0x80, s22, s22, $0xb8;
	[tilespmem:$0x1C200] =	vst v63  }
0x96: {  	s9 =	sand.u32 $0x300, s9;
	s10 =	sadd.s32 s7, s10;
	_ =	swait.ge [sflag:s29], $0x4000  }
0x97: {  	s10 =	sor.u32 s9, s10;
	s9 =	smov.u32 s11;
	[sflag:s29] =	ssyncset.done $0x0  }
0x98: {  	[sflag:s29] =	ssyncadd.s32 $0xFFFFC000  }
0x99: {  	[spmem:s1] =	stream.indirect.scatter.add.f32 [tilespmem:s19], [sflag:$0x7], $0x80, s21, s22, $0xb8;
	[tilespmem:$0x1C200] =	vst v63  }
0x9a: {  	_ =	swait.ge [sflag:s20], $0x4000  }
0x9b: {  	s9 =	sshrl.u32 s10, $0x3;
	[sflag:s20] =	ssyncset.done $0x0  }
0x9c: {  	s10 =	sadd.s32 s5, s9;
	[sflag:s20] =	ssyncadd.s32 $0xFFFFC000  }
0x9d: {  	[tilespmem:s3], [sflag:$0x1] =	stream.linear.gather [hbm4b:s10+s3], $0x80, $0x38;
	[tilespmem:$0x1C200] =	vst v63  }
0x9e: {  	s9 =	sadd.s32 s6, s9  }
0x9f: {  	[tilespmem:s21], [sflag:$0x3] =	stream.linear.gather [hbm4b:s9+s3], $0x80, $0x38;
	[tilespmem:$0x1C200] =	vst v63  }
0xa0: {  	_ =	swait.ge [sflag:s23], $0x80  }
0xa1: {  	[sflag:s23] =	ssyncset.done $0x0  }
0xa2: {  	[sflag:s23] =	ssyncadd.s32 $0xFFFFFF80  }
0xa3: {  	_ =	swait.ge [sflag:s24], $0x80  }
0xa4: {  	[sflag:s24] =	ssyncset.done $0x0  }
0xa5: {  	[sflag:s24] =	ssyncadd.s32 $0xFFFFFF80  }
0xa6: {  	[tilespmem:s19], [sflag:$0x5] =	stream.indirect.gather [hbm4b:s4+s22], $0x80, s3, s22, $0xb8;
	[tilespmem:$0x1C200] =	vst v63  }
0xa7: {  	_ =	swait.ge [sflag:s30], $0x4000  }
0xa8: {  	s11 =	sand.u32 $0x7C00, s2;
	[sflag:s30] =	ssyncset.done $0x0  }
0xa9: {  	s12 =	sand.u32 $0x380, s2;
	s9 =	sadd.s32 s7, s11;
	[sflag:s30] =	ssyncadd.s32 $0xFFFFC000  }
0xaa: {  	[spmem:s1] =	stream.indirect.scatter.add.f32 [tilespmem:s28], [sflag:$0x7], $0x80, s31, s22, $0xb8;
	[tilespmem:$0x1C200] =	vst v63  }
0xab: {  	s2 =	sor.u32 s12, s9;
	_ =	swait.ge [sflag:s20], $0x4000  }
0xac: {  	s2 =	sshrl.u32 s2, $0x3;
	[sflag:s20] =	ssyncset.done $0x0  }
0xad: {  	s10 =	sadd.s32 s5, s2;
	[sflag:s20] =	ssyncadd.s32 $0xFFFFC000  }
0xae: {  	[tilespmem:s22], [sflag:$0x2] =	stream.linear.gather [hbm4b:s10+s3], $0x80, $0x38;
	[tilespmem:$0x1C200] =	vst v63  }
0xaf: {  	s2 =	sadd.s32 s6, s2  }
0xb0: {  	[tilespmem:s31], [sflag:$0x4] =	stream.linear.gather [hbm4b:s2+s3], $0x80, $0x38;
	[tilespmem:$0x1C200] =	vst v63  }
0xb1: {  	_ =	swait.ge [sflag:s25], $0x80  }
0xb2: {  	[sflag:s25] =	ssyncset.done $0x0  }
0xb3: {  	[sflag:s25] =	ssyncadd.s32 $0xFFFFFF80  }
0xb4: {  	_ =	swait.ge [sflag:s26], $0x80  }
0xb5: {  	[sflag:s26] =	ssyncset.done $0x0  }
0xb6: {  	[sflag:s26] =	ssyncadd.s32 $0xFFFFFF80  }
0xb7: {  	[tilespmem:s28], [sflag:$0x6] =	stream.indirect.gather [hbm4b:s4+s22], $0x80, s22, s22, $0xb8;
	[tilespmem:$0x1C200] =	vst v63  }
0xb8: {  	_ =	swait.ge [sflag:s29], $0x4000  }
0xb9: {  	[sflag:s29] =	ssyncset.done $0x0  }
0xba: {  	[sflag:s29] =	ssyncadd.s32 $0xFFFFC000  }
0xbb: {  	[spmem:s1] =	stream.indirect.scatter.add.f32 [tilespmem:s19], [sflag:$0x7], $0x80, s21, s22, $0xb8;
	[tilespmem:$0x1C200] =	vst v63  }
0xbc: {  	_ =	swait.ge [sflag:s20], $0x4000  }
0xbd: {  	[sflag:s20] =	ssyncset.done $0x0  }
0xbe: {  	[sflag:s20] =	ssyncadd.s32 $0xFFFFC000  }
0xbf: {  	_ =	swait.ge [sflag:s30], $0x4000  }
0xc0: {  	[sflag:s30] =	ssyncset.done $0x0  }
0xc1: {  	[sflag:s30] =	ssyncadd.s32 $0xFFFFC000  }
0xc2: {  	[spmem:s1] =	stream.indirect.scatter.add.f32 [tilespmem:s28], [sflag:$0x7], $0x80, s31, s22, $0xb8;
	[tilespmem:$0x1C200] =	vst v63  }
0xc3: {  	s0 =	sadd.s32 $0x1, s0;
	_ =	swait.ge [sflag:s20], $0x4000  }
0xc4: {  	p0 =	sne.s32 s0, s14;
	s11 =	stileid.u32;
	[sflag:s20] =	ssyncset.done $0x0  }
0xc5: {  	s12 =	sshrl.u32 s8, $0x3;
	s2 =	sshll.u32 s11, $0x6;
	[sflag:s20] =	ssyncadd.s32 $0xFFFFC000  }
.Ltmp2:
0xc6: {  	s2 =	sor.u32 $0x1C07, s2;
	[bflag:$0x0] =	sbarrier.arrive $0xFFFF;
	(pc) =	sbr.rel @p0 .LBB2_1-.Ltmp2, $4  }
0xc7: {  	[hbm:s13], [sflag:s2] =	dma.local [spmem:s12], $0x2800  }
0xc8: {  	_ =	swait.ge [sflag:s20], $0x2800  }
0xc9: {  	[sflag:s20] =	ssyncset.done $0x0  }
0xca: {  	[sflag:s20] =	ssyncadd.s32 $0xFFFFD800  }
0xcb: {  	_ =	sfence.sel $0x180000  }
0xcc: {  	[bflag:$0x0] =	sbarrier.arrive $0xFFFF  }
0xcd: {  	_ =	strace $0x90000053  }
0xce: {  	s0 =	stileid.u32;
	[bflag:$0x2] =	sbarrier.arrive $0xFFFF  }
0xcf: {  	p0 =	sne.s32 s0, $0x0;
	s0 =	rddreg [dreg:$0x2]  }
0xd0: {  	s0 =	sadd.s32 @!p0 $0x100000, s0  }
0xd1: {  	[sflag:s0] =	ssyncadd.tile.s32 @!p0 $0x1;
	_ =	shalt  }
.Lfunc_end2:
_tile_overlayer_lowered:
.L_overlay_start_2:
0xd2: {  	(tag) =	ssettag $0x2  }
0xd3: {  	s0 =	rddreg [dreg:$0x0];
	s2 =	stileid.u32  }
0xd4: {  	s1 =	rddreg [dreg:$0x1];
	p0 =	sne.s32 s2, $0x0  }
0xd5: {  	s3 =	rddreg [dreg:$0x2];
	[bflag:$0x3] =	sbarrier.arrive $0xFFFF;
	s2 =	simm.s32 @!p0 $0x1C07  }
0xd6: {  	[timem:s3], [sflag:s2] =	dma.local @!p0 [hbm:s0], s1  }
0xd7: {  	s0 =	simm.s32 @!p0 $0x7  }
0xd8: {  	_ =	swait.ge @!p0 [sflag:s0], s1  }
0xd9: {  	s1 =	ssub.s32 @!p0 $0x0, s1;
	[sflag:s0] =	ssyncset.done @!p0 $0x0  }
0xda: {  	[sflag:s0] =	ssyncadd.s32 @!p0 s1  }
0xdb: {  	[bflag:$0x3] =	sbarrier.arrive $0xFFFF  }
0xdc: {  	_ =	shalt  }

</sc_bundles>
